<compile_context>
chip_gen: v7x
topology: tpu7x:2x2x1
jax: 0.10.2.dev20260603
libtpu: 0.0.44.dev20260713+nightly
codegen_flags: <defaults>
</compile_context>

<pallas_src>
import functools

import numpy as np
import jax
import jax.numpy as jnp
from jax import lax
from jax.experimental import pallas as pl
from jax.experimental.pallas import tpu as pltpu
from jax.experimental.pallas import tpu_sc as plsc

B, C, H, W = 4, 19, 512, 512
N = B * H * W
N_MIN = N // 16
THRESH = float(-np.log(0.7))

BH = 128

_NC, _NS, _L = 2, 16, 16
_NW = _NC * _NS


def _i32(x):
    return jnp.int32(np.int32(np.uint32(x)))


def _loss_body(pred_ref, tgt_ref, loss_ref):
    m = pred_ref[0, 0]
    for c in range(1, C):
        m = jnp.maximum(m, pred_ref[0, c])
    s = jnp.exp(pred_ref[0, 0] - m)
    for c in range(1, C):
        s = s + jnp.exp(pred_ref[0, c] - m)
    tb = tgt_ref[0, 0]
    pb = pred_ref[0, 0]
    for c in range(1, C):
        tc = tgt_ref[0, c]
        upd = tc > tb
        tb = jnp.where(upd, tc, tb)
        pb = jnp.where(upd, pred_ref[0, c], pb)
    loss_ref[...] = jnp.maximum((m + jnp.log(s)) - pb, 0.0)


def _loss_pallas(pred, targets):
    return pl.pallas_call(
        _loss_body,
        grid=(B, H // BH),
        in_specs=[
            pl.BlockSpec((1, C, BH, W), lambda b, i: (b, 0, i, 0)),
            pl.BlockSpec((1, C, BH, W), lambda b, i: (b, 0, i, 0)),
        ],
        out_specs=pl.BlockSpec((BH, W), lambda b, i: (b * (H // BH) + i, 0)),
        out_shape=jax.ShapeDtypeStruct((B * H, W), jnp.float32),
    )(pred, targets)


_RPT = (B * H) // _NW
_NSLOT = 4
_SLOT_ROWS = _RPT // _NSLOT


def _sc_hard_stats_body(loss_hbm, sum_out, cnt_out, data_v, sum_v, cnt_v,
                        sem0, sem1, sem2, sem3):
    wid = lax.axis_index("s") * _NC + lax.axis_index("c")
    row0 = wid * _RPT
    sems = [sem0, sem1, sem2, sem3]
    hs = [
        pltpu.async_copy(
            loss_hbm.at[pl.ds(row0 + i * _SLOT_ROWS, _SLOT_ROWS), :],
            data_v.at[i], sems[i])
        for i in range(_NSLOT)
    ]

    thr = jnp.float32(THRESH)

    def compute(slot, carry):
        def body(r, carry):
            sacc, cacc = carry
            for g in range(W // _L):
                v = data_v[slot, r, pl.ds(g * _L, _L)]
                hard = v > thr
                sacc = sacc + jnp.where(hard, v, jnp.float32(0.0))
                cacc = cacc + jnp.where(hard, jnp.float32(1.0),
                                        jnp.float32(0.0))
            return sacc, cacc

        return lax.fori_loop(0, _SLOT_ROWS, body, carry)

    carry = (jnp.zeros((_L,), jnp.float32), jnp.zeros((_L,), jnp.float32))
    for i in range(_NSLOT):
        hs[i].wait()
        carry = compute(i, carry)
    sum_v[...] = carry[0]
    cnt_v[...] = carry[1]
    pltpu.sync_copy(sum_v, sum_out.at[wid])
    pltpu.sync_copy(cnt_v, cnt_out.at[wid])


@functools.lru_cache
def _get_hard_stats_kernel():
    mesh = plsc.VectorSubcoreMesh(
        core_axis_name="c", subcore_axis_name="s",
        num_cores=_NC, num_subcores=_NS)
    return functools.partial(
        pl.kernel,
        mesh=mesh,
        out_type=[
            jax.ShapeDtypeStruct((_NW, _L), jnp.float32),
            jax.ShapeDtypeStruct((_NW, _L), jnp.float32),
        ],
        scratch_types=[
            pltpu.VMEM((_NSLOT, _SLOT_ROWS, W), jnp.float32),
            pltpu.VMEM((_L,), jnp.float32),
            pltpu.VMEM((_L,), jnp.float32),
            pltpu.SemaphoreType.DMA,
            pltpu.SemaphoreType.DMA,
            pltpu.SemaphoreType.DMA,
            pltpu.SemaphoreType.DMA,
        ],
        compiler_params=pltpu.CompilerParams(needs_layout_passes=False),
    )(_sc_hard_stats_body)


@functools.lru_cache
def _make_sc_hist(shift, mask, nbins):
    mesh = plsc.VectorSubcoreMesh(
        core_axis_name="c", subcore_axis_name="s",
        num_cores=_NC, num_subcores=_NS)

    @functools.partial(
        pl.kernel,
        mesh=mesh,
        out_type=[
            jax.ShapeDtypeStruct((_NW, nbins), jnp.int32),
            jax.ShapeDtypeStruct((_NW, nbins), jnp.float32),
        ],
        scratch_types=[
            pltpu.VMEM((_RPT, W), jnp.float32),
            pltpu.VMEM((_L,), jnp.int32),
            pltpu.VMEM((_L * nbins,), jnp.int32),
            pltpu.VMEM((_L * nbins,), jnp.float32),
            pltpu.VMEM((nbins,), jnp.int32),
            pltpu.VMEM((nbins,), jnp.float32),
        ],
        compiler_params=pltpu.CompilerParams(needs_layout_passes=False),
    )
    def _sc_hist(loss_hbm, prefix_hbm, cnt_out, sum_out,
                 data_v, pref_v, histc_v, hists_v, outc_v, outs_v):
        wid = lax.axis_index("s") * _NC + lax.axis_index("c")
        row0 = wid * _RPT
        pltpu.sync_copy(loss_hbm.at[pl.ds(row0, _RPT), :], data_v)
        pltpu.sync_copy(prefix_hbm, pref_v)

        zi = jnp.zeros((_L,), jnp.int32)
        zf = jnp.zeros((_L,), jnp.float32)

        def zero_body(i, _):
            histc_v[pl.ds(i * _L, _L)] = zi
            hists_v[pl.ds(i * _L, _L)] = zf
            return 0

        lax.fori_loop(0, nbins, zero_body, 0)

        pref = pref_v[...]
        lane_off = lax.iota(jnp.int32, _L) * nbins
        ones = jnp.ones((_L,), jnp.int32)
        maskc = _i32(mask)
        binm = _i32(nbins - 1)

        def row_body(r, _):
            def body(g, _):
                v = data_v[r, pl.ds(g * _L, _L)]
                bits = lax.bitcast_convert_type(v, jnp.int32)
                match = (bits & maskc) == pref
                bn = lax.shift_right_logical(bits, shift) & binm
                idx = lane_off + bn
                plsc.addupdate_scatter(histc_v, [idx], ones, mask=match)
                plsc.addupdate_scatter(hists_v, [idx], v, mask=match)
                return 0

            return lax.fori_loop(0, W // _L, body, 0)

        lax.fori_loop(0, _RPT, row_body, 0)

        def red_body(g, _):
            accc = zi
            accs = zf
            for l in range(_L):
                accc = accc + histc_v[pl.ds(l * nbins + g * _L, _L)]
                accs = accs + hists_v[pl.ds(l * nbins + g * _L, _L)]
            outc_v[pl.ds(g * _L, _L)] = accc
            outs_v[pl.ds(g * _L, _L)] = accs
            return 0

        lax.fori_loop(0, nbins // _L, red_body, 0)
        pltpu.sync_copy(outc_v, cnt_out.at[wid])
        pltpu.sync_copy(outs_v, sum_out.at[wid])

    return _sc_hist


def _select_level(counts, sums, k_rem):
    cum_ge_c = jnp.cumsum(counts[::-1])[::-1]
    cum_ge_s = jnp.cumsum(sums[::-1])[::-1]
    idx = jnp.arange(counts.shape[0], dtype=jnp.int32)
    b = jnp.max(jnp.where(cum_ge_c >= k_rem, idx, -1))
    cnt_above = cum_ge_c[b] - counts[b]
    sum_above = cum_ge_s[b] - sums[b]
    return b, cnt_above, sum_above, k_rem - cnt_above


def _topk_mean(loss2d, k):
    kf = k.astype(jnp.float32)

    def level(hist_fn, prefix_bits):
        pref = jnp.broadcast_to(prefix_bits.astype(jnp.int32), (_L,))
        cnt_p, sum_p = hist_fn(loss2d, pref)
        return cnt_p.sum(axis=0), sum_p.sum(axis=0)

    c1, s1 = level(_make_sc_hist(21, 0x00000000, 2048), jnp.int32(0))
    b1, ca1, sa1, k1 = _select_level(c1, s1, k)
    pref2 = lax.shift_left(b1, 21)
    c2, s2 = level(_make_sc_hist(10, 0xFFE00000, 2048), pref2)
    b2, ca2, sa2, k2 = _select_level(c2, s2, k1)
    pref3 = pref2 | lax.shift_left(b2, 10)
    c3, s3 = level(_make_sc_hist(0, 0xFFFFFC00, 1024), pref3)
    b3, ca3, sa3, k3 = _select_level(c3, s3, k2)
    v_bits = pref3 | b3
    v = lax.bitcast_convert_type(v_bits, jnp.float32)
    count_gt = ca1 + ca2 + ca3
    sum_gt = sa1 + sa2 + sa3
    return (sum_gt + (k - count_gt).astype(jnp.float32) * v) / kf


def kernel(pred, targets):
    loss2d = _loss_pallas(pred, targets)
    sum_p, cnt_p = _get_hard_stats_kernel()(loss2d)
    sum_hard = jnp.sum(sum_p)
    count_hard = jnp.sum(cnt_p)
    return lax.cond(
        count_hard >= N_MIN,
        lambda args: args[1] / args[2],
        lambda args: _topk_mean(args[0], jnp.int32(N_MIN)),
        (loss2d, sum_hard, count_hard),
    )

# --- scband reference (transcript-rebuilt; emitter-appended) ---
"""Pipeline reference for scband-ohem-celoss-1082331758739 (READ-ONLY COPY).

The authoritative reference and input builder live on the scoring server;
editing this copy changes nothing except your own understanding.
"""

import jax, jax.numpy as jnp
import numpy as np

B, C, H, W = 4, 19, 512, 512
IGNORE = 255
THRESH = float(-np.log(0.7))


def setup_inputs(seed: int = 0) -> dict:
    key = jax.random.key(seed)
    k1, k2 = jax.random.split(key)
    pred = jax.random.normal(k1, (B, C, H, W), dtype=jnp.float32)
    targets = jax.random.uniform(k2, (B, C, H, W), dtype=jnp.float32)
    return {"pred": pred, "targets": targets}


def reference(pred, targets):
    # labels = argmax over class dim (torch: torch.argmax(labels, dim=1))
    labels = jnp.argmax(targets, axis=1)  # [B, H, W] int
    valid = labels != IGNORE
    n_min = jnp.sum(valid) // 16
    # per-pixel cross entropy, reduction='none', ignore_index -> 0 loss
    logp = jax.nn.log_softmax(pred, axis=1)
    safe_labels = jnp.where(valid, labels, 0)
    nll = -jnp.take_along_axis(logp, safe_labels[:, None, :, :], axis=1)[:, 0]  # [B,H,W]
    loss = jnp.where(valid, nll, 0.0).reshape(-1)
    # OHEM: keep losses > thresh, but at least n_min hardest.
    # Equivalent formulation: sort descending and take top max(count(loss>thresh), n_min).
    sorted_loss = -jnp.sort(-loss)
    count_hard = jnp.sum(loss > THRESH)
    k_eff = jnp.maximum(count_hard, n_min)
    sel = (jnp.arange(loss.shape[0]) < k_eff).astype(loss.dtype)
    loss_mean = jnp.sum(sorted_loss * sel) / k_eff.astype(loss.dtype)
    return loss_mean

if __name__ == "__main__":
    import jax
    _d = setup_inputs()
    print(jax.jit(kernel)(*tuple(_d.values())))

</pallas_src>

<mosaic_0001>
#map = affine_map<(d0, d1) -> (0, 0)>
#map1 = affine_map<(d0, d1) -> (0)>
module attributes {stable_mosaic.version = 14 : i64} {
  func.func @_sc_hist(%arg0: i32, %arg1: i32, %arg2: memref<2048x512xf32, #tpu.memory_space<hbm>>, %arg3: memref<16xi32, #tpu.memory_space<hbm>>, %arg4: memref<32x2048xi32, #tpu.memory_space<hbm>>, %arg5: memref<32x2048xf32, #tpu.memory_space<hbm>>, %arg6: memref<64x512xf32, #tpu.memory_space<vmem>>, %arg7: memref<16xi32, #tpu.memory_space<vmem>>, %arg8: memref<32768xi32, #tpu.memory_space<vmem>>, %arg9: memref<32768xf32, #tpu.memory_space<vmem>>, %arg10: memref<2048xi32, #tpu.memory_space<vmem>>, %arg11: memref<2048xf32, #tpu.memory_space<vmem>>) attributes {dimension_semantics = [#tpu.dimension_semantics<core_parallel>, #tpu.dimension_semantics<subcore_parallel>], iteration_bounds = array<i64: 2, 16>, scalar_prefetch = 0 : i64, scratch_operands = 6 : i64, tpu.core_type = #tpu.core_type<sc_vector_subcore>, window_params = [{transform_indices = #map}, {transform_indices = #map1}, {transform_indices = #map}, {transform_indices = #map}]} {
    %mul3A = arith.constant 2 : i32
    %mul3A_0 = arith.muli %arg1, %mul3A : i32
    %add3A = arith.addi %mul3A_0, %arg0 : i32
    %mul3A_1 = arith.constant 64 : i32
    %mul3A_2 = arith.muli %add3A, %mul3A_1 : i32
    "tpu.region"() ({
      %run_scoped3A = tpu.sem_alloc : memref<!tpu.dma_semaphore, #tpu.memory_space<semaphore_mem>>
      %dma_start3A = arith.constant 0 : i32
      %dma_start3A_34 = tpu.memref_slice %arg2[%mul3A_2, %dma_start3A] : memref<2048x512xf32, #tpu.memory_space<hbm>> -> memref<64x512xf32, #tpu.memory_space<hbm>>
      %dma_start3A_35 = arith.constant 0 : i32
      %dma_start3A_36 = tpu.memref_slice %arg2[%mul3A_2, %dma_start3A_35] : memref<2048x512xf32, #tpu.memory_space<hbm>> -> memref<64x512xf32, #tpu.memory_space<hbm>>
      tpu.enqueue_dma source(%dma_start3A_36 : memref<64x512xf32, #tpu.memory_space<hbm>>) target(%arg6 : memref<64x512xf32, #tpu.memory_space<vmem>>) target_semaphore(%run_scoped3A : memref<!tpu.dma_semaphore, #tpu.memory_space<semaphore_mem>>)
      %dma_wait3A = arith.constant 0 : i32
      %dma_wait3A_37 = tpu.memref_slice %arg2[%mul3A_2, %dma_wait3A] : memref<2048x512xf32, #tpu.memory_space<hbm>> -> memref<64x512xf32, #tpu.memory_space<hbm>>
      %dma_wait3A_38 = arith.constant 0 : i32
      %dma_wait3A_39 = tpu.memref_slice %arg2[%mul3A_2, %dma_wait3A_38] : memref<2048x512xf32, #tpu.memory_space<hbm>> -> memref<64x512xf32, #tpu.memory_space<hbm>>
      tpu.wait_dma2 semaphore(%run_scoped3A : memref<!tpu.dma_semaphore, #tpu.memory_space<semaphore_mem>>) src(%dma_wait3A_39 : memref<64x512xf32, #tpu.memory_space<hbm>>) dst(%arg6 : memref<64x512xf32, #tpu.memory_space<vmem>>)
      tpu.yield
    }) : () -> ()
    "tpu.region"() ({
      %run_scoped3A = tpu.sem_alloc : memref<!tpu.dma_semaphore, #tpu.memory_space<semaphore_mem>>
      tpu.enqueue_dma source(%arg3 : memref<16xi32, #tpu.memory_space<hbm>>) target(%arg7 : memref<16xi32, #tpu.memory_space<vmem>>) target_semaphore(%run_scoped3A : memref<!tpu.dma_semaphore, #tpu.memory_space<semaphore_mem>>)
      tpu.wait_dma2 semaphore(%run_scoped3A : memref<!tpu.dma_semaphore, #tpu.memory_space<semaphore_mem>>) src(%arg3 : memref<16xi32, #tpu.memory_space<hbm>>) dst(%arg7 : memref<16xi32, #tpu.memory_space<vmem>>)
      tpu.yield
    }) : () -> ()
    %broadcast_in_dim3A = arith.constant 0 : i32
    %broadcast_in_dim3A_3 = vector.broadcast %broadcast_in_dim3A : i32 to vector<16xi32>
    %broadcast_in_dim3A_4 = arith.constant 0.000000e+00 : f32
    %broadcast_in_dim3A_5 = vector.broadcast %broadcast_in_dim3A_4 : f32 to vector<16xf32>
    %scan3A = arith.constant 0 : i32
    %scan3A_6 = arith.constant 0 : i32
    %scan3A_7 = arith.constant 2048 : i32
    %scan3A_8 = arith.addi %scan3A_6, %scan3A_7 : i32
    %scan3A_9 = arith.constant 1 : i32
    %scan3A_10 = scf.for %scan3A_34 = %scan3A_6 to %scan3A_8 step %scan3A_9 iter_args(%scan3A_35 = %scan3A) -> (i32)  : i32 {
      %mul3A_36 = arith.constant 16 : i32
      %mul3A_37 = arith.muli %scan3A_34, %mul3A_36 : i32
      %swap3A = arith.index_cast %mul3A_37 : i32 to index
      %swap3A_38 = tpu.vector_load %arg8[%swap3A] {strides = array<i32>} : memref<32768xi32, #tpu.memory_space<vmem>>, vector<16xi32>,
      tpu.vector_store %arg8[%swap3A], %broadcast_in_dim3A_3 {strides = array<i32>} : memref<32768xi32, #tpu.memory_space<vmem>>, vector<16xi32>,
      %mul3A_39 = arith.constant 16 : i32
      %mul3A_40 = arith.muli %scan3A_34, %mul3A_39 : i32
      %swap3A_41 = arith.index_cast %mul3A_40 : i32 to index
      %swap3A_42 = tpu.vector_load %arg9[%swap3A_41] {strides = array<i32>} : memref<32768xf32, #tpu.memory_space<vmem>>, vector<16xf32>,
      tpu.vector_store %arg9[%swap3A_41], %broadcast_in_dim3A_5 {strides = array<i32>} : memref<32768xf32, #tpu.memory_space<vmem>>, vector<16xf32>,
      %scan3A_43 = arith.constant 0 : i32
      scf.yield %scan3A_43 : i32
    }
    %scan3A_11 = arith.constant 2048 : i32
    %get3A = arith.constant 0 : index
    %get3A_12 = tpu.vector_load %arg7[%get3A] {strides = array<i32>} : memref<16xi32, #tpu.memory_space<vmem>>, vector<16xi32>,
    %iota3A = tpu.iota {dimensions = array<i32: 0>} : vector<16xi32>
    %mul3A_13 = arith.constant 2048 : i32
    %mul3A_14 = vector.broadcast %mul3A_13 : i32 to vector<16xi32>
    %mul3A_15 = arith.muli %iota3A, %mul3A_14 : vector<16xi32>
    %broadcast_in_dim3A_16 = arith.constant 1 : i32
    %broadcast_in_dim3A_17 = vector.broadcast %broadcast_in_dim3A_16 : i32 to vector<16xi32>
    %scan3A_18 = arith.constant 0 : i32
    %scan3A_19 = arith.constant 2047 : i32
    %scan3A_20 = arith.constant 0 : i32
    %scan3A_21 = arith.constant 0 : i32
    %scan3A_22 = arith.constant 64 : i32
    %scan3A_23 = arith.addi %scan3A_21, %scan3A_22 : i32
    %scan3A_24 = arith.constant 1 : i32
    %scan3A_25 = scf.for %scan3A_34 = %scan3A_21 to %scan3A_23 step %scan3A_24 iter_args(%scan3A_35 = %scan3A_20) -> (i32)  : i32 {
      %scan3A_36 = arith.constant 0 : i32
      %scan3A_37 = arith.constant 0 : i32
      %scan3A_38 = arith.constant 32 : i32
      %scan3A_39 = arith.addi %scan3A_37, %scan3A_38 : i32
      %scan3A_40 = arith.constant 1 : i32
      %scan3A_41 = scf.for %scan3A_43 = %scan3A_37 to %scan3A_39 step %scan3A_40 iter_args(%scan3A_44 = %scan3A_36) -> (i32)  : i32 {
        %mul3A_45 = arith.constant 16 : i32
        %mul3A_46 = arith.muli %scan3A_43, %mul3A_45 : i32
        %get3A_47 = arith.index_cast %scan3A_34 : i32 to index
        %get3A_48 = arith.index_cast %mul3A_46 : i32 to index
        %get3A_49 = tpu.vector_load %arg6[%get3A_47, %get3A_48] {strides = array<i32>} : memref<64x512xf32, #tpu.memory_space<vmem>>, vector<16xf32>,
        %bitcast_convert_type3A = tpu.bitcast %get3A_49 : vector<16xf32> -> vector<16xi32>
        %and3A = vector.broadcast %scan3A_18 : i32 to vector<16xi32>
        %and3A_50 = arith.andi %bitcast_convert_type3A, %and3A : vector<16xi32>
        %eq3A = arith.cmpi eq, %and3A_50, %get3A_12 : vector<16xi32>
        %shift_right_logical3A = arith.constant 21 : i32
        %shift_right_logical3A_51 = vector.broadcast %shift_right_logical3A : i32 to vector<16xi32>
        %shift_right_logical3A_52 = arith.shrui %bitcast_convert_type3A, %shift_right_logical3A_51 : vector<16xi32>
        %and3A_53 = vector.broadcast %scan3A_19 : i32 to vector<16xi32>
        %and3A_54 = arith.andi %shift_right_logical3A_52, %and3A_53 : vector<16xi32>
        %add3A_55 = arith.addi %mul3A_15, %and3A_54 : vector<16xi32>
        tpu.vector_store_idx %arg8[%add3A_55], %broadcast_in_dim3A_17 masked %eq3A {add = true} : memref<32768xi32, #tpu.memory_space<vmem>>[vector<16xi32>], vector<16xi32>, vector<16xi1>
        tpu.vector_store_idx %arg9[%add3A_55], %get3A_49 masked %eq3A {add = true} : memref<32768xf32, #tpu.memory_space<vmem>>[vector<16xi32>], vector<16xf32>, vector<16xi1>
        %scan3A_56 = arith.constant 0 : i32
        scf.yield %scan3A_56 : i32
      }
      %scan3A_42 = arith.constant 32 : i32
      scf.yield %scan3A_41 : i32
    }
    %scan3A_26 = arith.constant 64 : i32
    %scan3A_27 = arith.constant 0 : i32
    %scan3A_28 = arith.constant 0 : i32
    %scan3A_29 = arith.constant 128 : i32
    %scan3A_30 = arith.addi %scan3A_28, %scan3A_29 : i32
    %scan3A_31 = arith.constant 1 : i32
    %scan3A_32 = scf.for %scan3A_34 = %scan3A_28 to %scan3A_30 step %scan3A_31 iter_args(%scan3A_35 = %scan3A_27) -> (i32)  : i32 {
      %mul3A_36 = arith.constant 16 : i32
      %mul3A_37 = arith.muli %scan3A_34, %mul3A_36 : i32
      %add3A_38 = arith.constant 0 : i32
      %add3A_39 = arith.addi %add3A_38, %mul3A_37 : i32
      %get3A_40 = arith.index_cast %add3A_39 : i32 to index
      %get3A_41 = tpu.vector_load %arg8[%get3A_40] {strides = array<i32>} : memref<32768xi32, #tpu.memory_space<vmem>>, vector<16xi32>,
      %add3A_42 = arith.addi %broadcast_in_dim3A_3, %get3A_41 : vector<16xi32>
      %mul3A_43 = arith.constant 16 : i32
      %mul3A_44 = arith.muli %scan3A_34, %mul3A_43 : i32
      %add3A_45 = arith.constant 0 : i32
      %add3A_46 = arith.addi %add3A_45, %mul3A_44 : i32
      %get3A_47 = arith.index_cast %add3A_46 : i32 to index
      %get3A_48 = tpu.vector_load %arg9[%get3A_47] {strides = array<i32>} : memref<32768xf32, #tpu.memory_space<vmem>>, vector<16xf32>,
      %add3A_49 = arith.addf %broadcast_in_dim3A_5, %get3A_48 : vector<16xf32>
      %mul3A_50 = arith.constant 16 : i32
      %mul3A_51 = arith.muli %scan3A_34, %mul3A_50 : i32
      %add3A_52 = arith.constant 2048 : i32
      %add3A_53 = arith.addi %add3A_52, %mul3A_51 : i32
      %get3A_54 = arith.index_cast %add3A_53 : i32 to index
      %get3A_55 = tpu.vector_load %arg8[%get3A_54] {strides = array<i32>} : memref<32768xi32, #tpu.memory_space<vmem>>, vector<16xi32>,
      %add3A_56 = arith.addi %add3A_42, %get3A_55 : vector<16xi32>
      %mul3A_57 = arith.constant 16 : i32
      %mul3A_58 = arith.muli %scan3A_34, %mul3A_57 : i32
      %add3A_59 = arith.constant 2048 : i32
      %add3A_60 = arith.addi %add3A_59, %mul3A_58 : i32
      %get3A_61 = arith.index_cast %add3A_60 : i32 to index
      %get3A_62 = tpu.vector_load %arg9[%get3A_61] {strides = array<i32>} : memref<32768xf32, #tpu.memory_space<vmem>>, vector<16xf32>,
      %add3A_63 = arith.addf %add3A_49, %get3A_62 : vector<16xf32>
      %mul3A_64 = arith.constant 16 : i32
      %mul3A_65 = arith.muli %scan3A_34, %mul3A_64 : i32
      %add3A_66 = arith.constant 4096 : i32
      %add3A_67 = arith.addi %add3A_66, %mul3A_65 : i32
      %get3A_68 = arith.index_cast %add3A_67 : i32 to index
      %get3A_69 = tpu.vector_load %arg8[%get3A_68] {strides = array<i32>} : memref<32768xi32, #tpu.memory_space<vmem>>, vector<16xi32>,
      %add3A_70 = arith.addi %add3A_56, %get3A_69 : vector<16xi32>
      %mul3A_71 = arith.constant 16 : i32
      %mul3A_72 = arith.muli %scan3A_34, %mul3A_71 : i32
      %add3A_73 = arith.constant 4096 : i32
      %add3A_74 = arith.addi %add3A_73, %mul3A_72 : i32
      %get3A_75 = arith.index_cast %add3A_74 : i32 to index
      %get3A_76 = tpu.vector_load %arg9[%get3A_75] {strides = array<i32>} : memref<32768xf32, #tpu.memory_space<vmem>>, vector<16xf32>,
      %add3A_77 = arith.addf %add3A_63, %get3A_76 : vector<16xf32>
      %mul3A_78 = arith.constant 16 : i32
      %mul3A_79 = arith.muli %scan3A_34, %mul3A_78 : i32
      %add3A_80 = arith.constant 6144 : i32
      %add3A_81 = arith.addi %add3A_80, %mul3A_79 : i32
      %get3A_82 = arith.index_cast %add3A_81 : i32 to index
      %get3A_83 = tpu.vector_load %arg8[%get3A_82] {strides = array<i32>} : memref<32768xi32, #tpu.memory_space<vmem>>, vector<16xi32>,
      %add3A_84 = arith.addi %add3A_70, %get3A_83 : vector<16xi32>
      %mul3A_85 = arith.constant 16 : i32
      %mul3A_86 = arith.muli %scan3A_34, %mul3A_85 : i32
      %add3A_87 = arith.constant 6144 : i32
      %add3A_88 = arith.addi %add3A_87, %mul3A_86 : i32
      %get3A_89 = arith.index_cast %add3A_88 : i32 to index
      %get3A_90 = tpu.vector_load %arg9[%get3A_89] {strides = array<i32>} : memref<32768xf32, #tpu.memory_space<vmem>>, vector<16xf32>,
      %add3A_91 = arith.addf %add3A_77, %get3A_90 : vector<16xf32>
      %mul3A_92 = arith.constant 16 : i32
      %mul3A_93 = arith.muli %scan3A_34, %mul3A_92 : i32
      %add3A_94 = arith.constant 8192 : i32
      %add3A_95 = arith.addi %add3A_94, %mul3A_93 : i32
      %get3A_96 = arith.index_cast %add3A_95 : i32 to index
      %get3A_97 = tpu.vector_load %arg8[%get3A_96] {strides = array<i32>} : memref<32768xi32, #tpu.memory_space<vmem>>, vector<16xi32>,
      %add3A_98 = arith.addi %add3A_84, %get3A_97 : vector<16xi32>
      %mul3A_99 = arith.constant 16 : i32
      %mul3A_100 = arith.muli %scan3A_34, %mul3A_99 : i32
      %add3A_101 = arith.constant 8192 : i32
      %add3A_102 = arith.addi %add3A_101, %mul3A_100 : i32
      %get3A_103 = arith.index_cast %add3A_102 : i32 to index
      %get3A_104 = tpu.vector_load %arg9[%get3A_103] {strides = array<i32>} : memref<32768xf32, #tpu.memory_space<vmem>>, vector<16xf32>,
      %add3A_105 = arith.addf %add3A_91, %get3A_104 : vector<16xf32>
      %mul3A_106 = arith.constant 16 : i32
      %mul3A_107 = arith.muli %scan3A_34, %mul3A_106 : i32
      %add3A_108 = arith.constant 10240 : i32
      %add3A_109 = arith.addi %add3A_108, %mul3A_107 : i32
      %get3A_110 = arith.index_cast %add3A_109 : i32 to index
      %get3A_111 = tpu.vector_load %arg8[%get3A_110] {strides = array<i32>} : memref<32768xi32, #tpu.memory_space<vmem>>, vector<16xi32>,
      %add3A_112 = arith.addi %add3A_98, %get3A_111 : vector<16xi32>
      %mul3A_113 = arith.constant 16 : i32
      %mul3A_114 = arith.muli %scan3A_34, %mul3A_113 : i32
      %add3A_115 = arith.constant 10240 : i32
      %add3A_116 = arith.addi %add3A_115, %mul3A_114 : i32
      %get3A_117 = arith.index_cast %add3A_116 : i32 to index
      %get3A_118 = tpu.vector_load %arg9[%get3A_117] {strides = array<i32>} : memref<32768xf32, #tpu.memory_space<vmem>>, vector<16xf32>,
      %add3A_119 = arith.addf %add3A_105, %get3A_118 : vector<16xf32>
      %mul3A_120 = arith.constant 16 : i32
      %mul3A_121 = arith.muli %scan3A_34, %mul3A_120 : i32
      %add3A_122 = arith.constant 12288 : i32
      %add3A_123 = arith.addi %add3A_122, %mul3A_121 : i32
      %get3A_124 = arith.index_cast %add3A_123 : i32 to index
      %get3A_125 = tpu.vector_load %arg8[%get3A_124] {strides = array<i32>} : memref<32768xi32, #tpu.memory_space<vmem>>, vector<16xi32>,
      %add3A_126 = arith.addi %add3A_112, %get3A_125 : vector<16xi32>
      %mul3A_127 = arith.constant 16 : i32
      %mul3A_128 = arith.muli %scan3A_34, %mul3A_127 : i32
      %add3A_129 = arith.constant 12288 : i32
      %add3A_130 = arith.addi %add3A_129, %mul3A_128 : i32
      %get3A_131 = arith.index_cast %add3A_130 : i32 to index
      %get3A_132 = tpu.vector_load %arg9[%get3A_131] {strides = array<i32>} : memref<32768xf32, #tpu.memory_space<vmem>>, vector<16xf32>,
      %add3A_133 = arith.addf %add3A_119, %get3A_132 : vector<16xf32>
      %mul3A_134 = arith.constant 16 : i32
      %mul3A_135 = arith.muli %scan3A_34, %mul3A_134 : i32
      %add3A_136 = arith.constant 14336 : i32
      %add3A_137 = arith.addi %add3A_136, %mul3A_135 : i32
      %get3A_138 = arith.index_cast %add3A_137 : i32 to index
      %get3A_139 = tpu.vector_load %arg8[%get3A_138] {strides = array<i32>} : memref<32768xi32, #tpu.memory_space<vmem>>, vector<16xi32>,
      %add3A_140 = arith.addi %add3A_126, %get3A_139 : vector<16xi32>
      %mul3A_141 = arith.constant 16 : i32
      %mul3A_142 = arith.muli %scan3A_34, %mul3A_141 : i32
      %add3A_143 = arith.constant 14336 : i32
      %add3A_144 = arith.addi %add3A_143, %mul3A_142 : i32
      %get3A_145 = arith.index_cast %add3A_144 : i32 to index
      %get3A_146 = tpu.vector_load %arg9[%get3A_145] {strides = array<i32>} : memref<32768xf32, #tpu.memory_space<vmem>>, vector<16xf32>,
      %add3A_147 = arith.addf %add3A_133, %get3A_146 : vector<16xf32>
      %mul3A_148 = arith.constant 16 : i32
      %mul3A_149 = arith.muli %scan3A_34, %mul3A_148 : i32
      %add3A_150 = arith.constant 16384 : i32
      %add3A_151 = arith.addi %add3A_150, %mul3A_149 : i32
      %get3A_152 = arith.index_cast %add3A_151 : i32 to index
      %get3A_153 = tpu.vector_load %arg8[%get3A_152] {strides = array<i32>} : memref<32768xi32, #tpu.memory_space<vmem>>, vector<16xi32>,
      %add3A_154 = arith.addi %add3A_140, %get3A_153 : vector<16xi32>
      %mul3A_155 = arith.constant 16 : i32
      %mul3A_156 = arith.muli %scan3A_34, %mul3A_155 : i32
      %add3A_157 = arith.constant 16384 : i32
      %add3A_158 = arith.addi %add3A_157, %mul3A_156 : i32
      %get3A_159 = arith.index_cast %add3A_158 : i32 to index
      %get3A_160 = tpu.vector_load %arg9[%get3A_159] {strides = array<i32>} : memref<32768xf32, #tpu.memory_space<vmem>>, vector<16xf32>,
      %add3A_161 = arith.addf %add3A_147, %get3A_160 : vector<16xf32>
      %mul3A_162 = arith.constant 16 : i32
      %mul3A_163 = arith.muli %scan3A_34, %mul3A_162 : i32
      %add3A_164 = arith.constant 18432 : i32
      %add3A_165 = arith.addi %add3A_164, %mul3A_163 : i32
      %get3A_166 = arith.index_cast %add3A_165 : i32 to index
      %get3A_167 = tpu.vector_load %arg8[%get3A_166] {strides = array<i32>} : memref<32768xi32, #tpu.memory_space<vmem>>, vector<16xi32>,
      %add3A_168 = arith.addi %add3A_154, %get3A_167 : vector<16xi32>
      %mul3A_169 = arith.constant 16 : i32
      %mul3A_170 = arith.muli %scan3A_34, %mul3A_169 : i32
      %add3A_171 = arith.constant 18432 : i32
      %add3A_172 = arith.addi %add3A_171, %mul3A_170 : i32
      %get3A_173 = arith.index_cast %add3A_172 : i32 to index
      %get3A_174 = tpu.vector_load %arg9[%get3A_173] {strides = array<i32>} : memref<32768xf32, #tpu.memory_space<vmem>>, vector<16xf32>,
      %add3A_175 = arith.addf %add3A_161, %get3A_174 : vector<16xf32>
      %mul3A_176 = arith.constant 16 : i32
      %mul3A_177 = arith.muli %scan3A_34, %mul3A_176 : i32
      %add3A_178 = arith.constant 20480 : i32
      %add3A_179 = arith.addi %add3A_178, %mul3A_177 : i32
      %get3A_180 = arith.index_cast %add3A_179 : i32 to index
      %get3A_181 = tpu.vector_load %arg8[%get3A_180] {strides = array<i32>} : memref<32768xi32, #tpu.memory_space<vmem>>, vector<16xi32>,
      %add3A_182 = arith.addi %add3A_168, %get3A_181 : vector<16xi32>
      %mul3A_183 = arith.constant 16 : i32
      %mul3A_184 = arith.muli %scan3A_34, %mul3A_183 : i32
      %add3A_185 = arith.constant 20480 : i32
      %add3A_186 = arith.addi %add3A_185, %mul3A_184 : i32
      %get3A_187 = arith.index_cast %add3A_186 : i32 to index
      %get3A_188 = tpu.vector_load %arg9[%get3A_187] {strides = array<i32>} : memref<32768xf32, #tpu.memory_space<vmem>>, vector<16xf32>,
      %add3A_189 = arith.addf %add3A_175, %get3A_188 : vector<16xf32>
      %mul3A_190 = arith.constant 16 : i32
      %mul3A_191 = arith.muli %scan3A_34, %mul3A_190 : i32
      %add3A_192 = arith.constant 22528 : i32
      %add3A_193 = arith.addi %add3A_192, %mul3A_191 : i32
      %get3A_194 = arith.index_cast %add3A_193 : i32 to index
      %get3A_195 = tpu.vector_load %arg8[%get3A_194] {strides = array<i32>} : memref<32768xi32, #tpu.memory_space<vmem>>, vector<16xi32>,
      %add3A_196 = arith.addi %add3A_182, %get3A_195 : vector<16xi32>
      %mul3A_197 = arith.constant 16 : i32
      %mul3A_198 = arith.muli %scan3A_34, %mul3A_197 : i32
      %add3A_199 = arith.constant 22528 : i32
      %add3A_200 = arith.addi %add3A_199, %mul3A_198 : i32
      %get3A_201 = arith.index_cast %add3A_200 : i32 to index
      %get3A_202 = tpu.vector_load %arg9[%get3A_201] {strides = array<i32>} : memref<32768xf32, #tpu.memory_space<vmem>>, vector<16xf32>,
      %add3A_203 = arith.addf %add3A_189, %get3A_202 : vector<16xf32>
      %mul3A_204 = arith.constant 16 : i32
      %mul3A_205 = arith.muli %scan3A_34, %mul3A_204 : i32
      %add3A_206 = arith.constant 24576 : i32
      %add3A_207 = arith.addi %add3A_206, %mul3A_205 : i32
      %get3A_208 = arith.index_cast %add3A_207 : i32 to index
      %get3A_209 = tpu.vector_load %arg8[%get3A_208] {strides = array<i32>} : memref<32768xi32, #tpu.memory_space<vmem>>, vector<16xi32>,
      %add3A_210 = arith.addi %add3A_196, %get3A_209 : vector<16xi32>
      %mul3A_211 = arith.constant 16 : i32
      %mul3A_212 = arith.muli %scan3A_34, %mul3A_211 : i32
      %add3A_213 = arith.constant 24576 : i32
      %add3A_214 = arith.addi %add3A_213, %mul3A_212 : i32
      %get3A_215 = arith.index_cast %add3A_214 : i32 to index
      %get3A_216 = tpu.vector_load %arg9[%get3A_215] {strides = array<i32>} : memref<32768xf32, #tpu.memory_space<vmem>>, vector<16xf32>,
      %add3A_217 = arith.addf %add3A_203, %get3A_216 : vector<16xf32>
      %mul3A_218 = arith.constant 16 : i32
      %mul3A_219 = arith.muli %scan3A_34, %mul3A_218 : i32
      %add3A_220 = arith.constant 26624 : i32
      %add3A_221 = arith.addi %add3A_220, %mul3A_219 : i32
      %get3A_222 = arith.index_cast %add3A_221 : i32 to index
      %get3A_223 = tpu.vector_load %arg8[%get3A_222] {strides = array<i32>} : memref<32768xi32, #tpu.memory_space<vmem>>, vector<16xi32>,
      %add3A_224 = arith.addi %add3A_210, %get3A_223 : vector<16xi32>
      %mul3A_225 = arith.constant 16 : i32
      %mul3A_226 = arith.muli %scan3A_34, %mul3A_225 : i32
      %add3A_227 = arith.constant 26624 : i32
      %add3A_228 = arith.addi %add3A_227, %mul3A_226 : i32
      %get3A_229 = arith.index_cast %add3A_228 : i32 to index
      %get3A_230 = tpu.vector_load %arg9[%get3A_229] {strides = array<i32>} : memref<32768xf32, #tpu.memory_space<vmem>>, vector<16xf32>,
      %add3A_231 = arith.addf %add3A_217, %get3A_230 : vector<16xf32>
      %mul3A_232 = arith.constant 16 : i32
      %mul3A_233 = arith.muli %scan3A_34, %mul3A_232 : i32
      %add3A_234 = arith.constant 28672 : i32
      %add3A_235 = arith.addi %add3A_234, %mul3A_233 : i32
      %get3A_236 = arith.index_cast %add3A_235 : i32 to index
      %get3A_237 = tpu.vector_load %arg8[%get3A_236] {strides = array<i32>} : memref<32768xi32, #tpu.memory_space<vmem>>, vector<16xi32>,
      %add3A_238 = arith.addi %add3A_224, %get3A_237 : vector<16xi32>
      %mul3A_239 = arith.constant 16 : i32
      %mul3A_240 = arith.muli %scan3A_34, %mul3A_239 : i32
      %add3A_241 = arith.constant 28672 : i32
      %add3A_242 = arith.addi %add3A_241, %mul3A_240 : i32
      %get3A_243 = arith.index_cast %add3A_242 : i32 to index
      %get3A_244 = tpu.vector_load %arg9[%get3A_243] {strides = array<i32>} : memref<32768xf32, #tpu.memory_space<vmem>>, vector<16xf32>,
      %add3A_245 = arith.addf %add3A_231, %get3A_244 : vector<16xf32>
      %mul3A_246 = arith.constant 16 : i32
      %mul3A_247 = arith.muli %scan3A_34, %mul3A_246 : i32
      %add3A_248 = arith.constant 30720 : i32
      %add3A_249 = arith.addi %add3A_248, %mul3A_247 : i32
      %get3A_250 = arith.index_cast %add3A_249 : i32 to index
      %get3A_251 = tpu.vector_load %arg8[%get3A_250] {strides = array<i32>} : memref<32768xi32, #tpu.memory_space<vmem>>, vector<16xi32>,
      %add3A_252 = arith.addi %add3A_238, %get3A_251 : vector<16xi32>
      %mul3A_253 = arith.constant 16 : i32
      %mul3A_254 = arith.muli %scan3A_34, %mul3A_253 : i32
      %add3A_255 = arith.constant 30720 : i32
      %add3A_256 = arith.addi %add3A_255, %mul3A_254 : i32
      %get3A_257 = arith.index_cast %add3A_256 : i32 to index
      %get3A_258 = tpu.vector_load %arg9[%get3A_257] {strides = array<i32>} : memref<32768xf32, #tpu.memory_space<vmem>>, vector<16xf32>,
      %add3A_259 = arith.addf %add3A_245, %get3A_258 : vector<16xf32>
      %mul3A_260 = arith.constant 16 : i32
      %mul3A_261 = arith.muli %scan3A_34, %mul3A_260 : i32
      %swap3A = arith.index_cast %mul3A_261 : i32 to index
      %swap3A_262 = tpu.vector_load %arg10[%swap3A] {strides = array<i32>} : memref<2048xi32, #tpu.memory_space<vmem>>, vector<16xi32>,
      tpu.vector_store %arg10[%swap3A], %add3A_252 {strides = array<i32>} : memref<2048xi32, #tpu.memory_space<vmem>>, vector<16xi32>,
      %mul3A_263 = arith.constant 16 : i32
      %mul3A_264 = arith.muli %scan3A_34, %mul3A_263 : i32
      %swap3A_265 = arith.index_cast %mul3A_264 : i32 to index
      %swap3A_266 = tpu.vector_load %arg11[%swap3A_265] {strides = array<i32>} : memref<2048xf32, #tpu.memory_space<vmem>>, vector<16xf32>,
      tpu.vector_store %arg11[%swap3A_265], %add3A_259 {strides = array<i32>} : memref<2048xf32, #tpu.memory_space<vmem>>, vector<16xf32>,
      %scan3A_267 = arith.constant 0 : i32
      scf.yield %scan3A_267 : i32
    }
    %scan3A_33 = arith.constant 128 : i32
    "tpu.region"() ({
      %run_scoped3A = tpu.sem_alloc : memref<!tpu.dma_semaphore, #tpu.memory_space<semaphore_mem>>
      %dma_start3A = arith.constant 0 : i32
      %dma_start3A_34 = tpu.memref_slice %arg4[%add3A, %dma_start3A] : memref<32x2048xi32, #tpu.memory_space<hbm>> -> memref<1x2048xi32, #tpu.memory_space<hbm>>
      %dma_start3A_35 = tpu.memref_squeeze %dma_start3A_34 : memref<1x2048xi32, #tpu.memory_space<hbm>> -> memref<2048xi32, #tpu.memory_space<hbm>>
      %dma_start3A_36 = arith.constant 0 : i32
      %dma_start3A_37 = tpu.memref_slice %arg4[%add3A, %dma_start3A_36] : memref<32x2048xi32, #tpu.memory_space<hbm>> -> memref<1x2048xi32, #tpu.memory_space<hbm>>
      %dma_start3A_38 = tpu.memref_squeeze %dma_start3A_37 : memref<1x2048xi32, #tpu.memory_space<hbm>> -> memref<2048xi32, #tpu.memory_space<hbm>>
      tpu.enqueue_dma source(%arg10 : memref<2048xi32, #tpu.memory_space<vmem>>) target(%dma_start3A_38 : memref<2048xi32, #tpu.memory_space<hbm>>) target_semaphore(%run_scoped3A : memref<!tpu.dma_semaphore, #tpu.memory_space<semaphore_mem>>)
      %dma_wait3A = arith.constant 0 : i32
      %dma_wait3A_39 = tpu.memref_slice %arg4[%add3A, %dma_wait3A] : memref<32x2048xi32, #tpu.memory_space<hbm>> -> memref<1x2048xi32, #tpu.memory_space<hbm>>
      %dma_wait3A_40 = tpu.memref_squeeze %dma_wait3A_39 : memref<1x2048xi32, #tpu.memory_space<hbm>> -> memref<2048xi32, #tpu.memory_space<hbm>>
      %dma_wait3A_41 = arith.constant 0 : i32
      %dma_wait3A_42 = tpu.memref_slice %arg4[%add3A, %dma_wait3A_41] : memref<32x2048xi32, #tpu.memory_space<hbm>> -> memref<1x2048xi32, #tpu.memory_space<hbm>>
      %dma_wait3A_43 = tpu.memref_squeeze %dma_wait3A_42 : memref<1x2048xi32, #tpu.memory_space<hbm>> -> memref<2048xi32, #tpu.memory_space<hbm>>
      tpu.wait_dma2 semaphore(%run_scoped3A : memref<!tpu.dma_semaphore, #tpu.memory_space<semaphore_mem>>) src(%arg10 : memref<2048xi32, #tpu.memory_space<vmem>>) dst(%dma_wait3A_43 : memref<2048xi32, #tpu.memory_space<hbm>>)
      tpu.yield
    }) : () -> ()
    "tpu.region"() ({
      %run_scoped3A = tpu.sem_alloc : memref<!tpu.dma_semaphore, #tpu.memory_space<semaphore_mem>>
      %dma_start3A = arith.constant 0 : i32
      %dma_start3A_34 = tpu.memref_slice %arg5[%add3A, %dma_start3A] : memref<32x2048xf32, #tpu.memory_space<hbm>> -> memref<1x2048xf32, #tpu.memory_space<hbm>>
      %dma_start3A_35 = tpu.memref_squeeze %dma_start3A_34 : memref<1x2048xf32, #tpu.memory_space<hbm>> -> memref<2048xf32, #tpu.memory_space<hbm>>
      %dma_start3A_36 = arith.constant 0 : i32
      %dma_start3A_37 = tpu.memref_slice %arg5[%add3A, %dma_start3A_36] : memref<32x2048xf32, #tpu.memory_space<hbm>> -> memref<1x2048xf32, #tpu.memory_space<hbm>>
      %dma_start3A_38 = tpu.memref_squeeze %dma_start3A_37 : memref<1x2048xf32, #tpu.memory_space<hbm>> -> memref<2048xf32, #tpu.memory_space<hbm>>
      tpu.enqueue_dma source(%arg11 : memref<2048xf32, #tpu.memory_space<vmem>>) target(%dma_start3A_38 : memref<2048xf32, #tpu.memory_space<hbm>>) target_semaphore(%run_scoped3A : memref<!tpu.dma_semaphore, #tpu.memory_space<semaphore_mem>>)
      %dma_wait3A = arith.constant 0 : i32
      %dma_wait3A_39 = tpu.memref_slice %arg5[%add3A, %dma_wait3A] : memref<32x2048xf32, #tpu.memory_space<hbm>> -> memref<1x2048xf32, #tpu.memory_space<hbm>>
      %dma_wait3A_40 = tpu.memref_squeeze %dma_wait3A_39 : memref<1x2048xf32, #tpu.memory_space<hbm>> -> memref<2048xf32, #tpu.memory_space<hbm>>
      %dma_wait3A_41 = arith.constant 0 : i32
      %dma_wait3A_42 = tpu.memref_slice %arg5[%add3A, %dma_wait3A_41] : memref<32x2048xf32, #tpu.memory_space<hbm>> -> memref<1x2048xf32, #tpu.memory_space<hbm>>
      %dma_wait3A_43 = tpu.memref_squeeze %dma_wait3A_42 : memref<1x2048xf32, #tpu.memory_space<hbm>> -> memref<2048xf32, #tpu.memory_space<hbm>>
      tpu.wait_dma2 semaphore(%run_scoped3A : memref<!tpu.dma_semaphore, #tpu.memory_space<semaphore_mem>>) src(%arg11 : memref<2048xf32, #tpu.memory_space<vmem>>) dst(%dma_wait3A_43 : memref<2048xf32, #tpu.memory_space<hbm>>)
      tpu.yield
    }) : () -> ()
    return
  }
}

#map = affine_map<(d0, d1) -> (0, 0)>
#map1 = affine_map<(d0, d1) -> (0)>
module attributes {stable_mosaic.version = 14 : i64} {
  func.func @_sc_hist(%arg0: i32, %arg1: i32, %arg2: memref<2048x512xf32, #tpu.memory_space<hbm>>, %arg3: memref<16xi32, #tpu.memory_space<hbm>>, %arg4: memref<32x2048xi32, #tpu.memory_space<hbm>>, %arg5: memref<32x2048xf32, #tpu.memory_space<hbm>>, %arg6: memref<64x512xf32, #tpu.memory_space<vmem>>, %arg7: memref<16xi32, #tpu.memory_space<vmem>>, %arg8: memref<32768xi32, #tpu.memory_space<vmem>>, %arg9: memref<32768xf32, #tpu.memory_space<vmem>>, %arg10: memref<2048xi32, #tpu.memory_space<vmem>>, %arg11: memref<2048xf32, #tpu.memory_space<vmem>>) attributes {dimension_semantics = [#tpu.dimension_semantics<core_parallel>, #tpu.dimension_semantics<subcore_parallel>], iteration_bounds = array<i64: 2, 16>, scalar_prefetch = 0 : i64, scratch_operands = 6 : i64, tpu.core_type = #tpu.core_type<sc_vector_subcore>, window_params = [{transform_indices = #map}, {transform_indices = #map1}, {transform_indices = #map}, {transform_indices = #map}]} {
    %mul3A = arith.constant 2 : i32
    %mul3A_0 = arith.muli %arg1, %mul3A : i32
    %add3A = arith.addi %mul3A_0, %arg0 : i32
    %mul3A_1 = arith.constant 64 : i32
    %mul3A_2 = arith.muli %add3A, %mul3A_1 : i32
    "tpu.region"() ({
      %run_scoped3A = tpu.sem_alloc : memref<!tpu.dma_semaphore, #tpu.memory_space<semaphore_mem>>
      %dma_start3A = arith.constant 0 : i32
      %dma_start3A_34 = tpu.memref_slice %arg2[%mul3A_2, %dma_start3A] : memref<2048x512xf32, #tpu.memory_space<hbm>> -> memref<64x512xf32, #tpu.memory_space<hbm>>
      %dma_start3A_35 = arith.constant 0 : i32
      %dma_start3A_36 = tpu.memref_slice %arg2[%mul3A_2, %dma_start3A_35] : memref<2048x512xf32, #tpu.memory_space<hbm>> -> memref<64x512xf32, #tpu.memory_space<hbm>>
      tpu.enqueue_dma source(%dma_start3A_36 : memref<64x512xf32, #tpu.memory_space<hbm>>) target(%arg6 : memref<64x512xf32, #tpu.memory_space<vmem>>) target_semaphore(%run_scoped3A : memref<!tpu.dma_semaphore, #tpu.memory_space<semaphore_mem>>)
      %dma_wait3A = arith.constant 0 : i32
      %dma_wait3A_37 = tpu.memref_slice %arg2[%mul3A_2, %dma_wait3A] : memref<2048x512xf32, #tpu.memory_space<hbm>> -> memref<64x512xf32, #tpu.memory_space<hbm>>
      %dma_wait3A_38 = arith.constant 0 : i32
      %dma_wait3A_39 = tpu.memref_slice %arg2[%mul3A_2, %dma_wait3A_38] : memref<2048x512xf32, #tpu.memory_space<hbm>> -> memref<64x512xf32, #tpu.memory_space<hbm>>
      tpu.wait_dma2 semaphore(%run_scoped3A : memref<!tpu.dma_semaphore, #tpu.memory_space<semaphore_mem>>) src(%dma_wait3A_39 : memref<64x512xf32, #tpu.memory_space<hbm>>) dst(%arg6 : memref<64x512xf32, #tpu.memory_space<vmem>>)
      tpu.yield
    }) : () -> ()
    "tpu.region"() ({
      %run_scoped3A = tpu.sem_alloc : memref<!tpu.dma_semaphore, #tpu.memory_space<semaphore_mem>>
      tpu.enqueue_dma source(%arg3 : memref<16xi32, #tpu.memory_space<hbm>>) target(%arg7 : memref<16xi32, #tpu.memory_space<vmem>>) target_semaphore(%run_scoped3A : memref<!tpu.dma_semaphore, #tpu.memory_space<semaphore_mem>>)
      tpu.wait_dma2 semaphore(%run_scoped3A : memref<!tpu.dma_semaphore, #tpu.memory_space<semaphore_mem>>) src(%arg3 : memref<16xi32, #tpu.memory_space<hbm>>) dst(%arg7 : memref<16xi32, #tpu.memory_space<vmem>>)
      tpu.yield
    }) : () -> ()
    %broadcast_in_dim3A = arith.constant 0 : i32
    %broadcast_in_dim3A_3 = vector.broadcast %broadcast_in_dim3A : i32 to vector<16xi32>
    %broadcast_in_dim3A_4 = arith.constant 0.000000e+00 : f32
    %broadcast_in_dim3A_5 = vector.broadcast %broadcast_in_dim3A_4 : f32 to vector<16xf32>
    %scan3A = arith.constant 0 : i32
    %scan3A_6 = arith.constant 0 : i32
    %scan3A_7 = arith.constant 2048 : i32
    %scan3A_8 = arith.addi %scan3A_6, %scan3A_7 : i32
    %scan3A_9 = arith.constant 1 : i32
    %scan3A_10 = scf.for %scan3A_34 = %scan3A_6 to %scan3A_8 step %scan3A_9 iter_args(%scan3A_35 = %scan3A) -> (i32)  : i32 {
      %mul3A_36 = arith.constant 16 : i32
      %mul3A_37 = arith.muli %scan3A_34, %mul3A_36 : i32
      %swap3A = arith.index_cast %mul3A_37 : i32 to index
      %swap3A_38 = tpu.vector_load %arg8[%swap3A] {strides = array<i32>} : memref<32768xi32, #tpu.memory_space<vmem>>, vector<16xi32>,
      tpu.vector_store %arg8[%swap3A], %broadcast_in_dim3A_3 {strides = array<i32>} : memref<32768xi32, #tpu.memory_space<vmem>>, vector<16xi32>,
      %mul3A_39 = arith.constant 16 : i32
      %mul3A_40 = arith.muli %scan3A_34, %mul3A_39 : i32
      %swap3A_41 = arith.index_cast %mul3A_40 : i32 to index
      %swap3A_42 = tpu.vector_load %arg9[%swap3A_41] {strides = array<i32>} : memref<32768xf32, #tpu.memory_space<vmem>>, vector<16xf32>,
      tpu.vector_store %arg9[%swap3A_41], %broadcast_in_dim3A_5 {strides = array<i32>} : memref<32768xf32, #tpu.memory_space<vmem>>, vector<16xf32>,
      %scan3A_43 = arith.constant 0 : i32
      scf.yield %scan3A_43 : i32
    }
    %scan3A_11 = arith.constant 2048 : i32
    %get3A = arith.constant 0 : index
    %get3A_12 = tpu.vector_load %arg7[%get3A] {strides = array<i32>} : memref<16xi32, #tpu.memory_space<vmem>>, vector<16xi32>,
    %iota3A = tpu.iota {dimensions = array<i32: 0>} : vector<16xi32>
    %mul3A_13 = arith.constant 2048 : i32
    %mul3A_14 = vector.broadcast %mul3A_13 : i32 to vector<16xi32>
    %mul3A_15 = arith.muli %iota3A, %mul3A_14 : vector<16xi32>
    %broadcast_in_dim3A_16 = arith.constant 1 : i32
    %broadcast_in_dim3A_17 = vector.broadcast %broadcast_in_dim3A_16 : i32 to vector<16xi32>
    %scan3A_18 = arith.constant -2097152 : i32
    %scan3A_19 = arith.constant 2047 : i32
    %scan3A_20 = arith.constant 0 : i32
    %scan3A_21 = arith.constant 0 : i32
    %scan3A_22 = arith.constant 64 : i32
    %scan3A_23 = arith.addi %scan3A_21, %scan3A_22 : i32
    %scan3A_24 = arith.constant 1 : i32
    %scan3A_25 = scf.for %scan3A_34 = %scan3A_21 to %scan3A_23 step %scan3A_24 iter_args(%scan3A_35 = %scan3A_20) -> (i32)  : i32 {
      %scan3A_36 = arith.constant 0 : i32
      %scan3A_37 = arith.constant 0 : i32
      %scan3A_38 = arith.constant 32 : i32
      %scan3A_39 = arith.addi %scan3A_37, %scan3A_38 : i32
      %scan3A_40 = arith.constant 1 : i32
      %scan3A_41 = scf.for %scan3A_43 = %scan3A_37 to %scan3A_39 step %scan3A_40 iter_args(%scan3A_44 = %scan3A_36) -> (i32)  : i32 {
        %mul3A_45 = arith.constant 16 : i32
        %mul3A_46 = arith.muli %scan3A_43, %mul3A_45 : i32
        %get3A_47 = arith.index_cast %scan3A_34 : i32 to index
        %get3A_48 = arith.index_cast %mul3A_46 : i32 to index
        %get3A_49 = tpu.vector_load %arg6[%get3A_47, %get3A_48] {strides = array<i32>} : memref<64x512xf32, #tpu.memory_space<vmem>>, vector<16xf32>,
        %bitcast_convert_type3A = tpu.bitcast %get3A_49 : vector<16xf32> -> vector<16xi32>
        %and3A = vector.broadcast %scan3A_18 : i32 to vector<16xi32>
        %and3A_50 = arith.andi %bitcast_convert_type3A, %and3A : vector<16xi32>
        %eq3A = arith.cmpi eq, %and3A_50, %get3A_12 : vector<16xi32>
        %shift_right_logical3A = arith.constant 10 : i32
        %shift_right_logical3A_51 = vector.broadcast %shift_right_logical3A : i32 to vector<16xi32>
        %shift_right_logical3A_52 = arith.shrui %bitcast_convert_type3A, %shift_right_logical3A_51 : vector<16xi32>
        %and3A_53 = vector.broadcast %scan3A_19 : i32 to vector<16xi32>
        %and3A_54 = arith.andi %shift_right_logical3A_52, %and3A_53 : vector<16xi32>
        %add3A_55 = arith.addi %mul3A_15, %and3A_54 : vector<16xi32>
        tpu.vector_store_idx %arg8[%add3A_55], %broadcast_in_dim3A_17 masked %eq3A {add = true} : memref<32768xi32, #tpu.memory_space<vmem>>[vector<16xi32>], vector<16xi32>, vector<16xi1>
        tpu.vector_store_idx %arg9[%add3A_55], %get3A_49 masked %eq3A {add = true} : memref<32768xf32, #tpu.memory_space<vmem>>[vector<16xi32>], vector<16xf32>, vector<16xi1>
        %scan3A_56 = arith.constant 0 : i32
        scf.yield %scan3A_56 : i32
      }
      %scan3A_42 = arith.constant 32 : i32
      scf.yield %scan3A_41 : i32
    }
    %scan3A_26 = arith.constant 64 : i32
    %scan3A_27 = arith.constant 0 : i32
    %scan3A_28 = arith.constant 0 : i32
    %scan3A_29 = arith.constant 128 : i32
    %scan3A_30 = arith.addi %scan3A_28, %scan3A_29 : i32
    %scan3A_31 = arith.constant 1 : i32
    %scan3A_32 = scf.for %scan3A_34 = %scan3A_28 to %scan3A_30 step %scan3A_31 iter_args(%scan3A_35 = %scan3A_27) -> (i32)  : i32 {
      %mul3A_36 = arith.constant 16 : i32
      %mul3A_37 = arith.muli %scan3A_34, %mul3A_36 : i32
      %add3A_38 = arith.constant 0 : i32
      %add3A_39 = arith.addi %add3A_38, %mul3A_37 : i32
      %get3A_40 = arith.index_cast %add3A_39 : i32 to index
      %get3A_41 = tpu.vector_load %arg8[%get3A_40] {strides = array<i32>} : memref<32768xi32, #tpu.memory_space<vmem>>, vector<16xi32>,
      %add3A_42 = arith.addi %broadcast_in_dim3A_3, %get3A_41 : vector<16xi32>
      %mul3A_43 = arith.constant 16 : i32
      %mul3A_44 = arith.muli %scan3A_34, %mul3A_43 : i32
      %add3A_45 = arith.constant 0 : i32
      %add3A_46 = arith.addi %add3A_45, %mul3A_44 : i32
      %get3A_47 = arith.index_cast %add3A_46 : i32 to index
      %get3A_48 = tpu.vector_load %arg9[%get3A_47] {strides = array<i32>} : memref<32768xf32, #tpu.memory_space<vmem>>, vector<16xf32>,
      %add3A_49 = arith.addf %broadcast_in_dim3A_5, %get3A_48 : vector<16xf32>
      %mul3A_50 = arith.constant 16 : i32
      %mul3A_51 = arith.muli %scan3A_34, %mul3A_50 : i32
      %add3A_52 = arith.constant 2048 : i32
      %add3A_53 = arith.addi %add3A_52, %mul3A_51 : i32
      %get3A_54 = arith.index_cast %add3A_53 : i32 to index
      %get3A_55 = tpu.vector_load %arg8[%get3A_54] {strides = array<i32>} : memref<32768xi32, #tpu.memory_space<vmem>>, vector<16xi32>,
      %add3A_56 = arith.addi %add3A_42, %get3A_55 : vector<16xi32>
      %mul3A_57 = arith.constant 16 : i32
      %mul3A_58 = arith.muli %scan3A_34, %mul3A_57 : i32
      %add3A_59 = arith.constant 2048 : i32
      %add3A_60 = arith.addi %add3A_59, %mul3A_58 : i32
      %get3A_61 = arith.index_cast %add3A_60 : i32 to index
      %get3A_62 = tpu.vector_load %arg9[%get3A_61] {strides = array<i32>} : memref<32768xf32, #tpu.memory_space<vmem>>, vector<16xf32>,
      %add3A_63 = arith.addf %add3A_49, %get3A_62 : vector<16xf32>
      %mul3A_64 = arith.constant 16 : i32
      %mul3A_65 = arith.muli %scan3A_34, %mul3A_64 : i32
      %add3A_66 = arith.constant 4096 : i32
      %add3A_67 = arith.addi %add3A_66, %mul3A_65 : i32
      %get3A_68 = arith.index_cast %add3A_67 : i32 to index
      %get3A_69 = tpu.vector_load %arg8[%get3A_68] {strides = array<i32>} : memref<32768xi32, #tpu.memory_space<vmem>>, vector<16xi32>,
      %add3A_70 = arith.addi %add3A_56, %get3A_69 : vector<16xi32>
      %mul3A_71 = arith.constant 16 : i32
      %mul3A_72 = arith.muli %scan3A_34, %mul3A_71 : i32
      %add3A_73 = arith.constant 4096 : i32
      %add3A_74 = arith.addi %add3A_73, %mul3A_72 : i32
      %get3A_75 = arith.index_cast %add3A_74 : i32 to index
      %get3A_76 = tpu.vector_load %arg9[%get3A_75] {strides = array<i32>} : memref<32768xf32, #tpu.memory_space<vmem>>, vector<16xf32>,
      %add3A_77 = arith.addf %add3A_63, %get3A_76 : vector<16xf32>
      %mul3A_78 = arith.constant 16 : i32
      %mul3A_79 = arith.muli %scan3A_34, %mul3A_78 : i32
      %add3A_80 = arith.constant 6144 : i32
      %add3A_81 = arith.addi %add3A_80, %mul3A_79 : i32
      %get3A_82 = arith.index_cast %add3A_81 : i32 to index
      %get3A_83 = tpu.vector_load %arg8[%get3A_82] {strides = array<i32>} : memref<32768xi32, #tpu.memory_space<vmem>>, vector<16xi32>,
      %add3A_84 = arith.addi %add3A_70, %get3A_83 : vector<16xi32>
      %mul3A_85 = arith.constant 16 : i32
      %mul3A_86 = arith.muli %scan3A_34, %mul3A_85 : i32
      %add3A_87 = arith.constant 6144 : i32
      %add3A_88 = arith.addi %add3A_87, %mul3A_86 : i32
      %get3A_89 = arith.index_cast %add3A_88 : i32 to index
      %get3A_90 = tpu.vector_load %arg9[%get3A_89] {strides = array<i32>} : memref<32768xf32, #tpu.memory_space<vmem>>, vector<16xf32>,
      %add3A_91 = arith.addf %add3A_77, %get3A_90 : vector<16xf32>
      %mul3A_92 = arith.constant 16 : i32
      %mul3A_93 = arith.muli %scan3A_34, %mul3A_92 : i32
      %add3A_94 = arith.constant 8192 : i32
      %add3A_95 = arith.addi %add3A_94, %mul3A_93 : i32
      %get3A_96 = arith.index_cast %add3A_95 : i32 to index
      %get3A_97 = tpu.vector_load %arg8[%get3A_96] {strides = array<i32>} : memref<32768xi32, #tpu.memory_space<vmem>>, vector<16xi32>,
      %add3A_98 = arith.addi %add3A_84, %get3A_97 : vector<16xi32>
      %mul3A_99 = arith.constant 16 : i32
      %mul3A_100 = arith.muli %scan3A_34, %mul3A_99 : i32
      %add3A_101 = arith.constant 8192 : i32
      %add3A_102 = arith.addi %add3A_101, %mul3A_100 : i32
      %get3A_103 = arith.index_cast %add3A_102 : i32 to index
      %get3A_104 = tpu.vector_load %arg9[%get3A_103] {strides = array<i32>} : memref<32768xf32, #tpu.memory_space<vmem>>, vector<16xf32>,
      %add3A_105 = arith.addf %add3A_91, %get3A_104 : vector<16xf32>
      %mul3A_106 = arith.constant 16 : i32
      %mul3A_107 = arith.muli %scan3A_34, %mul3A_106 : i32
      %add3A_108 = arith.constant 10240 : i32
      %add3A_109 = arith.addi %add3A_108, %mul3A_107 : i32
      %get3A_110 = arith.index_cast %add3A_109 : i32 to index
      %get3A_111 = tpu.vector_load %arg8[%get3A_110] {strides = array<i32>} : memref<32768xi32, #tpu.memory_space<vmem>>, vector<16xi32>,
      %add3A_112 = arith.addi %add3A_98, %get3A_111 : vector<16xi32>
      %mul3A_113 = arith.constant 16 : i32
      %mul3A_114 = arith.muli %scan3A_34, %mul3A_113 : i32
      %add3A_115 = arith.constant 10240 : i32
      %add3A_116 = arith.addi %add3A_115, %mul3A_114 : i32
      %get3A_117 = arith.index_cast %add3A_116 : i32 to index
      %get3A_118 = tpu.vector_load %arg9[%get3A_117] {strides = array<i32>} : memref<32768xf32, #tpu.memory_space<vmem>>, vector<16xf32>,
      %add3A_119 = arith.addf %add3A_105, %get3A_118 : vector<16xf32>
      %mul3A_120 = arith.constant 16 : i32
      %mul3A_121 = arith.muli %scan3A_34, %mul3A_120 : i32
      %add3A_122 = arith.constant 12288 : i32
      %add3A_123 = arith.addi %add3A_122, %mul3A_121 : i32
      %get3A_124 = arith.index_cast %add3A_123 : i32 to index
      %get3A_125 = tpu.vector_load %arg8[%get3A_124] {strides = array<i32>} : memref<32768xi32, #tpu.memory_space<vmem>>, vector<16xi32>,
      %add3A_126 = arith.addi %add3A_112, %get3A_125 : vector<16xi32>
      %mul3A_127 = arith.constant 16 : i32
      %mul3A_128 = arith.muli %scan3A_34, %mul3A_127 : i32
      %add3A_129 = arith.constant 12288 : i32
      %add3A_130 = arith.addi %add3A_129, %mul3A_128 : i32
      %get3A_131 = arith.index_cast %add3A_130 : i32 to index
      %get3A_132 = tpu.vector_load %arg9[%get3A_131] {strides = array<i32>} : memref<32768xf32, #tpu.memory_space<vmem>>, vector<16xf32>,
      %add3A_133 = arith.addf %add3A_119, %get3A_132 : vector<16xf32>
      %mul3A_134 = arith.constant 16 : i32
      %mul3A_135 = arith.muli %scan3A_34, %mul3A_134 : i32
      %add3A_136 = arith.constant 14336 : i32
      %add3A_137 = arith.addi %add3A_136, %mul3A_135 : i32
      %get3A_138 = arith.index_cast %add3A_137 : i32 to index
      %get3A_139 = tpu.vector_load %arg8[%get3A_138] {strides = array<i32>} : memref<32768xi32, #tpu.memory_space<vmem>>, vector<16xi32>,
      %add3A_140 = arith.addi %add3A_126, %get3A_139 : vector<16xi32>
      %mul3A_141 = arith.constant 16 : i32
      %mul3A_142 = arith.muli %scan3A_34, %mul3A_141 : i32
      %add3A_143 = arith.constant 14336 : i32
      %add3A_144 = arith.addi %add3A_143, %mul3A_142 : i32
      %get3A_145 = arith.index_cast %add3A_144 : i32 to index
      %get3A_146 = tpu.vector_load %arg9[%get3A_145] {strides = array<i32>} : memref<32768xf32, #tpu.memory_space<vmem>>, vector<16xf32>,
      %add3A_147 = arith.addf %add3A_133, %get3A_146 : vector<16xf32>
      %mul3A_148 = arith.constant 16 : i32
      %mul3A_149 = arith.muli %scan3A_34, %mul3A_148 : i32
      %add3A_150 = arith.constant 16384 : i32
      %add3A_151 = arith.addi %add3A_150, %mul3A_149 : i32
      %get3A_152 = arith.index_cast %add3A_151 : i32 to index
      %get3A_153 = tpu.vector_load %arg8[%get3A_152] {strides = array<i32>} : memref<32768xi32, #tpu.memory_space<vmem>>, vector<16xi32>,
      %add3A_154 = arith.addi %add3A_140, %get3A_153 : vector<16xi32>
      %mul3A_155 = arith.constant 16 : i32
      %mul3A_156 = arith.muli %scan3A_34, %mul3A_155 : i32
      %add3A_157 = arith.constant 16384 : i32
      %add3A_158 = arith.addi %add3A_157, %mul3A_156 : i32
      %get3A_159 = arith.index_cast %add3A_158 : i32 to index
      %get3A_160 = tpu.vector_load %arg9[%get3A_159] {strides = array<i32>} : memref<32768xf32, #tpu.memory_space<vmem>>, vector<16xf32>,
      %add3A_161 = arith.addf %add3A_147, %get3A_160 : vector<16xf32>
      %mul3A_162 = arith.constant 16 : i32
      %mul3A_163 = arith.muli %scan3A_34, %mul3A_162 : i32
      %add3A_164 = arith.constant 18432 : i32
      %add3A_165 = arith.addi %add3A_164, %mul3A_163 : i32
      %get3A_166 = arith.index_cast %add3A_165 : i32 to index
      %get3A_167 = tpu.vector_load %arg8[%get3A_166] {strides = array<i32>} : memref<32768xi32, #tpu.memory_space<vmem>>, vector<16xi32>,
      %add3A_168 = arith.addi %add3A_154, %get3A_167 : vector<16xi32>
      %mul3A_169 = arith.constant 16 : i32
      %mul3A_170 = arith.muli %scan3A_34, %mul3A_169 : i32
      %add3A_171 = arith.constant 18432 : i32
      %add3A_172 = arith.addi %add3A_171, %mul3A_170 : i32
      %get3A_173 = arith.index_cast %add3A_172 : i32 to index
      %get3A_174 = tpu.vector_load %arg9[%get3A_173] {strides = array<i32>} : memref<32768xf32, #tpu.memory_space<vmem>>, vector<16xf32>,
      %add3A_175 = arith.addf %add3A_161, %get3A_174 : vector<16xf32>
      %mul3A_176 = arith.constant 16 : i32
      %mul3A_177 = arith.muli %scan3A_34, %mul3A_176 : i32
      %add3A_178 = arith.constant 20480 : i32
      %add3A_179 = arith.addi %add3A_178, %mul3A_177 : i32
      %get3A_180 = arith.index_cast %add3A_179 : i32 to index
      %get3A_181 = tpu.vector_load %arg8[%get3A_180] {strides = array<i32>} : memref<32768xi32, #tpu.memory_space<vmem>>, vector<16xi32>,
      %add3A_182 = arith.addi %add3A_168, %get3A_181 : vector<16xi32>
      %mul3A_183 = arith.constant 16 : i32
      %mul3A_184 = arith.muli %scan3A_34, %mul3A_183 : i32
      %add3A_185 = arith.constant 20480 : i32
      %add3A_186 = arith.addi %add3A_185, %mul3A_184 : i32
      %get3A_187 = arith.index_cast %add3A_186 : i32 to index
      %get3A_188 = tpu.vector_load %arg9[%get3A_187] {strides = array<i32>} : memref<32768xf32, #tpu.memory_space<vmem>>, vector<16xf32>,
      %add3A_189 = arith.addf %add3A_175, %get3A_188 : vector<16xf32>
      %mul3A_190 = arith.constant 16 : i32
      %mul3A_191 = arith.muli %scan3A_34, %mul3A_190 : i32
      %add3A_192 = arith.constant 22528 : i32
      %add3A_193 = arith.addi %add3A_192, %mul3A_191 : i32
      %get3A_194 = arith.index_cast %add3A_193 : i32 to index
      %get3A_195 = tpu.vector_load %arg8[%get3A_194] {strides = array<i32>} : memref<32768xi32, #tpu.memory_space<vmem>>, vector<16xi32>,
      %add3A_196 = arith.addi %add3A_182, %get3A_195 : vector<16xi32>
      %mul3A_197 = arith.constant 16 : i32
      %mul3A_198 = arith.muli %scan3A_34, %mul3A_197 : i32
      %add3A_199 = arith.constant 22528 : i32
      %add3A_200 = arith.addi %add3A_199, %mul3A_198 : i32
      %get3A_201 = arith.index_cast %add3A_200 : i32 to index
      %get3A_202 = tpu.vector_load %arg9[%get3A_201] {strides = array<i32>} : memref<32768xf32, #tpu.memory_space<vmem>>, vector<16xf32>,
      %add3A_203 = arith.addf %add3A_189, %get3A_202 : vector<16xf32>
      %mul3A_204 = arith.constant 16 : i32
      %mul3A_205 = arith.muli %scan3A_34, %mul3A_204 : i32
      %add3A_206 = arith.constant 24576 : i32
      %add3A_207 = arith.addi %add3A_206, %mul3A_205 : i32
      %get3A_208 = arith.index_cast %add3A_207 : i32 to index
      %get3A_209 = tpu.vector_load %arg8[%get3A_208] {strides = array<i32>} : memref<32768xi32, #tpu.memory_space<vmem>>, vector<16xi32>,
      %add3A_210 = arith.addi %add3A_196, %get3A_209 : vector<16xi32>
      %mul3A_211 = arith.constant 16 : i32
      %mul3A_212 = arith.muli %scan3A_34, %mul3A_211 : i32
      %add3A_213 = arith.constant 24576 : i32
      %add3A_214 = arith.addi %add3A_213, %mul3A_212 : i32
      %get3A_215 = arith.index_cast %add3A_214 : i32 to index
      %get3A_216 = tpu.vector_load %arg9[%get3A_215] {strides = array<i32>} : memref<32768xf32, #tpu.memory_space<vmem>>, vector<16xf32>,
      %add3A_217 = arith.addf %add3A_203, %get3A_216 : vector<16xf32>
      %mul3A_218 = arith.constant 16 : i32
      %mul3A_219 = arith.muli %scan3A_34, %mul3A_218 : i32
      %add3A_220 = arith.constant 26624 : i32
      %add3A_221 = arith.addi %add3A_220, %mul3A_219 : i32
      %get3A_222 = arith.index_cast %add3A_221 : i32 to index
      %get3A_223 = tpu.vector_load %arg8[%get3A_222] {strides = array<i32>} : memref<32768xi32, #tpu.memory_space<vmem>>, vector<16xi32>,
      %add3A_224 = arith.addi %add3A_210, %get3A_223 : vector<16xi32>
      %mul3A_225 = arith.constant 16 : i32
      %mul3A_226 = arith.muli %scan3A_34, %mul3A_225 : i32
      %add3A_227 = arith.constant 26624 : i32
      %add3A_228 = arith.addi %add3A_227, %mul3A_226 : i32
      %get3A_229 = arith.index_cast %add3A_228 : i32 to index
      %get3A_230 = tpu.vector_load %arg9[%get3A_229] {strides = array<i32>} : memref<32768xf32, #tpu.memory_space<vmem>>, vector<16xf32>,
      %add3A_231 = arith.addf %add3A_217, %get3A_230 : vector<16xf32>
      %mul3A_232 = arith.constant 16 : i32
      %mul3A_233 = arith.muli %scan3A_34, %mul3A_232 : i32
      %add3A_234 = arith.constant 28672 : i32
      %add3A_235 = arith.addi %add3A_234, %mul3A_233 : i32
      %get3A_236 = arith.index_cast %add3A_235 : i32 to index
      %get3A_237 = tpu.vector_load %arg8[%get3A_236] {strides = array<i32>} : memref<32768xi32, #tpu.memory_space<vmem>>, vector<16xi32>,
      %add3A_238 = arith.addi %add3A_224, %get3A_237 : vector<16xi32>
      %mul3A_239 = arith.constant 16 : i32
      %mul3A_240 = arith.muli %scan3A_34, %mul3A_239 : i32
      %add3A_241 = arith.constant 28672 : i32
      %add3A_242 = arith.addi %add3A_241, %mul3A_240 : i32
      %get3A_243 = arith.index_cast %add3A_242 : i32 to index
      %get3A_244 = tpu.vector_load %arg9[%get3A_243] {strides = array<i32>} : memref<32768xf32, #tpu.memory_space<vmem>>, vector<16xf32>,
      %add3A_245 = arith.addf %add3A_231, %get3A_244 : vector<16xf32>
      %mul3A_246 = arith.constant 16 : i32
      %mul3A_247 = arith.muli %scan3A_34, %mul3A_246 : i32
      %add3A_248 = arith.constant 30720 : i32
      %add3A_249 = arith.addi %add3A_248, %mul3A_247 : i32
      %get3A_250 = arith.index_cast %add3A_249 : i32 to index
      %get3A_251 = tpu.vector_load %arg8[%get3A_250] {strides = array<i32>} : memref<32768xi32, #tpu.memory_space<vmem>>, vector<16xi32>,
      %add3A_252 = arith.addi %add3A_238, %get3A_251 : vector<16xi32>
      %mul3A_253 = arith.constant 16 : i32
      %mul3A_254 = arith.muli %scan3A_34, %mul3A_253 : i32
      %add3A_255 = arith.constant 30720 : i32
      %add3A_256 = arith.addi %add3A_255, %mul3A_254 : i32
      %get3A_257 = arith.index_cast %add3A_256 : i32 to index
      %get3A_258 = tpu.vector_load %arg9[%get3A_257] {strides = array<i32>} : memref<32768xf32, #tpu.memory_space<vmem>>, vector<16xf32>,
      %add3A_259 = arith.addf %add3A_245, %get3A_258 : vector<16xf32>
      %mul3A_260 = arith.constant 16 : i32
      %mul3A_261 = arith.muli %scan3A_34, %mul3A_260 : i32
      %swap3A = arith.index_cast %mul3A_261 : i32 to index
      %swap3A_262 = tpu.vector_load %arg10[%swap3A] {strides = array<i32>} : memref<2048xi32, #tpu.memory_space<vmem>>, vector<16xi32>,
      tpu.vector_store %arg10[%swap3A], %add3A_252 {strides = array<i32>} : memref<2048xi32, #tpu.memory_space<vmem>>, vector<16xi32>,
      %mul3A_263 = arith.constant 16 : i32
      %mul3A_264 = arith.muli %scan3A_34, %mul3A_263 : i32
      %swap3A_265 = arith.index_cast %mul3A_264 : i32 to index
      %swap3A_266 = tpu.vector_load %arg11[%swap3A_265] {strides = array<i32>} : memref<2048xf32, #tpu.memory_space<vmem>>, vector<16xf32>,
      tpu.vector_store %arg11[%swap3A_265], %add3A_259 {strides = array<i32>} : memref<2048xf32, #tpu.memory_space<vmem>>, vector<16xf32>,
      %scan3A_267 = arith.constant 0 : i32
      scf.yield %scan3A_267 : i32
    }
    %scan3A_33 = arith.constant 128 : i32
    "tpu.region"() ({
      %run_scoped3A = tpu.sem_alloc : memref<!tpu.dma_semaphore, #tpu.memory_space<semaphore_mem>>
      %dma_start3A = arith.constant 0 : i32
      %dma_start3A_34 = tpu.memref_slice %arg4[%add3A, %dma_start3A] : memref<32x2048xi32, #tpu.memory_space<hbm>> -> memref<1x2048xi32, #tpu.memory_space<hbm>>
      %dma_start3A_35 = tpu.memref_squeeze %dma_start3A_34 : memref<1x2048xi32, #tpu.memory_space<hbm>> -> memref<2048xi32, #tpu.memory_space<hbm>>
      %dma_start3A_36 = arith.constant 0 : i32
      %dma_start3A_37 = tpu.memref_slice %arg4[%add3A, %dma_start3A_36] : memref<32x2048xi32, #tpu.memory_space<hbm>> -> memref<1x2048xi32, #tpu.memory_space<hbm>>
      %dma_start3A_38 = tpu.memref_squeeze %dma_start3A_37 : memref<1x2048xi32, #tpu.memory_space<hbm>> -> memref<2048xi32, #tpu.memory_space<hbm>>
      tpu.enqueue_dma source(%arg10 : memref<2048xi32, #tpu.memory_space<vmem>>) target(%dma_start3A_38 : memref<2048xi32, #tpu.memory_space<hbm>>) target_semaphore(%run_scoped3A : memref<!tpu.dma_semaphore, #tpu.memory_space<semaphore_mem>>)
      %dma_wait3A = arith.constant 0 : i32
      %dma_wait3A_39 = tpu.memref_slice %arg4[%add3A, %dma_wait3A] : memref<32x2048xi32, #tpu.memory_space<hbm>> -> memref<1x2048xi32, #tpu.memory_space<hbm>>
      %dma_wait3A_40 = tpu.memref_squeeze %dma_wait3A_39 : memref<1x2048xi32, #tpu.memory_space<hbm>> -> memref<2048xi32, #tpu.memory_space<hbm>>
      %dma_wait3A_41 = arith.constant 0 : i32
      %dma_wait3A_42 = tpu.memref_slice %arg4[%add3A, %dma_wait3A_41] : memref<32x2048xi32, #tpu.memory_space<hbm>> -> memref<1x2048xi32, #tpu.memory_space<hbm>>
      %dma_wait3A_43 = tpu.memref_squeeze %dma_wait3A_42 : memref<1x2048xi32, #tpu.memory_space<hbm>> -> memref<2048xi32, #tpu.memory_space<hbm>>
      tpu.wait_dma2 semaphore(%run_scoped3A : memref<!tpu.dma_semaphore, #tpu.memory_space<semaphore_mem>>) src(%arg10 : memref<2048xi32, #tpu.memory_space<vmem>>) dst(%dma_wait3A_43 : memref<2048xi32, #tpu.memory_space<hbm>>)
      tpu.yield
    }) : () -> ()
    "tpu.region"() ({
      %run_scoped3A = tpu.sem_alloc : memref<!tpu.dma_semaphore, #tpu.memory_space<semaphore_mem>>
      %dma_start3A = arith.constant 0 : i32
      %dma_start3A_34 = tpu.memref_slice %arg5[%add3A, %dma_start3A] : memref<32x2048xf32, #tpu.memory_space<hbm>> -> memref<1x2048xf32, #tpu.memory_space<hbm>>
      %dma_start3A_35 = tpu.memref_squeeze %dma_start3A_34 : memref<1x2048xf32, #tpu.memory_space<hbm>> -> memref<2048xf32, #tpu.memory_space<hbm>>
      %dma_start3A_36 = arith.constant 0 : i32
      %dma_start3A_37 = tpu.memref_slice %arg5[%add3A, %dma_start3A_36] : memref<32x2048xf32, #tpu.memory_space<hbm>> -> memref<1x2048xf32, #tpu.memory_space<hbm>>
      %dma_start3A_38 = tpu.memref_squeeze %dma_start3A_37 : memref<1x2048xf32, #tpu.memory_space<hbm>> -> memref<2048xf32, #tpu.memory_space<hbm>>
      tpu.enqueue_dma source(%arg11 : memref<2048xf32, #tpu.memory_space<vmem>>) target(%dma_start3A_38 : memref<2048xf32, #tpu.memory_space<hbm>>) target_semaphore(%run_scoped3A : memref<!tpu.dma_semaphore, #tpu.memory_space<semaphore_mem>>)
      %dma_wait3A = arith.constant 0 : i32
      %dma_wait3A_39 = tpu.memref_slice %arg5[%add3A, %dma_wait3A] : memref<32x2048xf32, #tpu.memory_space<hbm>> -> memref<1x2048xf32, #tpu.memory_space<hbm>>
      %dma_wait3A_40 = tpu.memref_squeeze %dma_wait3A_39 : memref<1x2048xf32, #tpu.memory_space<hbm>> -> memref<2048xf32, #tpu.memory_space<hbm>>
      %dma_wait3A_41 = arith.constant 0 : i32
      %dma_wait3A_42 = tpu.memref_slice %arg5[%add3A, %dma_wait3A_41] : memref<32x2048xf32, #tpu.memory_space<hbm>> -> memref<1x2048xf32, #tpu.memory_space<hbm>>
      %dma_wait3A_43 = tpu.memref_squeeze %dma_wait3A_42 : memref<1x2048xf32, #tpu.memory_space<hbm>> -> memref<2048xf32, #tpu.memory_space<hbm>>
      tpu.wait_dma2 semaphore(%run_scoped3A : memref<!tpu.dma_semaphore, #tpu.memory_space<semaphore_mem>>) src(%arg11 : memref<2048xf32, #tpu.memory_space<vmem>>) dst(%dma_wait3A_43 : memref<2048xf32, #tpu.memory_space<hbm>>)
      tpu.yield
    }) : () -> ()
    return
  }
}

#map = affine_map<(d0, d1) -> (0, 0)>
module attributes {stable_mosaic.version = 14 : i64} {
  func.func @_sc_hard_stats_body(%arg0: i32, %arg1: i32, %arg2: memref<2048x512xf32, #tpu.memory_space<hbm>>, %arg3: memref<32x16xf32, #tpu.memory_space<hbm>>, %arg4: memref<32x16xf32, #tpu.memory_space<hbm>>, %arg5: memref<4x16x512xf32, #tpu.memory_space<vmem>>, %arg6: memref<16xf32, #tpu.memory_space<vmem>>, %arg7: memref<16xf32, #tpu.memory_space<vmem>>, %arg8: memref<!tpu.dma_semaphore, #tpu.memory_space<semaphore_mem>>, %arg9: memref<!tpu.dma_semaphore, #tpu.memory_space<semaphore_mem>>, %arg10: memref<!tpu.dma_semaphore, #tpu.memory_space<semaphore_mem>>, %arg11: memref<!tpu.dma_semaphore, #tpu.memory_space<semaphore_mem>>) attributes {dimension_semantics = [#tpu.dimension_semantics<core_parallel>, #tpu.dimension_semantics<subcore_parallel>], iteration_bounds = array<i64: 2, 16>, scalar_prefetch = 0 : i64, scratch_operands = 7 : i64, tpu.core_type = #tpu.core_type<sc_vector_subcore>, window_params = [{transform_indices = #map}, {transform_indices = #map}, {transform_indices = #map}]} {
    %mul3A = arith.constant 2 : i32
    %mul3A_0 = arith.muli %arg1, %mul3A : i32
    %add3A = arith.addi %mul3A_0, %arg0 : i32
    %mul3A_1 = arith.constant 64 : i32
    %mul3A_2 = arith.muli %add3A, %mul3A_1 : i32
    %add3A_3 = arith.constant 0 : i32
    %add3A_4 = arith.addi %mul3A_2, %add3A_3 : i32
    %dma_start3A = arith.constant 0 : i32
    %dma_start3A_5 = arith.constant 0 : i32
    %dma_start3A_6 = arith.constant 0 : i32
    %dma_start3A_7 = tpu.memref_slice %arg5[%dma_start3A, %dma_start3A_5, %dma_start3A_6] : memref<4x16x512xf32, #tpu.memory_space<vmem>> -> memref<1x16x512xf32, #tpu.memory_space<vmem>>
    %dma_start3A_8 = tpu.memref_squeeze %dma_start3A_7 : memref<1x16x512xf32, #tpu.memory_space<vmem>> -> memref<16x512xf32, #tpu.memory_space<vmem>>
    %dma_start3A_9 = arith.constant 0 : i32
    %dma_start3A_10 = tpu.memref_slice %arg2[%add3A_4, %dma_start3A_9] : memref<2048x512xf32, #tpu.memory_space<hbm>> -> memref<16x512xf32, #tpu.memory_space<hbm>>
    %dma_start3A_11 = arith.constant 0 : i32
    %dma_start3A_12 = arith.constant 0 : i32
    %dma_start3A_13 = tpu.memref_slice %arg5[%dma_start3A, %dma_start3A_11, %dma_start3A_12] : memref<4x16x512xf32, #tpu.memory_space<vmem>> -> memref<1x16x512xf32, #tpu.memory_space<vmem>>
    %dma_start3A_14 = tpu.memref_squeeze %dma_start3A_13 : memref<1x16x512xf32, #tpu.memory_space<vmem>> -> memref<16x512xf32, #tpu.memory_space<vmem>>
    %dma_start3A_15 = arith.constant 0 : i32
    %dma_start3A_16 = tpu.memref_slice %arg2[%add3A_4, %dma_start3A_15] : memref<2048x512xf32, #tpu.memory_space<hbm>> -> memref<16x512xf32, #tpu.memory_space<hbm>>
    tpu.enqueue_dma source(%dma_start3A_16 : memref<16x512xf32, #tpu.memory_space<hbm>>) target(%dma_start3A_14 : memref<16x512xf32, #tpu.memory_space<vmem>>) target_semaphore(%arg8 : memref<!tpu.dma_semaphore, #tpu.memory_space<semaphore_mem>>)
    %add3A_17 = arith.constant 16 : i32
    %add3A_18 = arith.addi %mul3A_2, %add3A_17 : i32
    %dma_start3A_19 = arith.constant 1 : i32
    %dma_start3A_20 = arith.constant 0 : i32
    %dma_start3A_21 = arith.constant 0 : i32
    %dma_start3A_22 = tpu.memref_slice %arg5[%dma_start3A_19, %dma_start3A_20, %dma_start3A_21] : memref<4x16x512xf32, #tpu.memory_space<vmem>> -> memref<1x16x512xf32, #tpu.memory_space<vmem>>
    %dma_start3A_23 = tpu.memref_squeeze %dma_start3A_22 : memref<1x16x512xf32, #tpu.memory_space<vmem>> -> memref<16x512xf32, #tpu.memory_space<vmem>>
    %dma_start3A_24 = arith.constant 0 : i32
    %dma_start3A_25 = tpu.memref_slice %arg2[%add3A_18, %dma_start3A_24] : memref<2048x512xf32, #tpu.memory_space<hbm>> -> memref<16x512xf32, #tpu.memory_space<hbm>>
    %dma_start3A_26 = arith.constant 0 : i32
    %dma_start3A_27 = arith.constant 0 : i32
    %dma_start3A_28 = tpu.memref_slice %arg5[%dma_start3A_19, %dma_start3A_26, %dma_start3A_27] : memref<4x16x512xf32, #tpu.memory_space<vmem>> -> memref<1x16x512xf32, #tpu.memory_space<vmem>>
    %dma_start3A_29 = tpu.memref_squeeze %dma_start3A_28 : memref<1x16x512xf32, #tpu.memory_space<vmem>> -> memref<16x512xf32, #tpu.memory_space<vmem>>
    %dma_start3A_30 = arith.constant 0 : i32
    %dma_start3A_31 = tpu.memref_slice %arg2[%add3A_18, %dma_start3A_30] : memref<2048x512xf32, #tpu.memory_space<hbm>> -> memref<16x512xf32, #tpu.memory_space<hbm>>
    tpu.enqueue_dma source(%dma_start3A_31 : memref<16x512xf32, #tpu.memory_space<hbm>>) target(%dma_start3A_29 : memref<16x512xf32, #tpu.memory_space<vmem>>) target_semaphore(%arg9 : memref<!tpu.dma_semaphore, #tpu.memory_space<semaphore_mem>>)
    %add3A_32 = arith.constant 32 : i32
    %add3A_33 = arith.addi %mul3A_2, %add3A_32 : i32
    %dma_start3A_34 = arith.constant 2 : i32
    %dma_start3A_35 = arith.constant 0 : i32
    %dma_start3A_36 = arith.constant 0 : i32
    %dma_start3A_37 = tpu.memref_slice %arg5[%dma_start3A_34, %dma_start3A_35, %dma_start3A_36] : memref<4x16x512xf32, #tpu.memory_space<vmem>> -> memref<1x16x512xf32, #tpu.memory_space<vmem>>
    %dma_start3A_38 = tpu.memref_squeeze %dma_start3A_37 : memref<1x16x512xf32, #tpu.memory_space<vmem>> -> memref<16x512xf32, #tpu.memory_space<vmem>>
    %dma_start3A_39 = arith.constant 0 : i32
    %dma_start3A_40 = tpu.memref_slice %arg2[%add3A_33, %dma_start3A_39] : memref<2048x512xf32, #tpu.memory_space<hbm>> -> memref<16x512xf32, #tpu.memory_space<hbm>>
    %dma_start3A_41 = arith.constant 0 : i32
    %dma_start3A_42 = arith.constant 0 : i32
    %dma_start3A_43 = tpu.memref_slice %arg5[%dma_start3A_34, %dma_start3A_41, %dma_start3A_42] : memref<4x16x512xf32, #tpu.memory_space<vmem>> -> memref<1x16x512xf32, #tpu.memory_space<vmem>>
    %dma_start3A_44 = tpu.memref_squeeze %dma_start3A_43 : memref<1x16x512xf32, #tpu.memory_space<vmem>> -> memref<16x512xf32, #tpu.memory_space<vmem>>
    %dma_start3A_45 = arith.constant 0 : i32
    %dma_start3A_46 = tpu.memref_slice %arg2[%add3A_33, %dma_start3A_45] : memref<2048x512xf32, #tpu.memory_space<hbm>> -> memref<16x512xf32, #tpu.memory_space<hbm>>
    tpu.enqueue_dma source(%dma_start3A_46 : memref<16x512xf32, #tpu.memory_space<hbm>>) target(%dma_start3A_44 : memref<16x512xf32, #tpu.memory_space<vmem>>) target_semaphore(%arg10 : memref<!tpu.dma_semaphore, #tpu.memory_space<semaphore_mem>>)
    %add3A_47 = arith.constant 48 : i32
    %add3A_48 = arith.addi %mul3A_2, %add3A_47 : i32
    %dma_start3A_49 = arith.constant 3 : i32
    %dma_start3A_50 = arith.constant 0 : i32
    %dma_start3A_51 = arith.constant 0 : i32
    %dma_start3A_52 = tpu.memref_slice %arg5[%dma_start3A_49, %dma_start3A_50, %dma_start3A_51] : memref<4x16x512xf32, #tpu.memory_space<vmem>> -> memref<1x16x512xf32, #tpu.memory_space<vmem>>
    %dma_start3A_53 = tpu.memref_squeeze %dma_start3A_52 : memref<1x16x512xf32, #tpu.memory_space<vmem>> -> memref<16x512xf32, #tpu.memory_space<vmem>>
    %dma_start3A_54 = arith.constant 0 : i32
    %dma_start3A_55 = tpu.memref_slice %arg2[%add3A_48, %dma_start3A_54] : memref<2048x512xf32, #tpu.memory_space<hbm>> -> memref<16x512xf32, #tpu.memory_space<hbm>>
    %dma_start3A_56 = arith.constant 0 : i32
    %dma_start3A_57 = arith.constant 0 : i32
    %dma_start3A_58 = tpu.memref_slice %arg5[%dma_start3A_49, %dma_start3A_56, %dma_start3A_57] : memref<4x16x512xf32, #tpu.memory_space<vmem>> -> memref<1x16x512xf32, #tpu.memory_space<vmem>>
    %dma_start3A_59 = tpu.memref_squeeze %dma_start3A_58 : memref<1x16x512xf32, #tpu.memory_space<vmem>> -> memref<16x512xf32, #tpu.memory_space<vmem>>
    %dma_start3A_60 = arith.constant 0 : i32
    %dma_start3A_61 = tpu.memref_slice %arg2[%add3A_48, %dma_start3A_60] : memref<2048x512xf32, #tpu.memory_space<hbm>> -> memref<16x512xf32, #tpu.memory_space<hbm>>
    tpu.enqueue_dma source(%dma_start3A_61 : memref<16x512xf32, #tpu.memory_space<hbm>>) target(%dma_start3A_59 : memref<16x512xf32, #tpu.memory_space<vmem>>) target_semaphore(%arg11 : memref<!tpu.dma_semaphore, #tpu.memory_space<semaphore_mem>>)
    %broadcast_in_dim3A = arith.constant 0.000000e+00 : f32
    %broadcast_in_dim3A_62 = vector.broadcast %broadcast_in_dim3A : f32 to vector<16xf32>
    %broadcast_in_dim3A_63 = arith.constant 0.000000e+00 : f32
    %broadcast_in_dim3A_64 = vector.broadcast %broadcast_in_dim3A_63 : f32 to vector<16xf32>
    %dma_wait3A = arith.constant 0 : i32
    %dma_wait3A_65 = arith.constant 0 : i32
    %dma_wait3A_66 = arith.constant 0 : i32
    %dma_wait3A_67 = tpu.memref_slice %arg5[%dma_wait3A, %dma_wait3A_65, %dma_wait3A_66] : memref<4x16x512xf32, #tpu.memory_space<vmem>> -> memref<1x16x512xf32, #tpu.memory_space<vmem>>
    %dma_wait3A_68 = tpu.memref_squeeze %dma_wait3A_67 : memref<1x16x512xf32, #tpu.memory_space<vmem>> -> memref<16x512xf32, #tpu.memory_space<vmem>>
    %dma_wait3A_69 = arith.constant 0 : i32
    %dma_wait3A_70 = tpu.memref_slice %arg2[%add3A_4, %dma_wait3A_69] : memref<2048x512xf32, #tpu.memory_space<hbm>> -> memref<16x512xf32, #tpu.memory_space<hbm>>
    %dma_wait3A_71 = arith.constant 0 : i32
    %dma_wait3A_72 = arith.constant 0 : i32
    %dma_wait3A_73 = tpu.memref_slice %arg5[%dma_wait3A, %dma_wait3A_71, %dma_wait3A_72] : memref<4x16x512xf32, #tpu.memory_space<vmem>> -> memref<1x16x512xf32, #tpu.memory_space<vmem>>
    %dma_wait3A_74 = tpu.memref_squeeze %dma_wait3A_73 : memref<1x16x512xf32, #tpu.memory_space<vmem>> -> memref<16x512xf32, #tpu.memory_space<vmem>>
    %dma_wait3A_75 = arith.constant 0 : i32
    %dma_wait3A_76 = tpu.memref_slice %arg2[%add3A_4, %dma_wait3A_75] : memref<2048x512xf32, #tpu.memory_space<hbm>> -> memref<16x512xf32, #tpu.memory_space<hbm>>
    tpu.wait_dma2 semaphore(%arg8 : memref<!tpu.dma_semaphore, #tpu.memory_space<semaphore_mem>>) src(%dma_wait3A_76 : memref<16x512xf32, #tpu.memory_space<hbm>>) dst(%dma_wait3A_74 : memref<16x512xf32, #tpu.memory_space<vmem>>)
    %scan3A = arith.constant 0.356674939 : f32
    %scan3A_77 = arith.constant 0 : i32
    %scan3A_78 = arith.constant 16 : i32
    %scan3A_79 = arith.addi %scan3A_77, %scan3A_78 : i32
    %scan3A_80 = arith.constant 1 : i32
    %scan3A_81:2 = scf.for %scan3A_146 = %scan3A_77 to %scan3A_79 step %scan3A_80 iter_args(%scan3A_147 = %broadcast_in_dim3A_62, %scan3A_148 = %broadcast_in_dim3A_64) -> (vector<16xf32>, vector<16xf32>)  : i32 {
      %get3A = arith.constant 0 : i32
      %get3A_149 = arith.index_cast %get3A : i32 to index
      %get3A_150 = arith.index_cast %scan3A_146 : i32 to index
      %get3A_151 = arith.constant 0 : index
      %get3A_152 = tpu.vector_load %arg5[%get3A_149, %get3A_150, %get3A_151] {strides = array<i32>} : memref<4x16x512xf32, #tpu.memory_space<vmem>>, vector<16xf32>,
      %gt3A = vector.broadcast %scan3A : f32 to vector<16xf32>
      %gt3A_153 = arith.cmpf ogt, %get3A_152, %gt3A : vector<16xf32>
      %jit3A = arith.constant 0.000000e+00 : f32
      %broadcast_in_dim3A_154 = vector.broadcast %jit3A : f32 to vector<16xf32>
      %select_n3A = arith.select %gt3A_153, %get3A_152, %broadcast_in_dim3A_154 : vector<16xi1>, vector<16xf32>
      %add3A_155 = arith.addf %scan3A_147, %select_n3A : vector<16xf32>
      %jit3A_156 = arith.constant 1.000000e+00 : f32
      %jit3A_157 = arith.constant 0.000000e+00 : f32
      %broadcast_in_dim3A_158 = vector.broadcast %jit3A_156 : f32 to vector<16xf32>
      %broadcast_in_dim3A_159 = vector.broadcast %jit3A_157 : f32 to vector<16xf32>
      %select_n3A_160 = arith.select %gt3A_153, %broadcast_in_dim3A_158, %broadcast_in_dim3A_159 : vector<16xi1>, vector<16xf32>
      %add3A_161 = arith.addf %scan3A_148, %select_n3A_160 : vector<16xf32>
      %get3A_162 = arith.constant 0 : i32
      %get3A_163 = arith.index_cast %get3A_162 : i32 to index
      %get3A_164 = arith.index_cast %scan3A_146 : i32 to index
      %get3A_165 = arith.constant 16 : index
      %get3A_166 = tpu.vector_load %arg5[%get3A_163, %get3A_164, %get3A_165] {strides = array<i32>} : memref<4x16x512xf32, #tpu.memory_space<vmem>>, vector<16xf32>,
      %gt3A_167 = vector.broadcast %scan3A : f32 to vector<16xf32>
      %gt3A_168 = arith.cmpf ogt, %get3A_166, %gt3A_167 : vector<16xf32>
      %jit3A_169 = arith.constant 0.000000e+00 : f32
      %broadcast_in_dim3A_170 = vector.broadcast %jit3A_169 : f32 to vector<16xf32>
      %select_n3A_171 = arith.select %gt3A_168, %get3A_166, %broadcast_in_dim3A_170 : vector<16xi1>, vector<16xf32>
      %add3A_172 = arith.addf %add3A_155, %select_n3A_171 : vector<16xf32>
      %jit3A_173 = arith.constant 1.000000e+00 : f32
      %jit3A_174 = arith.constant 0.000000e+00 : f32
      %broadcast_in_dim3A_175 = vector.broadcast %jit3A_173 : f32 to vector<16xf32>
      %broadcast_in_dim3A_176 = vector.broadcast %jit3A_174 : f32 to vector<16xf32>
      %select_n3A_177 = arith.select %gt3A_168, %broadcast_in_dim3A_175, %broadcast_in_dim3A_176 : vector<16xi1>, vector<16xf32>
      %add3A_178 = arith.addf %add3A_161, %select_n3A_177 : vector<16xf32>
      %get3A_179 = arith.constant 0 : i32
      %get3A_180 = arith.index_cast %get3A_179 : i32 to index
      %get3A_181 = arith.index_cast %scan3A_146 : i32 to index
      %get3A_182 = arith.constant 32 : index
      %get3A_183 = tpu.vector_load %arg5[%get3A_180, %get3A_181, %get3A_182] {strides = array<i32>} : memref<4x16x512xf32, #tpu.memory_space<vmem>>, vector<16xf32>,
      %gt3A_184 = vector.broadcast %scan3A : f32 to vector<16xf32>
      %gt3A_185 = arith.cmpf ogt, %get3A_183, %gt3A_184 : vector<16xf32>
      %jit3A_186 = arith.constant 0.000000e+00 : f32
      %broadcast_in_dim3A_187 = vector.broadcast %jit3A_186 : f32 to vector<16xf32>
      %select_n3A_188 = arith.select %gt3A_185, %get3A_183, %broadcast_in_dim3A_187 : vector<16xi1>, vector<16xf32>
      %add3A_189 = arith.addf %add3A_172, %select_n3A_188 : vector<16xf32>
      %jit3A_190 = arith.constant 1.000000e+00 : f32
      %jit3A_191 = arith.constant 0.000000e+00 : f32
      %broadcast_in_dim3A_192 = vector.broadcast %jit3A_190 : f32 to vector<16xf32>
      %broadcast_in_dim3A_193 = vector.broadcast %jit3A_191 : f32 to vector<16xf32>
      %select_n3A_194 = arith.select %gt3A_185, %broadcast_in_dim3A_192, %broadcast_in_dim3A_193 : vector<16xi1>, vector<16xf32>
      %add3A_195 = arith.addf %add3A_178, %select_n3A_194 : vector<16xf32>
      %get3A_196 = arith.constant 0 : i32
      %get3A_197 = arith.index_cast %get3A_196 : i32 to index
      %get3A_198 = arith.index_cast %scan3A_146 : i32 to index
      %get3A_199 = arith.constant 48 : index
      %get3A_200 = tpu.vector_load %arg5[%get3A_197, %get3A_198, %get3A_199] {strides = array<i32>} : memref<4x16x512xf32, #tpu.memory_space<vmem>>, vector<16xf32>,
      %gt3A_201 = vector.broadcast %scan3A : f32 to vector<16xf32>
      %gt3A_202 = arith.cmpf ogt, %get3A_200, %gt3A_201 : vector<16xf32>
      %jit3A_203 = arith.constant 0.000000e+00 : f32
      %broadcast_in_dim3A_204 = vector.broadcast %jit3A_203 : f32 to vector<16xf32>
      %select_n3A_205 = arith.select %gt3A_202, %get3A_200, %broadcast_in_dim3A_204 : vector<16xi1>, vector<16xf32>
      %add3A_206 = arith.addf %add3A_189, %select_n3A_205 : vector<16xf32>
      %jit3A_207 = arith.constant 1.000000e+00 : f32
      %jit3A_208 = arith.constant 0.000000e+00 : f32
      %broadcast_in_dim3A_209 = vector.broadcast %jit3A_207 : f32 to vector<16xf32>
      %broadcast_in_dim3A_210 = vector.broadcast %jit3A_208 : f32 to vector<16xf32>
      %select_n3A_211 = arith.select %gt3A_202, %broadcast_in_dim3A_209, %broadcast_in_dim3A_210 : vector<16xi1>, vector<16xf32>
      %add3A_212 = arith.addf %add3A_195, %select_n3A_211 : vector<16xf32>
      %get3A_213 = arith.constant 0 : i32
      %get3A_214 = arith.index_cast %get3A_213 : i32 to index
      %get3A_215 = arith.index_cast %scan3A_146 : i32 to index
      %get3A_216 = arith.constant 64 : index
      %get3A_217 = tpu.vector_load %arg5[%get3A_214, %get3A_215, %get3A_216] {strides = array<i32>} : memref<4x16x512xf32, #tpu.memory_space<vmem>>, vector<16xf32>,
      %gt3A_218 = vector.broadcast %scan3A : f32 to vector<16xf32>
      %gt3A_219 = arith.cmpf ogt, %get3A_217, %gt3A_218 : vector<16xf32>
      %jit3A_220 = arith.constant 0.000000e+00 : f32
      %broadcast_in_dim3A_221 = vector.broadcast %jit3A_220 : f32 to vector<16xf32>
      %select_n3A_222 = arith.select %gt3A_219, %get3A_217, %broadcast_in_dim3A_221 : vector<16xi1>, vector<16xf32>
      %add3A_223 = arith.addf %add3A_206, %select_n3A_222 : vector<16xf32>
      %jit3A_224 = arith.constant 1.000000e+00 : f32
      %jit3A_225 = arith.constant 0.000000e+00 : f32
      %broadcast_in_dim3A_226 = vector.broadcast %jit3A_224 : f32 to vector<16xf32>
      %broadcast_in_dim3A_227 = vector.broadcast %jit3A_225 : f32 to vector<16xf32>
      %select_n3A_228 = arith.select %gt3A_219, %broadcast_in_dim3A_226, %broadcast_in_dim3A_227 : vector<16xi1>, vector<16xf32>
      %add3A_229 = arith.addf %add3A_212, %select_n3A_228 : vector<16xf32>
      %get3A_230 = arith.constant 0 : i32
      %get3A_231 = arith.index_cast %get3A_230 : i32 to index
      %get3A_232 = arith.index_cast %scan3A_146 : i32 to index
      %get3A_233 = arith.constant 80 : index
      %get3A_234 = tpu.vector_load %arg5[%get3A_231, %get3A_232, %get3A_233] {strides = array<i32>} : memref<4x16x512xf32, #tpu.memory_space<vmem>>, vector<16xf32>,
      %gt3A_235 = vector.broadcast %scan3A : f32 to vector<16xf32>
      %gt3A_236 = arith.cmpf ogt, %get3A_234, %gt3A_235 : vector<16xf32>
      %jit3A_237 = arith.constant 0.000000e+00 : f32
      %broadcast_in_dim3A_238 = vector.broadcast %jit3A_237 : f32 to vector<16xf32>
      %select_n3A_239 = arith.select %gt3A_236, %get3A_234, %broadcast_in_dim3A_238 : vector<16xi1>, vector<16xf32>
      %add3A_240 = arith.addf %add3A_223, %select_n3A_239 : vector<16xf32>
      %jit3A_241 = arith.constant 1.000000e+00 : f32
      %jit3A_242 = arith.constant 0.000000e+00 : f32
      %broadcast_in_dim3A_243 = vector.broadcast %jit3A_241 : f32 to vector<16xf32>
      %broadcast_in_dim3A_244 = vector.broadcast %jit3A_242 : f32 to vector<16xf32>
      %select_n3A_245 = arith.select %gt3A_236, %broadcast_in_dim3A_243, %broadcast_in_dim3A_244 : vector<16xi1>, vector<16xf32>
      %add3A_246 = arith.addf %add3A_229, %select_n3A_245 : vector<16xf32>
      %get3A_247 = arith.constant 0 : i32
      %get3A_248 = arith.index_cast %get3A_247 : i32 to index
      %get3A_249 = arith.index_cast %scan3A_146 : i32 to index
      %get3A_250 = arith.constant 96 : index
      %get3A_251 = tpu.vector_load %arg5[%get3A_248, %get3A_249, %get3A_250] {strides = array<i32>} : memref<4x16x512xf32, #tpu.memory_space<vmem>>, vector<16xf32>,
      %gt3A_252 = vector.broadcast %scan3A : f32 to vector<16xf32>
      %gt3A_253 = arith.cmpf ogt, %get3A_251, %gt3A_252 : vector<16xf32>
      %jit3A_254 = arith.constant 0.000000e+00 : f32
      %broadcast_in_dim3A_255 = vector.broadcast %jit3A_254 : f32 to vector<16xf32>
      %select_n3A_256 = arith.select %gt3A_253, %get3A_251, %broadcast_in_dim3A_255 : vector<16xi1>, vector<16xf32>
      %add3A_257 = arith.addf %add3A_240, %select_n3A_256 : vector<16xf32>
      %jit3A_258 = arith.constant 1.000000e+00 : f32
      %jit3A_259 = arith.constant 0.000000e+00 : f32
      %broadcast_in_dim3A_260 = vector.broadcast %jit3A_258 : f32 to vector<16xf32>
      %broadcast_in_dim3A_261 = vector.broadcast %jit3A_259 : f32 to vector<16xf32>
      %select_n3A_262 = arith.select %gt3A_253, %broadcast_in_dim3A_260, %broadcast_in_dim3A_261 : vector<16xi1>, vector<16xf32>
      %add3A_263 = arith.addf %add3A_246, %select_n3A_262 : vector<16xf32>
      %get3A_264 = arith.constant 0 : i32
      %get3A_265 = arith.index_cast %get3A_264 : i32 to index
      %get3A_266 = arith.index_cast %scan3A_146 : i32 to index
      %get3A_267 = arith.constant 112 : index
      %get3A_268 = tpu.vector_load %arg5[%get3A_265, %get3A_266, %get3A_267] {strides = array<i32>} : memref<4x16x512xf32, #tpu.memory_space<vmem>>, vector<16xf32>,
      %gt3A_269 = vector.broadcast %scan3A : f32 to vector<16xf32>
      %gt3A_270 = arith.cmpf ogt, %get3A_268, %gt3A_269 : vector<16xf32>
      %jit3A_271 = arith.constant 0.000000e+00 : f32
      %broadcast_in_dim3A_272 = vector.broadcast %jit3A_271 : f32 to vector<16xf32>
      %select_n3A_273 = arith.select %gt3A_270, %get3A_268, %broadcast_in_dim3A_272 : vector<16xi1>, vector<16xf32>
      %add3A_274 = arith.addf %add3A_257, %select_n3A_273 : vector<16xf32>
      %jit3A_275 = arith.constant 1.000000e+00 : f32
      %jit3A_276 = arith.constant 0.000000e+00 : f32
      %broadcast_in_dim3A_277 = vector.broadcast %jit3A_275 : f32 to vector<16xf32>
      %broadcast_in_dim3A_278 = vector.broadcast %jit3A_276 : f32 to vector<16xf32>
      %select_n3A_279 = arith.select %gt3A_270, %broadcast_in_dim3A_277, %broadcast_in_dim3A_278 : vector<16xi1>, vector<16xf32>
      %add3A_280 = arith.addf %add3A_263, %select_n3A_279 : vector<16xf32>
      %get3A_281 = arith.constant 0 : i32
      %get3A_282 = arith.index_cast %get3A_281 : i32 to index
      %get3A_283 = arith.index_cast %scan3A_146 : i32 to index
      %get3A_284 = arith.constant 128 : index
      %get3A_285 = tpu.vector_load %arg5[%get3A_282, %get3A_283, %get3A_284] {strides = array<i32>} : memref<4x16x512xf32, #tpu.memory_space<vmem>>, vector<16xf32>,
      %gt3A_286 = vector.broadcast %scan3A : f32 to vector<16xf32>
      %gt3A_287 = arith.cmpf ogt, %get3A_285, %gt3A_286 : vector<16xf32>
      %jit3A_288 = arith.constant 0.000000e+00 : f32
      %broadcast_in_dim3A_289 = vector.broadcast %jit3A_288 : f32 to vector<16xf32>
      %select_n3A_290 = arith.select %gt3A_287, %get3A_285, %broadcast_in_dim3A_289 : vector<16xi1>, vector<16xf32>
      %add3A_291 = arith.addf %add3A_274, %select_n3A_290 : vector<16xf32>
      %jit3A_292 = arith.constant 1.000000e+00 : f32
      %jit3A_293 = arith.constant 0.000000e+00 : f32
      %broadcast_in_dim3A_294 = vector.broadcast %jit3A_292 : f32 to vector<16xf32>
      %broadcast_in_dim3A_295 = vector.broadcast %jit3A_293 : f32 to vector<16xf32>
      %select_n3A_296 = arith.select %gt3A_287, %broadcast_in_dim3A_294, %broadcast_in_dim3A_295 : vector<16xi1>, vector<16xf32>
      %add3A_297 = arith.addf %add3A_280, %select_n3A_296 : vector<16xf32>
      %get3A_298 = arith.constant 0 : i32
      %get3A_299 = arith.index_cast %get3A_298 : i32 to index
      %get3A_300 = arith.index_cast %scan3A_146 : i32 to index
      %get3A_301 = arith.constant 144 : index
      %get3A_302 = tpu.vector_load %arg5[%get3A_299, %get3A_300, %get3A_301] {strides = array<i32>} : memref<4x16x512xf32, #tpu.memory_space<vmem>>, vector<16xf32>,
      %gt3A_303 = vector.broadcast %scan3A : f32 to vector<16xf32>
      %gt3A_304 = arith.cmpf ogt, %get3A_302, %gt3A_303 : vector<16xf32>
      %jit3A_305 = arith.constant 0.000000e+00 : f32
      %broadcast_in_dim3A_306 = vector.broadcast %jit3A_305 : f32 to vector<16xf32>
      %select_n3A_307 = arith.select %gt3A_304, %get3A_302, %broadcast_in_dim3A_306 : vector<16xi1>, vector<16xf32>
      %add3A_308 = arith.addf %add3A_291, %select_n3A_307 : vector<16xf32>
      %jit3A_309 = arith.constant 1.000000e+00 : f32
      %jit3A_310 = arith.constant 0.000000e+00 : f32
      %broadcast_in_dim3A_311 = vector.broadcast %jit3A_309 : f32 to vector<16xf32>
      %broadcast_in_dim3A_312 = vector.broadcast %jit3A_310 : f32 to vector<16xf32>
      %select_n3A_313 = arith.select %gt3A_304, %broadcast_in_dim3A_311, %broadcast_in_dim3A_312 : vector<16xi1>, vector<16xf32>
      %add3A_314 = arith.addf %add3A_297, %select_n3A_313 : vector<16xf32>
      %get3A_315 = arith.constant 0 : i32
      %get3A_316 = arith.index_cast %get3A_315 : i32 to index
      %get3A_317 = arith.index_cast %scan3A_146 : i32 to index
      %get3A_318 = arith.constant 160 : index
      %get3A_319 = tpu.vector_load %arg5[%get3A_316, %get3A_317, %get3A_318] {strides = array<i32>} : memref<4x16x512xf32, #tpu.memory_space<vmem>>, vector<16xf32>,
      %gt3A_320 = vector.broadcast %scan3A : f32 to vector<16xf32>
      %gt3A_321 = arith.cmpf ogt, %get3A_319, %gt3A_320 : vector<16xf32>
      %jit3A_322 = arith.constant 0.000000e+00 : f32
      %broadcast_in_dim3A_323 = vector.broadcast %jit3A_322 : f32 to vector<16xf32>
      %select_n3A_324 = arith.select %gt3A_321, %get3A_319, %broadcast_in_dim3A_323 : vector<16xi1>, vector<16xf32>
      %add3A_325 = arith.addf %add3A_308, %select_n3A_324 : vector<16xf32>
      %jit3A_326 = arith.constant 1.000000e+00 : f32
      %jit3A_327 = arith.constant 0.000000e+00 : f32
      %broadcast_in_dim3A_328 = vector.broadcast %jit3A_326 : f32 to vector<16xf32>
      %broadcast_in_dim3A_329 = vector.broadcast %jit3A_327 : f32 to vector<16xf32>
      %select_n3A_330 = arith.select %gt3A_321, %broadcast_in_dim3A_328, %broadcast_in_dim3A_329 : vector<16xi1>, vector<16xf32>
      %add3A_331 = arith.addf %add3A_314, %select_n3A_330 : vector<16xf32>
      %get3A_332 = arith.constant 0 : i32
      %get3A_333 = arith.index_cast %get3A_332 : i32 to index
      %get3A_334 = arith.index_cast %scan3A_146 : i32 to index
      %get3A_335 = arith.constant 176 : index
      %get3A_336 = tpu.vector_load %arg5[%get3A_333, %get3A_334, %get3A_335] {strides = array<i32>} : memref<4x16x512xf32, #tpu.memory_space<vmem>>, vector<16xf32>,
      %gt3A_337 = vector.broadcast %scan3A : f32 to vector<16xf32>
      %gt3A_338 = arith.cmpf ogt, %get3A_336, %gt3A_337 : vector<16xf32>
      %jit3A_339 = arith.constant 0.000000e+00 : f32
      %broadcast_in_dim3A_340 = vector.broadcast %jit3A_339 : f32 to vector<16xf32>
      %select_n3A_341 = arith.select %gt3A_338, %get3A_336, %broadcast_in_dim3A_340 : vector<16xi1>, vector<16xf32>
      %add3A_342 = arith.addf %add3A_325, %select_n3A_341 : vector<16xf32>
      %jit3A_343 = arith.constant 1.000000e+00 : f32
      %jit3A_344 = arith.constant 0.000000e+00 : f32
      %broadcast_in_dim3A_345 = vector.broadcast %jit3A_343 : f32 to vector<16xf32>
      %broadcast_in_dim3A_346 = vector.broadcast %jit3A_344 : f32 to vector<16xf32>
      %select_n3A_347 = arith.select %gt3A_338, %broadcast_in_dim3A_345, %broadcast_in_dim3A_346 : vector<16xi1>, vector<16xf32>
      %add3A_348 = arith.addf %add3A_331, %select_n3A_347 : vector<16xf32>
      %get3A_349 = arith.constant 0 : i32
      %get3A_350 = arith.index_cast %get3A_349 : i32 to index
      %get3A_351 = arith.index_cast %scan3A_146 : i32 to index
      %get3A_352 = arith.constant 192 : index
      %get3A_353 = tpu.vector_load %arg5[%get3A_350, %get3A_351, %get3A_352] {strides = array<i32>} : memref<4x16x512xf32, #tpu.memory_space<vmem>>, vector<16xf32>,
      %gt3A_354 = vector.broadcast %scan3A : f32 to vector<16xf32>
      %gt3A_355 = arith.cmpf ogt, %get3A_353, %gt3A_354 : vector<16xf32>
      %jit3A_356 = arith.constant 0.000000e+00 : f32
      %broadcast_in_dim3A_357 = vector.broadcast %jit3A_356 : f32 to vector<16xf32>
      %select_n3A_358 = arith.select %gt3A_355, %get3A_353, %broadcast_in_dim3A_357 : vector<16xi1>, vector<16xf32>
      %add3A_359 = arith.addf %add3A_342, %select_n3A_358 : vector<16xf32>
      %jit3A_360 = arith.constant 1.000000e+00 : f32
      %jit3A_361 = arith.constant 0.000000e+00 : f32
      %broadcast_in_dim3A_362 = vector.broadcast %jit3A_360 : f32 to vector<16xf32>
      %broadcast_in_dim3A_363 = vector.broadcast %jit3A_361 : f32 to vector<16xf32>
      %select_n3A_364 = arith.select %gt3A_355, %broadcast_in_dim3A_362, %broadcast_in_dim3A_363 : vector<16xi1>, vector<16xf32>
      %add3A_365 = arith.addf %add3A_348, %select_n3A_364 : vector<16xf32>
      %get3A_366 = arith.constant 0 : i32
      %get3A_367 = arith.index_cast %get3A_366 : i32 to index
      %get3A_368 = arith.index_cast %scan3A_146 : i32 to index
      %get3A_369 = arith.constant 208 : index
      %get3A_370 = tpu.vector_load %arg5[%get3A_367, %get3A_368, %get3A_369] {strides = array<i32>} : memref<4x16x512xf32, #tpu.memory_space<vmem>>, vector<16xf32>,
      %gt3A_371 = vector.broadcast %scan3A : f32 to vector<16xf32>
      %gt3A_372 = arith.cmpf ogt, %get3A_370, %gt3A_371 : vector<16xf32>
      %jit3A_373 = arith.constant 0.000000e+00 : f32
      %broadcast_in_dim3A_374 = vector.broadcast %jit3A_373 : f32 to vector<16xf32>
      %select_n3A_375 = arith.select %gt3A_372, %get3A_370, %broadcast_in_dim3A_374 : vector<16xi1>, vector<16xf32>
      %add3A_376 = arith.addf %add3A_359, %select_n3A_375 : vector<16xf32>
      %jit3A_377 = arith.constant 1.000000e+00 : f32
      %jit3A_378 = arith.constant 0.000000e+00 : f32
      %broadcast_in_dim3A_379 = vector.broadcast %jit3A_377 : f32 to vector<16xf32>
      %broadcast_in_dim3A_380 = vector.broadcast %jit3A_378 : f32 to vector<16xf32>
      %select_n3A_381 = arith.select %gt3A_372, %broadcast_in_dim3A_379, %broadcast_in_dim3A_380 : vector<16xi1>, vector<16xf32>
      %add3A_382 = arith.addf %add3A_365, %select_n3A_381 : vector<16xf32>
      %get3A_383 = arith.constant 0 : i32
      %get3A_384 = arith.index_cast %get3A_383 : i32 to index
      %get3A_385 = arith.index_cast %scan3A_146 : i32 to index
      %get3A_386 = arith.constant 224 : index
      %get3A_387 = tpu.vector_load %arg5[%get3A_384, %get3A_385, %get3A_386] {strides = array<i32>} : memref<4x16x512xf32, #tpu.memory_space<vmem>>, vector<16xf32>,
      %gt3A_388 = vector.broadcast %scan3A : f32 to vector<16xf32>
      %gt3A_389 = arith.cmpf ogt, %get3A_387, %gt3A_388 : vector<16xf32>
      %jit3A_390 = arith.constant 0.000000e+00 : f32
      %broadcast_in_dim3A_391 = vector.broadcast %jit3A_390 : f32 to vector<16xf32>
      %select_n3A_392 = arith.select %gt3A_389, %get3A_387, %broadcast_in_dim3A_391 : vector<16xi1>, vector<16xf32>
      %add3A_393 = arith.addf %add3A_376, %select_n3A_392 : vector<16xf32>
      %jit3A_394 = arith.constant 1.000000e+00 : f32
      %jit3A_395 = arith.constant 0.000000e+00 : f32
      %broadcast_in_dim3A_396 = vector.broadcast %jit3A_394 : f32 to vector<16xf32>
      %broadcast_in_dim3A_397 = vector.broadcast %jit3A_395 : f32 to vector<16xf32>
      %select_n3A_398 = arith.select %gt3A_389, %broadcast_in_dim3A_396, %broadcast_in_dim3A_397 : vector<16xi1>, vector<16xf32>
      %add3A_399 = arith.addf %add3A_382, %select_n3A_398 : vector<16xf32>
      %get3A_400 = arith.constant 0 : i32
      %get3A_401 = arith.index_cast %get3A_400 : i32 to index
      %get3A_402 = arith.index_cast %scan3A_146 : i32 to index
      %get3A_403 = arith.constant 240 : index
      %get3A_404 = tpu.vector_load %arg5[%get3A_401, %get3A_402, %get3A_403] {strides = array<i32>} : memref<4x16x512xf32, #tpu.memory_space<vmem>>, vector<16xf32>,
      %gt3A_405 = vector.broadcast %scan3A : f32 to vector<16xf32>
      %gt3A_406 = arith.cmpf ogt, %get3A_404, %gt3A_405 : vector<16xf32>
      %jit3A_407 = arith.constant 0.000000e+00 : f32
      %broadcast_in_dim3A_408 = vector.broadcast %jit3A_407 : f32 to vector<16xf32>
      %select_n3A_409 = arith.select %gt3A_406, %get3A_404, %broadcast_in_dim3A_408 : vector<16xi1>, vector<16xf32>
      %add3A_410 = arith.addf %add3A_393, %select_n3A_409 : vector<16xf32>
      %jit3A_411 = arith.constant 1.000000e+00 : f32
      %jit3A_412 = arith.constant 0.000000e+00 : f32
      %broadcast_in_dim3A_413 = vector.broadcast %jit3A_411 : f32 to vector<16xf32>
      %broadcast_in_dim3A_414 = vector.broadcast %jit3A_412 : f32 to vector<16xf32>
      %select_n3A_415 = arith.select %gt3A_406, %broadcast_in_dim3A_413, %broadcast_in_dim3A_414 : vector<16xi1>, vector<16xf32>
      %add3A_416 = arith.addf %add3A_399, %select_n3A_415 : vector<16xf32>
      %get3A_417 = arith.constant 0 : i32
      %get3A_418 = arith.index_cast %get3A_417 : i32 to index
      %get3A_419 = arith.index_cast %scan3A_146 : i32 to index
      %get3A_420 = arith.constant 256 : index
      %get3A_421 = tpu.vector_load %arg5[%get3A_418, %get3A_419, %get3A_420] {strides = array<i32>} : memref<4x16x512xf32, #tpu.memory_space<vmem>>, vector<16xf32>,
      %gt3A_422 = vector.broadcast %scan3A : f32 to vector<16xf32>
      %gt3A_423 = arith.cmpf ogt, %get3A_421, %gt3A_422 : vector<16xf32>
      %jit3A_424 = arith.constant 0.000000e+00 : f32
      %broadcast_in_dim3A_425 = vector.broadcast %jit3A_424 : f32 to vector<16xf32>
      %select_n3A_426 = arith.select %gt3A_423, %get3A_421, %broadcast_in_dim3A_425 : vector<16xi1>, vector<16xf32>
      %add3A_427 = arith.addf %add3A_410, %select_n3A_426 : vector<16xf32>
      %jit3A_428 = arith.constant 1.000000e+00 : f32
      %jit3A_429 = arith.constant 0.000000e+00 : f32
      %broadcast_in_dim3A_430 = vector.broadcast %jit3A_428 : f32 to vector<16xf32>
      %broadcast_in_dim3A_431 = vector.broadcast %jit3A_429 : f32 to vector<16xf32>
      %select_n3A_432 = arith.select %gt3A_423, %broadcast_in_dim3A_430, %broadcast_in_dim3A_431 : vector<16xi1>, vector<16xf32>
      %add3A_433 = arith.addf %add3A_416, %select_n3A_432 : vector<16xf32>
      %get3A_434 = arith.constant 0 : i32
      %get3A_435 = arith.index_cast %get3A_434 : i32 to index
      %get3A_436 = arith.index_cast %scan3A_146 : i32 to index
      %get3A_437 = arith.constant 272 : index
      %get3A_438 = tpu.vector_load %arg5[%get3A_435, %get3A_436, %get3A_437] {strides = array<i32>} : memref<4x16x512xf32, #tpu.memory_space<vmem>>, vector<16xf32>,
      %gt3A_439 = vector.broadcast %scan3A : f32 to vector<16xf32>
      %gt3A_440 = arith.cmpf ogt, %get3A_438, %gt3A_439 : vector<16xf32>
      %jit3A_441 = arith.constant 0.000000e+00 : f32
      %broadcast_in_dim3A_442 = vector.broadcast %jit3A_441 : f32 to vector<16xf32>
      %select_n3A_443 = arith.select %gt3A_440, %get3A_438, %broadcast_in_dim3A_442 : vector<16xi1>, vector<16xf32>
      %add3A_444 = arith.addf %add3A_427, %select_n3A_443 : vector<16xf32>
      %jit3A_445 = arith.constant 1.000000e+00 : f32
      %jit3A_446 = arith.constant 0.000000e+00 : f32
      %broadcast_in_dim3A_447 = vector.broadcast %jit3A_445 : f32 to vector<16xf32>
      %broadcast_in_dim3A_448 = vector.broadcast %jit3A_446 : f32 to vector<16xf32>
      %select_n3A_449 = arith.select %gt3A_440, %broadcast_in_dim3A_447, %broadcast_in_dim3A_448 : vector<16xi1>, vector<16xf32>
      %add3A_450 = arith.addf %add3A_433, %select_n3A_449 : vector<16xf32>
      %get3A_451 = arith.constant 0 : i32
      %get3A_452 = arith.index_cast %get3A_451 : i32 to index
      %get3A_453 = arith.index_cast %scan3A_146 : i32 to index
      %get3A_454 = arith.constant 288 : index
      %get3A_455 = tpu.vector_load %arg5[%get3A_452, %get3A_453, %get3A_454] {strides = array<i32>} : memref<4x16x512xf32, #tpu.memory_space<vmem>>, vector<16xf32>,
      %gt3A_456 = vector.broadcast %scan3A : f32 to vector<16xf32>
      %gt3A_457 = arith.cmpf ogt, %get3A_455, %gt3A_456 : vector<16xf32>
      %jit3A_458 = arith.constant 0.000000e+00 : f32
      %broadcast_in_dim3A_459 = vector.broadcast %jit3A_458 : f32 to vector<16xf32>
      %select_n3A_460 = arith.select %gt3A_457, %get3A_455, %broadcast_in_dim3A_459 : vector<16xi1>, vector<16xf32>
      %add3A_461 = arith.addf %add3A_444, %select_n3A_460 : vector<16xf32>
      %jit3A_462 = arith.constant 1.000000e+00 : f32
      %jit3A_463 = arith.constant 0.000000e+00 : f32
      %broadcast_in_dim3A_464 = vector.broadcast %jit3A_462 : f32 to vector<16xf32>
      %broadcast_in_dim3A_465 = vector.broadcast %jit3A_463 : f32 to vector<16xf32>
      %select_n3A_466 = arith.select %gt3A_457, %broadcast_in_dim3A_464, %broadcast_in_dim3A_465 : vector<16xi1>, vector<16xf32>
      %add3A_467 = arith.addf %add3A_450, %select_n3A_466 : vector<16xf32>
      %get3A_468 = arith.constant 0 : i32
      %get3A_469 = arith.index_cast %get3A_468 : i32 to index
      %get3A_470 = arith.index_cast %scan3A_146 : i32 to index
      %get3A_471 = arith.constant 304 : index
      %get3A_472 = tpu.vector_load %arg5[%get3A_469, %get3A_470, %get3A_471] {strides = array<i32>} : memref<4x16x512xf32, #tpu.memory_space<vmem>>, vector<16xf32>,
      %gt3A_473 = vector.broadcast %scan3A : f32 to vector<16xf32>
      %gt3A_474 = arith.cmpf ogt, %get3A_472, %gt3A_473 : vector<16xf32>
      %jit3A_475 = arith.constant 0.000000e+00 : f32
      %broadcast_in_dim3A_476 = vector.broadcast %jit3A_475 : f32 to vector<16xf32>
      %select_n3A_477 = arith.select %gt3A_474, %get3A_472, %broadcast_in_dim3A_476 : vector<16xi1>, vector<16xf32>
      %add3A_478 = arith.addf %add3A_461, %select_n3A_477 : vector<16xf32>
      %jit3A_479 = arith.constant 1.000000e+00 : f32
      %jit3A_480 = arith.constant 0.000000e+00 : f32
      %broadcast_in_dim3A_481 = vector.broadcast %jit3A_479 : f32 to vector<16xf32>
      %broadcast_in_dim3A_482 = vector.broadcast %jit3A_480 : f32 to vector<16xf32>
      %select_n3A_483 = arith.select %gt3A_474, %broadcast_in_dim3A_481, %broadcast_in_dim3A_482 : vector<16xi1>, vector<16xf32>
      %add3A_484 = arith.addf %add3A_467, %select_n3A_483 : vector<16xf32>
      %get3A_485 = arith.constant 0 : i32
      %get3A_486 = arith.index_cast %get3A_485 : i32 to index
      %get3A_487 = arith.index_cast %scan3A_146 : i32 to index
      %get3A_488 = arith.constant 320 : index
      %get3A_489 = tpu.vector_load %arg5[%get3A_486, %get3A_487, %get3A_488] {strides = array<i32>} : memref<4x16x512xf32, #tpu.memory_space<vmem>>, vector<16xf32>,
      %gt3A_490 = vector.broadcast %scan3A : f32 to vector<16xf32>
      %gt3A_491 = arith.cmpf ogt, %get3A_489, %gt3A_490 : vector<16xf32>
      %jit3A_492 = arith.constant 0.000000e+00 : f32
      %broadcast_in_dim3A_493 = vector.broadcast %jit3A_492 : f32 to vector<16xf32>
      %select_n3A_494 = arith.select %gt3A_491, %get3A_489, %broadcast_in_dim3A_493 : vector<16xi1>, vector<16xf32>
      %add3A_495 = arith.addf %add3A_478, %select_n3A_494 : vector<16xf32>
      %jit3A_496 = arith.constant 1.000000e+00 : f32
      %jit3A_497 = arith.constant 0.000000e+00 : f32
      %broadcast_in_dim3A_498 = vector.broadcast %jit3A_496 : f32 to vector<16xf32>
      %broadcast_in_dim3A_499 = vector.broadcast %jit3A_497 : f32 to vector<16xf32>
      %select_n3A_500 = arith.select %gt3A_491, %broadcast_in_dim3A_498, %broadcast_in_dim3A_499 : vector<16xi1>, vector<16xf32>
      %add3A_501 = arith.addf %add3A_484, %select_n3A_500 : vector<16xf32>
      %get3A_502 = arith.constant 0 : i32
      %get3A_503 = arith.index_cast %get3A_502 : i32 to index
      %get3A_504 = arith.index_cast %scan3A_146 : i32 to index
      %get3A_505 = arith.constant 336 : index
      %get3A_506 = tpu.vector_load %arg5[%get3A_503, %get3A_504, %get3A_505] {strides = array<i32>} : memref<4x16x512xf32, #tpu.memory_space<vmem>>, vector<16xf32>,
      %gt3A_507 = vector.broadcast %scan3A : f32 to vector<16xf32>
      %gt3A_508 = arith.cmpf ogt, %get3A_506, %gt3A_507 : vector<16xf32>
      %jit3A_509 = arith.constant 0.000000e+00 : f32
      %broadcast_in_dim3A_510 = vector.broadcast %jit3A_509 : f32 to vector<16xf32>
      %select_n3A_511 = arith.select %gt3A_508, %get3A_506, %broadcast_in_dim3A_510 : vector<16xi1>, vector<16xf32>
      %add3A_512 = arith.addf %add3A_495, %select_n3A_511 : vector<16xf32>
      %jit3A_513 = arith.constant 1.000000e+00 : f32
      %jit3A_514 = arith.constant 0.000000e+00 : f32
      %broadcast_in_dim3A_515 = vector.broadcast %jit3A_513 : f32 to vector<16xf32>
      %broadcast_in_dim3A_516 = vector.broadcast %jit3A_514 : f32 to vector<16xf32>
      %select_n3A_517 = arith.select %gt3A_508, %broadcast_in_dim3A_515, %broadcast_in_dim3A_516 : vector<16xi1>, vector<16xf32>
      %add3A_518 = arith.addf %add3A_501, %select_n3A_517 : vector<16xf32>
      %get3A_519 = arith.constant 0 : i32
      %get3A_520 = arith.index_cast %get3A_519 : i32 to index
      %get3A_521 = arith.index_cast %scan3A_146 : i32 to index
      %get3A_522 = arith.constant 352 : index
      %get3A_523 = tpu.vector_load %arg5[%get3A_520, %get3A_521, %get3A_522] {strides = array<i32>} : memref<4x16x512xf32, #tpu.memory_space<vmem>>, vector<16xf32>,
      %gt3A_524 = vector.broadcast %scan3A : f32 to vector<16xf32>
      %gt3A_525 = arith.cmpf ogt, %get3A_523, %gt3A_524 : vector<16xf32>
      %jit3A_526 = arith.constant 0.000000e+00 : f32
      %broadcast_in_dim3A_527 = vector.broadcast %jit3A_526 : f32 to vector<16xf32>
      %select_n3A_528 = arith.select %gt3A_525, %get3A_523, %broadcast_in_dim3A_527 : vector<16xi1>, vector<16xf32>
      %add3A_529 = arith.addf %add3A_512, %select_n3A_528 : vector<16xf32>
      %jit3A_530 = arith.constant 1.000000e+00 : f32
      %jit3A_531 = arith.constant 0.000000e+00 : f32
      %broadcast_in_dim3A_532 = vector.broadcast %jit3A_530 : f32 to vector<16xf32>
      %broadcast_in_dim3A_533 = vector.broadcast %jit3A_531 : f32 to vector<16xf32>
      %select_n3A_534 = arith.select %gt3A_525, %broadcast_in_dim3A_532, %broadcast_in_dim3A_533 : vector<16xi1>, vector<16xf32>
      %add3A_535 = arith.addf %add3A_518, %select_n3A_534 : vector<16xf32>
      %get3A_536 = arith.constant 0 : i32
      %get3A_537 = arith.index_cast %get3A_536 : i32 to index
      %get3A_538 = arith.index_cast %scan3A_146 : i32 to index
      %get3A_539 = arith.constant 368 : index
      %get3A_540 = tpu.vector_load %arg5[%get3A_537, %get3A_538, %get3A_539] {strides = array<i32>} : memref<4x16x512xf32, #tpu.memory_space<vmem>>, vector<16xf32>,
      %gt3A_541 = vector.broadcast %scan3A : f32 to vector<16xf32>
      %gt3A_542 = arith.cmpf ogt, %get3A_540, %gt3A_541 : vector<16xf32>
      %jit3A_543 = arith.constant 0.000000e+00 : f32
      %broadcast_in_dim3A_544 = vector.broadcast %jit3A_543 : f32 to vector<16xf32>
      %select_n3A_545 = arith.select %gt3A_542, %get3A_540, %broadcast_in_dim3A_544 : vector<16xi1>, vector<16xf32>
      %add3A_546 = arith.addf %add3A_529, %select_n3A_545 : vector<16xf32>
      %jit3A_547 = arith.constant 1.000000e+00 : f32
      %jit3A_548 = arith.constant 0.000000e+00 : f32
      %broadcast_in_dim3A_549 = vector.broadcast %jit3A_547 : f32 to vector<16xf32>
      %broadcast_in_dim3A_550 = vector.broadcast %jit3A_548 : f32 to vector<16xf32>
      %select_n3A_551 = arith.select %gt3A_542, %broadcast_in_dim3A_549, %broadcast_in_dim3A_550 : vector<16xi1>, vector<16xf32>
      %add3A_552 = arith.addf %add3A_535, %select_n3A_551 : vector<16xf32>
      %get3A_553 = arith.constant 0 : i32
      %get3A_554 = arith.index_cast %get3A_553 : i32 to index
      %get3A_555 = arith.index_cast %scan3A_146 : i32 to index
      %get3A_556 = arith.constant 384 : index
      %get3A_557 = tpu.vector_load %arg5[%get3A_554, %get3A_555, %get3A_556] {strides = array<i32>} : memref<4x16x512xf32, #tpu.memory_space<vmem>>, vector<16xf32>,
      %gt3A_558 = vector.broadcast %scan3A : f32 to vector<16xf32>
      %gt3A_559 = arith.cmpf ogt, %get3A_557, %gt3A_558 : vector<16xf32>
      %jit3A_560 = arith.constant 0.000000e+00 : f32
      %broadcast_in_dim3A_561 = vector.broadcast %jit3A_560 : f32 to vector<16xf32>
      %select_n3A_562 = arith.select %gt3A_559, %get3A_557, %broadcast_in_dim3A_561 : vector<16xi1>, vector<16xf32>
      %add3A_563 = arith.addf %add3A_546, %select_n3A_562 : vector<16xf32>
      %jit3A_564 = arith.constant 1.000000e+00 : f32
      %jit3A_565 = arith.constant 0.000000e+00 : f32
      %broadcast_in_dim3A_566 = vector.broadcast %jit3A_564 : f32 to vector<16xf32>
      %broadcast_in_dim3A_567 = vector.broadcast %jit3A_565 : f32 to vector<16xf32>
      %select_n3A_568 = arith.select %gt3A_559, %broadcast_in_dim3A_566, %broadcast_in_dim3A_567 : vector<16xi1>, vector<16xf32>
      %add3A_569 = arith.addf %add3A_552, %select_n3A_568 : vector<16xf32>
      %get3A_570 = arith.constant 0 : i32
      %get3A_571 = arith.index_cast %get3A_570 : i32 to index
      %get3A_572 = arith.index_cast %scan3A_146 : i32 to index
      %get3A_573 = arith.constant 400 : index
      %get3A_574 = tpu.vector_load %arg5[%get3A_571, %get3A_572, %get3A_573] {strides = array<i32>} : memref<4x16x512xf32, #tpu.memory_space<vmem>>, vector<16xf32>,
      %gt3A_575 = vector.broadcast %scan3A : f32 to vector<16xf32>
      %gt3A_576 = arith.cmpf ogt, %get3A_574, %gt3A_575 : vector<16xf32>
      %jit3A_577 = arith.constant 0.000000e+00 : f32
      %broadcast_in_dim3A_578 = vector.broadcast %jit3A_577 : f32 to vector<16xf32>
      %select_n3A_579 = arith.select %gt3A_576, %get3A_574, %broadcast_in_dim3A_578 : vector<16xi1>, vector<16xf32>
      %add3A_580 = arith.addf %add3A_563, %select_n3A_579 : vector<16xf32>
      %jit3A_581 = arith.constant 1.000000e+00 : f32
      %jit3A_582 = arith.constant 0.000000e+00 : f32
      %broadcast_in_dim3A_583 = vector.broadcast %jit3A_581 : f32 to vector<16xf32>
      %broadcast_in_dim3A_584 = vector.broadcast %jit3A_582 : f32 to vector<16xf32>
      %select_n3A_585 = arith.select %gt3A_576, %broadcast_in_dim3A_583, %broadcast_in_dim3A_584 : vector<16xi1>, vector<16xf32>
      %add3A_586 = arith.addf %add3A_569, %select_n3A_585 : vector<16xf32>
      %get3A_587 = arith.constant 0 : i32
      %get3A_588 = arith.index_cast %get3A_587 : i32 to index
      %get3A_589 = arith.index_cast %scan3A_146 : i32 to index
      %get3A_590 = arith.constant 416 : index
      %get3A_591 = tpu.vector_load %arg5[%get3A_588, %get3A_589, %get3A_590] {strides = array<i32>} : memref<4x16x512xf32, #tpu.memory_space<vmem>>, vector<16xf32>,
      %gt3A_592 = vector.broadcast %scan3A : f32 to vector<16xf32>
      %gt3A_593 = arith.cmpf ogt, %get3A_591, %gt3A_592 : vector<16xf32>
      %jit3A_594 = arith.constant 0.000000e+00 : f32
      %broadcast_in_dim3A_595 = vector.broadcast %jit3A_594 : f32 to vector<16xf32>
      %select_n3A_596 = arith.select %gt3A_593, %get3A_591, %broadcast_in_dim3A_595 : vector<16xi1>, vector<16xf32>
      %add3A_597 = arith.addf %add3A_580, %select_n3A_596 : vector<16xf32>
      %jit3A_598 = arith.constant 1.000000e+00 : f32
      %jit3A_599 = arith.constant 0.000000e+00 : f32
      %broadcast_in_dim3A_600 = vector.broadcast %jit3A_598 : f32 to vector<16xf32>
      %broadcast_in_dim3A_601 = vector.broadcast %jit3A_599 : f32 to vector<16xf32>
      %select_n3A_602 = arith.select %gt3A_593, %broadcast_in_dim3A_600, %broadcast_in_dim3A_601 : vector<16xi1>, vector<16xf32>
      %add3A_603 = arith.addf %add3A_586, %select_n3A_602 : vector<16xf32>
      %get3A_604 = arith.constant 0 : i32
      %get3A_605 = arith.index_cast %get3A_604 : i32 to index
      %get3A_606 = arith.index_cast %scan3A_146 : i32 to index
      %get3A_607 = arith.constant 432 : index
      %get3A_608 = tpu.vector_load %arg5[%get3A_605, %get3A_606, %get3A_607] {strides = array<i32>} : memref<4x16x512xf32, #tpu.memory_space<vmem>>, vector<16xf32>,
      %gt3A_609 = vector.broadcast %scan3A : f32 to vector<16xf32>
      %gt3A_610 = arith.cmpf ogt, %get3A_608, %gt3A_609 : vector<16xf32>
      %jit3A_611 = arith.constant 0.000000e+00 : f32
      %broadcast_in_dim3A_612 = vector.broadcast %jit3A_611 : f32 to vector<16xf32>
      %select_n3A_613 = arith.select %gt3A_610, %get3A_608, %broadcast_in_dim3A_612 : vector<16xi1>, vector<16xf32>
      %add3A_614 = arith.addf %add3A_597, %select_n3A_613 : vector<16xf32>
      %jit3A_615 = arith.constant 1.000000e+00 : f32
      %jit3A_616 = arith.constant 0.000000e+00 : f32
      %broadcast_in_dim3A_617 = vector.broadcast %jit3A_615 : f32 to vector<16xf32>
      %broadcast_in_dim3A_618 = vector.broadcast %jit3A_616 : f32 to vector<16xf32>
      %select_n3A_619 = arith.select %gt3A_610, %broadcast_in_dim3A_617, %broadcast_in_dim3A_618 : vector<16xi1>, vector<16xf32>
      %add3A_620 = arith.addf %add3A_603, %select_n3A_619 : vector<16xf32>
      %get3A_621 = arith.constant 0 : i32
      %get3A_622 = arith.index_cast %get3A_621 : i32 to index
      %get3A_623 = arith.index_cast %scan3A_146 : i32 to index
      %get3A_624 = arith.constant 448 : index
      %get3A_625 = tpu.vector_load %arg5[%get3A_622, %get3A_623, %get3A_624] {strides = array<i32>} : memref<4x16x512xf32, #tpu.memory_space<vmem>>, vector<16xf32>,
      %gt3A_626 = vector.broadcast %scan3A : f32 to vector<16xf32>
      %gt3A_627 = arith.cmpf ogt, %get3A_625, %gt3A_626 : vector<16xf32>
      %jit3A_628 = arith.constant 0.000000e+00 : f32
      %broadcast_in_dim3A_629 = vector.broadcast %jit3A_628 : f32 to vector<16xf32>
      %select_n3A_630 = arith.select %gt3A_627, %get3A_625, %broadcast_in_dim3A_629 : vector<16xi1>, vector<16xf32>
      %add3A_631 = arith.addf %add3A_614, %select_n3A_630 : vector<16xf32>
      %jit3A_632 = arith.constant 1.000000e+00 : f32
      %jit3A_633 = arith.constant 0.000000e+00 : f32
      %broadcast_in_dim3A_634 = vector.broadcast %jit3A_632 : f32 to vector<16xf32>
      %broadcast_in_dim3A_635 = vector.broadcast %jit3A_633 : f32 to vector<16xf32>
      %select_n3A_636 = arith.select %gt3A_627, %broadcast_in_dim3A_634, %broadcast_in_dim3A_635 : vector<16xi1>, vector<16xf32>
      %add3A_637 = arith.addf %add3A_620, %select_n3A_636 : vector<16xf32>
      %get3A_638 = arith.constant 0 : i32
      %get3A_639 = arith.index_cast %get3A_638 : i32 to index
      %get3A_640 = arith.index_cast %scan3A_146 : i32 to index
      %get3A_641 = arith.constant 464 : index
      %get3A_642 = tpu.vector_load %arg5[%get3A_639, %get3A_640, %get3A_641] {strides = array<i32>} : memref<4x16x512xf32, #tpu.memory_space<vmem>>, vector<16xf32>,
      %gt3A_643 = vector.broadcast %scan3A : f32 to vector<16xf32>
      %gt3A_644 = arith.cmpf ogt, %get3A_642, %gt3A_643 : vector<16xf32>
      %jit3A_645 = arith.constant 0.000000e+00 : f32
      %broadcast_in_dim3A_646 = vector.broadcast %jit3A_645 : f32 to vector<16xf32>
      %select_n3A_647 = arith.select %gt3A_644, %get3A_642, %broadcast_in_dim3A_646 : vector<16xi1>, vector<16xf32>
      %add3A_648 = arith.addf %add3A_631, %select_n3A_647 : vector<16xf32>
      %jit3A_649 = arith.constant 1.000000e+00 : f32
      %jit3A_650 = arith.constant 0.000000e+00 : f32
      %broadcast_in_dim3A_651 = vector.broadcast %jit3A_649 : f32 to vector<16xf32>
      %broadcast_in_dim3A_652 = vector.broadcast %jit3A_650 : f32 to vector<16xf32>
      %select_n3A_653 = arith.select %gt3A_644, %broadcast_in_dim3A_651, %broadcast_in_dim3A_652 : vector<16xi1>, vector<16xf32>
      %add3A_654 = arith.addf %add3A_637, %select_n3A_653 : vector<16xf32>
      %get3A_655 = arith.constant 0 : i32
      %get3A_656 = arith.index_cast %get3A_655 : i32 to index
      %get3A_657 = arith.index_cast %scan3A_146 : i32 to index
      %get3A_658 = arith.constant 480 : index
      %get3A_659 = tpu.vector_load %arg5[%get3A_656, %get3A_657, %get3A_658] {strides = array<i32>} : memref<4x16x512xf32, #tpu.memory_space<vmem>>, vector<16xf32>,
      %gt3A_660 = vector.broadcast %scan3A : f32 to vector<16xf32>
      %gt3A_661 = arith.cmpf ogt, %get3A_659, %gt3A_660 : vector<16xf32>
      %jit3A_662 = arith.constant 0.000000e+00 : f32
      %broadcast_in_dim3A_663 = vector.broadcast %jit3A_662 : f32 to vector<16xf32>
      %select_n3A_664 = arith.select %gt3A_661, %get3A_659, %broadcast_in_dim3A_663 : vector<16xi1>, vector<16xf32>
      %add3A_665 = arith.addf %add3A_648, %select_n3A_664 : vector<16xf32>
      %jit3A_666 = arith.constant 1.000000e+00 : f32
      %jit3A_667 = arith.constant 0.000000e+00 : f32
      %broadcast_in_dim3A_668 = vector.broadcast %jit3A_666 : f32 to vector<16xf32>
      %broadcast_in_dim3A_669 = vector.broadcast %jit3A_667 : f32 to vector<16xf32>
      %select_n3A_670 = arith.select %gt3A_661, %broadcast_in_dim3A_668, %broadcast_in_dim3A_669 : vector<16xi1>, vector<16xf32>
      %add3A_671 = arith.addf %add3A_654, %select_n3A_670 : vector<16xf32>
      %get3A_672 = arith.constant 0 : i32
      %get3A_673 = arith.index_cast %get3A_672 : i32 to index
      %get3A_674 = arith.index_cast %scan3A_146 : i32 to index
      %get3A_675 = arith.constant 496 : index
      %get3A_676 = tpu.vector_load %arg5[%get3A_673, %get3A_674, %get3A_675] {strides = array<i32>} : memref<4x16x512xf32, #tpu.memory_space<vmem>>, vector<16xf32>,
      %gt3A_677 = vector.broadcast %scan3A : f32 to vector<16xf32>
      %gt3A_678 = arith.cmpf ogt, %get3A_676, %gt3A_677 : vector<16xf32>
      %jit3A_679 = arith.constant 0.000000e+00 : f32
      %broadcast_in_dim3A_680 = vector.broadcast %jit3A_679 : f32 to vector<16xf32>
      %select_n3A_681 = arith.select %gt3A_678, %get3A_676, %broadcast_in_dim3A_680 : vector<16xi1>, vector<16xf32>
      %add3A_682 = arith.addf %add3A_665, %select_n3A_681 : vector<16xf32>
      %jit3A_683 = arith.constant 1.000000e+00 : f32
      %jit3A_684 = arith.constant 0.000000e+00 : f32
      %broadcast_in_dim3A_685 = vector.broadcast %jit3A_683 : f32 to vector<16xf32>
      %broadcast_in_dim3A_686 = vector.broadcast %jit3A_684 : f32 to vector<16xf32>
      %select_n3A_687 = arith.select %gt3A_678, %broadcast_in_dim3A_685, %broadcast_in_dim3A_686 : vector<16xi1>, vector<16xf32>
      %add3A_688 = arith.addf %add3A_671, %select_n3A_687 : vector<16xf32>
      scf.yield %add3A_682, %add3A_688 : vector<16xf32>, vector<16xf32>
    }
    %scan3A_82 = arith.constant 16 : i32
    %dma_wait3A_83 = arith.constant 1 : i32
    %dma_wait3A_84 = arith.constant 0 : i32
    %dma_wait3A_85 = arith.constant 0 : i32
    %dma_wait3A_86 = tpu.memref_slice %arg5[%dma_wait3A_83, %dma_wait3A_84, %dma_wait3A_85] : memref<4x16x512xf32, #tpu.memory_space<vmem>> -> memref<1x16x512xf32, #tpu.memory_space<vmem>>
    %dma_wait3A_87 = tpu.memref_squeeze %dma_wait3A_86 : memref<1x16x512xf32, #tpu.memory_space<vmem>> -> memref<16x512xf32, #tpu.memory_space<vmem>>
    %dma_wait3A_88 = arith.constant 0 : i32
    %dma_wait3A_89 = tpu.memref_slice %arg2[%add3A_18, %dma_wait3A_88] : memref<2048x512xf32, #tpu.memory_space<hbm>> -> memref<16x512xf32, #tpu.memory_space<hbm>>
    %dma_wait3A_90 = arith.constant 0 : i32
    %dma_wait3A_91 = arith.constant 0 : i32
    %dma_wait3A_92 = tpu.memref_slice %arg5[%dma_wait3A_83, %dma_wait3A_90, %dma_wait3A_91] : memref<4x16x512xf32, #tpu.memory_space<vmem>> -> memref<1x16x512xf32, #tpu.memory_space<vmem>>
    %dma_wait3A_93 = tpu.memref_squeeze %dma_wait3A_92 : memref<1x16x512xf32, #tpu.memory_space<vmem>> -> memref<16x512xf32, #tpu.memory_space<vmem>>
    %dma_wait3A_94 = arith.constant 0 : i32
    %dma_wait3A_95 = tpu.memref_slice %arg2[%add3A_18, %dma_wait3A_94] : memref<2048x512xf32, #tpu.memory_space<hbm>> -> memref<16x512xf32, #tpu.memory_space<hbm>>
    tpu.wait_dma2 semaphore(%arg9 : memref<!tpu.dma_semaphore, #tpu.memory_space<semaphore_mem>>) src(%dma_wait3A_95 : memref<16x512xf32, #tpu.memory_space<hbm>>) dst(%dma_wait3A_93 : memref<16x512xf32, #tpu.memory_space<vmem>>)
    %scan3A_96 = arith.constant 0.356674939 : f32
    %scan3A_97 = arith.constant 0 : i32
    %scan3A_98 = arith.constant 16 : i32
    %scan3A_99 = arith.addi %scan3A_97, %scan3A_98 : i32
    %scan3A_100 = arith.constant 1 : i32
    %scan3A_101:2 = scf.for %scan3A_146 = %scan3A_97 to %scan3A_99 step %scan3A_100 iter_args(%scan3A_147 = %scan3A_81#0, %scan3A_148 = %scan3A_81#1) -> (vector<16xf32>, vector<16xf32>)  : i32 {
      %get3A = arith.constant 1 : i32
      %get3A_149 = arith.index_cast %get3A : i32 to index
      %get3A_150 = arith.index_cast %scan3A_146 : i32 to index
      %get3A_151 = arith.constant 0 : index
      %get3A_152 = tpu.vector_load %arg5[%get3A_149, %get3A_150, %get3A_151] {strides = array<i32>} : memref<4x16x512xf32, #tpu.memory_space<vmem>>, vector<16xf32>,
      %gt3A = vector.broadcast %scan3A_96 : f32 to vector<16xf32>
      %gt3A_153 = arith.cmpf ogt, %get3A_152, %gt3A : vector<16xf32>
      %jit3A = arith.constant 0.000000e+00 : f32
      %broadcast_in_dim3A_154 = vector.broadcast %jit3A : f32 to vector<16xf32>
      %select_n3A = arith.select %gt3A_153, %get3A_152, %broadcast_in_dim3A_154 : vector<16xi1>, vector<16xf32>
      %add3A_155 = arith.addf %scan3A_147, %select_n3A : vector<16xf32>
      %jit3A_156 = arith.constant 1.000000e+00 : f32
      %jit3A_157 = arith.constant 0.000000e+00 : f32
      %broadcast_in_dim3A_158 = vector.broadcast %jit3A_156 : f32 to vector<16xf32>
      %broadcast_in_dim3A_159 = vector.broadcast %jit3A_157 : f32 to vector<16xf32>
      %select_n3A_160 = arith.select %gt3A_153, %broadcast_in_dim3A_158, %broadcast_in_dim3A_159 : vector<16xi1>, vector<16xf32>
      %add3A_161 = arith.addf %scan3A_148, %select_n3A_160 : vector<16xf32>
      %get3A_162 = arith.constant 1 : i32
      %get3A_163 = arith.index_cast %get3A_162 : i32 to index
      %get3A_164 = arith.index_cast %scan3A_146 : i32 to index
      %get3A_165 = arith.constant 16 : index
      %get3A_166 = tpu.vector_load %arg5[%get3A_163, %get3A_164, %get3A_165] {strides = array<i32>} : memref<4x16x512xf32, #tpu.memory_space<vmem>>, vector<16xf32>,
      %gt3A_167 = vector.broadcast %scan3A_96 : f32 to vector<16xf32>
      %gt3A_168 = arith.cmpf ogt, %get3A_166, %gt3A_167 : vector<16xf32>
      %jit3A_169 = arith.constant 0.000000e+00 : f32
      %broadcast_in_dim3A_170 = vector.broadcast %jit3A_169 : f32 to vector<16xf32>
      %select_n3A_171 = arith.select %gt3A_168, %get3A_166, %broadcast_in_dim3A_170 : vector<16xi1>, vector<16xf32>
      %add3A_172 = arith.addf %add3A_155, %select_n3A_171 : vector<16xf32>
      %jit3A_173 = arith.constant 1.000000e+00 : f32
      %jit3A_174 = arith.constant 0.000000e+00 : f32
      %broadcast_in_dim3A_175 = vector.broadcast %jit3A_173 : f32 to vector<16xf32>
      %broadcast_in_dim3A_176 = vector.broadcast %jit3A_174 : f32 to vector<16xf32>
      %select_n3A_177 = arith.select %gt3A_168, %broadcast_in_dim3A_175, %broadcast_in_dim3A_176 : vector<16xi1>, vector<16xf32>
      %add3A_178 = arith.addf %add3A_161, %select_n3A_177 : vector<16xf32>
      %get3A_179 = arith.constant 1 : i32
      %get3A_180 = arith.index_cast %get3A_179 : i32 to index
      %get3A_181 = arith.index_cast %scan3A_146 : i32 to index
      %get3A_182 = arith.constant 32 : index
      %get3A_183 = tpu.vector_load %arg5[%get3A_180, %get3A_181, %get3A_182] {strides = array<i32>} : memref<4x16x512xf32, #tpu.memory_space<vmem>>, vector<16xf32>,
      %gt3A_184 = vector.broadcast %scan3A_96 : f32 to vector<16xf32>
      %gt3A_185 = arith.cmpf ogt, %get3A_183, %gt3A_184 : vector<16xf32>
      %jit3A_186 = arith.constant 0.000000e+00 : f32
      %broadcast_in_dim3A_187 = vector.broadcast %jit3A_186 : f32 to vector<16xf32>
      %select_n3A_188 = arith.select %gt3A_185, %get3A_183, %broadcast_in_dim3A_187 : vector<16xi1>, vector<16xf32>
      %add3A_189 = arith.addf %add3A_172, %select_n3A_188 : vector<16xf32>
      %jit3A_190 = arith.constant 1.000000e+00 : f32
      %jit3A_191 = arith.constant 0.000000e+00 : f32
      %broadcast_in_dim3A_192 = vector.broadcast %jit3A_190 : f32 to vector<16xf32>
      %broadcast_in_dim3A_193 = vector.broadcast %jit3A_191 : f32 to vector<16xf32>
      %select_n3A_194 = arith.select %gt3A_185, %broadcast_in_dim3A_192, %broadcast_in_dim3A_193 : vector<16xi1>, vector<16xf32>
      %add3A_195 = arith.addf %add3A_178, %select_n3A_194 : vector<16xf32>
      %get3A_196 = arith.constant 1 : i32
      %get3A_197 = arith.index_cast %get3A_196 : i32 to index
      %get3A_198 = arith.index_cast %scan3A_146 : i32 to index
      %get3A_199 = arith.constant 48 : index
      %get3A_200 = tpu.vector_load %arg5[%get3A_197, %get3A_198, %get3A_199] {strides = array<i32>} : memref<4x16x512xf32, #tpu.memory_space<vmem>>, vector<16xf32>,
      %gt3A_201 = vector.broadcast %scan3A_96 : f32 to vector<16xf32>
      %gt3A_202 = arith.cmpf ogt, %get3A_200, %gt3A_201 : vector<16xf32>
      %jit3A_203 = arith.constant 0.000000e+00 : f32
      %broadcast_in_dim3A_204 = vector.broadcast %jit3A_203 : f32 to vector<16xf32>
      %select_n3A_205 = arith.select %gt3A_202, %get3A_200, %broadcast_in_dim3A_204 : vector<16xi1>, vector<16xf32>
      %add3A_206 = arith.addf %add3A_189, %select_n3A_205 : vector<16xf32>
      %jit3A_207 = arith.constant 1.000000e+00 : f32
      %jit3A_208 = arith.constant 0.000000e+00 : f32
      %broadcast_in_dim3A_209 = vector.broadcast %jit3A_207 : f32 to vector<16xf32>
      %broadcast_in_dim3A_210 = vector.broadcast %jit3A_208 : f32 to vector<16xf32>
      %select_n3A_211 = arith.select %gt3A_202, %broadcast_in_dim3A_209, %broadcast_in_dim3A_210 : vector<16xi1>, vector<16xf32>
      %add3A_212 = arith.addf %add3A_195, %select_n3A_211 : vector<16xf32>
      %get3A_213 = arith.constant 1 : i32
      %get3A_214 = arith.index_cast %get3A_213 : i32 to index
      %get3A_215 = arith.index_cast %scan3A_146 : i32 to index
      %get3A_216 = arith.constant 64 : index
      %get3A_217 = tpu.vector_load %arg5[%get3A_214, %get3A_215, %get3A_216] {strides = array<i32>} : memref<4x16x512xf32, #tpu.memory_space<vmem>>, vector<16xf32>,
      %gt3A_218 = vector.broadcast %scan3A_96 : f32 to vector<16xf32>
      %gt3A_219 = arith.cmpf ogt, %get3A_217, %gt3A_218 : vector<16xf32>
      %jit3A_220 = arith.constant 0.000000e+00 : f32
      %broadcast_in_dim3A_221 = vector.broadcast %jit3A_220 : f32 to vector<16xf32>
      %select_n3A_222 = arith.select %gt3A_219, %get3A_217, %broadcast_in_dim3A_221 : vector<16xi1>, vector<16xf32>
      %add3A_223 = arith.addf %add3A_206, %select_n3A_222 : vector<16xf32>
      %jit3A_224 = arith.constant 1.000000e+00 : f32
      %jit3A_225 = arith.constant 0.000000e+00 : f32
      %broadcast_in_dim3A_226 = vector.broadcast %jit3A_224 : f32 to vector<16xf32>
      %broadcast_in_dim3A_227 = vector.broadcast %jit3A_225 : f32 to vector<16xf32>
      %select_n3A_228 = arith.select %gt3A_219, %broadcast_in_dim3A_226, %broadcast_in_dim3A_227 : vector<16xi1>, vector<16xf32>
      %add3A_229 = arith.addf %add3A_212, %select_n3A_228 : vector<16xf32>
      %get3A_230 = arith.constant 1 : i32
      %get3A_231 = arith.index_cast %get3A_230 : i32 to index
      %get3A_232 = arith.index_cast %scan3A_146 : i32 to index
      %get3A_233 = arith.constant 80 : index
      %get3A_234 = tpu.vector_load %arg5[%get3A_231, %get3A_232, %get3A_233] {strides = array<i32>} : memref<4x16x512xf32, #tpu.memory_space<vmem>>, vector<16xf32>,
      %gt3A_235 = vector.broadcast %scan3A_96 : f32 to vector<16xf32>
      %gt3A_236 = arith.cmpf ogt, %get3A_234, %gt3A_235 : vector<16xf32>
      %jit3A_237 = arith.constant 0.000000e+00 : f32
      %broadcast_in_dim3A_238 = vector.broadcast %jit3A_237 : f32 to vector<16xf32>
      %select_n3A_239 = arith.select %gt3A_236, %get3A_234, %broadcast_in_dim3A_238 : vector<16xi1>, vector<16xf32>
      %add3A_240 = arith.addf %add3A_223, %select_n3A_239 : vector<16xf32>
      %jit3A_241 = arith.constant 1.000000e+00 : f32
      %jit3A_242 = arith.constant 0.000000e+00 : f32
      %broadcast_in_dim3A_243 = vector.broadcast %jit3A_241 : f32 to vector<16xf32>
      %broadcast_in_dim3A_244 = vector.broadcast %jit3A_242 : f32 to vector<16xf32>
      %select_n3A_245 = arith.select %gt3A_236, %broadcast_in_dim3A_243, %broadcast_in_dim3A_244 : vector<16xi1>, vector<16xf32>
      %add3A_246 = arith.addf %add3A_229, %select_n3A_245 : vector<16xf32>
      %get3A_247 = arith.constant 1 : i32
      %get3A_248 = arith.index_cast %get3A_247 : i32 to index
      %get3A_249 = arith.index_cast %scan3A_146 : i32 to index
      %get3A_250 = arith.constant 96 : index
      %get3A_251 = tpu.vector_load %arg5[%get3A_248, %get3A_249, %get3A_250] {strides = array<i32>} : memref<4x16x512xf32, #tpu.memory_space<vmem>>, vector<16xf32>,
      %gt3A_252 = vector.broadcast %scan3A_96 : f32 to vector<16xf32>
      %gt3A_253 = arith.cmpf ogt, %get3A_251, %gt3A_252 : vector<16xf32>
      %jit3A_254 = arith.constant 0.000000e+00 : f32
      %broadcast_in_dim3A_255 = vector.broadcast %jit3A_254 : f32 to vector<16xf32>
      %select_n3A_256 = arith.select %gt3A_253, %get3A_251, %broadcast_in_dim3A_255 : vector<16xi1>, vector<16xf32>
      %add3A_257 = arith.addf %add3A_240, %select_n3A_256 : vector<16xf32>
      %jit3A_258 = arith.constant 1.000000e+00 : f32
      %jit3A_259 = arith.constant 0.000000e+00 : f32
      %broadcast_in_dim3A_260 = vector.broadcast %jit3A_258 : f32 to vector<16xf32>
      %broadcast_in_dim3A_261 = vector.broadcast %jit3A_259 : f32 to vector<16xf32>
      %select_n3A_262 = arith.select %gt3A_253, %broadcast_in_dim3A_260, %broadcast_in_dim3A_261 : vector<16xi1>, vector<16xf32>
      %add3A_263 = arith.addf %add3A_246, %select_n3A_262 : vector<16xf32>
      %get3A_264 = arith.constant 1 : i32
      %get3A_265 = arith.index_cast %get3A_264 : i32 to index
      %get3A_266 = arith.index_cast %scan3A_146 : i32 to index
      %get3A_267 = arith.constant 112 : index
      %get3A_268 = tpu.vector_load %arg5[%get3A_265, %get3A_266, %get3A_267] {strides = array<i32>} : memref<4x16x512xf32, #tpu.memory_space<vmem>>, vector<16xf32>,
      %gt3A_269 = vector.broadcast %scan3A_96 : f32 to vector<16xf32>
      %gt3A_270 = arith.cmpf ogt, %get3A_268, %gt3A_269 : vector<16xf32>
      %jit3A_271 = arith.constant 0.000000e+00 : f32
      %broadcast_in_dim3A_272 = vector.broadcast %jit3A_271 : f32 to vector<16xf32>
      %select_n3A_273 = arith.select %gt3A_270, %get3A_268, %broadcast_in_dim3A_272 : vector<16xi1>, vector<16xf32>
      %add3A_274 = arith.addf %add3A_257, %select_n3A_273 : vector<16xf32>
      %jit3A_275 = arith.constant 1.000000e+00 : f32
      %jit3A_276 = arith.constant 0.000000e+00 : f32
      %broadcast_in_dim3A_277 = vector.broadcast %jit3A_275 : f32 to vector<16xf32>
      %broadcast_in_dim3A_278 = vector.broadcast %jit3A_276 : f32 to vector<16xf32>
      %select_n3A_279 = arith.select %gt3A_270, %broadcast_in_dim3A_277, %broadcast_in_dim3A_278 : vector<16xi1>, vector<16xf32>
      %add3A_280 = arith.addf %add3A_263, %select_n3A_279 : vector<16xf32>
      %get3A_281 = arith.constant 1 : i32
      %get3A_282 = arith.index_cast %get3A_281 : i32 to index
      %get3A_283 = arith.index_cast %scan3A_146 : i32 to index
      %get3A_284 = arith.constant 128 : index
      %get3A_285 = tpu.vector_load %arg5[%get3A_282, %get3A_283, %get3A_284] {strides = array<i32>} : memref<4x16x512xf32, #tpu.memory_space<vmem>>, vector<16xf32>,
      %gt3A_286 = vector.broadcast %scan3A_96 : f32 to vector<16xf32>
      %gt3A_287 = arith.cmpf ogt, %get3A_285, %gt3A_286 : vector<16xf32>
      %jit3A_288 = arith.constant 0.000000e+00 : f32
      %broadcast_in_dim3A_289 = vector.broadcast %jit3A_288 : f32 to vector<16xf32>
      %select_n3A_290 = arith.select %gt3A_287, %get3A_285, %broadcast_in_dim3A_289 : vector<16xi1>, vector<16xf32>
      %add3A_291 = arith.addf %add3A_274, %select_n3A_290 : vector<16xf32>
      %jit3A_292 = arith.constant 1.000000e+00 : f32
      %jit3A_293 = arith.constant 0.000000e+00 : f32
      %broadcast_in_dim3A_294 = vector.broadcast %jit3A_292 : f32 to vector<16xf32>
      %broadcast_in_dim3A_295 = vector.broadcast %jit3A_293 : f32 to vector<16xf32>
      %select_n3A_296 = arith.select %gt3A_287, %broadcast_in_dim3A_294, %broadcast_in_dim3A_295 : vector<16xi1>, vector<16xf32>
      %add3A_297 = arith.addf %add3A_280, %select_n3A_296 : vector<16xf32>
      %get3A_298 = arith.constant 1 : i32
      %get3A_299 = arith.index_cast %get3A_298 : i32 to index
      %get3A_300 = arith.index_cast %scan3A_146 : i32 to index
      %get3A_301 = arith.constant 144 : index
      %get3A_302 = tpu.vector_load %arg5[%get3A_299, %get3A_300, %get3A_301] {strides = array<i32>} : memref<4x16x512xf32, #tpu.memory_space<vmem>>, vector<16xf32>,
      %gt3A_303 = vector.broadcast %scan3A_96 : f32 to vector<16xf32>
      %gt3A_304 = arith.cmpf ogt, %get3A_302, %gt3A_303 : vector<16xf32>
      %jit3A_305 = arith.constant 0.000000e+00 : f32
      %broadcast_in_dim3A_306 = vector.broadcast %jit3A_305 : f32 to vector<16xf32>
      %select_n3A_307 = arith.select %gt3A_304, %get3A_302, %broadcast_in_dim3A_306 : vector<16xi1>, vector<16xf32>
      %add3A_308 = arith.addf %add3A_291, %select_n3A_307 : vector<16xf32>
      %jit3A_309 = arith.constant 1.000000e+00 : f32
      %jit3A_310 = arith.constant 0.000000e+00 : f32
      %broadcast_in_dim3A_311 = vector.broadcast %jit3A_309 : f32 to vector<16xf32>
      %broadcast_in_dim3A_312 = vector.broadcast %jit3A_310 : f32 to vector<16xf32>
      %select_n3A_313 = arith.select %gt3A_304, %broadcast_in_dim3A_311, %broadcast_in_dim3A_312 : vector<16xi1>, vector<16xf32>
      %add3A_314 = arith.addf %add3A_297, %select_n3A_313 : vector<16xf32>
      %get3A_315 = arith.constant 1 : i32
      %get3A_316 = arith.index_cast %get3A_315 : i32 to index
      %get3A_317 = arith.index_cast %scan3A_146 : i32 to index
      %get3A_318 = arith.constant 160 : index
      %get3A_319 = tpu.vector_load %arg5[%get3A_316, %get3A_317, %get3A_318] {strides = array<i32>} : memref<4x16x512xf32, #tpu.memory_space<vmem>>, vector<16xf32>,
      %gt3A_320 = vector.broadcast %scan3A_96 : f32 to vector<16xf32>
      %gt3A_321 = arith.cmpf ogt, %get3A_319, %gt3A_320 : vector<16xf32>
      %jit3A_322 = arith.constant 0.000000e+00 : f32
      %broadcast_in_dim3A_323 = vector.broadcast %jit3A_322 : f32 to vector<16xf32>
      %select_n3A_324 = arith.select %gt3A_321, %get3A_319, %broadcast_in_dim3A_323 : vector<16xi1>, vector<16xf32>
      %add3A_325 = arith.addf %add3A_308, %select_n3A_324 : vector<16xf32>
      %jit3A_326 = arith.constant 1.000000e+00 : f32
      %jit3A_327 = arith.constant 0.000000e+00 : f32
      %broadcast_in_dim3A_328 = vector.broadcast %jit3A_326 : f32 to vector<16xf32>
      %broadcast_in_dim3A_329 = vector.broadcast %jit3A_327 : f32 to vector<16xf32>
      %select_n3A_330 = arith.select %gt3A_321, %broadcast_in_dim3A_328, %broadcast_in_dim3A_329 : vector<16xi1>, vector<16xf32>
      %add3A_331 = arith.addf %add3A_314, %select_n3A_330 : vector<16xf32>
      %get3A_332 = arith.constant 1 : i32
      %get3A_333 = arith.index_cast %get3A_332 : i32 to index
      %get3A_334 = arith.index_cast %scan3A_146 : i32 to index
      %get3A_335 = arith.constant 176 : index
      %get3A_336 = tpu.vector_load %arg5[%get3A_333, %get3A_334, %get3A_335] {strides = array<i32>} : memref<4x16x512xf32, #tpu.memory_space<vmem>>, vector<16xf32>,
      %gt3A_337 = vector.broadcast %scan3A_96 : f32 to vector<16xf32>
      %gt3A_338 = arith.cmpf ogt, %get3A_336, %gt3A_337 : vector<16xf32>
      %jit3A_339 = arith.constant 0.000000e+00 : f32
      %broadcast_in_dim3A_340 = vector.broadcast %jit3A_339 : f32 to vector<16xf32>
      %select_n3A_341 = arith.select %gt3A_338, %get3A_336, %broadcast_in_dim3A_340 : vector<16xi1>, vector<16xf32>
      %add3A_342 = arith.addf %add3A_325, %select_n3A_341 : vector<16xf32>
      %jit3A_343 = arith.constant 1.000000e+00 : f32
      %jit3A_344 = arith.constant 0.000000e+00 : f32
      %broadcast_in_dim3A_345 = vector.broadcast %jit3A_343 : f32 to vector<16xf32>
      %broadcast_in_dim3A_346 = vector.broadcast %jit3A_344 : f32 to vector<16xf32>
      %select_n3A_347 = arith.select %gt3A_338, %broadcast_in_dim3A_345, %broadcast_in_dim3A_346 : vector<16xi1>, vector<16xf32>
      %add3A_348 = arith.addf %add3A_331, %select_n3A_347 : vector<16xf32>
      %get3A_349 = arith.constant 1 : i32
      %get3A_350 = arith.index_cast %get3A_349 : i32 to index
      %get3A_351 = arith.index_cast %scan3A_146 : i32 to index
      %get3A_352 = arith.constant 192 : index
      %get3A_353 = tpu.vector_load %arg5[%get3A_350, %get3A_351, %get3A_352] {strides = array<i32>} : memref<4x16x512xf32, #tpu.memory_space<vmem>>, vector<16xf32>,
      %gt3A_354 = vector.broadcast %scan3A_96 : f32 to vector<16xf32>
      %gt3A_355 = arith.cmpf ogt, %get3A_353, %gt3A_354 : vector<16xf32>
      %jit3A_356 = arith.constant 0.000000e+00 : f32
      %broadcast_in_dim3A_357 = vector.broadcast %jit3A_356 : f32 to vector<16xf32>
      %select_n3A_358 = arith.select %gt3A_355, %get3A_353, %broadcast_in_dim3A_357 : vector<16xi1>, vector<16xf32>
      %add3A_359 = arith.addf %add3A_342, %select_n3A_358 : vector<16xf32>
      %jit3A_360 = arith.constant 1.000000e+00 : f32
      %jit3A_361 = arith.constant 0.000000e+00 : f32
      %broadcast_in_dim3A_362 = vector.broadcast %jit3A_360 : f32 to vector<16xf32>
      %broadcast_in_dim3A_363 = vector.broadcast %jit3A_361 : f32 to vector<16xf32>
      %select_n3A_364 = arith.select %gt3A_355, %broadcast_in_dim3A_362, %broadcast_in_dim3A_363 : vector<16xi1>, vector<16xf32>
      %add3A_365 = arith.addf %add3A_348, %select_n3A_364 : vector<16xf32>
      %get3A_366 = arith.constant 1 : i32
      %get3A_367 = arith.index_cast %get3A_366 : i32 to index
      %get3A_368 = arith.index_cast %scan3A_146 : i32 to index
      %get3A_369 = arith.constant 208 : index
      %get3A_370 = tpu.vector_load %arg5[%get3A_367, %get3A_368, %get3A_369] {strides = array<i32>} : memref<4x16x512xf32, #tpu.memory_space<vmem>>, vector<16xf32>,
      %gt3A_371 = vector.broadcast %scan3A_96 : f32 to vector<16xf32>
      %gt3A_372 = arith.cmpf ogt, %get3A_370, %gt3A_371 : vector<16xf32>
      %jit3A_373 = arith.constant 0.000000e+00 : f32
      %broadcast_in_dim3A_374 = vector.broadcast %jit3A_373 : f32 to vector<16xf32>
      %select_n3A_375 = arith.select %gt3A_372, %get3A_370, %broadcast_in_dim3A_374 : vector<16xi1>, vector<16xf32>
      %add3A_376 = arith.addf %add3A_359, %select_n3A_375 : vector<16xf32>
      %jit3A_377 = arith.constant 1.000000e+00 : f32
      %jit3A_378 = arith.constant 0.000000e+00 : f32
      %broadcast_in_dim3A_379 = vector.broadcast %jit3A_377 : f32 to vector<16xf32>
      %broadcast_in_dim3A_380 = vector.broadcast %jit3A_378 : f32 to vector<16xf32>
      %select_n3A_381 = arith.select %gt3A_372, %broadcast_in_dim3A_379, %broadcast_in_dim3A_380 : vector<16xi1>, vector<16xf32>
      %add3A_382 = arith.addf %add3A_365, %select_n3A_381 : vector<16xf32>
      %get3A_383 = arith.constant 1 : i32
      %get3A_384 = arith.index_cast %get3A_383 : i32 to index
      %get3A_385 = arith.index_cast %scan3A_146 : i32 to index
      %get3A_386 = arith.constant 224 : index
      %get3A_387 = tpu.vector_load %arg5[%get3A_384, %get3A_385, %get3A_386] {strides = array<i32>} : memref<4x16x512xf32, #tpu.memory_space<vmem>>, vector<16xf32>,
      %gt3A_388 = vector.broadcast %scan3A_96 : f32 to vector<16xf32>
      %gt3A_389 = arith.cmpf ogt, %get3A_387, %gt3A_388 : vector<16xf32>
      %jit3A_390 = arith.constant 0.000000e+00 : f32
      %broadcast_in_dim3A_391 = vector.broadcast %jit3A_390 : f32 to vector<16xf32>
      %select_n3A_392 = arith.select %gt3A_389, %get3A_387, %broadcast_in_dim3A_391 : vector<16xi1>, vector<16xf32>
      %add3A_393 = arith.addf %add3A_376, %select_n3A_392 : vector<16xf32>
      %jit3A_394 = arith.constant 1.000000e+00 : f32
      %jit3A_395 = arith.constant 0.000000e+00 : f32
      %broadcast_in_dim3A_396 = vector.broadcast %jit3A_394 : f32 to vector<16xf32>
      %broadcast_in_dim3A_397 = vector.broadcast %jit3A_395 : f32 to vector<16xf32>
      %select_n3A_398 = arith.select %gt3A_389, %broadcast_in_dim3A_396, %broadcast_in_dim3A_397 : vector<16xi1>, vector<16xf32>
      %add3A_399 = arith.addf %add3A_382, %select_n3A_398 : vector<16xf32>
      %get3A_400 = arith.constant 1 : i32
      %get3A_401 = arith.index_cast %get3A_400 : i32 to index
      %get3A_402 = arith.index_cast %scan3A_146 : i32 to index
      %get3A_403 = arith.constant 240 : index
      %get3A_404 = tpu.vector_load %arg5[%get3A_401, %get3A_402, %get3A_403] {strides = array<i32>} : memref<4x16x512xf32, #tpu.memory_space<vmem>>, vector<16xf32>,
      %gt3A_405 = vector.broadcast %scan3A_96 : f32 to vector<16xf32>
      %gt3A_406 = arith.cmpf ogt, %get3A_404, %gt3A_405 : vector<16xf32>
      %jit3A_407 = arith.constant 0.000000e+00 : f32
      %broadcast_in_dim3A_408 = vector.broadcast %jit3A_407 : f32 to vector<16xf32>
      %select_n3A_409 = arith.select %gt3A_406, %get3A_404, %broadcast_in_dim3A_408 : vector<16xi1>, vector<16xf32>
      %add3A_410 = arith.addf %add3A_393, %select_n3A_409 : vector<16xf32>
      %jit3A_411 = arith.constant 1.000000e+00 : f32
      %jit3A_412 = arith.constant 0.000000e+00 : f32
      %broadcast_in_dim3A_413 = vector.broadcast %jit3A_411 : f32 to vector<16xf32>
      %broadcast_in_dim3A_414 = vector.broadcast %jit3A_412 : f32 to vector<16xf32>
      %select_n3A_415 = arith.select %gt3A_406, %broadcast_in_dim3A_413, %broadcast_in_dim3A_414 : vector<16xi1>, vector<16xf32>
      %add3A_416 = arith.addf %add3A_399, %select_n3A_415 : vector<16xf32>
      %get3A_417 = arith.constant 1 : i32
      %get3A_418 = arith.index_cast %get3A_417 : i32 to index
      %get3A_419 = arith.index_cast %scan3A_146 : i32 to index
      %get3A_420 = arith.constant 256 : index
      %get3A_421 = tpu.vector_load %arg5[%get3A_418, %get3A_419, %get3A_420] {strides = array<i32>} : memref<4x16x512xf32, #tpu.memory_space<vmem>>, vector<16xf32>,
      %gt3A_422 = vector.broadcast %scan3A_96 : f32 to vector<16xf32>
      %gt3A_423 = arith.cmpf ogt, %get3A_421, %gt3A_422 : vector<16xf32>
      %jit3A_424 = arith.constant 0.000000e+00 : f32
      %broadcast_in_dim3A_425 = vector.broadcast %jit3A_424 : f32 to vector<16xf32>
      %select_n3A_426 = arith.select %gt3A_423, %get3A_421, %broadcast_in_dim3A_425 : vector<16xi1>, vector<16xf32>
      %add3A_427 = arith.addf %add3A_410, %select_n3A_426 : vector<16xf32>
      %jit3A_428 = arith.constant 1.000000e+00 : f32
      %jit3A_429 = arith.constant 0.000000e+00 : f32
      %broadcast_in_dim3A_430 = vector.broadcast %jit3A_428 : f32 to vector<16xf32>
      %broadcast_in_dim3A_431 = vector.broadcast %jit3A_429 : f32 to vector<16xf32>
      %select_n3A_432 = arith.select %gt3A_423, %broadcast_in_dim3A_430, %broadcast_in_dim3A_431 : vector<16xi1>, vector<16xf32>
      %add3A_433 = arith.addf %add3A_416, %select_n3A_432 : vector<16xf32>
      %get3A_434 = arith.constant 1 : i32
      %get3A_435 = arith.index_cast %get3A_434 : i32 to index
      %get3A_436 = arith.index_cast %scan3A_146 : i32 to index
      %get3A_437 = arith.constant 272 : index
      %get3A_438 = tpu.vector_load %arg5[%get3A_435, %get3A_436, %get3A_437] {strides = array<i32>} : memref<4x16x512xf32, #tpu.memory_space<vmem>>, vector<16xf32>,
      %gt3A_439 = vector.broadcast %scan3A_96 : f32 to vector<16xf32>
      %gt3A_440 = arith.cmpf ogt, %get3A_438, %gt3A_439 : vector<16xf32>
      %jit3A_441 = arith.constant 0.000000e+00 : f32
      %broadcast_in_dim3A_442 = vector.broadcast %jit3A_441 : f32 to vector<16xf32>
      %select_n3A_443 = arith.select %gt3A_440, %get3A_438, %broadcast_in_dim3A_442 : vector<16xi1>, vector<16xf32>
      %add3A_444 = arith.addf %add3A_427, %select_n3A_443 : vector<16xf32>
      %jit3A_445 = arith.constant 1.000000e+00 : f32
      %jit3A_446 = arith.constant 0.000000e+00 : f32
      %broadcast_in_dim3A_447 = vector.broadcast %jit3A_445 : f32 to vector<16xf32>
      %broadcast_in_dim3A_448 = vector.broadcast %jit3A_446 : f32 to vector<16xf32>
      %select_n3A_449 = arith.select %gt3A_440, %broadcast_in_dim3A_447, %broadcast_in_dim3A_448 : vector<16xi1>, vector<16xf32>
      %add3A_450 = arith.addf %add3A_433, %select_n3A_449 : vector<16xf32>
      %get3A_451 = arith.constant 1 : i32
      %get3A_452 = arith.index_cast %get3A_451 : i32 to index
      %get3A_453 = arith.index_cast %scan3A_146 : i32 to index
      %get3A_454 = arith.constant 288 : index
      %get3A_455 = tpu.vector_load %arg5[%get3A_452, %get3A_453, %get3A_454] {strides = array<i32>} : memref<4x16x512xf32, #tpu.memory_space<vmem>>, vector<16xf32>,
      %gt3A_456 = vector.broadcast %scan3A_96 : f32 to vector<16xf32>
      %gt3A_457 = arith.cmpf ogt, %get3A_455, %gt3A_456 : vector<16xf32>
      %jit3A_458 = arith.constant 0.000000e+00 : f32
      %broadcast_in_dim3A_459 = vector.broadcast %jit3A_458 : f32 to vector<16xf32>
      %select_n3A_460 = arith.select %gt3A_457, %get3A_455, %broadcast_in_dim3A_459 : vector<16xi1>, vector<16xf32>
      %add3A_461 = arith.addf %add3A_444, %select_n3A_460 : vector<16xf32>
      %jit3A_462 = arith.constant 1.000000e+00 : f32
      %jit3A_463 = arith.constant 0.000000e+00 : f32
      %broadcast_in_dim3A_464 = vector.broadcast %jit3A_462 : f32 to vector<16xf32>
      %broadcast_in_dim3A_465 = vector.broadcast %jit3A_463 : f32 to vector<16xf32>
      %select_n3A_466 = arith.select %gt3A_457, %broadcast_in_dim3A_464, %broadcast_in_dim3A_465 : vector<16xi1>, vector<16xf32>
      %add3A_467 = arith.addf %add3A_450, %select_n3A_466 : vector<16xf32>
      %get3A_468 = arith.constant 1 : i32
      %get3A_469 = arith.index_cast %get3A_468 : i32 to index
      %get3A_470 = arith.index_cast %scan3A_146 : i32 to index
      %get3A_471 = arith.constant 304 : index
      %get3A_472 = tpu.vector_load %arg5[%get3A_469, %get3A_470, %get3A_471] {strides = array<i32>} : memref<4x16x512xf32, #tpu.memory_space<vmem>>, vector<16xf32>,
      %gt3A_473 = vector.broadcast %scan3A_96 : f32 to vector<16xf32>
      %gt3A_474 = arith.cmpf ogt, %get3A_472, %gt3A_473 : vector<16xf32>
      %jit3A_475 = arith.constant 0.000000e+00 : f32
      %broadcast_in_dim3A_476 = vector.broadcast %jit3A_475 : f32 to vector<16xf32>
      %select_n3A_477 = arith.select %gt3A_474, %get3A_472, %broadcast_in_dim3A_476 : vector<16xi1>, vector<16xf32>
      %add3A_478 = arith.addf %add3A_461, %select_n3A_477 : vector<16xf32>
      %jit3A_479 = arith.constant 1.000000e+00 : f32
      %jit3A_480 = arith.constant 0.000000e+00 : f32
      %broadcast_in_dim3A_481 = vector.broadcast %jit3A_479 : f32 to vector<16xf32>
      %broadcast_in_dim3A_482 = vector.broadcast %jit3A_480 : f32 to vector<16xf32>
      %select_n3A_483 = arith.select %gt3A_474, %broadcast_in_dim3A_481, %broadcast_in_dim3A_482 : vector<16xi1>, vector<16xf32>
      %add3A_484 = arith.addf %add3A_467, %select_n3A_483 : vector<16xf32>
      %get3A_485 = arith.constant 1 : i32
      %get3A_486 = arith.index_cast %get3A_485 : i32 to index
      %get3A_487 = arith.index_cast %scan3A_146 : i32 to index
      %get3A_488 = arith.constant 320 : index
      %get3A_489 = tpu.vector_load %arg5[%get3A_486, %get3A_487, %get3A_488] {strides = array<i32>} : memref<4x16x512xf32, #tpu.memory_space<vmem>>, vector<16xf32>,
      %gt3A_490 = vector.broadcast %scan3A_96 : f32 to vector<16xf32>
      %gt3A_491 = arith.cmpf ogt, %get3A_489, %gt3A_490 : vector<16xf32>
      %jit3A_492 = arith.constant 0.000000e+00 : f32
      %broadcast_in_dim3A_493 = vector.broadcast %jit3A_492 : f32 to vector<16xf32>
      %select_n3A_494 = arith.select %gt3A_491, %get3A_489, %broadcast_in_dim3A_493 : vector<16xi1>, vector<16xf32>
      %add3A_495 = arith.addf %add3A_478, %select_n3A_494 : vector<16xf32>
      %jit3A_496 = arith.constant 1.000000e+00 : f32
      %jit3A_497 = arith.constant 0.000000e+00 : f32
      %broadcast_in_dim3A_498 = vector.broadcast %jit3A_496 : f32 to vector<16xf32>
      %broadcast_in_dim3A_499 = vector.broadcast %jit3A_497 : f32 to vector<16xf32>
      %select_n3A_500 = arith.select %gt3A_491, %broadcast_in_dim3A_498, %broadcast_in_dim3A_499 : vector<16xi1>, vector<16xf32>
      %add3A_501 = arith.addf %add3A_484, %select_n3A_500 : vector<16xf32>
      %get3A_502 = arith.constant 1 : i32
      %get3A_503 = arith.index_cast %get3A_502 : i32 to index
      %get3A_504 = arith.index_cast %scan3A_146 : i32 to index
      %get3A_505 = arith.constant 336 : index
      %get3A_506 = tpu.vector_load %arg5[%get3A_503, %get3A_504, %get3A_505] {strides = array<i32>} : memref<4x16x512xf32, #tpu.memory_space<vmem>>, vector<16xf32>,
      %gt3A_507 = vector.broadcast %scan3A_96 : f32 to vector<16xf32>
      %gt3A_508 = arith.cmpf ogt, %get3A_506, %gt3A_507 : vector<16xf32>
      %jit3A_509 = arith.constant 0.000000e+00 : f32
      %broadcast_in_dim3A_510 = vector.broadcast %jit3A_509 : f32 to vector<16xf32>
      %select_n3A_511 = arith.select %gt3A_508, %get3A_506, %broadcast_in_dim3A_510 : vector<16xi1>, vector<16xf32>
      %add3A_512 = arith.addf %add3A_495, %select_n3A_511 : vector<16xf32>
      %jit3A_513 = arith.constant 1.000000e+00 : f32
      %jit3A_514 = arith.constant 0.000000e+00 : f32
      %broadcast_in_dim3A_515 = vector.broadcast %jit3A_513 : f32 to vector<16xf32>
      %broadcast_in_dim3A_516 = vector.broadcast %jit3A_514 : f32 to vector<16xf32>
      %select_n3A_517 = arith.select %gt3A_508, %broadcast_in_dim3A_515, %broadcast_in_dim3A_516 : vector<16xi1>, vector<16xf32>
      %add3A_518 = arith.addf %add3A_501, %select_n3A_517 : vector<16xf32>
      %get3A_519 = arith.constant 1 : i32
      %get3A_520 = arith.index_cast %get3A_519 : i32 to index
      %get3A_521 = arith.index_cast %scan3A_146 : i32 to index
      %get3A_522 = arith.constant 352 : index
      %get3A_523 = tpu.vector_load %arg5[%get3A_520, %get3A_521, %get3A_522] {strides = array<i32>} : memref<4x16x512xf32, #tpu.memory_space<vmem>>, vector<16xf32>,
      %gt3A_524 = vector.broadcast %scan3A_96 : f32 to vector<16xf32>
      %gt3A_525 = arith.cmpf ogt, %get3A_523, %gt3A_524 : vector<16xf32>
      %jit3A_526 = arith.constant 0.000000e+00 : f32
      %broadcast_in_dim3A_527 = vector.broadcast %jit3A_526 : f32 to vector<16xf32>
      %select_n3A_528 = arith.select %gt3A_525, %get3A_523, %broadcast_in_dim3A_527 : vector<16xi1>, vector<16xf32>
      %add3A_529 = arith.addf %add3A_512, %select_n3A_528 : vector<16xf32>
      %jit3A_530 = arith.constant 1.000000e+00 : f32
      %jit3A_531 = arith.constant 0.000000e+00 : f32
      %broadcast_in_dim3A_532 = vector.broadcast %jit3A_530 : f32 to vector<16xf32>
      %broadcast_in_dim3A_533 = vector.broadcast %jit3A_531 : f32 to vector<16xf32>
      %select_n3A_534 = arith.select %gt3A_525, %broadcast_in_dim3A_532, %broadcast_in_dim3A_533 : vector<16xi1>, vector<16xf32>
      %add3A_535 = arith.addf %add3A_518, %select_n3A_534 : vector<16xf32>
      %get3A_536 = arith.constant 1 : i32
      %get3A_537 = arith.index_cast %get3A_536 : i32 to index
      %get3A_538 = arith.index_cast %scan3A_146 : i32 to index
      %get3A_539 = arith.constant 368 : index
      %get3A_540 = tpu.vector_load %arg5[%get3A_537, %get3A_538, %get3A_539] {strides = array<i32>} : memref<4x16x512xf32, #tpu.memory_space<vmem>>, vector<16xf32>,
      %gt3A_541 = vector.broadcast %scan3A_96 : f32 to vector<16xf32>
      %gt3A_542 = arith.cmpf ogt, %get3A_540, %gt3A_541 : vector<16xf32>
      %jit3A_543 = arith.constant 0.000000e+00 : f32
      %broadcast_in_dim3A_544 = vector.broadcast %jit3A_543 : f32 to vector<16xf32>
      %select_n3A_545 = arith.select %gt3A_542, %get3A_540, %broadcast_in_dim3A_544 : vector<16xi1>, vector<16xf32>
      %add3A_546 = arith.addf %add3A_529, %select_n3A_545 : vector<16xf32>
      %jit3A_547 = arith.constant 1.000000e+00 : f32
      %jit3A_548 = arith.constant 0.000000e+00 : f32
      %broadcast_in_dim3A_549 = vector.broadcast %jit3A_547 : f32 to vector<16xf32>
      %broadcast_in_dim3A_550 = vector.broadcast %jit3A_548 : f32 to vector<16xf32>
      %select_n3A_551 = arith.select %gt3A_542, %broadcast_in_dim3A_549, %broadcast_in_dim3A_550 : vector<16xi1>, vector<16xf32>
      %add3A_552 = arith.addf %add3A_535, %select_n3A_551 : vector<16xf32>
      %get3A_553 = arith.constant 1 : i32
      %get3A_554 = arith.index_cast %get3A_553 : i32 to index
      %get3A_555 = arith.index_cast %scan3A_146 : i32 to index
      %get3A_556 = arith.constant 384 : index
      %get3A_557 = tpu.vector_load %arg5[%get3A_554, %get3A_555, %get3A_556] {strides = array<i32>} : memref<4x16x512xf32, #tpu.memory_space<vmem>>, vector<16xf32>,
      %gt3A_558 = vector.broadcast %scan3A_96 : f32 to vector<16xf32>
      %gt3A_559 = arith.cmpf ogt, %get3A_557, %gt3A_558 : vector<16xf32>
      %jit3A_560 = arith.constant 0.000000e+00 : f32
      %broadcast_in_dim3A_561 = vector.broadcast %jit3A_560 : f32 to vector<16xf32>
      %select_n3A_562 = arith.select %gt3A_559, %get3A_557, %broadcast_in_dim3A_561 : vector<16xi1>, vector<16xf32>
      %add3A_563 = arith.addf %add3A_546, %select_n3A_562 : vector<16xf32>
      %jit3A_564 = arith.constant 1.000000e+00 : f32
      %jit3A_565 = arith.constant 0.000000e+00 : f32
      %broadcast_in_dim3A_566 = vector.broadcast %jit3A_564 : f32 to vector<16xf32>
      %broadcast_in_dim3A_567 = vector.broadcast %jit3A_565 : f32 to vector<16xf32>
      %select_n3A_568 = arith.select %gt3A_559, %broadcast_in_dim3A_566, %broadcast_in_dim3A_567 : vector<16xi1>, vector<16xf32>
      %add3A_569 = arith.addf %add3A_552, %select_n3A_568 : vector<16xf32>
      %get3A_570 = arith.constant 1 : i32
      %get3A_571 = arith.index_cast %get3A_570 : i32 to index
      %get3A_572 = arith.index_cast %scan3A_146 : i32 to index
      %get3A_573 = arith.constant 400 : index
      %get3A_574 = tpu.vector_load %arg5[%get3A_571, %get3A_572, %get3A_573] {strides = array<i32>} : memref<4x16x512xf32, #tpu.memory_space<vmem>>, vector<16xf32>,
      %gt3A_575 = vector.broadcast %scan3A_96 : f32 to vector<16xf32>
      %gt3A_576 = arith.cmpf ogt, %get3A_574, %gt3A_575 : vector<16xf32>
      %jit3A_577 = arith.constant 0.000000e+00 : f32
      %broadcast_in_dim3A_578 = vector.broadcast %jit3A_577 : f32 to vector<16xf32>
      %select_n3A_579 = arith.select %gt3A_576, %get3A_574, %broadcast_in_dim3A_578 : vector<16xi1>, vector<16xf32>
      %add3A_580 = arith.addf %add3A_563, %select_n3A_579 : vector<16xf32>
      %jit3A_581 = arith.constant 1.000000e+00 : f32
      %jit3A_582 = arith.constant 0.000000e+00 : f32
      %broadcast_in_dim3A_583 = vector.broadcast %jit3A_581 : f32 to vector<16xf32>
      %broadcast_in_dim3A_584 = vector.broadcast %jit3A_582 : f32 to vector<16xf32>
      %select_n3A_585 = arith.select %gt3A_576, %broadcast_in_dim3A_583, %broadcast_in_dim3A_584 : vector<16xi1>, vector<16xf32>
      %add3A_586 = arith.addf %add3A_569, %select_n3A_585 : vector<16xf32>
      %get3A_587 = arith.constant 1 : i32
      %get3A_588 = arith.index_cast %get3A_587 : i32 to index
      %get3A_589 = arith.index_cast %scan3A_146 : i32 to index
      %get3A_590 = arith.constant 416 : index
      %get3A_591 = tpu.vector_load %arg5[%get3A_588, %get3A_589, %get3A_590] {strides = array<i32>} : memref<4x16x512xf32, #tpu.memory_space<vmem>>, vector<16xf32>,
      %gt3A_592 = vector.broadcast %scan3A_96 : f32 to vector<16xf32>
      %gt3A_593 = arith.cmpf ogt, %get3A_591, %gt3A_592 : vector<16xf32>
      %jit3A_594 = arith.constant 0.000000e+00 : f32
      %broadcast_in_dim3A_595 = vector.broadcast %jit3A_594 : f32 to vector<16xf32>
      %select_n3A_596 = arith.select %gt3A_593, %get3A_591, %broadcast_in_dim3A_595 : vector<16xi1>, vector<16xf32>
      %add3A_597 = arith.addf %add3A_580, %select_n3A_596 : vector<16xf32>
      %jit3A_598 = arith.constant 1.000000e+00 : f32
      %jit3A_599 = arith.constant 0.000000e+00 : f32
      %broadcast_in_dim3A_600 = vector.broadcast %jit3A_598 : f32 to vector<16xf32>
      %broadcast_in_dim3A_601 = vector.broadcast %jit3A_599 : f32 to vector<16xf32>
      %select_n3A_602 = arith.select %gt3A_593, %broadcast_in_dim3A_600, %broadcast_in_dim3A_601 : vector<16xi1>, vector<16xf32>
      %add3A_603 = arith.addf %add3A_586, %select_n3A_602 : vector<16xf32>
      %get3A_604 = arith.constant 1 : i32
      %get3A_605 = arith.index_cast %get3A_604 : i32 to index
      %get3A_606 = arith.index_cast %scan3A_146 : i32 to index
      %get3A_607 = arith.constant 432 : index
      %get3A_608 = tpu.vector_load %arg5[%get3A_605, %get3A_606, %get3A_607] {strides = array<i32>} : memref<4x16x512xf32, #tpu.memory_space<vmem>>, vector<16xf32>,
      %gt3A_609 = vector.broadcast %scan3A_96 : f32 to vector<16xf32>
      %gt3A_610 = arith.cmpf ogt, %get3A_608, %gt3A_609 : vector<16xf32>
      %jit3A_611 = arith.constant 0.000000e+00 : f32
      %broadcast_in_dim3A_612 = vector.broadcast %jit3A_611 : f32 to vector<16xf32>
      %select_n3A_613 = arith.select %gt3A_610, %get3A_608, %broadcast_in_dim3A_612 : vector<16xi1>, vector<16xf32>
      %add3A_614 = arith.addf %add3A_597, %select_n3A_613 : vector<16xf32>
      %jit3A_615 = arith.constant 1.000000e+00 : f32
      %jit3A_616 = arith.constant 0.000000e+00 : f32
      %broadcast_in_dim3A_617 = vector.broadcast %jit3A_615 : f32 to vector<16xf32>
      %broadcast_in_dim3A_618 = vector.broadcast %jit3A_616 : f32 to vector<16xf32>
      %select_n3A_619 = arith.select %gt3A_610, %broadcast_in_dim3A_617, %broadcast_in_dim3A_618 : vector<16xi1>, vector<16xf32>
      %add3A_620 = arith.addf %add3A_603, %select_n3A_619 : vector<16xf32>
      %get3A_621 = arith.constant 1 : i32
      %get3A_622 = arith.index_cast %get3A_621 : i32 to index
      %get3A_623 = arith.index_cast %scan3A_146 : i32 to index
      %get3A_624 = arith.constant 448 : index
      %get3A_625 = tpu.vector_load %arg5[%get3A_622, %get3A_623, %get3A_624] {strides = array<i32>} : memref<4x16x512xf32, #tpu.memory_space<vmem>>, vector<16xf32>,
      %gt3A_626 = vector.broadcast %scan3A_96 : f32 to vector<16xf32>
      %gt3A_627 = arith.cmpf ogt, %get3A_625, %gt3A_626 : vector<16xf32>
      %jit3A_628 = arith.constant 0.000000e+00 : f32
      %broadcast_in_dim3A_629 = vector.broadcast %jit3A_628 : f32 to vector<16xf32>
      %select_n3A_630 = arith.select %gt3A_627, %get3A_625, %broadcast_in_dim3A_629 : vector<16xi1>, vector<16xf32>
      %add3A_631 = arith.addf %add3A_614, %select_n3A_630 : vector<16xf32>
      %jit3A_632 = arith.constant 1.000000e+00 : f32
      %jit3A_633 = arith.constant 0.000000e+00 : f32
      %broadcast_in_dim3A_634 = vector.broadcast %jit3A_632 : f32 to vector<16xf32>
      %broadcast_in_dim3A_635 = vector.broadcast %jit3A_633 : f32 to vector<16xf32>
      %select_n3A_636 = arith.select %gt3A_627, %broadcast_in_dim3A_634, %broadcast_in_dim3A_635 : vector<16xi1>, vector<16xf32>
      %add3A_637 = arith.addf %add3A_620, %select_n3A_636 : vector<16xf32>
      %get3A_638 = arith.constant 1 : i32
      %get3A_639 = arith.index_cast %get3A_638 : i32 to index
      %get3A_640 = arith.index_cast %scan3A_146 : i32 to index
      %get3A_641 = arith.constant 464 : index
      %get3A_642 = tpu.vector_load %arg5[%get3A_639, %get3A_640, %get3A_641] {strides = array<i32>} : memref<4x16x512xf32, #tpu.memory_space<vmem>>, vector<16xf32>,
      %gt3A_643 = vector.broadcast %scan3A_96 : f32 to vector<16xf32>
      %gt3A_644 = arith.cmpf ogt, %get3A_642, %gt3A_643 : vector<16xf32>
      %jit3A_645 = arith.constant 0.000000e+00 : f32
      %broadcast_in_dim3A_646 = vector.broadcast %jit3A_645 : f32 to vector<16xf32>
      %select_n3A_647 = arith.select %gt3A_644, %get3A_642, %broadcast_in_dim3A_646 : vector<16xi1>, vector<16xf32>
      %add3A_648 = arith.addf %add3A_631, %select_n3A_647 : vector<16xf32>
      %jit3A_649 = arith.constant 1.000000e+00 : f32
      %jit3A_650 = arith.constant 0.000000e+00 : f32
      %broadcast_in_dim3A_651 = vector.broadcast %jit3A_649 : f32 to vector<16xf32>
      %broadcast_in_dim3A_652 = vector.broadcast %jit3A_650 : f32 to vector<16xf32>
      %select_n3A_653 = arith.select %gt3A_644, %broadcast_in_dim3A_651, %broadcast_in_dim3A_652 : vector<16xi1>, vector<16xf32>
      %add3A_654 = arith.addf %add3A_637, %select_n3A_653 : vector<16xf32>
      %get3A_655 = arith.constant 1 : i32
      %get3A_656 = arith.index_cast %get3A_655 : i32 to index
      %get3A_657 = arith.index_cast %scan3A_146 : i32 to index
      %get3A_658 = arith.constant 480 : index
      %get3A_659 = tpu.vector_load %arg5[%get3A_656, %get3A_657, %get3A_658] {strides = array<i32>} : memref<4x16x512xf32, #tpu.memory_space<vmem>>, vector<16xf32>,
      %gt3A_660 = vector.broadcast %scan3A_96 : f32 to vector<16xf32>
      %gt3A_661 = arith.cmpf ogt, %get3A_659, %gt3A_660 : vector<16xf32>
      %jit3A_662 = arith.constant 0.000000e+00 : f32
      %broadcast_in_dim3A_663 = vector.broadcast %jit3A_662 : f32 to vector<16xf32>
      %select_n3A_664 = arith.select %gt3A_661, %get3A_659, %broadcast_in_dim3A_663 : vector<16xi1>, vector<16xf32>
      %add3A_665 = arith.addf %add3A_648, %select_n3A_664 : vector<16xf32>
      %jit3A_666 = arith.constant 1.000000e+00 : f32
      %jit3A_667 = arith.constant 0.000000e+00 : f32
      %broadcast_in_dim3A_668 = vector.broadcast %jit3A_666 : f32 to vector<16xf32>
      %broadcast_in_dim3A_669 = vector.broadcast %jit3A_667 : f32 to vector<16xf32>
      %select_n3A_670 = arith.select %gt3A_661, %broadcast_in_dim3A_668, %broadcast_in_dim3A_669 : vector<16xi1>, vector<16xf32>
      %add3A_671 = arith.addf %add3A_654, %select_n3A_670 : vector<16xf32>
      %get3A_672 = arith.constant 1 : i32
      %get3A_673 = arith.index_cast %get3A_672 : i32 to index
      %get3A_674 = arith.index_cast %scan3A_146 : i32 to index
      %get3A_675 = arith.constant 496 : index
      %get3A_676 = tpu.vector_load %arg5[%get3A_673, %get3A_674, %get3A_675] {strides = array<i32>} : memref<4x16x512xf32, #tpu.memory_space<vmem>>, vector<16xf32>,
      %gt3A_677 = vector.broadcast %scan3A_96 : f32 to vector<16xf32>
      %gt3A_678 = arith.cmpf ogt, %get3A_676, %gt3A_677 : vector<16xf32>
      %jit3A_679 = arith.constant 0.000000e+00 : f32
      %broadcast_in_dim3A_680 = vector.broadcast %jit3A_679 : f32 to vector<16xf32>
      %select_n3A_681 = arith.select %gt3A_678, %get3A_676, %broadcast_in_dim3A_680 : vector<16xi1>, vector<16xf32>
      %add3A_682 = arith.addf %add3A_665, %select_n3A_681 : vector<16xf32>
      %jit3A_683 = arith.constant 1.000000e+00 : f32
      %jit3A_684 = arith.constant 0.000000e+00 : f32
      %broadcast_in_dim3A_685 = vector.broadcast %jit3A_683 : f32 to vector<16xf32>
      %broadcast_in_dim3A_686 = vector.broadcast %jit3A_684 : f32 to vector<16xf32>
      %select_n3A_687 = arith.select %gt3A_678, %broadcast_in_dim3A_685, %broadcast_in_dim3A_686 : vector<16xi1>, vector<16xf32>
      %add3A_688 = arith.addf %add3A_671, %select_n3A_687 : vector<16xf32>
      scf.yield %add3A_682, %add3A_688 : vector<16xf32>, vector<16xf32>
    }
    %scan3A_102 = arith.constant 16 : i32
    %dma_wait3A_103 = arith.constant 2 : i32
    %dma_wait3A_104 = arith.constant 0 : i32
    %dma_wait3A_105 = arith.constant 0 : i32
    %dma_wait3A_106 = tpu.memref_slice %arg5[%dma_wait3A_103, %dma_wait3A_104, %dma_wait3A_105] : memref<4x16x512xf32, #tpu.memory_space<vmem>> -> memref<1x16x512xf32, #tpu.memory_space<vmem>>
    %dma_wait3A_107 = tpu.memref_squeeze %dma_wait3A_106 : memref<1x16x512xf32, #tpu.memory_space<vmem>> -> memref<16x512xf32, #tpu.memory_space<vmem>>
    %dma_wait3A_108 = arith.constant 0 : i32
    %dma_wait3A_109 = tpu.memref_slice %arg2[%add3A_33, %dma_wait3A_108] : memref<2048x512xf32, #tpu.memory_space<hbm>> -> memref<16x512xf32, #tpu.memory_space<hbm>>
    %dma_wait3A_110 = arith.constant 0 : i32
    %dma_wait3A_111 = arith.constant 0 : i32
    %dma_wait3A_112 = tpu.memref_slice %arg5[%dma_wait3A_103, %dma_wait3A_110, %dma_wait3A_111] : memref<4x16x512xf32, #tpu.memory_space<vmem>> -> memref<1x16x512xf32, #tpu.memory_space<vmem>>
    %dma_wait3A_113 = tpu.memref_squeeze %dma_wait3A_112 : memref<1x16x512xf32, #tpu.memory_space<vmem>> -> memref<16x512xf32, #tpu.memory_space<vmem>>
    %dma_wait3A_114 = arith.constant 0 : i32
    %dma_wait3A_115 = tpu.memref_slice %arg2[%add3A_33, %dma_wait3A_114] : memref<2048x512xf32, #tpu.memory_space<hbm>> -> memref<16x512xf32, #tpu.memory_space<hbm>>
    tpu.wait_dma2 semaphore(%arg10 : memref<!tpu.dma_semaphore, #tpu.memory_space<semaphore_mem>>) src(%dma_wait3A_115 : memref<16x512xf32, #tpu.memory_space<hbm>>) dst(%dma_wait3A_113 : memref<16x512xf32, #tpu.memory_space<vmem>>)
    %scan3A_116 = arith.constant 0.356674939 : f32
    %scan3A_117 = arith.constant 0 : i32
    %scan3A_118 = arith.constant 16 : i32
    %scan3A_119 = arith.addi %scan3A_117, %scan3A_118 : i32
    %scan3A_120 = arith.constant 1 : i32
    %scan3A_121:2 = scf.for %scan3A_146 = %scan3A_117 to %scan3A_119 step %scan3A_120 iter_args(%scan3A_147 = %scan3A_101#0, %scan3A_148 = %scan3A_101#1) -> (vector<16xf32>, vector<16xf32>)  : i32 {
      %get3A = arith.constant 2 : i32
      %get3A_149 = arith.index_cast %get3A : i32 to index
      %get3A_150 = arith.index_cast %scan3A_146 : i32 to index
      %get3A_151 = arith.constant 0 : index
      %get3A_152 = tpu.vector_load %arg5[%get3A_149, %get3A_150, %get3A_151] {strides = array<i32>} : memref<4x16x512xf32, #tpu.memory_space<vmem>>, vector<16xf32>,
      %gt3A = vector.broadcast %scan3A_116 : f32 to vector<16xf32>
      %gt3A_153 = arith.cmpf ogt, %get3A_152, %gt3A : vector<16xf32>
      %jit3A = arith.constant 0.000000e+00 : f32
      %broadcast_in_dim3A_154 = vector.broadcast %jit3A : f32 to vector<16xf32>
      %select_n3A = arith.select %gt3A_153, %get3A_152, %broadcast_in_dim3A_154 : vector<16xi1>, vector<16xf32>
      %add3A_155 = arith.addf %scan3A_147, %select_n3A : vector<16xf32>
      %jit3A_156 = arith.constant 1.000000e+00 : f32
      %jit3A_157 = arith.constant 0.000000e+00 : f32
      %broadcast_in_dim3A_158 = vector.broadcast %jit3A_156 : f32 to vector<16xf32>
      %broadcast_in_dim3A_159 = vector.broadcast %jit3A_157 : f32 to vector<16xf32>
      %select_n3A_160 = arith.select %gt3A_153, %broadcast_in_dim3A_158, %broadcast_in_dim3A_159 : vector<16xi1>, vector<16xf32>
      %add3A_161 = arith.addf %scan3A_148, %select_n3A_160 : vector<16xf32>
      %get3A_162 = arith.constant 2 : i32
      %get3A_163 = arith.index_cast %get3A_162 : i32 to index
      %get3A_164 = arith.index_cast %scan3A_146 : i32 to index
      %get3A_165 = arith.constant 16 : index
      %get3A_166 = tpu.vector_load %arg5[%get3A_163, %get3A_164, %get3A_165] {strides = array<i32>} : memref<4x16x512xf32, #tpu.memory_space<vmem>>, vector<16xf32>,
      %gt3A_167 = vector.broadcast %scan3A_116 : f32 to vector<16xf32>
      %gt3A_168 = arith.cmpf ogt, %get3A_166, %gt3A_167 : vector<16xf32>
      %jit3A_169 = arith.constant 0.000000e+00 : f32
      %broadcast_in_dim3A_170 = vector.broadcast %jit3A_169 : f32 to vector<16xf32>
      %select_n3A_171 = arith.select %gt3A_168, %get3A_166, %broadcast_in_dim3A_170 : vector<16xi1>, vector<16xf32>
      %add3A_172 = arith.addf %add3A_155, %select_n3A_171 : vector<16xf32>
      %jit3A_173 = arith.constant 1.000000e+00 : f32
      %jit3A_174 = arith.constant 0.000000e+00 : f32
      %broadcast_in_dim3A_175 = vector.broadcast %jit3A_173 : f32 to vector<16xf32>
      %broadcast_in_dim3A_176 = vector.broadcast %jit3A_174 : f32 to vector<16xf32>
      %select_n3A_177 = arith.select %gt3A_168, %broadcast_in_dim3A_175, %broadcast_in_dim3A_176 : vector<16xi1>, vector<16xf32>
      %add3A_178 = arith.addf %add3A_161, %select_n3A_177 : vector<16xf32>
      %get3A_179 = arith.constant 2 : i32
      %get3A_180 = arith.index_cast %get3A_179 : i32 to index
      %get3A_181 = arith.index_cast %scan3A_146 : i32 to index
      %get3A_182 = arith.constant 32 : index
      %get3A_183 = tpu.vector_load %arg5[%get3A_180, %get3A_181, %get3A_182] {strides = array<i32>} : memref<4x16x512xf32, #tpu.memory_space<vmem>>, vector<16xf32>,
      %gt3A_184 = vector.broadcast %scan3A_116 : f32 to vector<16xf32>
      %gt3A_185 = arith.cmpf ogt, %get3A_183, %gt3A_184 : vector<16xf32>
      %jit3A_186 = arith.constant 0.000000e+00 : f32
      %broadcast_in_dim3A_187 = vector.broadcast %jit3A_186 : f32 to vector<16xf32>
      %select_n3A_188 = arith.select %gt3A_185, %get3A_183, %broadcast_in_dim3A_187 : vector<16xi1>, vector<16xf32>
      %add3A_189 = arith.addf %add3A_172, %select_n3A_188 : vector<16xf32>
      %jit3A_190 = arith.constant 1.000000e+00 : f32
      %jit3A_191 = arith.constant 0.000000e+00 : f32
      %broadcast_in_dim3A_192 = vector.broadcast %jit3A_190 : f32 to vector<16xf32>
      %broadcast_in_dim3A_193 = vector.broadcast %jit3A_191 : f32 to vector<16xf32>
      %select_n3A_194 = arith.select %gt3A_185, %broadcast_in_dim3A_192, %broadcast_in_dim3A_193 : vector<16xi1>, vector<16xf32>
      %add3A_195 = arith.addf %add3A_178, %select_n3A_194 : vector<16xf32>
      %get3A_196 = arith.constant 2 : i32
      %get3A_197 = arith.index_cast %get3A_196 : i32 to index
      %get3A_198 = arith.index_cast %scan3A_146 : i32 to index
      %get3A_199 = arith.constant 48 : index
      %get3A_200 = tpu.vector_load %arg5[%get3A_197, %get3A_198, %get3A_199] {strides = array<i32>} : memref<4x16x512xf32, #tpu.memory_space<vmem>>, vector<16xf32>,
      %gt3A_201 = vector.broadcast %scan3A_116 : f32 to vector<16xf32>
      %gt3A_202 = arith.cmpf ogt, %get3A_200, %gt3A_201 : vector<16xf32>
      %jit3A_203 = arith.constant 0.000000e+00 : f32
      %broadcast_in_dim3A_204 = vector.broadcast %jit3A_203 : f32 to vector<16xf32>
      %select_n3A_205 = arith.select %gt3A_202, %get3A_200, %broadcast_in_dim3A_204 : vector<16xi1>, vector<16xf32>
      %add3A_206 = arith.addf %add3A_189, %select_n3A_205 : vector<16xf32>
      %jit3A_207 = arith.constant 1.000000e+00 : f32
      %jit3A_208 = arith.constant 0.000000e+00 : f32
      %broadcast_in_dim3A_209 = vector.broadcast %jit3A_207 : f32 to vector<16xf32>
      %broadcast_in_dim3A_210 = vector.broadcast %jit3A_208 : f32 to vector<16xf32>
      %select_n3A_211 = arith.select %gt3A_202, %broadcast_in_dim3A_209, %broadcast_in_dim3A_210 : vector<16xi1>, vector<16xf32>
      %add3A_212 = arith.addf %add3A_195, %select_n3A_211 : vector<16xf32>
      %get3A_213 = arith.constant 2 : i32
      %get3A_214 = arith.index_cast %get3A_213 : i32 to index
      %get3A_215 = arith.index_cast %scan3A_146 : i32 to index
      %get3A_216 = arith.constant 64 : index
      %get3A_217 = tpu.vector_load %arg5[%get3A_214, %get3A_215, %get3A_216] {strides = array<i32>} : memref<4x16x512xf32, #tpu.memory_space<vmem>>, vector<16xf32>,
      %gt3A_218 = vector.broadcast %scan3A_116 : f32 to vector<16xf32>
      %gt3A_219 = arith.cmpf ogt, %get3A_217, %gt3A_218 : vector<16xf32>
      %jit3A_220 = arith.constant 0.000000e+00 : f32
      %broadcast_in_dim3A_221 = vector.broadcast %jit3A_220 : f32 to vector<16xf32>
      %select_n3A_222 = arith.select %gt3A_219, %get3A_217, %broadcast_in_dim3A_221 : vector<16xi1>, vector<16xf32>
      %add3A_223 = arith.addf %add3A_206, %select_n3A_222 : vector<16xf32>
      %jit3A_224 = arith.constant 1.000000e+00 : f32
      %jit3A_225 = arith.constant 0.000000e+00 : f32
      %broadcast_in_dim3A_226 = vector.broadcast %jit3A_224 : f32 to vector<16xf32>
      %broadcast_in_dim3A_227 = vector.broadcast %jit3A_225 : f32 to vector<16xf32>
      %select_n3A_228 = arith.select %gt3A_219, %broadcast_in_dim3A_226, %broadcast_in_dim3A_227 : vector<16xi1>, vector<16xf32>
      %add3A_229 = arith.addf %add3A_212, %select_n3A_228 : vector<16xf32>
      %get3A_230 = arith.constant 2 : i32
      %get3A_231 = arith.index_cast %get3A_230 : i32 to index
      %get3A_232 = arith.index_cast %scan3A_146 : i32 to index
      %get3A_233 = arith.constant 80 : index
      %get3A_234 = tpu.vector_load %arg5[%get3A_231, %get3A_232, %get3A_233] {strides = array<i32>} : memref<4x16x512xf32, #tpu.memory_space<vmem>>, vector<16xf32>,
      %gt3A_235 = vector.broadcast %scan3A_116 : f32 to vector<16xf32>
      %gt3A_236 = arith.cmpf ogt, %get3A_234, %gt3A_235 : vector<16xf32>
      %jit3A_237 = arith.constant 0.000000e+00 : f32
      %broadcast_in_dim3A_238 = vector.broadcast %jit3A_237 : f32 to vector<16xf32>
      %select_n3A_239 = arith.select %gt3A_236, %get3A_234, %broadcast_in_dim3A_238 : vector<16xi1>, vector<16xf32>
      %add3A_240 = arith.addf %add3A_223, %select_n3A_239 : vector<16xf32>
      %jit3A_241 = arith.constant 1.000000e+00 : f32
      %jit3A_242 = arith.constant 0.000000e+00 : f32
      %broadcast_in_dim3A_243 = vector.broadcast %jit3A_241 : f32 to vector<16xf32>
      %broadcast_in_dim3A_244 = vector.broadcast %jit3A_242 : f32 to vector<16xf32>
      %select_n3A_245 = arith.select %gt3A_236, %broadcast_in_dim3A_243, %broadcast_in_dim3A_244 : vector<16xi1>, vector<16xf32>
      %add3A_246 = arith.addf %add3A_229, %select_n3A_245 : vector<16xf32>
      %get3A_247 = arith.constant 2 : i32
      %get3A_248 = arith.index_cast %get3A_247 : i32 to index
      %get3A_249 = arith.index_cast %scan3A_146 : i32 to index
      %get3A_250 = arith.constant 96 : index
      %get3A_251 = tpu.vector_load %arg5[%get3A_248, %get3A_249, %get3A_250] {strides = array<i32>} : memref<4x16x512xf32, #tpu.memory_space<vmem>>, vector<16xf32>,
      %gt3A_252 = vector.broadcast %scan3A_116 : f32 to vector<16xf32>
      %gt3A_253 = arith.cmpf ogt, %get3A_251, %gt3A_252 : vector<16xf32>
      %jit3A_254 = arith.constant 0.000000e+00 : f32
      %broadcast_in_dim3A_255 = vector.broadcast %jit3A_254 : f32 to vector<16xf32>
      %select_n3A_256 = arith.select %gt3A_253, %get3A_251, %broadcast_in_dim3A_255 : vector<16xi1>, vector<16xf32>
      %add3A_257 = arith.addf %add3A_240, %select_n3A_256 : vector<16xf32>
      %jit3A_258 = arith.constant 1.000000e+00 : f32
      %jit3A_259 = arith.constant 0.000000e+00 : f32
      %broadcast_in_dim3A_260 = vector.broadcast %jit3A_258 : f32 to vector<16xf32>
      %broadcast_in_dim3A_261 = vector.broadcast %jit3A_259 : f32 to vector<16xf32>
      %select_n3A_262 = arith.select %gt3A_253, %broadcast_in_dim3A_260, %broadcast_in_dim3A_261 : vector<16xi1>, vector<16xf32>
      %add3A_263 = arith.addf %add3A_246, %select_n3A_262 : vector<16xf32>
      %get3A_264 = arith.constant 2 : i32
      %get3A_265 = arith.index_cast %get3A_264 : i32 to index
      %get3A_266 = arith.index_cast %scan3A_146 : i32 to index
      %get3A_267 = arith.constant 112 : index
      %get3A_268 = tpu.vector_load %arg5[%get3A_265, %get3A_266, %get3A_267] {strides = array<i32>} : memref<4x16x512xf32, #tpu.memory_space<vmem>>, vector<16xf32>,
      %gt3A_269 = vector.broadcast %scan3A_116 : f32 to vector<16xf32>
      %gt3A_270 = arith.cmpf ogt, %get3A_268, %gt3A_269 : vector<16xf32>
      %jit3A_271 = arith.constant 0.000000e+00 : f32
      %broadcast_in_dim3A_272 = vector.broadcast %jit3A_271 : f32 to vector<16xf32>
      %select_n3A_273 = arith.select %gt3A_270, %get3A_268, %broadcast_in_dim3A_272 : vector<16xi1>, vector<16xf32>
      %add3A_274 = arith.addf %add3A_257, %select_n3A_273 : vector<16xf32>
      %jit3A_275 = arith.constant 1.000000e+00 : f32
      %jit3A_276 = arith.constant 0.000000e+00 : f32
      %broadcast_in_dim3A_277 = vector.broadcast %jit3A_275 : f32 to vector<16xf32>
      %broadcast_in_dim3A_278 = vector.broadcast %jit3A_276 : f32 to vector<16xf32>
      %select_n3A_279 = arith.select %gt3A_270, %broadcast_in_dim3A_277, %broadcast_in_dim3A_278 : vector<16xi1>, vector<16xf32>
      %add3A_280 = arith.addf %add3A_263, %select_n3A_279 : vector<16xf32>
      %get3A_281 = arith.constant 2 : i32
      %get3A_282 = arith.index_cast %get3A_281 : i32 to index
      %get3A_283 = arith.index_cast %scan3A_146 : i32 to index
      %get3A_284 = arith.constant 128 : index
      %get3A_285 = tpu.vector_load %arg5[%get3A_282, %get3A_283, %get3A_284] {strides = array<i32>} : memref<4x16x512xf32, #tpu.memory_space<vmem>>, vector<16xf32>,
      %gt3A_286 = vector.broadcast %scan3A_116 : f32 to vector<16xf32>
      %gt3A_287 = arith.cmpf ogt, %get3A_285, %gt3A_286 : vector<16xf32>
      %jit3A_288 = arith.constant 0.000000e+00 : f32
      %broadcast_in_dim3A_289 = vector.broadcast %jit3A_288 : f32 to vector<16xf32>
      %select_n3A_290 = arith.select %gt3A_287, %get3A_285, %broadcast_in_dim3A_289 : vector<16xi1>, vector<16xf32>
      %add3A_291 = arith.addf %add3A_274, %select_n3A_290 : vector<16xf32>
      %jit3A_292 = arith.constant 1.000000e+00 : f32
      %jit3A_293 = arith.constant 0.000000e+00 : f32
      %broadcast_in_dim3A_294 = vector.broadcast %jit3A_292 : f32 to vector<16xf32>
      %broadcast_in_dim3A_295 = vector.broadcast %jit3A_293 : f32 to vector<16xf32>
      %select_n3A_296 = arith.select %gt3A_287, %broadcast_in_dim3A_294, %broadcast_in_dim3A_295 : vector<16xi1>, vector<16xf32>
      %add3A_297 = arith.addf %add3A_280, %select_n3A_296 : vector<16xf32>
      %get3A_298 = arith.constant 2 : i32
      %get3A_299 = arith.index_cast %get3A_298 : i32 to index
      %get3A_300 = arith.index_cast %scan3A_146 : i32 to index
      %get3A_301 = arith.constant 144 : index
      %get3A_302 = tpu.vector_load %arg5[%get3A_299, %get3A_300, %get3A_301] {strides = array<i32>} : memref<4x16x512xf32, #tpu.memory_space<vmem>>, vector<16xf32>,
      %gt3A_303 = vector.broadcast %scan3A_116 : f32 to vector<16xf32>
      %gt3A_304 = arith.cmpf ogt, %get3A_302, %gt3A_303 : vector<16xf32>
      %jit3A_305 = arith.constant 0.000000e+00 : f32
      %broadcast_in_dim3A_306 = vector.broadcast %jit3A_305 : f32 to vector<16xf32>
      %select_n3A_307 = arith.select %gt3A_304, %get3A_302, %broadcast_in_dim3A_306 : vector<16xi1>, vector<16xf32>
      %add3A_308 = arith.addf %add3A_291, %select_n3A_307 : vector<16xf32>
      %jit3A_309 = arith.constant 1.000000e+00 : f32
      %jit3A_310 = arith.constant 0.000000e+00 : f32
      %broadcast_in_dim3A_311 = vector.broadcast %jit3A_309 : f32 to vector<16xf32>
      %broadcast_in_dim3A_312 = vector.broadcast %jit3A_310 : f32 to vector<16xf32>
      %select_n3A_313 = arith.select %gt3A_304, %broadcast_in_dim3A_311, %broadcast_in_dim3A_312 : vector<16xi1>, vector<16xf32>
      %add3A_314 = arith.addf %add3A_297, %select_n3A_313 : vector<16xf32>
      %get3A_315 = arith.constant 2 : i32
      %get3A_316 = arith.index_cast %get3A_315 : i32 to index
      %get3A_317 = arith.index_cast %scan3A_146 : i32 to index
      %get3A_318 = arith.constant 160 : index
      %get3A_319 = tpu.vector_load %arg5[%get3A_316, %get3A_317, %get3A_318] {strides = array<i32>} : memref<4x16x512xf32, #tpu.memory_space<vmem>>, vector<16xf32>,
      %gt3A_320 = vector.broadcast %scan3A_116 : f32 to vector<16xf32>
      %gt3A_321 = arith.cmpf ogt, %get3A_319, %gt3A_320 : vector<16xf32>
      %jit3A_322 = arith.constant 0.000000e+00 : f32
      %broadcast_in_dim3A_323 = vector.broadcast %jit3A_322 : f32 to vector<16xf32>
      %select_n3A_324 = arith.select %gt3A_321, %get3A_319, %broadcast_in_dim3A_323 : vector<16xi1>, vector<16xf32>
      %add3A_325 = arith.addf %add3A_308, %select_n3A_324 : vector<16xf32>
      %jit3A_326 = arith.constant 1.000000e+00 : f32
      %jit3A_327 = arith.constant 0.000000e+00 : f32
      %broadcast_in_dim3A_328 = vector.broadcast %jit3A_326 : f32 to vector<16xf32>
      %broadcast_in_dim3A_329 = vector.broadcast %jit3A_327 : f32 to vector<16xf32>
      %select_n3A_330 = arith.select %gt3A_321, %broadcast_in_dim3A_328, %broadcast_in_dim3A_329 : vector<16xi1>, vector<16xf32>
      %add3A_331 = arith.addf %add3A_314, %select_n3A_330 : vector<16xf32>
      %get3A_332 = arith.constant 2 : i32
      %get3A_333 = arith.index_cast %get3A_332 : i32 to index
      %get3A_334 = arith.index_cast %scan3A_146 : i32 to index
      %get3A_335 = arith.constant 176 : index
      %get3A_336 = tpu.vector_load %arg5[%get3A_333, %get3A_334, %get3A_335] {strides = array<i32>} : memref<4x16x512xf32, #tpu.memory_space<vmem>>, vector<16xf32>,
      %gt3A_337 = vector.broadcast %scan3A_116 : f32 to vector<16xf32>
      %gt3A_338 = arith.cmpf ogt, %get3A_336, %gt3A_337 : vector<16xf32>
      %jit3A_339 = arith.constant 0.000000e+00 : f32
      %broadcast_in_dim3A_340 = vector.broadcast %jit3A_339 : f32 to vector<16xf32>
      %select_n3A_341 = arith.select %gt3A_338, %get3A_336, %broadcast_in_dim3A_340 : vector<16xi1>, vector<16xf32>
      %add3A_342 = arith.addf %add3A_325, %select_n3A_341 : vector<16xf32>
      %jit3A_343 = arith.constant 1.000000e+00 : f32
      %jit3A_344 = arith.constant 0.000000e+00 : f32
      %broadcast_in_dim3A_345 = vector.broadcast %jit3A_343 : f32 to vector<16xf32>
      %broadcast_in_dim3A_346 = vector.broadcast %jit3A_344 : f32 to vector<16xf32>
      %select_n3A_347 = arith.select %gt3A_338, %broadcast_in_dim3A_345, %broadcast_in_dim3A_346 : vector<16xi1>, vector<16xf32>
      %add3A_348 = arith.addf %add3A_331, %select_n3A_347 : vector<16xf32>
      %get3A_349 = arith.constant 2 : i32
      %get3A_350 = arith.index_cast %get3A_349 : i32 to index
      %get3A_351 = arith.index_cast %scan3A_146 : i32 to index
      %get3A_352 = arith.constant 192 : index
      %get3A_353 = tpu.vector_load %arg5[%get3A_350, %get3A_351, %get3A_352] {strides = array<i32>} : memref<4x16x512xf32, #tpu.memory_space<vmem>>, vector<16xf32>,
      %gt3A_354 = vector.broadcast %scan3A_116 : f32 to vector<16xf32>
      %gt3A_355 = arith.cmpf ogt, %get3A_353, %gt3A_354 : vector<16xf32>
      %jit3A_356 = arith.constant 0.000000e+00 : f32
      %broadcast_in_dim3A_357 = vector.broadcast %jit3A_356 : f32 to vector<16xf32>
      %select_n3A_358 = arith.select %gt3A_355, %get3A_353, %broadcast_in_dim3A_357 : vector<16xi1>, vector<16xf32>
      %add3A_359 = arith.addf %add3A_342, %select_n3A_358 : vector<16xf32>
      %jit3A_360 = arith.constant 1.000000e+00 : f32
      %jit3A_361 = arith.constant 0.000000e+00 : f32
      %broadcast_in_dim3A_362 = vector.broadcast %jit3A_360 : f32 to vector<16xf32>
      %broadcast_in_dim3A_363 = vector.broadcast %jit3A_361 : f32 to vector<16xf32>
      %select_n3A_364 = arith.select %gt3A_355, %broadcast_in_dim3A_362, %broadcast_in_dim3A_363 : vector<16xi1>, vector<16xf32>
      %add3A_365 = arith.addf %add3A_348, %select_n3A_364 : vector<16xf32>
      %get3A_366 = arith.constant 2 : i32
      %get3A_367 = arith.index_cast %get3A_366 : i32 to index
      %get3A_368 = arith.index_cast %scan3A_146 : i32 to index
      %get3A_369 = arith.constant 208 : index
      %get3A_370 = tpu.vector_load %arg5[%get3A_367, %get3A_368, %get3A_369] {strides = array<i32>} : memref<4x16x512xf32, #tpu.memory_space<vmem>>, vector<16xf32>,
      %gt3A_371 = vector.broadcast %scan3A_116 : f32 to vector<16xf32>
      %gt3A_372 = arith.cmpf ogt, %get3A_370, %gt3A_371 : vector<16xf32>
      %jit3A_373 = arith.constant 0.000000e+00 : f32
      %broadcast_in_dim3A_374 = vector.broadcast %jit3A_373 : f32 to vector<16xf32>
      %select_n3A_375 = arith.select %gt3A_372, %get3A_370, %broadcast_in_dim3A_374 : vector<16xi1>, vector<16xf32>
      %add3A_376 = arith.addf %add3A_359, %select_n3A_375 : vector<16xf32>
      %jit3A_377 = arith.constant 1.000000e+00 : f32
      %jit3A_378 = arith.constant 0.000000e+00 : f32
      %broadcast_in_dim3A_379 = vector.broadcast %jit3A_377 : f32 to vector<16xf32>
      %broadcast_in_dim3A_380 = vector.broadcast %jit3A_378 : f32 to vector<16xf32>
      %select_n3A_381 = arith.select %gt3A_372, %broadcast_in_dim3A_379, %broadcast_in_dim3A_380 : vector<16xi1>, vector<16xf32>
      %add3A_382 = arith.addf %add3A_365, %select_n3A_381 : vector<16xf32>
      %get3A_383 = arith.constant 2 : i32
      %get3A_384 = arith.index_cast %get3A_383 : i32 to index
      %get3A_385 = arith.index_cast %scan3A_146 : i32 to index
      %get3A_386 = arith.constant 224 : index
      %get3A_387 = tpu.vector_load %arg5[%get3A_384, %get3A_385, %get3A_386] {strides = array<i32>} : memref<4x16x512xf32, #tpu.memory_space<vmem>>, vector<16xf32>,
      %gt3A_388 = vector.broadcast %scan3A_116 : f32 to vector<16xf32>
      %gt3A_389 = arith.cmpf ogt, %get3A_387, %gt3A_388 : vector<16xf32>
      %jit3A_390 = arith.constant 0.000000e+00 : f32
      %broadcast_in_dim3A_391 = vector.broadcast %jit3A_390 : f32 to vector<16xf32>
      %select_n3A_392 = arith.select %gt3A_389, %get3A_387, %broadcast_in_dim3A_391 : vector<16xi1>, vector<16xf32>
      %add3A_393 = arith.addf %add3A_376, %select_n3A_392 : vector<16xf32>
      %jit3A_394 = arith.constant 1.000000e+00 : f32
      %jit3A_395 = arith.constant 0.000000e+00 : f32
      %broadcast_in_dim3A_396 = vector.broadcast %jit3A_394 : f32 to vector<16xf32>
      %broadcast_in_dim3A_397 = vector.broadcast %jit3A_395 : f32 to vector<16xf32>
      %select_n3A_398 = arith.select %gt3A_389, %broadcast_in_dim3A_396, %broadcast_in_dim3A_397 : vector<16xi1>, vector<16xf32>
      %add3A_399 = arith.addf %add3A_382, %select_n3A_398 : vector<16xf32>
      %get3A_400 = arith.constant 2 : i32
      %get3A_401 = arith.index_cast %get3A_400 : i32 to index
      %get3A_402 = arith.index_cast %scan3A_146 : i32 to index
      %get3A_403 = arith.constant 240 : index
      %get3A_404 = tpu.vector_load %arg5[%get3A_401, %get3A_402, %get3A_403] {strides = array<i32>} : memref<4x16x512xf32, #tpu.memory_space<vmem>>, vector<16xf32>,
      %gt3A_405 = vector.broadcast %scan3A_116 : f32 to vector<16xf32>
      %gt3A_406 = arith.cmpf ogt, %get3A_404, %gt3A_405 : vector<16xf32>
      %jit3A_407 = arith.constant 0.000000e+00 : f32
      %broadcast_in_dim3A_408 = vector.broadcast %jit3A_407 : f32 to vector<16xf32>
      %select_n3A_409 = arith.select %gt3A_406, %get3A_404, %broadcast_in_dim3A_408 : vector<16xi1>, vector<16xf32>
      %add3A_410 = arith.addf %add3A_393, %select_n3A_409 : vector<16xf32>
      %jit3A_411 = arith.constant 1.000000e+00 : f32
      %jit3A_412 = arith.constant 0.000000e+00 : f32
      %broadcast_in_dim3A_413 = vector.broadcast %jit3A_411 : f32 to vector<16xf32>
      %broadcast_in_dim3A_414 = vector.broadcast %jit3A_412 : f32 to vector<16xf32>
      %select_n3A_415 = arith.select %gt3A_406, %broadcast_in_dim3A_413, %broadcast_in_dim3A_414 : vector<16xi1>, vector<16xf32>
      %add3A_416 = arith.addf %add3A_399, %select_n3A_415 : vector<16xf32>
      %get3A_417 = arith.constant 2 : i32
      %get3A_418 = arith.index_cast %get3A_417 : i32 to index
      %get3A_419 = arith.index_cast %scan3A_146 : i32 to index
      %get3A_420 = arith.constant 256 : index
      %get3A_421 = tpu.vector_load %arg5[%get3A_418, %get3A_419, %get3A_420] {strides = array<i32>} : memref<4x16x512xf32, #tpu.memory_space<vmem>>, vector<16xf32>,
      %gt3A_422 = vector.broadcast %scan3A_116 : f32 to vector<16xf32>
      %gt3A_423 = arith.cmpf ogt, %get3A_421, %gt3A_422 : vector<16xf32>
      %jit3A_424 = arith.constant 0.000000e+00 : f32
      %broadcast_in_dim3A_425 = vector.broadcast %jit3A_424 : f32 to vector<16xf32>
      %select_n3A_426 = arith.select %gt3A_423, %get3A_421, %broadcast_in_dim3A_425 : vector<16xi1>, vector<16xf32>
      %add3A_427 = arith.addf %add3A_410, %select_n3A_426 : vector<16xf32>
      %jit3A_428 = arith.constant 1.000000e+00 : f32
      %jit3A_429 = arith.constant 0.000000e+00 : f32
      %broadcast_in_dim3A_430 = vector.broadcast %jit3A_428 : f32 to vector<16xf32>
      %broadcast_in_dim3A_431 = vector.broadcast %jit3A_429 : f32 to vector<16xf32>
      %select_n3A_432 = arith.select %gt3A_423, %broadcast_in_dim3A_430, %broadcast_in_dim3A_431 : vector<16xi1>, vector<16xf32>
      %add3A_433 = arith.addf %add3A_416, %select_n3A_432 : vector<16xf32>
      %get3A_434 = arith.constant 2 : i32
      %get3A_435 = arith.index_cast %get3A_434 : i32 to index
      %get3A_436 = arith.index_cast %scan3A_146 : i32 to index
      %get3A_437 = arith.constant 272 : index
      %get3A_438 = tpu.vector_load %arg5[%get3A_435, %get3A_436, %get3A_437] {strides = array<i32>} : memref<4x16x512xf32, #tpu.memory_space<vmem>>, vector<16xf32>,
      %gt3A_439 = vector.broadcast %scan3A_116 : f32 to vector<16xf32>
      %gt3A_440 = arith.cmpf ogt, %get3A_438, %gt3A_439 : vector<16xf32>
      %jit3A_441 = arith.constant 0.000000e+00 : f32
      %broadcast_in_dim3A_442 = vector.broadcast %jit3A_441 : f32 to vector<16xf32>
      %select_n3A_443 = arith.select %gt3A_440, %get3A_438, %broadcast_in_dim3A_442 : vector<16xi1>, vector<16xf32>
      %add3A_444 = arith.addf %add3A_427, %select_n3A_443 : vector<16xf32>
      %jit3A_445 = arith.constant 1.000000e+00 : f32
      %jit3A_446 = arith.constant 0.000000e+00 : f32
      %broadcast_in_dim3A_447 = vector.broadcast %jit3A_445 : f32 to vector<16xf32>
      %broadcast_in_dim3A_448 = vector.broadcast %jit3A_446 : f32 to vector<16xf32>
      %select_n3A_449 = arith.select %gt3A_440, %broadcast_in_dim3A_447, %broadcast_in_dim3A_448 : vector<16xi1>, vector<16xf32>
      %add3A_450 = arith.addf %add3A_433, %select_n3A_449 : vector<16xf32>
      %get3A_451 = arith.constant 2 : i32
      %get3A_452 = arith.index_cast %get3A_451 : i32 to index
      %get3A_453 = arith.index_cast %scan3A_146 : i32 to index
      %get3A_454 = arith.constant 288 : index
      %get3A_455 = tpu.vector_load %arg5[%get3A_452, %get3A_453, %get3A_454] {strides = array<i32>} : memref<4x16x512xf32, #tpu.memory_space<vmem>>, vector<16xf32>,
      %gt3A_456 = vector.broadcast %scan3A_116 : f32 to vector<16xf32>
      %gt3A_457 = arith.cmpf ogt, %get3A_455, %gt3A_456 : vector<16xf32>
      %jit3A_458 = arith.constant 0.000000e+00 : f32
      %broadcast_in_dim3A_459 = vector.broadcast %jit3A_458 : f32 to vector<16xf32>
      %select_n3A_460 = arith.select %gt3A_457, %get3A_455, %broadcast_in_dim3A_459 : vector<16xi1>, vector<16xf32>
      %add3A_461 = arith.addf %add3A_444, %select_n3A_460 : vector<16xf32>
      %jit3A_462 = arith.constant 1.000000e+00 : f32
      %jit3A_463 = arith.constant 0.000000e+00 : f32
      %broadcast_in_dim3A_464 = vector.broadcast %jit3A_462 : f32 to vector<16xf32>
      %broadcast_in_dim3A_465 = vector.broadcast %jit3A_463 : f32 to vector<16xf32>
      %select_n3A_466 = arith.select %gt3A_457, %broadcast_in_dim3A_464, %broadcast_in_dim3A_465 : vector<16xi1>, vector<16xf32>
      %add3A_467 = arith.addf %add3A_450, %select_n3A_466 : vector<16xf32>
      %get3A_468 = arith.constant 2 : i32
      %get3A_469 = arith.index_cast %get3A_468 : i32 to index
      %get3A_470 = arith.index_cast %scan3A_146 : i32 to index
      %get3A_471 = arith.constant 304 : index
      %get3A_472 = tpu.vector_load %arg5[%get3A_469, %get3A_470, %get3A_471] {strides = array<i32>} : memref<4x16x512xf32, #tpu.memory_space<vmem>>, vector<16xf32>,
      %gt3A_473 = vector.broadcast %scan3A_116 : f32 to vector<16xf32>
      %gt3A_474 = arith.cmpf ogt, %get3A_472, %gt3A_473 : vector<16xf32>
      %jit3A_475 = arith.constant 0.000000e+00 : f32
      %broadcast_in_dim3A_476 = vector.broadcast %jit3A_475 : f32 to vector<16xf32>
      %select_n3A_477 = arith.select %gt3A_474, %get3A_472, %broadcast_in_dim3A_476 : vector<16xi1>, vector<16xf32>
      %add3A_478 = arith.addf %add3A_461, %select_n3A_477 : vector<16xf32>
      %jit3A_479 = arith.constant 1.000000e+00 : f32
      %jit3A_480 = arith.constant 0.000000e+00 : f32
      %broadcast_in_dim3A_481 = vector.broadcast %jit3A_479 : f32 to vector<16xf32>
      %broadcast_in_dim3A_482 = vector.broadcast %jit3A_480 : f32 to vector<16xf32>
      %select_n3A_483 = arith.select %gt3A_474, %broadcast_in_dim3A_481, %broadcast_in_dim3A_482 : vector<16xi1>, vector<16xf32>
      %add3A_484 = arith.addf %add3A_467, %select_n3A_483 : vector<16xf32>
      %get3A_485 = arith.constant 2 : i32
      %get3A_486 = arith.index_cast %get3A_485 : i32 to index
      %get3A_487 = arith.index_cast %scan3A_146 : i32 to index
      %get3A_488 = arith.constant 320 : index
      %get3A_489 = tpu.vector_load %arg5[%get3A_486, %get3A_487, %get3A_488] {strides = array<i32>} : memref<4x16x512xf32, #tpu.memory_space<vmem>>, vector<16xf32>,
      %gt3A_490 = vector.broadcast %scan3A_116 : f32 to vector<16xf32>
      %gt3A_491 = arith.cmpf ogt, %get3A_489, %gt3A_490 : vector<16xf32>
      %jit3A_492 = arith.constant 0.000000e+00 : f32
      %broadcast_in_dim3A_493 = vector.broadcast %jit3A_492 : f32 to vector<16xf32>
      %select_n3A_494 = arith.select %gt3A_491, %get3A_489, %broadcast_in_dim3A_493 : vector<16xi1>, vector<16xf32>
      %add3A_495 = arith.addf %add3A_478, %select_n3A_494 : vector<16xf32>
      %jit3A_496 = arith.constant 1.000000e+00 : f32
      %jit3A_497 = arith.constant 0.000000e+00 : f32
      %broadcast_in_dim3A_498 = vector.broadcast %jit3A_496 : f32 to vector<16xf32>
      %broadcast_in_dim3A_499 = vector.broadcast %jit3A_497 : f32 to vector<16xf32>
      %select_n3A_500 = arith.select %gt3A_491, %broadcast_in_dim3A_498, %broadcast_in_dim3A_499 : vector<16xi1>, vector<16xf32>
      %add3A_501 = arith.addf %add3A_484, %select_n3A_500 : vector<16xf32>
      %get3A_502 = arith.constant 2 : i32
      %get3A_503 = arith.index_cast %get3A_502 : i32 to index
      %get3A_504 = arith.index_cast %scan3A_146 : i32 to index
      %get3A_505 = arith.constant 336 : index
      %get3A_506 = tpu.vector_load %arg5[%get3A_503, %get3A_504, %get3A_505] {strides = array<i32>} : memref<4x16x512xf32, #tpu.memory_space<vmem>>, vector<16xf32>,
      %gt3A_507 = vector.broadcast %scan3A_116 : f32 to vector<16xf32>
      %gt3A_508 = arith.cmpf ogt, %get3A_506, %gt3A_507 : vector<16xf32>
      %jit3A_509 = arith.constant 0.000000e+00 : f32
      %broadcast_in_dim3A_510 = vector.broadcast %jit3A_509 : f32 to vector<16xf32>
      %select_n3A_511 = arith.select %gt3A_508, %get3A_506, %broadcast_in_dim3A_510 : vector<16xi1>, vector<16xf32>
      %add3A_512 = arith.addf %add3A_495, %select_n3A_511 : vector<16xf32>
      %jit3A_513 = arith.constant 1.000000e+00 : f32
      %jit3A_514 = arith.constant 0.000000e+00 : f32
      %broadcast_in_dim3A_515 = vector.broadcast %jit3A_513 : f32 to vector<16xf32>
      %broadcast_in_dim3A_516 = vector.broadcast %jit3A_514 : f32 to vector<16xf32>
      %select_n3A_517 = arith.select %gt3A_508, %broadcast_in_dim3A_515, %broadcast_in_dim3A_516 : vector<16xi1>, vector<16xf32>
      %add3A_518 = arith.addf %add3A_501, %select_n3A_517 : vector<16xf32>
      %get3A_519 = arith.constant 2 : i32
      %get3A_520 = arith.index_cast %get3A_519 : i32 to index
      %get3A_521 = arith.index_cast %scan3A_146 : i32 to index
      %get3A_522 = arith.constant 352 : index
      %get3A_523 = tpu.vector_load %arg5[%get3A_520, %get3A_521, %get3A_522] {strides = array<i32>} : memref<4x16x512xf32, #tpu.memory_space<vmem>>, vector<16xf32>,
      %gt3A_524 = vector.broadcast %scan3A_116 : f32 to vector<16xf32>
      %gt3A_525 = arith.cmpf ogt, %get3A_523, %gt3A_524 : vector<16xf32>
      %jit3A_526 = arith.constant 0.000000e+00 : f32
      %broadcast_in_dim3A_527 = vector.broadcast %jit3A_526 : f32 to vector<16xf32>
      %select_n3A_528 = arith.select %gt3A_525, %get3A_523, %broadcast_in_dim3A_527 : vector<16xi1>, vector<16xf32>
      %add3A_529 = arith.addf %add3A_512, %select_n3A_528 : vector<16xf32>
      %jit3A_530 = arith.constant 1.000000e+00 : f32
      %jit3A_531 = arith.constant 0.000000e+00 : f32
      %broadcast_in_dim3A_532 = vector.broadcast %jit3A_530 : f32 to vector<16xf32>
      %broadcast_in_dim3A_533 = vector.broadcast %jit3A_531 : f32 to vector<16xf32>
      %select_n3A_534 = arith.select %gt3A_525, %broadcast_in_dim3A_532, %broadcast_in_dim3A_533 : vector<16xi1>, vector<16xf32>
      %add3A_535 = arith.addf %add3A_518, %select_n3A_534 : vector<16xf32>
      %get3A_536 = arith.constant 2 : i32
      %get3A_537 = arith.index_cast %get3A_536 : i32 to index
      %get3A_538 = arith.index_cast %scan3A_146 : i32 to index
      %get3A_539 = arith.constant 368 : index
      %get3A_540 = tpu.vector_load %arg5[%get3A_537, %get3A_538, %get3A_539] {strides = array<i32>} : memref<4x16x512xf32, #tpu.memory_space<vmem>>, vector<16xf32>,
      %gt3A_541 = vector.broadcast %scan3A_116 : f32 to vector<16xf32>
      %gt3A_542 = arith.cmpf ogt, %get3A_540, %gt3A_541 : vector<16xf32>
      %jit3A_543 = arith.constant 0.000000e+00 : f32
      %broadcast_in_dim3A_544 = vector.broadcast %jit3A_543 : f32 to vector<16xf32>
      %select_n3A_545 = arith.select %gt3A_542, %get3A_540, %broadcast_in_dim3A_544 : vector<16xi1>, vector<16xf32>
      %add3A_546 = arith.addf %add3A_529, %select_n3A_545 : vector<16xf32>
      %jit3A_547 = arith.constant 1.000000e+00 : f32
      %jit3A_548 = arith.constant 0.000000e+00 : f32
      %broadcast_in_dim3A_549 = vector.broadcast %jit3A_547 : f32 to vector<16xf32>
      %broadcast_in_dim3A_550 = vector.broadcast %jit3A_548 : f32 to vector<16xf32>
      %select_n3A_551 = arith.select %gt3A_542, %broadcast_in_dim3A_549, %broadcast_in_dim3A_550 : vector<16xi1>, vector<16xf32>
      %add3A_552 = arith.addf %add3A_535, %select_n3A_551 : vector<16xf32>
      %get3A_553 = arith.constant 2 : i32
      %get3A_554 = arith.index_cast %get3A_553 : i32 to index
      %get3A_555 = arith.index_cast %scan3A_146 : i32 to index
      %get3A_556 = arith.constant 384 : index
      %get3A_557 = tpu.vector_load %arg5[%get3A_554, %get3A_555, %get3A_556] {strides = array<i32>} : memref<4x16x512xf32, #tpu.memory_space<vmem>>, vector<16xf32>,
      %gt3A_558 = vector.broadcast %scan3A_116 : f32 to vector<16xf32>
      %gt3A_559 = arith.cmpf ogt, %get3A_557, %gt3A_558 : vector<16xf32>
      %jit3A_560 = arith.constant 0.000000e+00 : f32
      %broadcast_in_dim3A_561 = vector.broadcast %jit3A_560 : f32 to vector<16xf32>
      %select_n3A_562 = arith.select %gt3A_559, %get3A_557, %broadcast_in_dim3A_561 : vector<16xi1>, vector<16xf32>
      %add3A_563 = arith.addf %add3A_546, %select_n3A_562 : vector<16xf32>
      %jit3A_564 = arith.constant 1.000000e+00 : f32
      %jit3A_565 = arith.constant 0.000000e+00 : f32
      %broadcast_in_dim3A_566 = vector.broadcast %jit3A_564 : f32 to vector<16xf32>
      %broadcast_in_dim3A_567 = vector.broadcast %jit3A_565 : f32 to vector<16xf32>
      %select_n3A_568 = arith.select %gt3A_559, %broadcast_in_dim3A_566, %broadcast_in_dim3A_567 : vector<16xi1>, vector<16xf32>
      %add3A_569 = arith.addf %add3A_552, %select_n3A_568 : vector<16xf32>
      %get3A_570 = arith.constant 2 : i32
      %get3A_571 = arith.index_cast %get3A_570 : i32 to index
      %get3A_572 = arith.index_cast %scan3A_146 : i32 to index
      %get3A_573 = arith.constant 400 : index
      %get3A_574 = tpu.vector_load %arg5[%get3A_571, %get3A_572, %get3A_573] {strides = array<i32>} : memref<4x16x512xf32, #tpu.memory_space<vmem>>, vector<16xf32>,
      %gt3A_575 = vector.broadcast %scan3A_116 : f32 to vector<16xf32>
      %gt3A_576 = arith.cmpf ogt, %get3A_574, %gt3A_575 : vector<16xf32>
      %jit3A_577 = arith.constant 0.000000e+00 : f32
      %broadcast_in_dim3A_578 = vector.broadcast %jit3A_577 : f32 to vector<16xf32>
      %select_n3A_579 = arith.select %gt3A_576, %get3A_574, %broadcast_in_dim3A_578 : vector<16xi1>, vector<16xf32>
      %add3A_580 = arith.addf %add3A_563, %select_n3A_579 : vector<16xf32>
      %jit3A_581 = arith.constant 1.000000e+00 : f32
      %jit3A_582 = arith.constant 0.000000e+00 : f32
      %broadcast_in_dim3A_583 = vector.broadcast %jit3A_581 : f32 to vector<16xf32>
      %broadcast_in_dim3A_584 = vector.broadcast %jit3A_582 : f32 to vector<16xf32>
      %select_n3A_585 = arith.select %gt3A_576, %broadcast_in_dim3A_583, %broadcast_in_dim3A_584 : vector<16xi1>, vector<16xf32>
      %add3A_586 = arith.addf %add3A_569, %select_n3A_585 : vector<16xf32>
      %get3A_587 = arith.constant 2 : i32
      %get3A_588 = arith.index_cast %get3A_587 : i32 to index
      %get3A_589 = arith.index_cast %scan3A_146 : i32 to index
      %get3A_590 = arith.constant 416 : index
      %get3A_591 = tpu.vector_load %arg5[%get3A_588, %get3A_589, %get3A_590] {strides = array<i32>} : memref<4x16x512xf32, #tpu.memory_space<vmem>>, vector<16xf32>,
      %gt3A_592 = vector.broadcast %scan3A_116 : f32 to vector<16xf32>
      %gt3A_593 = arith.cmpf ogt, %get3A_591, %gt3A_592 : vector<16xf32>
      %jit3A_594 = arith.constant 0.000000e+00 : f32
      %broadcast_in_dim3A_595 = vector.broadcast %jit3A_594 : f32 to vector<16xf32>
      %select_n3A_596 = arith.select %gt3A_593, %get3A_591, %broadcast_in_dim3A_595 : vector<16xi1>, vector<16xf32>
      %add3A_597 = arith.addf %add3A_580, %select_n3A_596 : vector<16xf32>
      %jit3A_598 = arith.constant 1.000000e+00 : f32
      %jit3A_599 = arith.constant 0.000000e+00 : f32
      %broadcast_in_dim3A_600 = vector.broadcast %jit3A_598 : f32 to vector<16xf32>
      %broadcast_in_dim3A_601 = vector.broadcast %jit3A_599 : f32 to vector<16xf32>
      %select_n3A_602 = arith.select %gt3A_593, %broadcast_in_dim3A_600, %broadcast_in_dim3A_601 : vector<16xi1>, vector<16xf32>
      %add3A_603 = arith.addf %add3A_586, %select_n3A_602 : vector<16xf32>
      %get3A_604 = arith.constant 2 : i32
      %get3A_605 = arith.index_cast %get3A_604 : i32 to index
      %get3A_606 = arith.index_cast %scan3A_146 : i32 to index
      %get3A_607 = arith.constant 432 : index
      %get3A_608 = tpu.vector_load %arg5[%get3A_605, %get3A_606, %get3A_607] {strides = array<i32>} : memref<4x16x512xf32, #tpu.memory_space<vmem>>, vector<16xf32>,
      %gt3A_609 = vector.broadcast %scan3A_116 : f32 to vector<16xf32>
      %gt3A_610 = arith.cmpf ogt, %get3A_608, %gt3A_609 : vector<16xf32>
      %jit3A_611 = arith.constant 0.000000e+00 : f32
      %broadcast_in_dim3A_612 = vector.broadcast %jit3A_611 : f32 to vector<16xf32>
      %select_n3A_613 = arith.select %gt3A_610, %get3A_608, %broadcast_in_dim3A_612 : vector<16xi1>, vector<16xf32>
      %add3A_614 = arith.addf %add3A_597, %select_n3A_613 : vector<16xf32>
      %jit3A_615 = arith.constant 1.000000e+00 : f32
      %jit3A_616 = arith.constant 0.000000e+00 : f32
      %broadcast_in_dim3A_617 = vector.broadcast %jit3A_615 : f32 to vector<16xf32>
      %broadcast_in_dim3A_618 = vector.broadcast %jit3A_616 : f32 to vector<16xf32>
      %select_n3A_619 = arith.select %gt3A_610, %broadcast_in_dim3A_617, %broadcast_in_dim3A_618 : vector<16xi1>, vector<16xf32>
      %add3A_620 = arith.addf %add3A_603, %select_n3A_619 : vector<16xf32>
      %get3A_621 = arith.constant 2 : i32
      %get3A_622 = arith.index_cast %get3A_621 : i32 to index
      %get3A_623 = arith.index_cast %scan3A_146 : i32 to index
      %get3A_624 = arith.constant 448 : index
      %get3A_625 = tpu.vector_load %arg5[%get3A_622, %get3A_623, %get3A_624] {strides = array<i32>} : memref<4x16x512xf32, #tpu.memory_space<vmem>>, vector<16xf32>,
      %gt3A_626 = vector.broadcast %scan3A_116 : f32 to vector<16xf32>
      %gt3A_627 = arith.cmpf ogt, %get3A_625, %gt3A_626 : vector<16xf32>
      %jit3A_628 = arith.constant 0.000000e+00 : f32
      %broadcast_in_dim3A_629 = vector.broadcast %jit3A_628 : f32 to vector<16xf32>
      %select_n3A_630 = arith.select %gt3A_627, %get3A_625, %broadcast_in_dim3A_629 : vector<16xi1>, vector<16xf32>
      %add3A_631 = arith.addf %add3A_614, %select_n3A_630 : vector<16xf32>
      %jit3A_632 = arith.constant 1.000000e+00 : f32
      %jit3A_633 = arith.constant 0.000000e+00 : f32
      %broadcast_in_dim3A_634 = vector.broadcast %jit3A_632 : f32 to vector<16xf32>
      %broadcast_in_dim3A_635 = vector.broadcast %jit3A_633 : f32 to vector<16xf32>
      %select_n3A_636 = arith.select %gt3A_627, %broadcast_in_dim3A_634, %broadcast_in_dim3A_635 : vector<16xi1>, vector<16xf32>
      %add3A_637 = arith.addf %add3A_620, %select_n3A_636 : vector<16xf32>
      %get3A_638 = arith.constant 2 : i32
      %get3A_639 = arith.index_cast %get3A_638 : i32 to index
      %get3A_640 = arith.index_cast %scan3A_146 : i32 to index
      %get3A_641 = arith.constant 464 : index
      %get3A_642 = tpu.vector_load %arg5[%get3A_639, %get3A_640, %get3A_641] {strides = array<i32>} : memref<4x16x512xf32, #tpu.memory_space<vmem>>, vector<16xf32>,
      %gt3A_643 = vector.broadcast %scan3A_116 : f32 to vector<16xf32>
      %gt3A_644 = arith.cmpf ogt, %get3A_642, %gt3A_643 : vector<16xf32>
      %jit3A_645 = arith.constant 0.000000e+00 : f32
      %broadcast_in_dim3A_646 = vector.broadcast %jit3A_645 : f32 to vector<16xf32>
      %select_n3A_647 = arith.select %gt3A_644, %get3A_642, %broadcast_in_dim3A_646 : vector<16xi1>, vector<16xf32>
      %add3A_648 = arith.addf %add3A_631, %select_n3A_647 : vector<16xf32>
      %jit3A_649 = arith.constant 1.000000e+00 : f32
      %jit3A_650 = arith.constant 0.000000e+00 : f32
      %broadcast_in_dim3A_651 = vector.broadcast %jit3A_649 : f32 to vector<16xf32>
      %broadcast_in_dim3A_652 = vector.broadcast %jit3A_650 : f32 to vector<16xf32>
      %select_n3A_653 = arith.select %gt3A_644, %broadcast_in_dim3A_651, %broadcast_in_dim3A_652 : vector<16xi1>, vector<16xf32>
      %add3A_654 = arith.addf %add3A_637, %select_n3A_653 : vector<16xf32>
      %get3A_655 = arith.constant 2 : i32
      %get3A_656 = arith.index_cast %get3A_655 : i32 to index
      %get3A_657 = arith.index_cast %scan3A_146 : i32 to index
      %get3A_658 = arith.constant 480 : index
      %get3A_659 = tpu.vector_load %arg5[%get3A_656, %get3A_657, %get3A_658] {strides = array<i32>} : memref<4x16x512xf32, #tpu.memory_space<vmem>>, vector<16xf32>,
      %gt3A_660 = vector.broadcast %scan3A_116 : f32 to vector<16xf32>
      %gt3A_661 = arith.cmpf ogt, %get3A_659, %gt3A_660 : vector<16xf32>
      %jit3A_662 = arith.constant 0.000000e+00 : f32
      %broadcast_in_dim3A_663 = vector.broadcast %jit3A_662 : f32 to vector<16xf32>
      %select_n3A_664 = arith.select %gt3A_661, %get3A_659, %broadcast_in_dim3A_663 : vector<16xi1>, vector<16xf32>
      %add3A_665 = arith.addf %add3A_648, %select_n3A_664 : vector<16xf32>
      %jit3A_666 = arith.constant 1.000000e+00 : f32
      %jit3A_667 = arith.constant 0.000000e+00 : f32
      %broadcast_in_dim3A_668 = vector.broadcast %jit3A_666 : f32 to vector<16xf32>
      %broadcast_in_dim3A_669 = vector.broadcast %jit3A_667 : f32 to vector<16xf32>
      %select_n3A_670 = arith.select %gt3A_661, %broadcast_in_dim3A_668, %broadcast_in_dim3A_669 : vector<16xi1>, vector<16xf32>
      %add3A_671 = arith.addf %add3A_654, %select_n3A_670 : vector<16xf32>
      %get3A_672 = arith.constant 2 : i32
      %get3A_673 = arith.index_cast %get3A_672 : i32 to index
      %get3A_674 = arith.index_cast %scan3A_146 : i32 to index
      %get3A_675 = arith.constant 496 : index
      %get3A_676 = tpu.vector_load %arg5[%get3A_673, %get3A_674, %get3A_675] {strides = array<i32>} : memref<4x16x512xf32, #tpu.memory_space<vmem>>, vector<16xf32>,
      %gt3A_677 = vector.broadcast %scan3A_116 : f32 to vector<16xf32>
      %gt3A_678 = arith.cmpf ogt, %get3A_676, %gt3A_677 : vector<16xf32>
      %jit3A_679 = arith.constant 0.000000e+00 : f32
      %broadcast_in_dim3A_680 = vector.broadcast %jit3A_679 : f32 to vector<16xf32>
      %select_n3A_681 = arith.select %gt3A_678, %get3A_676, %broadcast_in_dim3A_680 : vector<16xi1>, vector<16xf32>
      %add3A_682 = arith.addf %add3A_665, %select_n3A_681 : vector<16xf32>
      %jit3A_683 = arith.constant 1.000000e+00 : f32
      %jit3A_684 = arith.constant 0.000000e+00 : f32
      %broadcast_in_dim3A_685 = vector.broadcast %jit3A_683 : f32 to vector<16xf32>
      %broadcast_in_dim3A_686 = vector.broadcast %jit3A_684 : f32 to vector<16xf32>
      %select_n3A_687 = arith.select %gt3A_678, %broadcast_in_dim3A_685, %broadcast_in_dim3A_686 : vector<16xi1>, vector<16xf32>
      %add3A_688 = arith.addf %add3A_671, %select_n3A_687 : vector<16xf32>
      scf.yield %add3A_682, %add3A_688 : vector<16xf32>, vector<16xf32>
    }
    %scan3A_122 = arith.constant 16 : i32
    %dma_wait3A_123 = arith.constant 3 : i32
    %dma_wait3A_124 = arith.constant 0 : i32
    %dma_wait3A_125 = arith.constant 0 : i32
    %dma_wait3A_126 = tpu.memref_slice %arg5[%dma_wait3A_123, %dma_wait3A_124, %dma_wait3A_125] : memref<4x16x512xf32, #tpu.memory_space<vmem>> -> memref<1x16x512xf32, #tpu.memory_space<vmem>>
    %dma_wait3A_127 = tpu.memref_squeeze %dma_wait3A_126 : memref<1x16x512xf32, #tpu.memory_space<vmem>> -> memref<16x512xf32, #tpu.memory_space<vmem>>
    %dma_wait3A_128 = arith.constant 0 : i32
    %dma_wait3A_129 = tpu.memref_slice %arg2[%add3A_48, %dma_wait3A_128] : memref<2048x512xf32, #tpu.memory_space<hbm>> -> memref<16x512xf32, #tpu.memory_space<hbm>>
    %dma_wait3A_130 = arith.constant 0 : i32
    %dma_wait3A_131 = arith.constant 0 : i32
    %dma_wait3A_132 = tpu.memref_slice %arg5[%dma_wait3A_123, %dma_wait3A_130, %dma_wait3A_131] : memref<4x16x512xf32, #tpu.memory_space<vmem>> -> memref<1x16x512xf32, #tpu.memory_space<vmem>>
    %dma_wait3A_133 = tpu.memref_squeeze %dma_wait3A_132 : memref<1x16x512xf32, #tpu.memory_space<vmem>> -> memref<16x512xf32, #tpu.memory_space<vmem>>
    %dma_wait3A_134 = arith.constant 0 : i32
    %dma_wait3A_135 = tpu.memref_slice %arg2[%add3A_48, %dma_wait3A_134] : memref<2048x512xf32, #tpu.memory_space<hbm>> -> memref<16x512xf32, #tpu.memory_space<hbm>>
    tpu.wait_dma2 semaphore(%arg11 : memref<!tpu.dma_semaphore, #tpu.memory_space<semaphore_mem>>) src(%dma_wait3A_135 : memref<16x512xf32, #tpu.memory_space<hbm>>) dst(%dma_wait3A_133 : memref<16x512xf32, #tpu.memory_space<vmem>>)
    %scan3A_136 = arith.constant 0.356674939 : f32
    %scan3A_137 = arith.constant 0 : i32
    %scan3A_138 = arith.constant 16 : i32
    %scan3A_139 = arith.addi %scan3A_137, %scan3A_138 : i32
    %scan3A_140 = arith.constant 1 : i32
    %scan3A_141:2 = scf.for %scan3A_146 = %scan3A_137 to %scan3A_139 step %scan3A_140 iter_args(%scan3A_147 = %scan3A_121#0, %scan3A_148 = %scan3A_121#1) -> (vector<16xf32>, vector<16xf32>)  : i32 {
      %get3A = arith.constant 3 : i32
      %get3A_149 = arith.index_cast %get3A : i32 to index
      %get3A_150 = arith.index_cast %scan3A_146 : i32 to index
      %get3A_151 = arith.constant 0 : index
      %get3A_152 = tpu.vector_load %arg5[%get3A_149, %get3A_150, %get3A_151] {strides = array<i32>} : memref<4x16x512xf32, #tpu.memory_space<vmem>>, vector<16xf32>,
      %gt3A = vector.broadcast %scan3A_136 : f32 to vector<16xf32>
      %gt3A_153 = arith.cmpf ogt, %get3A_152, %gt3A : vector<16xf32>
      %jit3A = arith.constant 0.000000e+00 : f32
      %broadcast_in_dim3A_154 = vector.broadcast %jit3A : f32 to vector<16xf32>
      %select_n3A = arith.select %gt3A_153, %get3A_152, %broadcast_in_dim3A_154 : vector<16xi1>, vector<16xf32>
      %add3A_155 = arith.addf %scan3A_147, %select_n3A : vector<16xf32>
      %jit3A_156 = arith.constant 1.000000e+00 : f32
      %jit3A_157 = arith.constant 0.000000e+00 : f32
      %broadcast_in_dim3A_158 = vector.broadcast %jit3A_156 : f32 to vector<16xf32>
      %broadcast_in_dim3A_159 = vector.broadcast %jit3A_157 : f32 to vector<16xf32>
      %select_n3A_160 = arith.select %gt3A_153, %broadcast_in_dim3A_158, %broadcast_in_dim3A_159 : vector<16xi1>, vector<16xf32>
      %add3A_161 = arith.addf %scan3A_148, %select_n3A_160 : vector<16xf32>
      %get3A_162 = arith.constant 3 : i32
      %get3A_163 = arith.index_cast %get3A_162 : i32 to index
      %get3A_164 = arith.index_cast %scan3A_146 : i32 to index
      %get3A_165 = arith.constant 16 : index
      %get3A_166 = tpu.vector_load %arg5[%get3A_163, %get3A_164, %get3A_165] {strides = array<i32>} : memref<4x16x512xf32, #tpu.memory_space<vmem>>, vector<16xf32>,
      %gt3A_167 = vector.broadcast %scan3A_136 : f32 to vector<16xf32>
      %gt3A_168 = arith.cmpf ogt, %get3A_166, %gt3A_167 : vector<16xf32>
      %jit3A_169 = arith.constant 0.000000e+00 : f32
      %broadcast_in_dim3A_170 = vector.broadcast %jit3A_169 : f32 to vector<16xf32>
      %select_n3A_171 = arith.select %gt3A_168, %get3A_166, %broadcast_in_dim3A_170 : vector<16xi1>, vector<16xf32>
      %add3A_172 = arith.addf %add3A_155, %select_n3A_171 : vector<16xf32>
      %jit3A_173 = arith.constant 1.000000e+00 : f32
      %jit3A_174 = arith.constant 0.000000e+00 : f32
      %broadcast_in_dim3A_175 = vector.broadcast %jit3A_173 : f32 to vector<16xf32>
      %broadcast_in_dim3A_176 = vector.broadcast %jit3A_174 : f32 to vector<16xf32>
      %select_n3A_177 = arith.select %gt3A_168, %broadcast_in_dim3A_175, %broadcast_in_dim3A_176 : vector<16xi1>, vector<16xf32>
      %add3A_178 = arith.addf %add3A_161, %select_n3A_177 : vector<16xf32>
      %get3A_179 = arith.constant 3 : i32
      %get3A_180 = arith.index_cast %get3A_179 : i32 to index
      %get3A_181 = arith.index_cast %scan3A_146 : i32 to index
      %get3A_182 = arith.constant 32 : index
      %get3A_183 = tpu.vector_load %arg5[%get3A_180, %get3A_181, %get3A_182] {strides = array<i32>} : memref<4x16x512xf32, #tpu.memory_space<vmem>>, vector<16xf32>,
      %gt3A_184 = vector.broadcast %scan3A_136 : f32 to vector<16xf32>
      %gt3A_185 = arith.cmpf ogt, %get3A_183, %gt3A_184 : vector<16xf32>
      %jit3A_186 = arith.constant 0.000000e+00 : f32
      %broadcast_in_dim3A_187 = vector.broadcast %jit3A_186 : f32 to vector<16xf32>
      %select_n3A_188 = arith.select %gt3A_185, %get3A_183, %broadcast_in_dim3A_187 : vector<16xi1>, vector<16xf32>
      %add3A_189 = arith.addf %add3A_172, %select_n3A_188 : vector<16xf32>
      %jit3A_190 = arith.constant 1.000000e+00 : f32
      %jit3A_191 = arith.constant 0.000000e+00 : f32
      %broadcast_in_dim3A_192 = vector.broadcast %jit3A_190 : f32 to vector<16xf32>
      %broadcast_in_dim3A_193 = vector.broadcast %jit3A_191 : f32 to vector<16xf32>
      %select_n3A_194 = arith.select %gt3A_185, %broadcast_in_dim3A_192, %broadcast_in_dim3A_193 : vector<16xi1>, vector<16xf32>
      %add3A_195 = arith.addf %add3A_178, %select_n3A_194 : vector<16xf32>
      %get3A_196 = arith.constant 3 : i32
      %get3A_197 = arith.index_cast %get3A_196 : i32 to index
      %get3A_198 = arith.index_cast %scan3A_146 : i32 to index
      %get3A_199 = arith.constant 48 : index
      %get3A_200 = tpu.vector_load %arg5[%get3A_197, %get3A_198, %get3A_199] {strides = array<i32>} : memref<4x16x512xf32, #tpu.memory_space<vmem>>, vector<16xf32>,
      %gt3A_201 = vector.broadcast %scan3A_136 : f32 to vector<16xf32>
      %gt3A_202 = arith.cmpf ogt, %get3A_200, %gt3A_201 : vector<16xf32>
      %jit3A_203 = arith.constant 0.000000e+00 : f32
      %broadcast_in_dim3A_204 = vector.broadcast %jit3A_203 : f32 to vector<16xf32>
      %select_n3A_205 = arith.select %gt3A_202, %get3A_200, %broadcast_in_dim3A_204 : vector<16xi1>, vector<16xf32>
      %add3A_206 = arith.addf %add3A_189, %select_n3A_205 : vector<16xf32>
      %jit3A_207 = arith.constant 1.000000e+00 : f32
      %jit3A_208 = arith.constant 0.000000e+00 : f32
      %broadcast_in_dim3A_209 = vector.broadcast %jit3A_207 : f32 to vector<16xf32>
      %broadcast_in_dim3A_210 = vector.broadcast %jit3A_208 : f32 to vector<16xf32>
      %select_n3A_211 = arith.select %gt3A_202, %broadcast_in_dim3A_209, %broadcast_in_dim3A_210 : vector<16xi1>, vector<16xf32>
      %add3A_212 = arith.addf %add3A_195, %select_n3A_211 : vector<16xf32>
      %get3A_213 = arith.constant 3 : i32
      %get3A_214 = arith.index_cast %get3A_213 : i32 to index
      %get3A_215 = arith.index_cast %scan3A_146 : i32 to index
      %get3A_216 = arith.constant 64 : index
      %get3A_217 = tpu.vector_load %arg5[%get3A_214, %get3A_215, %get3A_216] {strides = array<i32>} : memref<4x16x512xf32, #tpu.memory_space<vmem>>, vector<16xf32>,
      %gt3A_218 = vector.broadcast %scan3A_136 : f32 to vector<16xf32>
      %gt3A_219 = arith.cmpf ogt, %get3A_217, %gt3A_218 : vector<16xf32>
      %jit3A_220 = arith.constant 0.000000e+00 : f32
      %broadcast_in_dim3A_221 = vector.broadcast %jit3A_220 : f32 to vector<16xf32>
      %select_n3A_222 = arith.select %gt3A_219, %get3A_217, %broadcast_in_dim3A_221 : vector<16xi1>, vector<16xf32>
      %add3A_223 = arith.addf %add3A_206, %select_n3A_222 : vector<16xf32>
      %jit3A_224 = arith.constant 1.000000e+00 : f32
      %jit3A_225 = arith.constant 0.000000e+00 : f32
      %broadcast_in_dim3A_226 = vector.broadcast %jit3A_224 : f32 to vector<16xf32>
      %broadcast_in_dim3A_227 = vector.broadcast %jit3A_225 : f32 to vector<16xf32>
      %select_n3A_228 = arith.select %gt3A_219, %broadcast_in_dim3A_226, %broadcast_in_dim3A_227 : vector<16xi1>, vector<16xf32>
      %add3A_229 = arith.addf %add3A_212, %select_n3A_228 : vector<16xf32>
      %get3A_230 = arith.constant 3 : i32
      %get3A_231 = arith.index_cast %get3A_230 : i32 to index
      %get3A_232 = arith.index_cast %scan3A_146 : i32 to index
      %get3A_233 = arith.constant 80 : index
      %get3A_234 = tpu.vector_load %arg5[%get3A_231, %get3A_232, %get3A_233] {strides = array<i32>} : memref<4x16x512xf32, #tpu.memory_space<vmem>>, vector<16xf32>,
      %gt3A_235 = vector.broadcast %scan3A_136 : f32 to vector<16xf32>
      %gt3A_236 = arith.cmpf ogt, %get3A_234, %gt3A_235 : vector<16xf32>
      %jit3A_237 = arith.constant 0.000000e+00 : f32
      %broadcast_in_dim3A_238 = vector.broadcast %jit3A_237 : f32 to vector<16xf32>
      %select_n3A_239 = arith.select %gt3A_236, %get3A_234, %broadcast_in_dim3A_238 : vector<16xi1>, vector<16xf32>
      %add3A_240 = arith.addf %add3A_223, %select_n3A_239 : vector<16xf32>
      %jit3A_241 = arith.constant 1.000000e+00 : f32
      %jit3A_242 = arith.constant 0.000000e+00 : f32
      %broadcast_in_dim3A_243 = vector.broadcast %jit3A_241 : f32 to vector<16xf32>
      %broadcast_in_dim3A_244 = vector.broadcast %jit3A_242 : f32 to vector<16xf32>
      %select_n3A_245 = arith.select %gt3A_236, %broadcast_in_dim3A_243, %broadcast_in_dim3A_244 : vector<16xi1>, vector<16xf32>
      %add3A_246 = arith.addf %add3A_229, %select_n3A_245 : vector<16xf32>
      %get3A_247 = arith.constant 3 : i32
      %get3A_248 = arith.index_cast %get3A_247 : i32 to index
      %get3A_249 = arith.index_cast %scan3A_146 : i32 to index
      %get3A_250 = arith.constant 96 : index
      %get3A_251 = tpu.vector_load %arg5[%get3A_248, %get3A_249, %get3A_250] {strides = array<i32>} : memref<4x16x512xf32, #tpu.memory_space<vmem>>, vector<16xf32>,
      %gt3A_252 = vector.broadcast %scan3A_136 : f32 to vector<16xf32>
      %gt3A_253 = arith.cmpf ogt, %get3A_251, %gt3A_252 : vector<16xf32>
      %jit3A_254 = arith.constant 0.000000e+00 : f32
      %broadcast_in_dim3A_255 = vector.broadcast %jit3A_254 : f32 to vector<16xf32>
      %select_n3A_256 = arith.select %gt3A_253, %get3A_251, %broadcast_in_dim3A_255 : vector<16xi1>, vector<16xf32>
      %add3A_257 = arith.addf %add3A_240, %select_n3A_256 : vector<16xf32>
      %jit3A_258 = arith.constant 1.000000e+00 : f32
      %jit3A_259 = arith.constant 0.000000e+00 : f32
      %broadcast_in_dim3A_260 = vector.broadcast %jit3A_258 : f32 to vector<16xf32>
      %broadcast_in_dim3A_261 = vector.broadcast %jit3A_259 : f32 to vector<16xf32>
      %select_n3A_262 = arith.select %gt3A_253, %broadcast_in_dim3A_260, %broadcast_in_dim3A_261 : vector<16xi1>, vector<16xf32>
      %add3A_263 = arith.addf %add3A_246, %select_n3A_262 : vector<16xf32>
      %get3A_264 = arith.constant 3 : i32
      %get3A_265 = arith.index_cast %get3A_264 : i32 to index
      %get3A_266 = arith.index_cast %scan3A_146 : i32 to index
      %get3A_267 = arith.constant 112 : index
      %get3A_268 = tpu.vector_load %arg5[%get3A_265, %get3A_266, %get3A_267] {strides = array<i32>} : memref<4x16x512xf32, #tpu.memory_space<vmem>>, vector<16xf32>,
      %gt3A_269 = vector.broadcast %scan3A_136 : f32 to vector<16xf32>
      %gt3A_270 = arith.cmpf ogt, %get3A_268, %gt3A_269 : vector<16xf32>
      %jit3A_271 = arith.constant 0.000000e+00 : f32
      %broadcast_in_dim3A_272 = vector.broadcast %jit3A_271 : f32 to vector<16xf32>
      %select_n3A_273 = arith.select %gt3A_270, %get3A_268, %broadcast_in_dim3A_272 : vector<16xi1>, vector<16xf32>
      %add3A_274 = arith.addf %add3A_257, %select_n3A_273 : vector<16xf32>
      %jit3A_275 = arith.constant 1.000000e+00 : f32
      %jit3A_276 = arith.constant 0.000000e+00 : f32
      %broadcast_in_dim3A_277 = vector.broadcast %jit3A_275 : f32 to vector<16xf32>
      %broadcast_in_dim3A_278 = vector.broadcast %jit3A_276 : f32 to vector<16xf32>
      %select_n3A_279 = arith.select %gt3A_270, %broadcast_in_dim3A_277, %broadcast_in_dim3A_278 : vector<16xi1>, vector<16xf32>
      %add3A_280 = arith.addf %add3A_263, %select_n3A_279 : vector<16xf32>
      %get3A_281 = arith.constant 3 : i32
      %get3A_282 = arith.index_cast %get3A_281 : i32 to index
      %get3A_283 = arith.index_cast %scan3A_146 : i32 to index
      %get3A_284 = arith.constant 128 : index
      %get3A_285 = tpu.vector_load %arg5[%get3A_282, %get3A_283, %get3A_284] {strides = array<i32>} : memref<4x16x512xf32, #tpu.memory_space<vmem>>, vector<16xf32>,
      %gt3A_286 = vector.broadcast %scan3A_136 : f32 to vector<16xf32>
      %gt3A_287 = arith.cmpf ogt, %get3A_285, %gt3A_286 : vector<16xf32>
      %jit3A_288 = arith.constant 0.000000e+00 : f32
      %broadcast_in_dim3A_289 = vector.broadcast %jit3A_288 : f32 to vector<16xf32>
      %select_n3A_290 = arith.select %gt3A_287, %get3A_285, %broadcast_in_dim3A_289 : vector<16xi1>, vector<16xf32>
      %add3A_291 = arith.addf %add3A_274, %select_n3A_290 : vector<16xf32>
      %jit3A_292 = arith.constant 1.000000e+00 : f32
      %jit3A_293 = arith.constant 0.000000e+00 : f32
      %broadcast_in_dim3A_294 = vector.broadcast %jit3A_292 : f32 to vector<16xf32>
      %broadcast_in_dim3A_295 = vector.broadcast %jit3A_293 : f32 to vector<16xf32>
      %select_n3A_296 = arith.select %gt3A_287, %broadcast_in_dim3A_294, %broadcast_in_dim3A_295 : vector<16xi1>, vector<16xf32>
      %add3A_297 = arith.addf %add3A_280, %select_n3A_296 : vector<16xf32>
      %get3A_298 = arith.constant 3 : i32
      %get3A_299 = arith.index_cast %get3A_298 : i32 to index
      %get3A_300 = arith.index_cast %scan3A_146 : i32 to index
      %get3A_301 = arith.constant 144 : index
      %get3A_302 = tpu.vector_load %arg5[%get3A_299, %get3A_300, %get3A_301] {strides = array<i32>} : memref<4x16x512xf32, #tpu.memory_space<vmem>>, vector<16xf32>,
      %gt3A_303 = vector.broadcast %scan3A_136 : f32 to vector<16xf32>
      %gt3A_304 = arith.cmpf ogt, %get3A_302, %gt3A_303 : vector<16xf32>
      %jit3A_305 = arith.constant 0.000000e+00 : f32
      %broadcast_in_dim3A_306 = vector.broadcast %jit3A_305 : f32 to vector<16xf32>
      %select_n3A_307 = arith.select %gt3A_304, %get3A_302, %broadcast_in_dim3A_306 : vector<16xi1>, vector<16xf32>
      %add3A_308 = arith.addf %add3A_291, %select_n3A_307 : vector<16xf32>
      %jit3A_309 = arith.constant 1.000000e+00 : f32
      %jit3A_310 = arith.constant 0.000000e+00 : f32
      %broadcast_in_dim3A_311 = vector.broadcast %jit3A_309 : f32 to vector<16xf32>
      %broadcast_in_dim3A_312 = vector.broadcast %jit3A_310 : f32 to vector<16xf32>
      %select_n3A_313 = arith.select %gt3A_304, %broadcast_in_dim3A_311, %broadcast_in_dim3A_312 : vector<16xi1>, vector<16xf32>
      %add3A_314 = arith.addf %add3A_297, %select_n3A_313 : vector<16xf32>
      %get3A_315 = arith.constant 3 : i32
      %get3A_316 = arith.index_cast %get3A_315 : i32 to index
      %get3A_317 = arith.index_cast %scan3A_146 : i32 to index
      %get3A_318 = arith.constant 160 : index
      %get3A_319 = tpu.vector_load %arg5[%get3A_316, %get3A_317, %get3A_318] {strides = array<i32>} : memref<4x16x512xf32, #tpu.memory_space<vmem>>, vector<16xf32>,
      %gt3A_320 = vector.broadcast %scan3A_136 : f32 to vector<16xf32>
      %gt3A_321 = arith.cmpf ogt, %get3A_319, %gt3A_320 : vector<16xf32>
      %jit3A_322 = arith.constant 0.000000e+00 : f32
      %broadcast_in_dim3A_323 = vector.broadcast %jit3A_322 : f32 to vector<16xf32>
      %select_n3A_324 = arith.select %gt3A_321, %get3A_319, %broadcast_in_dim3A_323 : vector<16xi1>, vector<16xf32>
      %add3A_325 = arith.addf %add3A_308, %select_n3A_324 : vector<16xf32>
      %jit3A_326 = arith.constant 1.000000e+00 : f32
      %jit3A_327 = arith.constant 0.000000e+00 : f32
      %broadcast_in_dim3A_328 = vector.broadcast %jit3A_326 : f32 to vector<16xf32>
      %broadcast_in_dim3A_329 = vector.broadcast %jit3A_327 : f32 to vector<16xf32>
      %select_n3A_330 = arith.select %gt3A_321, %broadcast_in_dim3A_328, %broadcast_in_dim3A_329 : vector<16xi1>, vector<16xf32>
      %add3A_331 = arith.addf %add3A_314, %select_n3A_330 : vector<16xf32>
      %get3A_332 = arith.constant 3 : i32
      %get3A_333 = arith.index_cast %get3A_332 : i32 to index
      %get3A_334 = arith.index_cast %scan3A_146 : i32 to index
      %get3A_335 = arith.constant 176 : index
      %get3A_336 = tpu.vector_load %arg5[%get3A_333, %get3A_334, %get3A_335] {strides = array<i32>} : memref<4x16x512xf32, #tpu.memory_space<vmem>>, vector<16xf32>,
      %gt3A_337 = vector.broadcast %scan3A_136 : f32 to vector<16xf32>
      %gt3A_338 = arith.cmpf ogt, %get3A_336, %gt3A_337 : vector<16xf32>
      %jit3A_339 = arith.constant 0.000000e+00 : f32
      %broadcast_in_dim3A_340 = vector.broadcast %jit3A_339 : f32 to vector<16xf32>
      %select_n3A_341 = arith.select %gt3A_338, %get3A_336, %broadcast_in_dim3A_340 : vector<16xi1>, vector<16xf32>
      %add3A_342 = arith.addf %add3A_325, %select_n3A_341 : vector<16xf32>
      %jit3A_343 = arith.constant 1.000000e+00 : f32
      %jit3A_344 = arith.constant 0.000000e+00 : f32
      %broadcast_in_dim3A_345 = vector.broadcast %jit3A_343 : f32 to vector<16xf32>
      %broadcast_in_dim3A_346 = vector.broadcast %jit3A_344 : f32 to vector<16xf32>
      %select_n3A_347 = arith.select %gt3A_338, %broadcast_in_dim3A_345, %broadcast_in_dim3A_346 : vector<16xi1>, vector<16xf32>
      %add3A_348 = arith.addf %add3A_331, %select_n3A_347 : vector<16xf32>
      %get3A_349 = arith.constant 3 : i32
      %get3A_350 = arith.index_cast %get3A_349 : i32 to index
      %get3A_351 = arith.index_cast %scan3A_146 : i32 to index
      %get3A_352 = arith.constant 192 : index
      %get3A_353 = tpu.vector_load %arg5[%get3A_350, %get3A_351, %get3A_352] {strides = array<i32>} : memref<4x16x512xf32, #tpu.memory_space<vmem>>, vector<16xf32>,
      %gt3A_354 = vector.broadcast %scan3A_136 : f32 to vector<16xf32>
      %gt3A_355 = arith.cmpf ogt, %get3A_353, %gt3A_354 : vector<16xf32>
      %jit3A_356 = arith.constant 0.000000e+00 : f32
      %broadcast_in_dim3A_357 = vector.broadcast %jit3A_356 : f32 to vector<16xf32>
      %select_n3A_358 = arith.select %gt3A_355, %get3A_353, %broadcast_in_dim3A_357 : vector<16xi1>, vector<16xf32>
      %add3A_359 = arith.addf %add3A_342, %select_n3A_358 : vector<16xf32>
      %jit3A_360 = arith.constant 1.000000e+00 : f32
      %jit3A_361 = arith.constant 0.000000e+00 : f32
      %broadcast_in_dim3A_362 = vector.broadcast %jit3A_360 : f32 to vector<16xf32>
      %broadcast_in_dim3A_363 = vector.broadcast %jit3A_361 : f32 to vector<16xf32>
      %select_n3A_364 = arith.select %gt3A_355, %broadcast_in_dim3A_362, %broadcast_in_dim3A_363 : vector<16xi1>, vector<16xf32>
      %add3A_365 = arith.addf %add3A_348, %select_n3A_364 : vector<16xf32>
      %get3A_366 = arith.constant 3 : i32
      %get3A_367 = arith.index_cast %get3A_366 : i32 to index
      %get3A_368 = arith.index_cast %scan3A_146 : i32 to index
      %get3A_369 = arith.constant 208 : index
      %get3A_370 = tpu.vector_load %arg5[%get3A_367, %get3A_368, %get3A_369] {strides = array<i32>} : memref<4x16x512xf32, #tpu.memory_space<vmem>>, vector<16xf32>,
      %gt3A_371 = vector.broadcast %scan3A_136 : f32 to vector<16xf32>
      %gt3A_372 = arith.cmpf ogt, %get3A_370, %gt3A_371 : vector<16xf32>
      %jit3A_373 = arith.constant 0.000000e+00 : f32
      %broadcast_in_dim3A_374 = vector.broadcast %jit3A_373 : f32 to vector<16xf32>
      %select_n3A_375 = arith.select %gt3A_372, %get3A_370, %broadcast_in_dim3A_374 : vector<16xi1>, vector<16xf32>
      %add3A_376 = arith.addf %add3A_359, %select_n3A_375 : vector<16xf32>
      %jit3A_377 = arith.constant 1.000000e+00 : f32
      %jit3A_378 = arith.constant 0.000000e+00 : f32
      %broadcast_in_dim3A_379 = vector.broadcast %jit3A_377 : f32 to vector<16xf32>
      %broadcast_in_dim3A_380 = vector.broadcast %jit3A_378 : f32 to vector<16xf32>
      %select_n3A_381 = arith.select %gt3A_372, %broadcast_in_dim3A_379, %broadcast_in_dim3A_380 : vector<16xi1>, vector<16xf32>
      %add3A_382 = arith.addf %add3A_365, %select_n3A_381 : vector<16xf32>
      %get3A_383 = arith.constant 3 : i32
      %get3A_384 = arith.index_cast %get3A_383 : i32 to index
      %get3A_385 = arith.index_cast %scan3A_146 : i32 to index
      %get3A_386 = arith.constant 224 : index
      %get3A_387 = tpu.vector_load %arg5[%get3A_384, %get3A_385, %get3A_386] {strides = array<i32>} : memref<4x16x512xf32, #tpu.memory_space<vmem>>, vector<16xf32>,
      %gt3A_388 = vector.broadcast %scan3A_136 : f32 to vector<16xf32>
      %gt3A_389 = arith.cmpf ogt, %get3A_387, %gt3A_388 : vector<16xf32>
      %jit3A_390 = arith.constant 0.000000e+00 : f32
      %broadcast_in_dim3A_391 = vector.broadcast %jit3A_390 : f32 to vector<16xf32>
      %select_n3A_392 = arith.select %gt3A_389, %get3A_387, %broadcast_in_dim3A_391 : vector<16xi1>, vector<16xf32>
      %add3A_393 = arith.addf %add3A_376, %select_n3A_392 : vector<16xf32>
      %jit3A_394 = arith.constant 1.000000e+00 : f32
      %jit3A_395 = arith.constant 0.000000e+00 : f32
      %broadcast_in_dim3A_396 = vector.broadcast %jit3A_394 : f32 to vector<16xf32>
      %broadcast_in_dim3A_397 = vector.broadcast %jit3A_395 : f32 to vector<16xf32>
      %select_n3A_398 = arith.select %gt3A_389, %broadcast_in_dim3A_396, %broadcast_in_dim3A_397 : vector<16xi1>, vector<16xf32>
      %add3A_399 = arith.addf %add3A_382, %select_n3A_398 : vector<16xf32>
      %get3A_400 = arith.constant 3 : i32
      %get3A_401 = arith.index_cast %get3A_400 : i32 to index
      %get3A_402 = arith.index_cast %scan3A_146 : i32 to index
      %get3A_403 = arith.constant 240 : index
      %get3A_404 = tpu.vector_load %arg5[%get3A_401, %get3A_402, %get3A_403] {strides = array<i32>} : memref<4x16x512xf32, #tpu.memory_space<vmem>>, vector<16xf32>,
      %gt3A_405 = vector.broadcast %scan3A_136 : f32 to vector<16xf32>
      %gt3A_406 = arith.cmpf ogt, %get3A_404, %gt3A_405 : vector<16xf32>
      %jit3A_407 = arith.constant 0.000000e+00 : f32
      %broadcast_in_dim3A_408 = vector.broadcast %jit3A_407 : f32 to vector<16xf32>
      %select_n3A_409 = arith.select %gt3A_406, %get3A_404, %broadcast_in_dim3A_408 : vector<16xi1>, vector<16xf32>
      %add3A_410 = arith.addf %add3A_393, %select_n3A_409 : vector<16xf32>
      %jit3A_411 = arith.constant 1.000000e+00 : f32
      %jit3A_412 = arith.constant 0.000000e+00 : f32
      %broadcast_in_dim3A_413 = vector.broadcast %jit3A_411 : f32 to vector<16xf32>
      %broadcast_in_dim3A_414 = vector.broadcast %jit3A_412 : f32 to vector<16xf32>
      %select_n3A_415 = arith.select %gt3A_406, %broadcast_in_dim3A_413, %broadcast_in_dim3A_414 : vector<16xi1>, vector<16xf32>
      %add3A_416 = arith.addf %add3A_399, %select_n3A_415 : vector<16xf32>
      %get3A_417 = arith.constant 3 : i32
      %get3A_418 = arith.index_cast %get3A_417 : i32 to index
      %get3A_419 = arith.index_cast %scan3A_146 : i32 to index
      %get3A_420 = arith.constant 256 : index
      %get3A_421 = tpu.vector_load %arg5[%get3A_418, %get3A_419, %get3A_420] {strides = array<i32>} : memref<4x16x512xf32, #tpu.memory_space<vmem>>, vector<16xf32>,
      %gt3A_422 = vector.broadcast %scan3A_136 : f32 to vector<16xf32>
      %gt3A_423 = arith.cmpf ogt, %get3A_421, %gt3A_422 : vector<16xf32>
      %jit3A_424 = arith.constant 0.000000e+00 : f32
      %broadcast_in_dim3A_425 = vector.broadcast %jit3A_424 : f32 to vector<16xf32>
      %select_n3A_426 = arith.select %gt3A_423, %get3A_421, %broadcast_in_dim3A_425 : vector<16xi1>, vector<16xf32>
      %add3A_427 = arith.addf %add3A_410, %select_n3A_426 : vector<16xf32>
      %jit3A_428 = arith.constant 1.000000e+00 : f32
      %jit3A_429 = arith.constant 0.000000e+00 : f32
      %broadcast_in_dim3A_430 = vector.broadcast %jit3A_428 : f32 to vector<16xf32>
      %broadcast_in_dim3A_431 = vector.broadcast %jit3A_429 : f32 to vector<16xf32>
      %select_n3A_432 = arith.select %gt3A_423, %broadcast_in_dim3A_430, %broadcast_in_dim3A_431 : vector<16xi1>, vector<16xf32>
      %add3A_433 = arith.addf %add3A_416, %select_n3A_432 : vector<16xf32>
      %get3A_434 = arith.constant 3 : i32
      %get3A_435 = arith.index_cast %get3A_434 : i32 to index
      %get3A_436 = arith.index_cast %scan3A_146 : i32 to index
      %get3A_437 = arith.constant 272 : index
      %get3A_438 = tpu.vector_load %arg5[%get3A_435, %get3A_436, %get3A_437] {strides = array<i32>} : memref<4x16x512xf32, #tpu.memory_space<vmem>>, vector<16xf32>,
      %gt3A_439 = vector.broadcast %scan3A_136 : f32 to vector<16xf32>
      %gt3A_440 = arith.cmpf ogt, %get3A_438, %gt3A_439 : vector<16xf32>
      %jit3A_441 = arith.constant 0.000000e+00 : f32
      %broadcast_in_dim3A_442 = vector.broadcast %jit3A_441 : f32 to vector<16xf32>
      %select_n3A_443 = arith.select %gt3A_440, %get3A_438, %broadcast_in_dim3A_442 : vector<16xi1>, vector<16xf32>
      %add3A_444 = arith.addf %add3A_427, %select_n3A_443 : vector<16xf32>
      %jit3A_445 = arith.constant 1.000000e+00 : f32
      %jit3A_446 = arith.constant 0.000000e+00 : f32
      %broadcast_in_dim3A_447 = vector.broadcast %jit3A_445 : f32 to vector<16xf32>
      %broadcast_in_dim3A_448 = vector.broadcast %jit3A_446 : f32 to vector<16xf32>
      %select_n3A_449 = arith.select %gt3A_440, %broadcast_in_dim3A_447, %broadcast_in_dim3A_448 : vector<16xi1>, vector<16xf32>
      %add3A_450 = arith.addf %add3A_433, %select_n3A_449 : vector<16xf32>
      %get3A_451 = arith.constant 3 : i32
      %get3A_452 = arith.index_cast %get3A_451 : i32 to index
      %get3A_453 = arith.index_cast %scan3A_146 : i32 to index
      %get3A_454 = arith.constant 288 : index
      %get3A_455 = tpu.vector_load %arg5[%get3A_452, %get3A_453, %get3A_454] {strides = array<i32>} : memref<4x16x512xf32, #tpu.memory_space<vmem>>, vector<16xf32>,
      %gt3A_456 = vector.broadcast %scan3A_136 : f32 to vector<16xf32>
      %gt3A_457 = arith.cmpf ogt, %get3A_455, %gt3A_456 : vector<16xf32>
      %jit3A_458 = arith.constant 0.000000e+00 : f32
      %broadcast_in_dim3A_459 = vector.broadcast %jit3A_458 : f32 to vector<16xf32>
      %select_n3A_460 = arith.select %gt3A_457, %get3A_455, %broadcast_in_dim3A_459 : vector<16xi1>, vector<16xf32>
      %add3A_461 = arith.addf %add3A_444, %select_n3A_460 : vector<16xf32>
      %jit3A_462 = arith.constant 1.000000e+00 : f32
      %jit3A_463 = arith.constant 0.000000e+00 : f32
      %broadcast_in_dim3A_464 = vector.broadcast %jit3A_462 : f32 to vector<16xf32>
      %broadcast_in_dim3A_465 = vector.broadcast %jit3A_463 : f32 to vector<16xf32>
      %select_n3A_466 = arith.select %gt3A_457, %broadcast_in_dim3A_464, %broadcast_in_dim3A_465 : vector<16xi1>, vector<16xf32>
      %add3A_467 = arith.addf %add3A_450, %select_n3A_466 : vector<16xf32>
      %get3A_468 = arith.constant 3 : i32
      %get3A_469 = arith.index_cast %get3A_468 : i32 to index
      %get3A_470 = arith.index_cast %scan3A_146 : i32 to index
      %get3A_471 = arith.constant 304 : index
      %get3A_472 = tpu.vector_load %arg5[%get3A_469, %get3A_470, %get3A_471] {strides = array<i32>} : memref<4x16x512xf32, #tpu.memory_space<vmem>>, vector<16xf32>,
      %gt3A_473 = vector.broadcast %scan3A_136 : f32 to vector<16xf32>
      %gt3A_474 = arith.cmpf ogt, %get3A_472, %gt3A_473 : vector<16xf32>
      %jit3A_475 = arith.constant 0.000000e+00 : f32
      %broadcast_in_dim3A_476 = vector.broadcast %jit3A_475 : f32 to vector<16xf32>
      %select_n3A_477 = arith.select %gt3A_474, %get3A_472, %broadcast_in_dim3A_476 : vector<16xi1>, vector<16xf32>
      %add3A_478 = arith.addf %add3A_461, %select_n3A_477 : vector<16xf32>
      %jit3A_479 = arith.constant 1.000000e+00 : f32
      %jit3A_480 = arith.constant 0.000000e+00 : f32
      %broadcast_in_dim3A_481 = vector.broadcast %jit3A_479 : f32 to vector<16xf32>
      %broadcast_in_dim3A_482 = vector.broadcast %jit3A_480 : f32 to vector<16xf32>
      %select_n3A_483 = arith.select %gt3A_474, %broadcast_in_dim3A_481, %broadcast_in_dim3A_482 : vector<16xi1>, vector<16xf32>
      %add3A_484 = arith.addf %add3A_467, %select_n3A_483 : vector<16xf32>
      %get3A_485 = arith.constant 3 : i32
      %get3A_486 = arith.index_cast %get3A_485 : i32 to index
      %get3A_487 = arith.index_cast %scan3A_146 : i32 to index
      %get3A_488 = arith.constant 320 : index
      %get3A_489 = tpu.vector_load %arg5[%get3A_486, %get3A_487, %get3A_488] {strides = array<i32>} : memref<4x16x512xf32, #tpu.memory_space<vmem>>, vector<16xf32>,
      %gt3A_490 = vector.broadcast %scan3A_136 : f32 to vector<16xf32>
      %gt3A_491 = arith.cmpf ogt, %get3A_489, %gt3A_490 : vector<16xf32>
      %jit3A_492 = arith.constant 0.000000e+00 : f32
      %broadcast_in_dim3A_493 = vector.broadcast %jit3A_492 : f32 to vector<16xf32>
      %select_n3A_494 = arith.select %gt3A_491, %get3A_489, %broadcast_in_dim3A_493 : vector<16xi1>, vector<16xf32>
      %add3A_495 = arith.addf %add3A_478, %select_n3A_494 : vector<16xf32>
      %jit3A_496 = arith.constant 1.000000e+00 : f32
      %jit3A_497 = arith.constant 0.000000e+00 : f32
      %broadcast_in_dim3A_498 = vector.broadcast %jit3A_496 : f32 to vector<16xf32>
      %broadcast_in_dim3A_499 = vector.broadcast %jit3A_497 : f32 to vector<16xf32>
      %select_n3A_500 = arith.select %gt3A_491, %broadcast_in_dim3A_498, %broadcast_in_dim3A_499 : vector<16xi1>, vector<16xf32>
      %add3A_501 = arith.addf %add3A_484, %select_n3A_500 : vector<16xf32>
      %get3A_502 = arith.constant 3 : i32
      %get3A_503 = arith.index_cast %get3A_502 : i32 to index
      %get3A_504 = arith.index_cast %scan3A_146 : i32 to index
      %get3A_505 = arith.constant 336 : index
      %get3A_506 = tpu.vector_load %arg5[%get3A_503, %get3A_504, %get3A_505] {strides = array<i32>} : memref<4x16x512xf32, #tpu.memory_space<vmem>>, vector<16xf32>,
      %gt3A_507 = vector.broadcast %scan3A_136 : f32 to vector<16xf32>
      %gt3A_508 = arith.cmpf ogt, %get3A_506, %gt3A_507 : vector<16xf32>
      %jit3A_509 = arith.constant 0.000000e+00 : f32
      %broadcast_in_dim3A_510 = vector.broadcast %jit3A_509 : f32 to vector<16xf32>
      %select_n3A_511 = arith.select %gt3A_508, %get3A_506, %broadcast_in_dim3A_510 : vector<16xi1>, vector<16xf32>
      %add3A_512 = arith.addf %add3A_495, %select_n3A_511 : vector<16xf32>
      %jit3A_513 = arith.constant 1.000000e+00 : f32
      %jit3A_514 = arith.constant 0.000000e+00 : f32
      %broadcast_in_dim3A_515 = vector.broadcast %jit3A_513 : f32 to vector<16xf32>
      %broadcast_in_dim3A_516 = vector.broadcast %jit3A_514 : f32 to vector<16xf32>
      %select_n3A_517 = arith.select %gt3A_508, %broadcast_in_dim3A_515, %broadcast_in_dim3A_516 : vector<16xi1>, vector<16xf32>
      %add3A_518 = arith.addf %add3A_501, %select_n3A_517 : vector<16xf32>
      %get3A_519 = arith.constant 3 : i32
      %get3A_520 = arith.index_cast %get3A_519 : i32 to index
      %get3A_521 = arith.index_cast %scan3A_146 : i32 to index
      %get3A_522 = arith.constant 352 : index
      %get3A_523 = tpu.vector_load %arg5[%get3A_520, %get3A_521, %get3A_522] {strides = array<i32>} : memref<4x16x512xf32, #tpu.memory_space<vmem>>, vector<16xf32>,
      %gt3A_524 = vector.broadcast %scan3A_136 : f32 to vector<16xf32>
      %gt3A_525 = arith.cmpf ogt, %get3A_523, %gt3A_524 : vector<16xf32>
      %jit3A_526 = arith.constant 0.000000e+00 : f32
      %broadcast_in_dim3A_527 = vector.broadcast %jit3A_526 : f32 to vector<16xf32>
      %select_n3A_528 = arith.select %gt3A_525, %get3A_523, %broadcast_in_dim3A_527 : vector<16xi1>, vector<16xf32>
      %add3A_529 = arith.addf %add3A_512, %select_n3A_528 : vector<16xf32>
      %jit3A_530 = arith.constant 1.000000e+00 : f32
      %jit3A_531 = arith.constant 0.000000e+00 : f32
      %broadcast_in_dim3A_532 = vector.broadcast %jit3A_530 : f32 to vector<16xf32>
      %broadcast_in_dim3A_533 = vector.broadcast %jit3A_531 : f32 to vector<16xf32>
      %select_n3A_534 = arith.select %gt3A_525, %broadcast_in_dim3A_532, %broadcast_in_dim3A_533 : vector<16xi1>, vector<16xf32>
      %add3A_535 = arith.addf %add3A_518, %select_n3A_534 : vector<16xf32>
      %get3A_536 = arith.constant 3 : i32
      %get3A_537 = arith.index_cast %get3A_536 : i32 to index
      %get3A_538 = arith.index_cast %scan3A_146 : i32 to index
      %get3A_539 = arith.constant 368 : index
      %get3A_540 = tpu.vector_load %arg5[%get3A_537, %get3A_538, %get3A_539] {strides = array<i32>} : memref<4x16x512xf32, #tpu.memory_space<vmem>>, vector<16xf32>,
      %gt3A_541 = vector.broadcast %scan3A_136 : f32 to vector<16xf32>
      %gt3A_542 = arith.cmpf ogt, %get3A_540, %gt3A_541 : vector<16xf32>
      %jit3A_543 = arith.constant 0.000000e+00 : f32
      %broadcast_in_dim3A_544 = vector.broadcast %jit3A_543 : f32 to vector<16xf32>
      %select_n3A_545 = arith.select %gt3A_542, %get3A_540, %broadcast_in_dim3A_544 : vector<16xi1>, vector<16xf32>
      %add3A_546 = arith.addf %add3A_529, %select_n3A_545 : vector<16xf32>
      %jit3A_547 = arith.constant 1.000000e+00 : f32
      %jit3A_548 = arith.constant 0.000000e+00 : f32
      %broadcast_in_dim3A_549 = vector.broadcast %jit3A_547 : f32 to vector<16xf32>
      %broadcast_in_dim3A_550 = vector.broadcast %jit3A_548 : f32 to vector<16xf32>
      %select_n3A_551 = arith.select %gt3A_542, %broadcast_in_dim3A_549, %broadcast_in_dim3A_550 : vector<16xi1>, vector<16xf32>
      %add3A_552 = arith.addf %add3A_535, %select_n3A_551 : vector<16xf32>
      %get3A_553 = arith.constant 3 : i32
      %get3A_554 = arith.index_cast %get3A_553 : i32 to index
      %get3A_555 = arith.index_cast %scan3A_146 : i32 to index
      %get3A_556 = arith.constant 384 : index
      %get3A_557 = tpu.vector_load %arg5[%get3A_554, %get3A_555, %get3A_556] {strides = array<i32>} : memref<4x16x512xf32, #tpu.memory_space<vmem>>, vector<16xf32>,
      %gt3A_558 = vector.broadcast %scan3A_136 : f32 to vector<16xf32>
      %gt3A_559 = arith.cmpf ogt, %get3A_557, %gt3A_558 : vector<16xf32>
      %jit3A_560 = arith.constant 0.000000e+00 : f32
      %broadcast_in_dim3A_561 = vector.broadcast %jit3A_560 : f32 to vector<16xf32>
      %select_n3A_562 = arith.select %gt3A_559, %get3A_557, %broadcast_in_dim3A_561 : vector<16xi1>, vector<16xf32>
      %add3A_563 = arith.addf %add3A_546, %select_n3A_562 : vector<16xf32>
      %jit3A_564 = arith.constant 1.000000e+00 : f32
      %jit3A_565 = arith.constant 0.000000e+00 : f32
      %broadcast_in_dim3A_566 = vector.broadcast %jit3A_564 : f32 to vector<16xf32>
      %broadcast_in_dim3A_567 = vector.broadcast %jit3A_565 : f32 to vector<16xf32>
      %select_n3A_568 = arith.select %gt3A_559, %broadcast_in_dim3A_566, %broadcast_in_dim3A_567 : vector<16xi1>, vector<16xf32>
      %add3A_569 = arith.addf %add3A_552, %select_n3A_568 : vector<16xf32>
      %get3A_570 = arith.constant 3 : i32
      %get3A_571 = arith.index_cast %get3A_570 : i32 to index
      %get3A_572 = arith.index_cast %scan3A_146 : i32 to index
      %get3A_573 = arith.constant 400 : index
      %get3A_574 = tpu.vector_load %arg5[%get3A_571, %get3A_572, %get3A_573] {strides = array<i32>} : memref<4x16x512xf32, #tpu.memory_space<vmem>>, vector<16xf32>,
      %gt3A_575 = vector.broadcast %scan3A_136 : f32 to vector<16xf32>
      %gt3A_576 = arith.cmpf ogt, %get3A_574, %gt3A_575 : vector<16xf32>
      %jit3A_577 = arith.constant 0.000000e+00 : f32
      %broadcast_in_dim3A_578 = vector.broadcast %jit3A_577 : f32 to vector<16xf32>
      %select_n3A_579 = arith.select %gt3A_576, %get3A_574, %broadcast_in_dim3A_578 : vector<16xi1>, vector<16xf32>
      %add3A_580 = arith.addf %add3A_563, %select_n3A_579 : vector<16xf32>
      %jit3A_581 = arith.constant 1.000000e+00 : f32
      %jit3A_582 = arith.constant 0.000000e+00 : f32
      %broadcast_in_dim3A_583 = vector.broadcast %jit3A_581 : f32 to vector<16xf32>
      %broadcast_in_dim3A_584 = vector.broadcast %jit3A_582 : f32 to vector<16xf32>
      %select_n3A_585 = arith.select %gt3A_576, %broadcast_in_dim3A_583, %broadcast_in_dim3A_584 : vector<16xi1>, vector<16xf32>
      %add3A_586 = arith.addf %add3A_569, %select_n3A_585 : vector<16xf32>
      %get3A_587 = arith.constant 3 : i32
      %get3A_588 = arith.index_cast %get3A_587 : i32 to index
      %get3A_589 = arith.index_cast %scan3A_146 : i32 to index
      %get3A_590 = arith.constant 416 : index
      %get3A_591 = tpu.vector_load %arg5[%get3A_588, %get3A_589, %get3A_590] {strides = array<i32>} : memref<4x16x512xf32, #tpu.memory_space<vmem>>, vector<16xf32>,
      %gt3A_592 = vector.broadcast %scan3A_136 : f32 to vector<16xf32>
      %gt3A_593 = arith.cmpf ogt, %get3A_591, %gt3A_592 : vector<16xf32>
      %jit3A_594 = arith.constant 0.000000e+00 : f32
      %broadcast_in_dim3A_595 = vector.broadcast %jit3A_594 : f32 to vector<16xf32>
      %select_n3A_596 = arith.select %gt3A_593, %get3A_591, %broadcast_in_dim3A_595 : vector<16xi1>, vector<16xf32>
      %add3A_597 = arith.addf %add3A_580, %select_n3A_596 : vector<16xf32>
      %jit3A_598 = arith.constant 1.000000e+00 : f32
      %jit3A_599 = arith.constant 0.000000e+00 : f32
      %broadcast_in_dim3A_600 = vector.broadcast %jit3A_598 : f32 to vector<16xf32>
      %broadcast_in_dim3A_601 = vector.broadcast %jit3A_599 : f32 to vector<16xf32>
      %select_n3A_602 = arith.select %gt3A_593, %broadcast_in_dim3A_600, %broadcast_in_dim3A_601 : vector<16xi1>, vector<16xf32>
      %add3A_603 = arith.addf %add3A_586, %select_n3A_602 : vector<16xf32>
      %get3A_604 = arith.constant 3 : i32
      %get3A_605 = arith.index_cast %get3A_604 : i32 to index
      %get3A_606 = arith.index_cast %scan3A_146 : i32 to index
      %get3A_607 = arith.constant 432 : index
      %get3A_608 = tpu.vector_load %arg5[%get3A_605, %get3A_606, %get3A_607] {strides = array<i32>} : memref<4x16x512xf32, #tpu.memory_space<vmem>>, vector<16xf32>,
      %gt3A_609 = vector.broadcast %scan3A_136 : f32 to vector<16xf32>
      %gt3A_610 = arith.cmpf ogt, %get3A_608, %gt3A_609 : vector<16xf32>
      %jit3A_611 = arith.constant 0.000000e+00 : f32
      %broadcast_in_dim3A_612 = vector.broadcast %jit3A_611 : f32 to vector<16xf32>
      %select_n3A_613 = arith.select %gt3A_610, %get3A_608, %broadcast_in_dim3A_612 : vector<16xi1>, vector<16xf32>
      %add3A_614 = arith.addf %add3A_597, %select_n3A_613 : vector<16xf32>
      %jit3A_615 = arith.constant 1.000000e+00 : f32
      %jit3A_616 = arith.constant 0.000000e+00 : f32
      %broadcast_in_dim3A_617 = vector.broadcast %jit3A_615 : f32 to vector<16xf32>
      %broadcast_in_dim3A_618 = vector.broadcast %jit3A_616 : f32 to vector<16xf32>
      %select_n3A_619 = arith.select %gt3A_610, %broadcast_in_dim3A_617, %broadcast_in_dim3A_618 : vector<16xi1>, vector<16xf32>
      %add3A_620 = arith.addf %add3A_603, %select_n3A_619 : vector<16xf32>
      %get3A_621 = arith.constant 3 : i32
      %get3A_622 = arith.index_cast %get3A_621 : i32 to index
      %get3A_623 = arith.index_cast %scan3A_146 : i32 to index
      %get3A_624 = arith.constant 448 : index
      %get3A_625 = tpu.vector_load %arg5[%get3A_622, %get3A_623, %get3A_624] {strides = array<i32>} : memref<4x16x512xf32, #tpu.memory_space<vmem>>, vector<16xf32>,
      %gt3A_626 = vector.broadcast %scan3A_136 : f32 to vector<16xf32>
      %gt3A_627 = arith.cmpf ogt, %get3A_625, %gt3A_626 : vector<16xf32>
      %jit3A_628 = arith.constant 0.000000e+00 : f32
      %broadcast_in_dim3A_629 = vector.broadcast %jit3A_628 : f32 to vector<16xf32>
      %select_n3A_630 = arith.select %gt3A_627, %get3A_625, %broadcast_in_dim3A_629 : vector<16xi1>, vector<16xf32>
      %add3A_631 = arith.addf %add3A_614, %select_n3A_630 : vector<16xf32>
      %jit3A_632 = arith.constant 1.000000e+00 : f32
      %jit3A_633 = arith.constant 0.000000e+00 : f32
      %broadcast_in_dim3A_634 = vector.broadcast %jit3A_632 : f32 to vector<16xf32>
      %broadcast_in_dim3A_635 = vector.broadcast %jit3A_633 : f32 to vector<16xf32>
      %select_n3A_636 = arith.select %gt3A_627, %broadcast_in_dim3A_634, %broadcast_in_dim3A_635 : vector<16xi1>, vector<16xf32>
      %add3A_637 = arith.addf %add3A_620, %select_n3A_636 : vector<16xf32>
      %get3A_638 = arith.constant 3 : i32
      %get3A_639 = arith.index_cast %get3A_638 : i32 to index
      %get3A_640 = arith.index_cast %scan3A_146 : i32 to index
      %get3A_641 = arith.constant 464 : index
      %get3A_642 = tpu.vector_load %arg5[%get3A_639, %get3A_640, %get3A_641] {strides = array<i32>} : memref<4x16x512xf32, #tpu.memory_space<vmem>>, vector<16xf32>,
      %gt3A_643 = vector.broadcast %scan3A_136 : f32 to vector<16xf32>
      %gt3A_644 = arith.cmpf ogt, %get3A_642, %gt3A_643 : vector<16xf32>
      %jit3A_645 = arith.constant 0.000000e+00 : f32
      %broadcast_in_dim3A_646 = vector.broadcast %jit3A_645 : f32 to vector<16xf32>
      %select_n3A_647 = arith.select %gt3A_644, %get3A_642, %broadcast_in_dim3A_646 : vector<16xi1>, vector<16xf32>
      %add3A_648 = arith.addf %add3A_631, %select_n3A_647 : vector<16xf32>
      %jit3A_649 = arith.constant 1.000000e+00 : f32
      %jit3A_650 = arith.constant 0.000000e+00 : f32
      %broadcast_in_dim3A_651 = vector.broadcast %jit3A_649 : f32 to vector<16xf32>
      %broadcast_in_dim3A_652 = vector.broadcast %jit3A_650 : f32 to vector<16xf32>
      %select_n3A_653 = arith.select %gt3A_644, %broadcast_in_dim3A_651, %broadcast_in_dim3A_652 : vector<16xi1>, vector<16xf32>
      %add3A_654 = arith.addf %add3A_637, %select_n3A_653 : vector<16xf32>
      %get3A_655 = arith.constant 3 : i32
      %get3A_656 = arith.index_cast %get3A_655 : i32 to index
      %get3A_657 = arith.index_cast %scan3A_146 : i32 to index
      %get3A_658 = arith.constant 480 : index
      %get3A_659 = tpu.vector_load %arg5[%get3A_656, %get3A_657, %get3A_658] {strides = array<i32>} : memref<4x16x512xf32, #tpu.memory_space<vmem>>, vector<16xf32>,
      %gt3A_660 = vector.broadcast %scan3A_136 : f32 to vector<16xf32>
      %gt3A_661 = arith.cmpf ogt, %get3A_659, %gt3A_660 : vector<16xf32>
      %jit3A_662 = arith.constant 0.000000e+00 : f32
      %broadcast_in_dim3A_663 = vector.broadcast %jit3A_662 : f32 to vector<16xf32>
      %select_n3A_664 = arith.select %gt3A_661, %get3A_659, %broadcast_in_dim3A_663 : vector<16xi1>, vector<16xf32>
      %add3A_665 = arith.addf %add3A_648, %select_n3A_664 : vector<16xf32>
      %jit3A_666 = arith.constant 1.000000e+00 : f32
      %jit3A_667 = arith.constant 0.000000e+00 : f32
      %broadcast_in_dim3A_668 = vector.broadcast %jit3A_666 : f32 to vector<16xf32>
      %broadcast_in_dim3A_669 = vector.broadcast %jit3A_667 : f32 to vector<16xf32>
      %select_n3A_670 = arith.select %gt3A_661, %broadcast_in_dim3A_668, %broadcast_in_dim3A_669 : vector<16xi1>, vector<16xf32>
      %add3A_671 = arith.addf %add3A_654, %select_n3A_670 : vector<16xf32>
      %get3A_672 = arith.constant 3 : i32
      %get3A_673 = arith.index_cast %get3A_672 : i32 to index
      %get3A_674 = arith.index_cast %scan3A_146 : i32 to index
      %get3A_675 = arith.constant 496 : index
      %get3A_676 = tpu.vector_load %arg5[%get3A_673, %get3A_674, %get3A_675] {strides = array<i32>} : memref<4x16x512xf32, #tpu.memory_space<vmem>>, vector<16xf32>,
      %gt3A_677 = vector.broadcast %scan3A_136 : f32 to vector<16xf32>
      %gt3A_678 = arith.cmpf ogt, %get3A_676, %gt3A_677 : vector<16xf32>
      %jit3A_679 = arith.constant 0.000000e+00 : f32
      %broadcast_in_dim3A_680 = vector.broadcast %jit3A_679 : f32 to vector<16xf32>
      %select_n3A_681 = arith.select %gt3A_678, %get3A_676, %broadcast_in_dim3A_680 : vector<16xi1>, vector<16xf32>
      %add3A_682 = arith.addf %add3A_665, %select_n3A_681 : vector<16xf32>
      %jit3A_683 = arith.constant 1.000000e+00 : f32
      %jit3A_684 = arith.constant 0.000000e+00 : f32
      %broadcast_in_dim3A_685 = vector.broadcast %jit3A_683 : f32 to vector<16xf32>
      %broadcast_in_dim3A_686 = vector.broadcast %jit3A_684 : f32 to vector<16xf32>
      %select_n3A_687 = arith.select %gt3A_678, %broadcast_in_dim3A_685, %broadcast_in_dim3A_686 : vector<16xi1>, vector<16xf32>
      %add3A_688 = arith.addf %add3A_671, %select_n3A_687 : vector<16xf32>
      scf.yield %add3A_682, %add3A_688 : vector<16xf32>, vector<16xf32>
    }
    %scan3A_142 = arith.constant 16 : i32
    %swap3A = arith.constant 0 : index
    %swap3A_143 = tpu.vector_load %arg6[%swap3A] {strides = array<i32>} : memref<16xf32, #tpu.memory_space<vmem>>, vector<16xf32>,
    tpu.vector_store %arg6[%swap3A], %scan3A_141#0 {strides = array<i32>} : memref<16xf32, #tpu.memory_space<vmem>>, vector<16xf32>,
    %swap3A_144 = arith.constant 0 : index
    %swap3A_145 = tpu.vector_load %arg7[%swap3A_144] {strides = array<i32>} : memref<16xf32, #tpu.memory_space<vmem>>, vector<16xf32>,
    tpu.vector_store %arg7[%swap3A_144], %scan3A_141#1 {strides = array<i32>} : memref<16xf32, #tpu.memory_space<vmem>>, vector<16xf32>,
    "tpu.region"() ({
      %run_scoped3A = tpu.sem_alloc : memref<!tpu.dma_semaphore, #tpu.memory_space<semaphore_mem>>
      %dma_start3A_146 = arith.constant 0 : i32
      %dma_start3A_147 = tpu.memref_slice %arg3[%add3A, %dma_start3A_146] : memref<32x16xf32, #tpu.memory_space<hbm>> -> memref<1x16xf32, #tpu.memory_space<hbm>>
      %dma_start3A_148 = tpu.memref_squeeze %dma_start3A_147 : memref<1x16xf32, #tpu.memory_space<hbm>> -> memref<16xf32, #tpu.memory_space<hbm>>
      %dma_start3A_149 = arith.constant 0 : i32
      %dma_start3A_150 = tpu.memref_slice %arg3[%add3A, %dma_start3A_149] : memref<32x16xf32, #tpu.memory_space<hbm>> -> memref<1x16xf32, #tpu.memory_space<hbm>>
      %dma_start3A_151 = tpu.memref_squeeze %dma_start3A_150 : memref<1x16xf32, #tpu.memory_space<hbm>> -> memref<16xf32, #tpu.memory_space<hbm>>
      tpu.enqueue_dma source(%arg6 : memref<16xf32, #tpu.memory_space<vmem>>) target(%dma_start3A_151 : memref<16xf32, #tpu.memory_space<hbm>>) target_semaphore(%run_scoped3A : memref<!tpu.dma_semaphore, #tpu.memory_space<semaphore_mem>>)
      %dma_wait3A_152 = arith.constant 0 : i32
      %dma_wait3A_153 = tpu.memref_slice %arg3[%add3A, %dma_wait3A_152] : memref<32x16xf32, #tpu.memory_space<hbm>> -> memref<1x16xf32, #tpu.memory_space<hbm>>
      %dma_wait3A_154 = tpu.memref_squeeze %dma_wait3A_153 : memref<1x16xf32, #tpu.memory_space<hbm>> -> memref<16xf32, #tpu.memory_space<hbm>>
      %dma_wait3A_155 = arith.constant 0 : i32
      %dma_wait3A_156 = tpu.memref_slice %arg3[%add3A, %dma_wait3A_155] : memref<32x16xf32, #tpu.memory_space<hbm>> -> memref<1x16xf32, #tpu.memory_space<hbm>>
      %dma_wait3A_157 = tpu.memref_squeeze %dma_wait3A_156 : memref<1x16xf32, #tpu.memory_space<hbm>> -> memref<16xf32, #tpu.memory_space<hbm>>
      tpu.wait_dma2 semaphore(%run_scoped3A : memref<!tpu.dma_semaphore, #tpu.memory_space<semaphore_mem>>) src(%arg6 : memref<16xf32, #tpu.memory_space<vmem>>) dst(%dma_wait3A_157 : memref<16xf32, #tpu.memory_space<hbm>>)
      tpu.yield
    }) : () -> ()
    "tpu.region"() ({
      %run_scoped3A = tpu.sem_alloc : memref<!tpu.dma_semaphore, #tpu.memory_space<semaphore_mem>>
      %dma_start3A_146 = arith.constant 0 : i32
      %dma_start3A_147 = tpu.memref_slice %arg4[%add3A, %dma_start3A_146] : memref<32x16xf32, #tpu.memory_space<hbm>> -> memref<1x16xf32, #tpu.memory_space<hbm>>
      %dma_start3A_148 = tpu.memref_squeeze %dma_start3A_147 : memref<1x16xf32, #tpu.memory_space<hbm>> -> memref<16xf32, #tpu.memory_space<hbm>>
      %dma_start3A_149 = arith.constant 0 : i32
      %dma_start3A_150 = tpu.memref_slice %arg4[%add3A, %dma_start3A_149] : memref<32x16xf32, #tpu.memory_space<hbm>> -> memref<1x16xf32, #tpu.memory_space<hbm>>
      %dma_start3A_151 = tpu.memref_squeeze %dma_start3A_150 : memref<1x16xf32, #tpu.memory_space<hbm>> -> memref<16xf32, #tpu.memory_space<hbm>>
      tpu.enqueue_dma source(%arg7 : memref<16xf32, #tpu.memory_space<vmem>>) target(%dma_start3A_151 : memref<16xf32, #tpu.memory_space<hbm>>) target_semaphore(%run_scoped3A : memref<!tpu.dma_semaphore, #tpu.memory_space<semaphore_mem>>)
      %dma_wait3A_152 = arith.constant 0 : i32
      %dma_wait3A_153 = tpu.memref_slice %arg4[%add3A, %dma_wait3A_152] : memref<32x16xf32, #tpu.memory_space<hbm>> -> memref<1x16xf32, #tpu.memory_space<hbm>>
      %dma_wait3A_154 = tpu.memref_squeeze %dma_wait3A_153 : memref<1x16xf32, #tpu.memory_space<hbm>> -> memref<16xf32, #tpu.memory_space<hbm>>
      %dma_wait3A_155 = arith.constant 0 : i32
      %dma_wait3A_156 = tpu.memref_slice %arg4[%add3A, %dma_wait3A_155] : memref<32x16xf32, #tpu.memory_space<hbm>> -> memref<1x16xf32, #tpu.memory_space<hbm>>
      %dma_wait3A_157 = tpu.memref_squeeze %dma_wait3A_156 : memref<1x16xf32, #tpu.memory_space<hbm>> -> memref<16xf32, #tpu.memory_space<hbm>>
      tpu.wait_dma2 semaphore(%run_scoped3A : memref<!tpu.dma_semaphore, #tpu.memory_space<semaphore_mem>>) src(%arg7 : memref<16xf32, #tpu.memory_space<vmem>>) dst(%dma_wait3A_157 : memref<16xf32, #tpu.memory_space<hbm>>)
      tpu.yield
    }) : () -> ()
    return
  }
}

#map = affine_map<(d0, d1) -> (0, 0)>
#map1 = affine_map<(d0, d1) -> (0)>
module attributes {stable_mosaic.version = 14 : i64} {
  func.func @_sc_hist(%arg0: i32, %arg1: i32, %arg2: memref<2048x512xf32, #tpu.memory_space<hbm>>, %arg3: memref<16xi32, #tpu.memory_space<hbm>>, %arg4: memref<32x1024xi32, #tpu.memory_space<hbm>>, %arg5: memref<32x1024xf32, #tpu.memory_space<hbm>>, %arg6: memref<64x512xf32, #tpu.memory_space<vmem>>, %arg7: memref<16xi32, #tpu.memory_space<vmem>>, %arg8: memref<16384xi32, #tpu.memory_space<vmem>>, %arg9: memref<16384xf32, #tpu.memory_space<vmem>>, %arg10: memref<1024xi32, #tpu.memory_space<vmem>>, %arg11: memref<1024xf32, #tpu.memory_space<vmem>>) attributes {dimension_semantics = [#tpu.dimension_semantics<core_parallel>, #tpu.dimension_semantics<subcore_parallel>], iteration_bounds = array<i64: 2, 16>, scalar_prefetch = 0 : i64, scratch_operands = 6 : i64, tpu.core_type = #tpu.core_type<sc_vector_subcore>, window_params = [{transform_indices = #map}, {transform_indices = #map1}, {transform_indices = #map}, {transform_indices = #map}]} {
    %mul3A = arith.constant 2 : i32
    %mul3A_0 = arith.muli %arg1, %mul3A : i32
    %add3A = arith.addi %mul3A_0, %arg0 : i32
    %mul3A_1 = arith.constant 64 : i32
    %mul3A_2 = arith.muli %add3A, %mul3A_1 : i32
    "tpu.region"() ({
      %run_scoped3A = tpu.sem_alloc : memref<!tpu.dma_semaphore, #tpu.memory_space<semaphore_mem>>
      %dma_start3A = arith.constant 0 : i32
      %dma_start3A_34 = tpu.memref_slice %arg2[%mul3A_2, %dma_start3A] : memref<2048x512xf32, #tpu.memory_space<hbm>> -> memref<64x512xf32, #tpu.memory_space<hbm>>
      %dma_start3A_35 = arith.constant 0 : i32
      %dma_start3A_36 = tpu.memref_slice %arg2[%mul3A_2, %dma_start3A_35] : memref<2048x512xf32, #tpu.memory_space<hbm>> -> memref<64x512xf32, #tpu.memory_space<hbm>>
      tpu.enqueue_dma source(%dma_start3A_36 : memref<64x512xf32, #tpu.memory_space<hbm>>) target(%arg6 : memref<64x512xf32, #tpu.memory_space<vmem>>) target_semaphore(%run_scoped3A : memref<!tpu.dma_semaphore, #tpu.memory_space<semaphore_mem>>)
      %dma_wait3A = arith.constant 0 : i32
      %dma_wait3A_37 = tpu.memref_slice %arg2[%mul3A_2, %dma_wait3A] : memref<2048x512xf32, #tpu.memory_space<hbm>> -> memref<64x512xf32, #tpu.memory_space<hbm>>
      %dma_wait3A_38 = arith.constant 0 : i32
      %dma_wait3A_39 = tpu.memref_slice %arg2[%mul3A_2, %dma_wait3A_38] : memref<2048x512xf32, #tpu.memory_space<hbm>> -> memref<64x512xf32, #tpu.memory_space<hbm>>
      tpu.wait_dma2 semaphore(%run_scoped3A : memref<!tpu.dma_semaphore, #tpu.memory_space<semaphore_mem>>) src(%dma_wait3A_39 : memref<64x512xf32, #tpu.memory_space<hbm>>) dst(%arg6 : memref<64x512xf32, #tpu.memory_space<vmem>>)
      tpu.yield
    }) : () -> ()
    "tpu.region"() ({
      %run_scoped3A = tpu.sem_alloc : memref<!tpu.dma_semaphore, #tpu.memory_space<semaphore_mem>>
      tpu.enqueue_dma source(%arg3 : memref<16xi32, #tpu.memory_space<hbm>>) target(%arg7 : memref<16xi32, #tpu.memory_space<vmem>>) target_semaphore(%run_scoped3A : memref<!tpu.dma_semaphore, #tpu.memory_space<semaphore_mem>>)
      tpu.wait_dma2 semaphore(%run_scoped3A : memref<!tpu.dma_semaphore, #tpu.memory_space<semaphore_mem>>) src(%arg3 : memref<16xi32, #tpu.memory_space<hbm>>) dst(%arg7 : memref<16xi32, #tpu.memory_space<vmem>>)
      tpu.yield
    }) : () -> ()
    %broadcast_in_dim3A = arith.constant 0 : i32
    %broadcast_in_dim3A_3 = vector.broadcast %broadcast_in_dim3A : i32 to vector<16xi32>
    %broadcast_in_dim3A_4 = arith.constant 0.000000e+00 : f32
    %broadcast_in_dim3A_5 = vector.broadcast %broadcast_in_dim3A_4 : f32 to vector<16xf32>
    %scan3A = arith.constant 0 : i32
    %scan3A_6 = arith.constant 0 : i32
    %scan3A_7 = arith.constant 1024 : i32
    %scan3A_8 = arith.addi %scan3A_6, %scan3A_7 : i32
    %scan3A_9 = arith.constant 1 : i32
    %scan3A_10 = scf.for %scan3A_34 = %scan3A_6 to %scan3A_8 step %scan3A_9 iter_args(%scan3A_35 = %scan3A) -> (i32)  : i32 {
      %mul3A_36 = arith.constant 16 : i32
      %mul3A_37 = arith.muli %scan3A_34, %mul3A_36 : i32
      %swap3A = arith.index_cast %mul3A_37 : i32 to index
      %swap3A_38 = tpu.vector_load %arg8[%swap3A] {strides = array<i32>} : memref<16384xi32, #tpu.memory_space<vmem>>, vector<16xi32>,
      tpu.vector_store %arg8[%swap3A], %broadcast_in_dim3A_3 {strides = array<i32>} : memref<16384xi32, #tpu.memory_space<vmem>>, vector<16xi32>,
      %mul3A_39 = arith.constant 16 : i32
      %mul3A_40 = arith.muli %scan3A_34, %mul3A_39 : i32
      %swap3A_41 = arith.index_cast %mul3A_40 : i32 to index
      %swap3A_42 = tpu.vector_load %arg9[%swap3A_41] {strides = array<i32>} : memref<16384xf32, #tpu.memory_space<vmem>>, vector<16xf32>,
      tpu.vector_store %arg9[%swap3A_41], %broadcast_in_dim3A_5 {strides = array<i32>} : memref<16384xf32, #tpu.memory_space<vmem>>, vector<16xf32>,
      %scan3A_43 = arith.constant 0 : i32
      scf.yield %scan3A_43 : i32
    }
    %scan3A_11 = arith.constant 1024 : i32
    %get3A = arith.constant 0 : index
    %get3A_12 = tpu.vector_load %arg7[%get3A] {strides = array<i32>} : memref<16xi32, #tpu.memory_space<vmem>>, vector<16xi32>,
    %iota3A = tpu.iota {dimensions = array<i32: 0>} : vector<16xi32>
    %mul3A_13 = arith.constant 1024 : i32
    %mul3A_14 = vector.broadcast %mul3A_13 : i32 to vector<16xi32>
    %mul3A_15 = arith.muli %iota3A, %mul3A_14 : vector<16xi32>
    %broadcast_in_dim3A_16 = arith.constant 1 : i32
    %broadcast_in_dim3A_17 = vector.broadcast %broadcast_in_dim3A_16 : i32 to vector<16xi32>
    %scan3A_18 = arith.constant -1024 : i32
    %scan3A_19 = arith.constant 1023 : i32
    %scan3A_20 = arith.constant 0 : i32
    %scan3A_21 = arith.constant 0 : i32
    %scan3A_22 = arith.constant 64 : i32
    %scan3A_23 = arith.addi %scan3A_21, %scan3A_22 : i32
    %scan3A_24 = arith.constant 1 : i32
    %scan3A_25 = scf.for %scan3A_34 = %scan3A_21 to %scan3A_23 step %scan3A_24 iter_args(%scan3A_35 = %scan3A_20) -> (i32)  : i32 {
      %scan3A_36 = arith.constant 0 : i32
      %scan3A_37 = arith.constant 0 : i32
      %scan3A_38 = arith.constant 32 : i32
      %scan3A_39 = arith.addi %scan3A_37, %scan3A_38 : i32
      %scan3A_40 = arith.constant 1 : i32
      %scan3A_41 = scf.for %scan3A_43 = %scan3A_37 to %scan3A_39 step %scan3A_40 iter_args(%scan3A_44 = %scan3A_36) -> (i32)  : i32 {
        %mul3A_45 = arith.constant 16 : i32
        %mul3A_46 = arith.muli %scan3A_43, %mul3A_45 : i32
        %get3A_47 = arith.index_cast %scan3A_34 : i32 to index
        %get3A_48 = arith.index_cast %mul3A_46 : i32 to index
        %get3A_49 = tpu.vector_load %arg6[%get3A_47, %get3A_48] {strides = array<i32>} : memref<64x512xf32, #tpu.memory_space<vmem>>, vector<16xf32>,
        %bitcast_convert_type3A = tpu.bitcast %get3A_49 : vector<16xf32> -> vector<16xi32>
        %and3A = vector.broadcast %scan3A_18 : i32 to vector<16xi32>
        %and3A_50 = arith.andi %bitcast_convert_type3A, %and3A : vector<16xi32>
        %eq3A = arith.cmpi eq, %and3A_50, %get3A_12 : vector<16xi32>
        %shift_right_logical3A = arith.constant 0 : i32
        %shift_right_logical3A_51 = vector.broadcast %shift_right_logical3A : i32 to vector<16xi32>
        %shift_right_logical3A_52 = arith.shrui %bitcast_convert_type3A, %shift_right_logical3A_51 : vector<16xi32>
        %and3A_53 = vector.broadcast %scan3A_19 : i32 to vector<16xi32>
        %and3A_54 = arith.andi %shift_right_logical3A_52, %and3A_53 : vector<16xi32>
        %add3A_55 = arith.addi %mul3A_15, %and3A_54 : vector<16xi32>
        tpu.vector_store_idx %arg8[%add3A_55], %broadcast_in_dim3A_17 masked %eq3A {add = true} : memref<16384xi32, #tpu.memory_space<vmem>>[vector<16xi32>], vector<16xi32>, vector<16xi1>
        tpu.vector_store_idx %arg9[%add3A_55], %get3A_49 masked %eq3A {add = true} : memref<16384xf32, #tpu.memory_space<vmem>>[vector<16xi32>], vector<16xf32>, vector<16xi1>
        %scan3A_56 = arith.constant 0 : i32
        scf.yield %scan3A_56 : i32
      }
      %scan3A_42 = arith.constant 32 : i32
      scf.yield %scan3A_41 : i32
    }
    %scan3A_26 = arith.constant 64 : i32
    %scan3A_27 = arith.constant 0 : i32
    %scan3A_28 = arith.constant 0 : i32
    %scan3A_29 = arith.constant 64 : i32
    %scan3A_30 = arith.addi %scan3A_28, %scan3A_29 : i32
    %scan3A_31 = arith.constant 1 : i32
    %scan3A_32 = scf.for %scan3A_34 = %scan3A_28 to %scan3A_30 step %scan3A_31 iter_args(%scan3A_35 = %scan3A_27) -> (i32)  : i32 {
      %mul3A_36 = arith.constant 16 : i32
      %mul3A_37 = arith.muli %scan3A_34, %mul3A_36 : i32
      %add3A_38 = arith.constant 0 : i32
      %add3A_39 = arith.addi %add3A_38, %mul3A_37 : i32
      %get3A_40 = arith.index_cast %add3A_39 : i32 to index
      %get3A_41 = tpu.vector_load %arg8[%get3A_40] {strides = array<i32>} : memref<16384xi32, #tpu.memory_space<vmem>>, vector<16xi32>,
      %add3A_42 = arith.addi %broadcast_in_dim3A_3, %get3A_41 : vector<16xi32>
      %mul3A_43 = arith.constant 16 : i32
      %mul3A_44 = arith.muli %scan3A_34, %mul3A_43 : i32
      %add3A_45 = arith.constant 0 : i32
      %add3A_46 = arith.addi %add3A_45, %mul3A_44 : i32
      %get3A_47 = arith.index_cast %add3A_46 : i32 to index
      %get3A_48 = tpu.vector_load %arg9[%get3A_47] {strides = array<i32>} : memref<16384xf32, #tpu.memory_space<vmem>>, vector<16xf32>,
      %add3A_49 = arith.addf %broadcast_in_dim3A_5, %get3A_48 : vector<16xf32>
      %mul3A_50 = arith.constant 16 : i32
      %mul3A_51 = arith.muli %scan3A_34, %mul3A_50 : i32
      %add3A_52 = arith.constant 1024 : i32
      %add3A_53 = arith.addi %add3A_52, %mul3A_51 : i32
      %get3A_54 = arith.index_cast %add3A_53 : i32 to index
      %get3A_55 = tpu.vector_load %arg8[%get3A_54] {strides = array<i32>} : memref<16384xi32, #tpu.memory_space<vmem>>, vector<16xi32>,
      %add3A_56 = arith.addi %add3A_42, %get3A_55 : vector<16xi32>
      %mul3A_57 = arith.constant 16 : i32
      %mul3A_58 = arith.muli %scan3A_34, %mul3A_57 : i32
      %add3A_59 = arith.constant 1024 : i32
      %add3A_60 = arith.addi %add3A_59, %mul3A_58 : i32
      %get3A_61 = arith.index_cast %add3A_60 : i32 to index
      %get3A_62 = tpu.vector_load %arg9[%get3A_61] {strides = array<i32>} : memref<16384xf32, #tpu.memory_space<vmem>>, vector<16xf32>,
      %add3A_63 = arith.addf %add3A_49, %get3A_62 : vector<16xf32>
      %mul3A_64 = arith.constant 16 : i32
      %mul3A_65 = arith.muli %scan3A_34, %mul3A_64 : i32
      %add3A_66 = arith.constant 2048 : i32
      %add3A_67 = arith.addi %add3A_66, %mul3A_65 : i32
      %get3A_68 = arith.index_cast %add3A_67 : i32 to index
      %get3A_69 = tpu.vector_load %arg8[%get3A_68] {strides = array<i32>} : memref<16384xi32, #tpu.memory_space<vmem>>, vector<16xi32>,
      %add3A_70 = arith.addi %add3A_56, %get3A_69 : vector<16xi32>
      %mul3A_71 = arith.constant 16 : i32
      %mul3A_72 = arith.muli %scan3A_34, %mul3A_71 : i32
      %add3A_73 = arith.constant 2048 : i32
      %add3A_74 = arith.addi %add3A_73, %mul3A_72 : i32
      %get3A_75 = arith.index_cast %add3A_74 : i32 to index
      %get3A_76 = tpu.vector_load %arg9[%get3A_75] {strides = array<i32>} : memref<16384xf32, #tpu.memory_space<vmem>>, vector<16xf32>,
      %add3A_77 = arith.addf %add3A_63, %get3A_76 : vector<16xf32>
      %mul3A_78 = arith.constant 16 : i32
      %mul3A_79 = arith.muli %scan3A_34, %mul3A_78 : i32
      %add3A_80 = arith.constant 3072 : i32
      %add3A_81 = arith.addi %add3A_80, %mul3A_79 : i32
      %get3A_82 = arith.index_cast %add3A_81 : i32 to index
      %get3A_83 = tpu.vector_load %arg8[%get3A_82] {strides = array<i32>} : memref<16384xi32, #tpu.memory_space<vmem>>, vector<16xi32>,
      %add3A_84 = arith.addi %add3A_70, %get3A_83 : vector<16xi32>
      %mul3A_85 = arith.constant 16 : i32
      %mul3A_86 = arith.muli %scan3A_34, %mul3A_85 : i32
      %add3A_87 = arith.constant 3072 : i32
      %add3A_88 = arith.addi %add3A_87, %mul3A_86 : i32
      %get3A_89 = arith.index_cast %add3A_88 : i32 to index
      %get3A_90 = tpu.vector_load %arg9[%get3A_89] {strides = array<i32>} : memref<16384xf32, #tpu.memory_space<vmem>>, vector<16xf32>,
      %add3A_91 = arith.addf %add3A_77, %get3A_90 : vector<16xf32>
      %mul3A_92 = arith.constant 16 : i32
      %mul3A_93 = arith.muli %scan3A_34, %mul3A_92 : i32
      %add3A_94 = arith.constant 4096 : i32
      %add3A_95 = arith.addi %add3A_94, %mul3A_93 : i32
      %get3A_96 = arith.index_cast %add3A_95 : i32 to index
      %get3A_97 = tpu.vector_load %arg8[%get3A_96] {strides = array<i32>} : memref<16384xi32, #tpu.memory_space<vmem>>, vector<16xi32>,
      %add3A_98 = arith.addi %add3A_84, %get3A_97 : vector<16xi32>
      %mul3A_99 = arith.constant 16 : i32
      %mul3A_100 = arith.muli %scan3A_34, %mul3A_99 : i32
      %add3A_101 = arith.constant 4096 : i32
      %add3A_102 = arith.addi %add3A_101, %mul3A_100 : i32
      %get3A_103 = arith.index_cast %add3A_102 : i32 to index
      %get3A_104 = tpu.vector_load %arg9[%get3A_103] {strides = array<i32>} : memref<16384xf32, #tpu.memory_space<vmem>>, vector<16xf32>,
      %add3A_105 = arith.addf %add3A_91, %get3A_104 : vector<16xf32>
      %mul3A_106 = arith.constant 16 : i32
      %mul3A_107 = arith.muli %scan3A_34, %mul3A_106 : i32
      %add3A_108 = arith.constant 5120 : i32
      %add3A_109 = arith.addi %add3A_108, %mul3A_107 : i32
      %get3A_110 = arith.index_cast %add3A_109 : i32 to index
      %get3A_111 = tpu.vector_load %arg8[%get3A_110] {strides = array<i32>} : memref<16384xi32, #tpu.memory_space<vmem>>, vector<16xi32>,
      %add3A_112 = arith.addi %add3A_98, %get3A_111 : vector<16xi32>
      %mul3A_113 = arith.constant 16 : i32
      %mul3A_114 = arith.muli %scan3A_34, %mul3A_113 : i32
      %add3A_115 = arith.constant 5120 : i32
      %add3A_116 = arith.addi %add3A_115, %mul3A_114 : i32
      %get3A_117 = arith.index_cast %add3A_116 : i32 to index
      %get3A_118 = tpu.vector_load %arg9[%get3A_117] {strides = array<i32>} : memref<16384xf32, #tpu.memory_space<vmem>>, vector<16xf32>,
      %add3A_119 = arith.addf %add3A_105, %get3A_118 : vector<16xf32>
      %mul3A_120 = arith.constant 16 : i32
      %mul3A_121 = arith.muli %scan3A_34, %mul3A_120 : i32
      %add3A_122 = arith.constant 6144 : i32
      %add3A_123 = arith.addi %add3A_122, %mul3A_121 : i32
      %get3A_124 = arith.index_cast %add3A_123 : i32 to index
      %get3A_125 = tpu.vector_load %arg8[%get3A_124] {strides = array<i32>} : memref<16384xi32, #tpu.memory_space<vmem>>, vector<16xi32>,
      %add3A_126 = arith.addi %add3A_112, %get3A_125 : vector<16xi32>
      %mul3A_127 = arith.constant 16 : i32
      %mul3A_128 = arith.muli %scan3A_34, %mul3A_127 : i32
      %add3A_129 = arith.constant 6144 : i32
      %add3A_130 = arith.addi %add3A_129, %mul3A_128 : i32
      %get3A_131 = arith.index_cast %add3A_130 : i32 to index
      %get3A_132 = tpu.vector_load %arg9[%get3A_131] {strides = array<i32>} : memref<16384xf32, #tpu.memory_space<vmem>>, vector<16xf32>,
      %add3A_133 = arith.addf %add3A_119, %get3A_132 : vector<16xf32>
      %mul3A_134 = arith.constant 16 : i32
      %mul3A_135 = arith.muli %scan3A_34, %mul3A_134 : i32
      %add3A_136 = arith.constant 7168 : i32
      %add3A_137 = arith.addi %add3A_136, %mul3A_135 : i32
      %get3A_138 = arith.index_cast %add3A_137 : i32 to index
      %get3A_139 = tpu.vector_load %arg8[%get3A_138] {strides = array<i32>} : memref<16384xi32, #tpu.memory_space<vmem>>, vector<16xi32>,
      %add3A_140 = arith.addi %add3A_126, %get3A_139 : vector<16xi32>
      %mul3A_141 = arith.constant 16 : i32
      %mul3A_142 = arith.muli %scan3A_34, %mul3A_141 : i32
      %add3A_143 = arith.constant 7168 : i32
      %add3A_144 = arith.addi %add3A_143, %mul3A_142 : i32
      %get3A_145 = arith.index_cast %add3A_144 : i32 to index
      %get3A_146 = tpu.vector_load %arg9[%get3A_145] {strides = array<i32>} : memref<16384xf32, #tpu.memory_space<vmem>>, vector<16xf32>,
      %add3A_147 = arith.addf %add3A_133, %get3A_146 : vector<16xf32>
      %mul3A_148 = arith.constant 16 : i32
      %mul3A_149 = arith.muli %scan3A_34, %mul3A_148 : i32
      %add3A_150 = arith.constant 8192 : i32
      %add3A_151 = arith.addi %add3A_150, %mul3A_149 : i32
      %get3A_152 = arith.index_cast %add3A_151 : i32 to index
      %get3A_153 = tpu.vector_load %arg8[%get3A_152] {strides = array<i32>} : memref<16384xi32, #tpu.memory_space<vmem>>, vector<16xi32>,
      %add3A_154 = arith.addi %add3A_140, %get3A_153 : vector<16xi32>
      %mul3A_155 = arith.constant 16 : i32
      %mul3A_156 = arith.muli %scan3A_34, %mul3A_155 : i32
      %add3A_157 = arith.constant 8192 : i32
      %add3A_158 = arith.addi %add3A_157, %mul3A_156 : i32
      %get3A_159 = arith.index_cast %add3A_158 : i32 to index
      %get3A_160 = tpu.vector_load %arg9[%get3A_159] {strides = array<i32>} : memref<16384xf32, #tpu.memory_space<vmem>>, vector<16xf32>,
      %add3A_161 = arith.addf %add3A_147, %get3A_160 : vector<16xf32>
      %mul3A_162 = arith.constant 16 : i32
      %mul3A_163 = arith.muli %scan3A_34, %mul3A_162 : i32
      %add3A_164 = arith.constant 9216 : i32
      %add3A_165 = arith.addi %add3A_164, %mul3A_163 : i32
      %get3A_166 = arith.index_cast %add3A_165 : i32 to index
      %get3A_167 = tpu.vector_load %arg8[%get3A_166] {strides = array<i32>} : memref<16384xi32, #tpu.memory_space<vmem>>, vector<16xi32>,
      %add3A_168 = arith.addi %add3A_154, %get3A_167 : vector<16xi32>
      %mul3A_169 = arith.constant 16 : i32
      %mul3A_170 = arith.muli %scan3A_34, %mul3A_169 : i32
      %add3A_171 = arith.constant 9216 : i32
      %add3A_172 = arith.addi %add3A_171, %mul3A_170 : i32
      %get3A_173 = arith.index_cast %add3A_172 : i32 to index
      %get3A_174 = tpu.vector_load %arg9[%get3A_173] {strides = array<i32>} : memref<16384xf32, #tpu.memory_space<vmem>>, vector<16xf32>,
      %add3A_175 = arith.addf %add3A_161, %get3A_174 : vector<16xf32>
      %mul3A_176 = arith.constant 16 : i32
      %mul3A_177 = arith.muli %scan3A_34, %mul3A_176 : i32
      %add3A_178 = arith.constant 10240 : i32
      %add3A_179 = arith.addi %add3A_178, %mul3A_177 : i32
      %get3A_180 = arith.index_cast %add3A_179 : i32 to index
      %get3A_181 = tpu.vector_load %arg8[%get3A_180] {strides = array<i32>} : memref<16384xi32, #tpu.memory_space<vmem>>, vector<16xi32>,
      %add3A_182 = arith.addi %add3A_168, %get3A_181 : vector<16xi32>
      %mul3A_183 = arith.constant 16 : i32
      %mul3A_184 = arith.muli %scan3A_34, %mul3A_183 : i32
      %add3A_185 = arith.constant 10240 : i32
      %add3A_186 = arith.addi %add3A_185, %mul3A_184 : i32
      %get3A_187 = arith.index_cast %add3A_186 : i32 to index
      %get3A_188 = tpu.vector_load %arg9[%get3A_187] {strides = array<i32>} : memref<16384xf32, #tpu.memory_space<vmem>>, vector<16xf32>,
      %add3A_189 = arith.addf %add3A_175, %get3A_188 : vector<16xf32>
      %mul3A_190 = arith.constant 16 : i32
      %mul3A_191 = arith.muli %scan3A_34, %mul3A_190 : i32
      %add3A_192 = arith.constant 11264 : i32
      %add3A_193 = arith.addi %add3A_192, %mul3A_191 : i32
      %get3A_194 = arith.index_cast %add3A_193 : i32 to index
      %get3A_195 = tpu.vector_load %arg8[%get3A_194] {strides = array<i32>} : memref<16384xi32, #tpu.memory_space<vmem>>, vector<16xi32>,
      %add3A_196 = arith.addi %add3A_182, %get3A_195 : vector<16xi32>
      %mul3A_197 = arith.constant 16 : i32
      %mul3A_198 = arith.muli %scan3A_34, %mul3A_197 : i32
      %add3A_199 = arith.constant 11264 : i32
      %add3A_200 = arith.addi %add3A_199, %mul3A_198 : i32
      %get3A_201 = arith.index_cast %add3A_200 : i32 to index
      %get3A_202 = tpu.vector_load %arg9[%get3A_201] {strides = array<i32>} : memref<16384xf32, #tpu.memory_space<vmem>>, vector<16xf32>,
      %add3A_203 = arith.addf %add3A_189, %get3A_202 : vector<16xf32>
      %mul3A_204 = arith.constant 16 : i32
      %mul3A_205 = arith.muli %scan3A_34, %mul3A_204 : i32
      %add3A_206 = arith.constant 12288 : i32
      %add3A_207 = arith.addi %add3A_206, %mul3A_205 : i32
      %get3A_208 = arith.index_cast %add3A_207 : i32 to index
      %get3A_209 = tpu.vector_load %arg8[%get3A_208] {strides = array<i32>} : memref<16384xi32, #tpu.memory_space<vmem>>, vector<16xi32>,
      %add3A_210 = arith.addi %add3A_196, %get3A_209 : vector<16xi32>
      %mul3A_211 = arith.constant 16 : i32
      %mul3A_212 = arith.muli %scan3A_34, %mul3A_211 : i32
      %add3A_213 = arith.constant 12288 : i32
      %add3A_214 = arith.addi %add3A_213, %mul3A_212 : i32
      %get3A_215 = arith.index_cast %add3A_214 : i32 to index
      %get3A_216 = tpu.vector_load %arg9[%get3A_215] {strides = array<i32>} : memref<16384xf32, #tpu.memory_space<vmem>>, vector<16xf32>,
      %add3A_217 = arith.addf %add3A_203, %get3A_216 : vector<16xf32>
      %mul3A_218 = arith.constant 16 : i32
      %mul3A_219 = arith.muli %scan3A_34, %mul3A_218 : i32
      %add3A_220 = arith.constant 13312 : i32
      %add3A_221 = arith.addi %add3A_220, %mul3A_219 : i32
      %get3A_222 = arith.index_cast %add3A_221 : i32 to index
      %get3A_223 = tpu.vector_load %arg8[%get3A_222] {strides = array<i32>} : memref<16384xi32, #tpu.memory_space<vmem>>, vector<16xi32>,
      %add3A_224 = arith.addi %add3A_210, %get3A_223 : vector<16xi32>
      %mul3A_225 = arith.constant 16 : i32
      %mul3A_226 = arith.muli %scan3A_34, %mul3A_225 : i32
      %add3A_227 = arith.constant 13312 : i32
      %add3A_228 = arith.addi %add3A_227, %mul3A_226 : i32
      %get3A_229 = arith.index_cast %add3A_228 : i32 to index
      %get3A_230 = tpu.vector_load %arg9[%get3A_229] {strides = array<i32>} : memref<16384xf32, #tpu.memory_space<vmem>>, vector<16xf32>,
      %add3A_231 = arith.addf %add3A_217, %get3A_230 : vector<16xf32>
      %mul3A_232 = arith.constant 16 : i32
      %mul3A_233 = arith.muli %scan3A_34, %mul3A_232 : i32
      %add3A_234 = arith.constant 14336 : i32
      %add3A_235 = arith.addi %add3A_234, %mul3A_233 : i32
      %get3A_236 = arith.index_cast %add3A_235 : i32 to index
      %get3A_237 = tpu.vector_load %arg8[%get3A_236] {strides = array<i32>} : memref<16384xi32, #tpu.memory_space<vmem>>, vector<16xi32>,
      %add3A_238 = arith.addi %add3A_224, %get3A_237 : vector<16xi32>
      %mul3A_239 = arith.constant 16 : i32
      %mul3A_240 = arith.muli %scan3A_34, %mul3A_239 : i32
      %add3A_241 = arith.constant 14336 : i32
      %add3A_242 = arith.addi %add3A_241, %mul3A_240 : i32
      %get3A_243 = arith.index_cast %add3A_242 : i32 to index
      %get3A_244 = tpu.vector_load %arg9[%get3A_243] {strides = array<i32>} : memref<16384xf32, #tpu.memory_space<vmem>>, vector<16xf32>,
      %add3A_245 = arith.addf %add3A_231, %get3A_244 : vector<16xf32>
      %mul3A_246 = arith.constant 16 : i32
      %mul3A_247 = arith.muli %scan3A_34, %mul3A_246 : i32
      %add3A_248 = arith.constant 15360 : i32
      %add3A_249 = arith.addi %add3A_248, %mul3A_247 : i32
      %get3A_250 = arith.index_cast %add3A_249 : i32 to index
      %get3A_251 = tpu.vector_load %arg8[%get3A_250] {strides = array<i32>} : memref<16384xi32, #tpu.memory_space<vmem>>, vector<16xi32>,
      %add3A_252 = arith.addi %add3A_238, %get3A_251 : vector<16xi32>
      %mul3A_253 = arith.constant 16 : i32
      %mul3A_254 = arith.muli %scan3A_34, %mul3A_253 : i32
      %add3A_255 = arith.constant 15360 : i32
      %add3A_256 = arith.addi %add3A_255, %mul3A_254 : i32
      %get3A_257 = arith.index_cast %add3A_256 : i32 to index
      %get3A_258 = tpu.vector_load %arg9[%get3A_257] {strides = array<i32>} : memref<16384xf32, #tpu.memory_space<vmem>>, vector<16xf32>,
      %add3A_259 = arith.addf %add3A_245, %get3A_258 : vector<16xf32>
      %mul3A_260 = arith.constant 16 : i32
      %mul3A_261 = arith.muli %scan3A_34, %mul3A_260 : i32
      %swap3A = arith.index_cast %mul3A_261 : i32 to index
      %swap3A_262 = tpu.vector_load %arg10[%swap3A] {strides = array<i32>} : memref<1024xi32, #tpu.memory_space<vmem>>, vector<16xi32>,
      tpu.vector_store %arg10[%swap3A], %add3A_252 {strides = array<i32>} : memref<1024xi32, #tpu.memory_space<vmem>>, vector<16xi32>,
      %mul3A_263 = arith.constant 16 : i32
      %mul3A_264 = arith.muli %scan3A_34, %mul3A_263 : i32
      %swap3A_265 = arith.index_cast %mul3A_264 : i32 to index
      %swap3A_266 = tpu.vector_load %arg11[%swap3A_265] {strides = array<i32>} : memref<1024xf32, #tpu.memory_space<vmem>>, vector<16xf32>,
      tpu.vector_store %arg11[%swap3A_265], %add3A_259 {strides = array<i32>} : memref<1024xf32, #tpu.memory_space<vmem>>, vector<16xf32>,
      %scan3A_267 = arith.constant 0 : i32
      scf.yield %scan3A_267 : i32
    }
    %scan3A_33 = arith.constant 64 : i32
    "tpu.region"() ({
      %run_scoped3A = tpu.sem_alloc : memref<!tpu.dma_semaphore, #tpu.memory_space<semaphore_mem>>
      %dma_start3A = arith.constant 0 : i32
      %dma_start3A_34 = tpu.memref_slice %arg4[%add3A, %dma_start3A] : memref<32x1024xi32, #tpu.memory_space<hbm>> -> memref<1x1024xi32, #tpu.memory_space<hbm>>
      %dma_start3A_35 = tpu.memref_squeeze %dma_start3A_34 : memref<1x1024xi32, #tpu.memory_space<hbm>> -> memref<1024xi32, #tpu.memory_space<hbm>>
      %dma_start3A_36 = arith.constant 0 : i32
      %dma_start3A_37 = tpu.memref_slice %arg4[%add3A, %dma_start3A_36] : memref<32x1024xi32, #tpu.memory_space<hbm>> -> memref<1x1024xi32, #tpu.memory_space<hbm>>
      %dma_start3A_38 = tpu.memref_squeeze %dma_start3A_37 : memref<1x1024xi32, #tpu.memory_space<hbm>> -> memref<1024xi32, #tpu.memory_space<hbm>>
      tpu.enqueue_dma source(%arg10 : memref<1024xi32, #tpu.memory_space<vmem>>) target(%dma_start3A_38 : memref<1024xi32, #tpu.memory_space<hbm>>) target_semaphore(%run_scoped3A : memref<!tpu.dma_semaphore, #tpu.memory_space<semaphore_mem>>)
      %dma_wait3A = arith.constant 0 : i32
      %dma_wait3A_39 = tpu.memref_slice %arg4[%add3A, %dma_wait3A] : memref<32x1024xi32, #tpu.memory_space<hbm>> -> memref<1x1024xi32, #tpu.memory_space<hbm>>
      %dma_wait3A_40 = tpu.memref_squeeze %dma_wait3A_39 : memref<1x1024xi32, #tpu.memory_space<hbm>> -> memref<1024xi32, #tpu.memory_space<hbm>>
      %dma_wait3A_41 = arith.constant 0 : i32
      %dma_wait3A_42 = tpu.memref_slice %arg4[%add3A, %dma_wait3A_41] : memref<32x1024xi32, #tpu.memory_space<hbm>> -> memref<1x1024xi32, #tpu.memory_space<hbm>>
      %dma_wait3A_43 = tpu.memref_squeeze %dma_wait3A_42 : memref<1x1024xi32, #tpu.memory_space<hbm>> -> memref<1024xi32, #tpu.memory_space<hbm>>
      tpu.wait_dma2 semaphore(%run_scoped3A : memref<!tpu.dma_semaphore, #tpu.memory_space<semaphore_mem>>) src(%arg10 : memref<1024xi32, #tpu.memory_space<vmem>>) dst(%dma_wait3A_43 : memref<1024xi32, #tpu.memory_space<hbm>>)
      tpu.yield
    }) : () -> ()
    "tpu.region"() ({
      %run_scoped3A = tpu.sem_alloc : memref<!tpu.dma_semaphore, #tpu.memory_space<semaphore_mem>>
      %dma_start3A = arith.constant 0 : i32
      %dma_start3A_34 = tpu.memref_slice %arg5[%add3A, %dma_start3A] : memref<32x1024xf32, #tpu.memory_space<hbm>> -> memref<1x1024xf32, #tpu.memory_space<hbm>>
      %dma_start3A_35 = tpu.memref_squeeze %dma_start3A_34 : memref<1x1024xf32, #tpu.memory_space<hbm>> -> memref<1024xf32, #tpu.memory_space<hbm>>
      %dma_start3A_36 = arith.constant 0 : i32
      %dma_start3A_37 = tpu.memref_slice %arg5[%add3A, %dma_start3A_36] : memref<32x1024xf32, #tpu.memory_space<hbm>> -> memref<1x1024xf32, #tpu.memory_space<hbm>>
      %dma_start3A_38 = tpu.memref_squeeze %dma_start3A_37 : memref<1x1024xf32, #tpu.memory_space<hbm>> -> memref<1024xf32, #tpu.memory_space<hbm>>
      tpu.enqueue_dma source(%arg11 : memref<1024xf32, #tpu.memory_space<vmem>>) target(%dma_start3A_38 : memref<1024xf32, #tpu.memory_space<hbm>>) target_semaphore(%run_scoped3A : memref<!tpu.dma_semaphore, #tpu.memory_space<semaphore_mem>>)
      %dma_wait3A = arith.constant 0 : i32
      %dma_wait3A_39 = tpu.memref_slice %arg5[%add3A, %dma_wait3A] : memref<32x1024xf32, #tpu.memory_space<hbm>> -> memref<1x1024xf32, #tpu.memory_space<hbm>>
      %dma_wait3A_40 = tpu.memref_squeeze %dma_wait3A_39 : memref<1x1024xf32, #tpu.memory_space<hbm>> -> memref<1024xf32, #tpu.memory_space<hbm>>
      %dma_wait3A_41 = arith.constant 0 : i32
      %dma_wait3A_42 = tpu.memref_slice %arg5[%add3A, %dma_wait3A_41] : memref<32x1024xf32, #tpu.memory_space<hbm>> -> memref<1x1024xf32, #tpu.memory_space<hbm>>
      %dma_wait3A_43 = tpu.memref_squeeze %dma_wait3A_42 : memref<1x1024xf32, #tpu.memory_space<hbm>> -> memref<1024xf32, #tpu.memory_space<hbm>>
      tpu.wait_dma2 semaphore(%run_scoped3A : memref<!tpu.dma_semaphore, #tpu.memory_space<semaphore_mem>>) src(%arg11 : memref<1024xf32, #tpu.memory_space<vmem>>) dst(%dma_wait3A_43 : memref<1024xf32, #tpu.memory_space<hbm>>)
      tpu.yield
    }) : () -> ()
    return
  }
}

module attributes {stable_mosaic.version = 14 : i64} {
  func.func @_loss_body(%arg0: i32, %arg1: i32, %arg2: memref<1x19x128x512xf32, #tpu.memory_space<vmem>>, %arg3: memref<1x19x128x512xf32, #tpu.memory_space<vmem>>, %arg4: memref<128x512xf32, #tpu.memory_space<vmem>>) attributes {dimension_semantics = [#tpu.dimension_semantics<arbitrary>, #tpu.dimension_semantics<arbitrary>], iteration_bounds = array<i64: 4, 4>, scalar_prefetch = 0 : i64, scratch_operands = 0 : i64, tpu.core_type = #tpu.core_type<tc>, window_params = [{transform_indices = @transform_0, window_bounds = array<i64: 1, 19, 128, 512>}, {transform_indices = @transform_1, window_bounds = array<i64: 1, 19, 128, 512>}, {transform_indices = @transform_2, window_bounds = array<i64: 128, 512>}]} {
    %get3A = arith.constant 0 : index
    %get3A_0 = arith.constant 0 : index
    %get3A_1 = arith.constant 0 : index
    %get3A_2 = arith.constant 0 : index
    %get3A_3 = vector.load %arg2[%get3A, %get3A_0, %get3A_1, %get3A_2] : memref<1x19x128x512xf32, #tpu.memory_space<vmem>>, vector<1x1x128x512xf32>
    %get3A_4 = vector.shape_cast %get3A_3 : vector<1x1x128x512xf32> to vector<128x512xf32>
    %get3A_5 = arith.constant 0 : index
    %get3A_6 = arith.constant 1 : index
    %get3A_7 = arith.constant 0 : index
    %get3A_8 = arith.constant 0 : index
    %get3A_9 = vector.load %arg2[%get3A_5, %get3A_6, %get3A_7, %get3A_8] : memref<1x19x128x512xf32, #tpu.memory_space<vmem>>, vector<1x1x128x512xf32>
    %get3A_10 = vector.shape_cast %get3A_9 : vector<1x1x128x512xf32> to vector<128x512xf32>
    %max3A = arith.maximumf %get3A_4, %get3A_10 : vector<128x512xf32>
    %get3A_11 = arith.constant 0 : index
    %get3A_12 = arith.constant 2 : index
    %get3A_13 = arith.constant 0 : index
    %get3A_14 = arith.constant 0 : index
    %get3A_15 = vector.load %arg2[%get3A_11, %get3A_12, %get3A_13, %get3A_14] : memref<1x19x128x512xf32, #tpu.memory_space<vmem>>, vector<1x1x128x512xf32>
    %get3A_16 = vector.shape_cast %get3A_15 : vector<1x1x128x512xf32> to vector<128x512xf32>
    %max3A_17 = arith.maximumf %max3A, %get3A_16 : vector<128x512xf32>
    %get3A_18 = arith.constant 0 : index
    %get3A_19 = arith.constant 3 : index
    %get3A_20 = arith.constant 0 : index
    %get3A_21 = arith.constant 0 : index
    %get3A_22 = vector.load %arg2[%get3A_18, %get3A_19, %get3A_20, %get3A_21] : memref<1x19x128x512xf32, #tpu.memory_space<vmem>>, vector<1x1x128x512xf32>
    %get3A_23 = vector.shape_cast %get3A_22 : vector<1x1x128x512xf32> to vector<128x512xf32>
    %max3A_24 = arith.maximumf %max3A_17, %get3A_23 : vector<128x512xf32>
    %get3A_25 = arith.constant 0 : index
    %get3A_26 = arith.constant 4 : index
    %get3A_27 = arith.constant 0 : index
    %get3A_28 = arith.constant 0 : index
    %get3A_29 = vector.load %arg2[%get3A_25, %get3A_26, %get3A_27, %get3A_28] : memref<1x19x128x512xf32, #tpu.memory_space<vmem>>, vector<1x1x128x512xf32>
    %get3A_30 = vector.shape_cast %get3A_29 : vector<1x1x128x512xf32> to vector<128x512xf32>
    %max3A_31 = arith.maximumf %max3A_24, %get3A_30 : vector<128x512xf32>
    %get3A_32 = arith.constant 0 : index
    %get3A_33 = arith.constant 5 : index
    %get3A_34 = arith.constant 0 : index
    %get3A_35 = arith.constant 0 : index
    %get3A_36 = vector.load %arg2[%get3A_32, %get3A_33, %get3A_34, %get3A_35] : memref<1x19x128x512xf32, #tpu.memory_space<vmem>>, vector<1x1x128x512xf32>
    %get3A_37 = vector.shape_cast %get3A_36 : vector<1x1x128x512xf32> to vector<128x512xf32>
    %max3A_38 = arith.maximumf %max3A_31, %get3A_37 : vector<128x512xf32>
    %get3A_39 = arith.constant 0 : index
    %get3A_40 = arith.constant 6 : index
    %get3A_41 = arith.constant 0 : index
    %get3A_42 = arith.constant 0 : index
    %get3A_43 = vector.load %arg2[%get3A_39, %get3A_40, %get3A_41, %get3A_42] : memref<1x19x128x512xf32, #tpu.memory_space<vmem>>, vector<1x1x128x512xf32>
    %get3A_44 = vector.shape_cast %get3A_43 : vector<1x1x128x512xf32> to vector<128x512xf32>
    %max3A_45 = arith.maximumf %max3A_38, %get3A_44 : vector<128x512xf32>
    %get3A_46 = arith.constant 0 : index
    %get3A_47 = arith.constant 7 : index
    %get3A_48 = arith.constant 0 : index
    %get3A_49 = arith.constant 0 : index
    %get3A_50 = vector.load %arg2[%get3A_46, %get3A_47, %get3A_48, %get3A_49] : memref<1x19x128x512xf32, #tpu.memory_space<vmem>>, vector<1x1x128x512xf32>
    %get3A_51 = vector.shape_cast %get3A_50 : vector<1x1x128x512xf32> to vector<128x512xf32>
    %max3A_52 = arith.maximumf %max3A_45, %get3A_51 : vector<128x512xf32>
    %get3A_53 = arith.constant 0 : index
    %get3A_54 = arith.constant 8 : index
    %get3A_55 = arith.constant 0 : index
    %get3A_56 = arith.constant 0 : index
    %get3A_57 = vector.load %arg2[%get3A_53, %get3A_54, %get3A_55, %get3A_56] : memref<1x19x128x512xf32, #tpu.memory_space<vmem>>, vector<1x1x128x512xf32>
    %get3A_58 = vector.shape_cast %get3A_57 : vector<1x1x128x512xf32> to vector<128x512xf32>
    %max3A_59 = arith.maximumf %max3A_52, %get3A_58 : vector<128x512xf32>
    %get3A_60 = arith.constant 0 : index
    %get3A_61 = arith.constant 9 : index
    %get3A_62 = arith.constant 0 : index
    %get3A_63 = arith.constant 0 : index
    %get3A_64 = vector.load %arg2[%get3A_60, %get3A_61, %get3A_62, %get3A_63] : memref<1x19x128x512xf32, #tpu.memory_space<vmem>>, vector<1x1x128x512xf32>
    %get3A_65 = vector.shape_cast %get3A_64 : vector<1x1x128x512xf32> to vector<128x512xf32>
    %max3A_66 = arith.maximumf %max3A_59, %get3A_65 : vector<128x512xf32>
    %get3A_67 = arith.constant 0 : index
    %get3A_68 = arith.constant 10 : index
    %get3A_69 = arith.constant 0 : index
    %get3A_70 = arith.constant 0 : index
    %get3A_71 = vector.load %arg2[%get3A_67, %get3A_68, %get3A_69, %get3A_70] : memref<1x19x128x512xf32, #tpu.memory_space<vmem>>, vector<1x1x128x512xf32>
    %get3A_72 = vector.shape_cast %get3A_71 : vector<1x1x128x512xf32> to vector<128x512xf32>
    %max3A_73 = arith.maximumf %max3A_66, %get3A_72 : vector<128x512xf32>
    %get3A_74 = arith.constant 0 : index
    %get3A_75 = arith.constant 11 : index
    %get3A_76 = arith.constant 0 : index
    %get3A_77 = arith.constant 0 : index
    %get3A_78 = vector.load %arg2[%get3A_74, %get3A_75, %get3A_76, %get3A_77] : memref<1x19x128x512xf32, #tpu.memory_space<vmem>>, vector<1x1x128x512xf32>
    %get3A_79 = vector.shape_cast %get3A_78 : vector<1x1x128x512xf32> to vector<128x512xf32>
    %max3A_80 = arith.maximumf %max3A_73, %get3A_79 : vector<128x512xf32>
    %get3A_81 = arith.constant 0 : index
    %get3A_82 = arith.constant 12 : index
    %get3A_83 = arith.constant 0 : index
    %get3A_84 = arith.constant 0 : index
    %get3A_85 = vector.load %arg2[%get3A_81, %get3A_82, %get3A_83, %get3A_84] : memref<1x19x128x512xf32, #tpu.memory_space<vmem>>, vector<1x1x128x512xf32>
    %get3A_86 = vector.shape_cast %get3A_85 : vector<1x1x128x512xf32> to vector<128x512xf32>
    %max3A_87 = arith.maximumf %max3A_80, %get3A_86 : vector<128x512xf32>
    %get3A_88 = arith.constant 0 : index
    %get3A_89 = arith.constant 13 : index
    %get3A_90 = arith.constant 0 : index
    %get3A_91 = arith.constant 0 : index
    %get3A_92 = vector.load %arg2[%get3A_88, %get3A_89, %get3A_90, %get3A_91] : memref<1x19x128x512xf32, #tpu.memory_space<vmem>>, vector<1x1x128x512xf32>
    %get3A_93 = vector.shape_cast %get3A_92 : vector<1x1x128x512xf32> to vector<128x512xf32>
    %max3A_94 = arith.maximumf %max3A_87, %get3A_93 : vector<128x512xf32>
    %get3A_95 = arith.constant 0 : index
    %get3A_96 = arith.constant 14 : index
    %get3A_97 = arith.constant 0 : index
    %get3A_98 = arith.constant 0 : index
    %get3A_99 = vector.load %arg2[%get3A_95, %get3A_96, %get3A_97, %get3A_98] : memref<1x19x128x512xf32, #tpu.memory_space<vmem>>, vector<1x1x128x512xf32>
    %get3A_100 = vector.shape_cast %get3A_99 : vector<1x1x128x512xf32> to vector<128x512xf32>
    %max3A_101 = arith.maximumf %max3A_94, %get3A_100 : vector<128x512xf32>
    %get3A_102 = arith.constant 0 : index
    %get3A_103 = arith.constant 15 : index
    %get3A_104 = arith.constant 0 : index
    %get3A_105 = arith.constant 0 : index
    %get3A_106 = vector.load %arg2[%get3A_102, %get3A_103, %get3A_104, %get3A_105] : memref<1x19x128x512xf32, #tpu.memory_space<vmem>>, vector<1x1x128x512xf32>
    %get3A_107 = vector.shape_cast %get3A_106 : vector<1x1x128x512xf32> to vector<128x512xf32>
    %max3A_108 = arith.maximumf %max3A_101, %get3A_107 : vector<128x512xf32>
    %get3A_109 = arith.constant 0 : index
    %get3A_110 = arith.constant 16 : index
    %get3A_111 = arith.constant 0 : index
    %get3A_112 = arith.constant 0 : index
    %get3A_113 = vector.load %arg2[%get3A_109, %get3A_110, %get3A_111, %get3A_112] : memref<1x19x128x512xf32, #tpu.memory_space<vmem>>, vector<1x1x128x512xf32>
    %get3A_114 = vector.shape_cast %get3A_113 : vector<1x1x128x512xf32> to vector<128x512xf32>
    %max3A_115 = arith.maximumf %max3A_108, %get3A_114 : vector<128x512xf32>
    %get3A_116 = arith.constant 0 : index
    %get3A_117 = arith.constant 17 : index
    %get3A_118 = arith.constant 0 : index
    %get3A_119 = arith.constant 0 : index
    %get3A_120 = vector.load %arg2[%get3A_116, %get3A_117, %get3A_118, %get3A_119] : memref<1x19x128x512xf32, #tpu.memory_space<vmem>>, vector<1x1x128x512xf32>
    %get3A_121 = vector.shape_cast %get3A_120 : vector<1x1x128x512xf32> to vector<128x512xf32>
    %max3A_122 = arith.maximumf %max3A_115, %get3A_121 : vector<128x512xf32>
    %get3A_123 = arith.constant 0 : index
    %get3A_124 = arith.constant 18 : index
    %get3A_125 = arith.constant 0 : index
    %get3A_126 = arith.constant 0 : index
    %get3A_127 = vector.load %arg2[%get3A_123, %get3A_124, %get3A_125, %get3A_126] : memref<1x19x128x512xf32, #tpu.memory_space<vmem>>, vector<1x1x128x512xf32>
    %get3A_128 = vector.shape_cast %get3A_127 : vector<1x1x128x512xf32> to vector<128x512xf32>
    %max3A_129 = arith.maximumf %max3A_122, %get3A_128 : vector<128x512xf32>
    %get3A_130 = arith.constant 0 : index
    %get3A_131 = arith.constant 0 : index
    %get3A_132 = arith.constant 0 : index
    %get3A_133 = arith.constant 0 : index
    %get3A_134 = vector.load %arg2[%get3A_130, %get3A_131, %get3A_132, %get3A_133] : memref<1x19x128x512xf32, #tpu.memory_space<vmem>>, vector<1x1x128x512xf32>
    %get3A_135 = vector.shape_cast %get3A_134 : vector<1x1x128x512xf32> to vector<128x512xf32>
    %sub3A = arith.subf %get3A_135, %max3A_129 : vector<128x512xf32>
    %exp3A = math.exp %sub3A : vector<128x512xf32>
    %get3A_136 = arith.constant 0 : index
    %get3A_137 = arith.constant 1 : index
    %get3A_138 = arith.constant 0 : index
    %get3A_139 = arith.constant 0 : index
    %get3A_140 = vector.load %arg2[%get3A_136, %get3A_137, %get3A_138, %get3A_139] : memref<1x19x128x512xf32, #tpu.memory_space<vmem>>, vector<1x1x128x512xf32>
    %get3A_141 = vector.shape_cast %get3A_140 : vector<1x1x128x512xf32> to vector<128x512xf32>
    %sub3A_142 = arith.subf %get3A_141, %max3A_129 : vector<128x512xf32>
    %exp3A_143 = math.exp %sub3A_142 : vector<128x512xf32>
    %add3A = arith.addf %exp3A, %exp3A_143 : vector<128x512xf32>
    %get3A_144 = arith.constant 0 : index
    %get3A_145 = arith.constant 2 : index
    %get3A_146 = arith.constant 0 : index
    %get3A_147 = arith.constant 0 : index
    %get3A_148 = vector.load %arg2[%get3A_144, %get3A_145, %get3A_146, %get3A_147] : memref<1x19x128x512xf32, #tpu.memory_space<vmem>>, vector<1x1x128x512xf32>
    %get3A_149 = vector.shape_cast %get3A_148 : vector<1x1x128x512xf32> to vector<128x512xf32>
    %sub3A_150 = arith.subf %get3A_149, %max3A_129 : vector<128x512xf32>
    %exp3A_151 = math.exp %sub3A_150 : vector<128x512xf32>
    %add3A_152 = arith.addf %add3A, %exp3A_151 : vector<128x512xf32>
    %get3A_153 = arith.constant 0 : index
    %get3A_154 = arith.constant 3 : index
    %get3A_155 = arith.constant 0 : index
    %get3A_156 = arith.constant 0 : index
    %get3A_157 = vector.load %arg2[%get3A_153, %get3A_154, %get3A_155, %get3A_156] : memref<1x19x128x512xf32, #tpu.memory_space<vmem>>, vector<1x1x128x512xf32>
    %get3A_158 = vector.shape_cast %get3A_157 : vector<1x1x128x512xf32> to vector<128x512xf32>
    %sub3A_159 = arith.subf %get3A_158, %max3A_129 : vector<128x512xf32>
    %exp3A_160 = math.exp %sub3A_159 : vector<128x512xf32>
    %add3A_161 = arith.addf %add3A_152, %exp3A_160 : vector<128x512xf32>
    %get3A_162 = arith.constant 0 : index
    %get3A_163 = arith.constant 4 : index
    %get3A_164 = arith.constant 0 : index
    %get3A_165 = arith.constant 0 : index
    %get3A_166 = vector.load %arg2[%get3A_162, %get3A_163, %get3A_164, %get3A_165] : memref<1x19x128x512xf32, #tpu.memory_space<vmem>>, vector<1x1x128x512xf32>
    %get3A_167 = vector.shape_cast %get3A_166 : vector<1x1x128x512xf32> to vector<128x512xf32>
    %sub3A_168 = arith.subf %get3A_167, %max3A_129 : vector<128x512xf32>
    %exp3A_169 = math.exp %sub3A_168 : vector<128x512xf32>
    %add3A_170 = arith.addf %add3A_161, %exp3A_169 : vector<128x512xf32>
    %get3A_171 = arith.constant 0 : index
    %get3A_172 = arith.constant 5 : index
    %get3A_173 = arith.constant 0 : index
    %get3A_174 = arith.constant 0 : index
    %get3A_175 = vector.load %arg2[%get3A_171, %get3A_172, %get3A_173, %get3A_174] : memref<1x19x128x512xf32, #tpu.memory_space<vmem>>, vector<1x1x128x512xf32>
    %get3A_176 = vector.shape_cast %get3A_175 : vector<1x1x128x512xf32> to vector<128x512xf32>
    %sub3A_177 = arith.subf %get3A_176, %max3A_129 : vector<128x512xf32>
    %exp3A_178 = math.exp %sub3A_177 : vector<128x512xf32>
    %add3A_179 = arith.addf %add3A_170, %exp3A_178 : vector<128x512xf32>
    %get3A_180 = arith.constant 0 : index
    %get3A_181 = arith.constant 6 : index
    %get3A_182 = arith.constant 0 : index
    %get3A_183 = arith.constant 0 : index
    %get3A_184 = vector.load %arg2[%get3A_180, %get3A_181, %get3A_182, %get3A_183] : memref<1x19x128x512xf32, #tpu.memory_space<vmem>>, vector<1x1x128x512xf32>
    %get3A_185 = vector.shape_cast %get3A_184 : vector<1x1x128x512xf32> to vector<128x512xf32>
    %sub3A_186 = arith.subf %get3A_185, %max3A_129 : vector<128x512xf32>
    %exp3A_187 = math.exp %sub3A_186 : vector<128x512xf32>
    %add3A_188 = arith.addf %add3A_179, %exp3A_187 : vector<128x512xf32>
    %get3A_189 = arith.constant 0 : index
    %get3A_190 = arith.constant 7 : index
    %get3A_191 = arith.constant 0 : index
    %get3A_192 = arith.constant 0 : index
    %get3A_193 = vector.load %arg2[%get3A_189, %get3A_190, %get3A_191, %get3A_192] : memref<1x19x128x512xf32, #tpu.memory_space<vmem>>, vector<1x1x128x512xf32>
    %get3A_194 = vector.shape_cast %get3A_193 : vector<1x1x128x512xf32> to vector<128x512xf32>
    %sub3A_195 = arith.subf %get3A_194, %max3A_129 : vector<128x512xf32>
    %exp3A_196 = math.exp %sub3A_195 : vector<128x512xf32>
    %add3A_197 = arith.addf %add3A_188, %exp3A_196 : vector<128x512xf32>
    %get3A_198 = arith.constant 0 : index
    %get3A_199 = arith.constant 8 : index
    %get3A_200 = arith.constant 0 : index
    %get3A_201 = arith.constant 0 : index
    %get3A_202 = vector.load %arg2[%get3A_198, %get3A_199, %get3A_200, %get3A_201] : memref<1x19x128x512xf32, #tpu.memory_space<vmem>>, vector<1x1x128x512xf32>
    %get3A_203 = vector.shape_cast %get3A_202 : vector<1x1x128x512xf32> to vector<128x512xf32>
    %sub3A_204 = arith.subf %get3A_203, %max3A_129 : vector<128x512xf32>
    %exp3A_205 = math.exp %sub3A_204 : vector<128x512xf32>
    %add3A_206 = arith.addf %add3A_197, %exp3A_205 : vector<128x512xf32>
    %get3A_207 = arith.constant 0 : index
    %get3A_208 = arith.constant 9 : index
    %get3A_209 = arith.constant 0 : index
    %get3A_210 = arith.constant 0 : index
    %get3A_211 = vector.load %arg2[%get3A_207, %get3A_208, %get3A_209, %get3A_210] : memref<1x19x128x512xf32, #tpu.memory_space<vmem>>, vector<1x1x128x512xf32>
    %get3A_212 = vector.shape_cast %get3A_211 : vector<1x1x128x512xf32> to vector<128x512xf32>
    %sub3A_213 = arith.subf %get3A_212, %max3A_129 : vector<128x512xf32>
    %exp3A_214 = math.exp %sub3A_213 : vector<128x512xf32>
    %add3A_215 = arith.addf %add3A_206, %exp3A_214 : vector<128x512xf32>
    %get3A_216 = arith.constant 0 : index
    %get3A_217 = arith.constant 10 : index
    %get3A_218 = arith.constant 0 : index
    %get3A_219 = arith.constant 0 : index
    %get3A_220 = vector.load %arg2[%get3A_216, %get3A_217, %get3A_218, %get3A_219] : memref<1x19x128x512xf32, #tpu.memory_space<vmem>>, vector<1x1x128x512xf32>
    %get3A_221 = vector.shape_cast %get3A_220 : vector<1x1x128x512xf32> to vector<128x512xf32>
    %sub3A_222 = arith.subf %get3A_221, %max3A_129 : vector<128x512xf32>
    %exp3A_223 = math.exp %sub3A_222 : vector<128x512xf32>
    %add3A_224 = arith.addf %add3A_215, %exp3A_223 : vector<128x512xf32>
    %get3A_225 = arith.constant 0 : index
    %get3A_226 = arith.constant 11 : index
    %get3A_227 = arith.constant 0 : index
    %get3A_228 = arith.constant 0 : index
    %get3A_229 = vector.load %arg2[%get3A_225, %get3A_226, %get3A_227, %get3A_228] : memref<1x19x128x512xf32, #tpu.memory_space<vmem>>, vector<1x1x128x512xf32>
    %get3A_230 = vector.shape_cast %get3A_229 : vector<1x1x128x512xf32> to vector<128x512xf32>
    %sub3A_231 = arith.subf %get3A_230, %max3A_129 : vector<128x512xf32>
    %exp3A_232 = math.exp %sub3A_231 : vector<128x512xf32>
    %add3A_233 = arith.addf %add3A_224, %exp3A_232 : vector<128x512xf32>
    %get3A_234 = arith.constant 0 : index
    %get3A_235 = arith.constant 12 : index
    %get3A_236 = arith.constant 0 : index
    %get3A_237 = arith.constant 0 : index
    %get3A_238 = vector.load %arg2[%get3A_234, %get3A_235, %get3A_236, %get3A_237] : memref<1x19x128x512xf32, #tpu.memory_space<vmem>>, vector<1x1x128x512xf32>
    %get3A_239 = vector.shape_cast %get3A_238 : vector<1x1x128x512xf32> to vector<128x512xf32>
    %sub3A_240 = arith.subf %get3A_239, %max3A_129 : vector<128x512xf32>
    %exp3A_241 = math.exp %sub3A_240 : vector<128x512xf32>
    %add3A_242 = arith.addf %add3A_233, %exp3A_241 : vector<128x512xf32>
    %get3A_243 = arith.constant 0 : index
    %get3A_244 = arith.constant 13 : index
    %get3A_245 = arith.constant 0 : index
    %get3A_246 = arith.constant 0 : index
    %get3A_247 = vector.load %arg2[%get3A_243, %get3A_244, %get3A_245, %get3A_246] : memref<1x19x128x512xf32, #tpu.memory_space<vmem>>, vector<1x1x128x512xf32>
    %get3A_248 = vector.shape_cast %get3A_247 : vector<1x1x128x512xf32> to vector<128x512xf32>
    %sub3A_249 = arith.subf %get3A_248, %max3A_129 : vector<128x512xf32>
    %exp3A_250 = math.exp %sub3A_249 : vector<128x512xf32>
    %add3A_251 = arith.addf %add3A_242, %exp3A_250 : vector<128x512xf32>
    %get3A_252 = arith.constant 0 : index
    %get3A_253 = arith.constant 14 : index
    %get3A_254 = arith.constant 0 : index
    %get3A_255 = arith.constant 0 : index
    %get3A_256 = vector.load %arg2[%get3A_252, %get3A_253, %get3A_254, %get3A_255] : memref<1x19x128x512xf32, #tpu.memory_space<vmem>>, vector<1x1x128x512xf32>
    %get3A_257 = vector.shape_cast %get3A_256 : vector<1x1x128x512xf32> to vector<128x512xf32>
    %sub3A_258 = arith.subf %get3A_257, %max3A_129 : vector<128x512xf32>
    %exp3A_259 = math.exp %sub3A_258 : vector<128x512xf32>
    %add3A_260 = arith.addf %add3A_251, %exp3A_259 : vector<128x512xf32>
    %get3A_261 = arith.constant 0 : index
    %get3A_262 = arith.constant 15 : index
    %get3A_263 = arith.constant 0 : index
    %get3A_264 = arith.constant 0 : index
    %get3A_265 = vector.load %arg2[%get3A_261, %get3A_262, %get3A_263, %get3A_264] : memref<1x19x128x512xf32, #tpu.memory_space<vmem>>, vector<1x1x128x512xf32>
    %get3A_266 = vector.shape_cast %get3A_265 : vector<1x1x128x512xf32> to vector<128x512xf32>
    %sub3A_267 = arith.subf %get3A_266, %max3A_129 : vector<128x512xf32>
    %exp3A_268 = math.exp %sub3A_267 : vector<128x512xf32>
    %add3A_269 = arith.addf %add3A_260, %exp3A_268 : vector<128x512xf32>
    %get3A_270 = arith.constant 0 : index
    %get3A_271 = arith.constant 16 : index
    %get3A_272 = arith.constant 0 : index
    %get3A_273 = arith.constant 0 : index
    %get3A_274 = vector.load %arg2[%get3A_270, %get3A_271, %get3A_272, %get3A_273] : memref<1x19x128x512xf32, #tpu.memory_space<vmem>>, vector<1x1x128x512xf32>
    %get3A_275 = vector.shape_cast %get3A_274 : vector<1x1x128x512xf32> to vector<128x512xf32>
    %sub3A_276 = arith.subf %get3A_275, %max3A_129 : vector<128x512xf32>
    %exp3A_277 = math.exp %sub3A_276 : vector<128x512xf32>
    %add3A_278 = arith.addf %add3A_269, %exp3A_277 : vector<128x512xf32>
    %get3A_279 = arith.constant 0 : index
    %get3A_280 = arith.constant 17 : index
    %get3A_281 = arith.constant 0 : index
    %get3A_282 = arith.constant 0 : index
    %get3A_283 = vector.load %arg2[%get3A_279, %get3A_280, %get3A_281, %get3A_282] : memref<1x19x128x512xf32, #tpu.memory_space<vmem>>, vector<1x1x128x512xf32>
    %get3A_284 = vector.shape_cast %get3A_283 : vector<1x1x128x512xf32> to vector<128x512xf32>
    %sub3A_285 = arith.subf %get3A_284, %max3A_129 : vector<128x512xf32>
    %exp3A_286 = math.exp %sub3A_285 : vector<128x512xf32>
    %add3A_287 = arith.addf %add3A_278, %exp3A_286 : vector<128x512xf32>
    %get3A_288 = arith.constant 0 : index
    %get3A_289 = arith.constant 18 : index
    %get3A_290 = arith.constant 0 : index
    %get3A_291 = arith.constant 0 : index
    %get3A_292 = vector.load %arg2[%get3A_288, %get3A_289, %get3A_290, %get3A_291] : memref<1x19x128x512xf32, #tpu.memory_space<vmem>>, vector<1x1x128x512xf32>
    %get3A_293 = vector.shape_cast %get3A_292 : vector<1x1x128x512xf32> to vector<128x512xf32>
    %sub3A_294 = arith.subf %get3A_293, %max3A_129 : vector<128x512xf32>
    %exp3A_295 = math.exp %sub3A_294 : vector<128x512xf32>
    %add3A_296 = arith.addf %add3A_287, %exp3A_295 : vector<128x512xf32>
    %get3A_297 = arith.constant 0 : index
    %get3A_298 = arith.constant 0 : index
    %get3A_299 = arith.constant 0 : index
    %get3A_300 = arith.constant 0 : index
    %get3A_301 = vector.load %arg3[%get3A_297, %get3A_298, %get3A_299, %get3A_300] : memref<1x19x128x512xf32, #tpu.memory_space<vmem>>, vector<1x1x128x512xf32>
    %get3A_302 = vector.shape_cast %get3A_301 : vector<1x1x128x512xf32> to vector<128x512xf32>
    %get3A_303 = arith.constant 0 : index
    %get3A_304 = arith.constant 0 : index
    %get3A_305 = arith.constant 0 : index
    %get3A_306 = arith.constant 0 : index
    %get3A_307 = vector.load %arg2[%get3A_303, %get3A_304, %get3A_305, %get3A_306] : memref<1x19x128x512xf32, #tpu.memory_space<vmem>>, vector<1x1x128x512xf32>
    %get3A_308 = vector.shape_cast %get3A_307 : vector<1x1x128x512xf32> to vector<128x512xf32>
    %get3A_309 = arith.constant 0 : index
    %get3A_310 = arith.constant 1 : index
    %get3A_311 = arith.constant 0 : index
    %get3A_312 = arith.constant 0 : index
    %get3A_313 = vector.load %arg3[%get3A_309, %get3A_310, %get3A_311, %get3A_312] : memref<1x19x128x512xf32, #tpu.memory_space<vmem>>, vector<1x1x128x512xf32>
    %get3A_314 = vector.shape_cast %get3A_313 : vector<1x1x128x512xf32> to vector<128x512xf32>
    %gt3A = arith.cmpf ogt, %get3A_314, %get3A_302 : vector<128x512xf32>
    %select_n3A = arith.select %gt3A, %get3A_314, %get3A_302 : vector<128x512xi1>, vector<128x512xf32>
    %get3A_315 = arith.constant 0 : index
    %get3A_316 = arith.constant 1 : index
    %get3A_317 = arith.constant 0 : index
    %get3A_318 = arith.constant 0 : index
    %get3A_319 = vector.load %arg2[%get3A_315, %get3A_316, %get3A_317, %get3A_318] : memref<1x19x128x512xf32, #tpu.memory_space<vmem>>, vector<1x1x128x512xf32>
    %get3A_320 = vector.shape_cast %get3A_319 : vector<1x1x128x512xf32> to vector<128x512xf32>
    %select_n3A_321 = arith.select %gt3A, %get3A_320, %get3A_308 : vector<128x512xi1>, vector<128x512xf32>
    %get3A_322 = arith.constant 0 : index
    %get3A_323 = arith.constant 2 : index
    %get3A_324 = arith.constant 0 : index
    %get3A_325 = arith.constant 0 : index
    %get3A_326 = vector.load %arg3[%get3A_322, %get3A_323, %get3A_324, %get3A_325] : memref<1x19x128x512xf32, #tpu.memory_space<vmem>>, vector<1x1x128x512xf32>
    %get3A_327 = vector.shape_cast %get3A_326 : vector<1x1x128x512xf32> to vector<128x512xf32>
    %gt3A_328 = arith.cmpf ogt, %get3A_327, %select_n3A : vector<128x512xf32>
    %select_n3A_329 = arith.select %gt3A_328, %get3A_327, %select_n3A : vector<128x512xi1>, vector<128x512xf32>
    %get3A_330 = arith.constant 0 : index
    %get3A_331 = arith.constant 2 : index
    %get3A_332 = arith.constant 0 : index
    %get3A_333 = arith.constant 0 : index
    %get3A_334 = vector.load %arg2[%get3A_330, %get3A_331, %get3A_332, %get3A_333] : memref<1x19x128x512xf32, #tpu.memory_space<vmem>>, vector<1x1x128x512xf32>
    %get3A_335 = vector.shape_cast %get3A_334 : vector<1x1x128x512xf32> to vector<128x512xf32>
    %select_n3A_336 = arith.select %gt3A_328, %get3A_335, %select_n3A_321 : vector<128x512xi1>, vector<128x512xf32>
    %get3A_337 = arith.constant 0 : index
    %get3A_338 = arith.constant 3 : index
    %get3A_339 = arith.constant 0 : index
    %get3A_340 = arith.constant 0 : index
    %get3A_341 = vector.load %arg3[%get3A_337, %get3A_338, %get3A_339, %get3A_340] : memref<1x19x128x512xf32, #tpu.memory_space<vmem>>, vector<1x1x128x512xf32>
    %get3A_342 = vector.shape_cast %get3A_341 : vector<1x1x128x512xf32> to vector<128x512xf32>
    %gt3A_343 = arith.cmpf ogt, %get3A_342, %select_n3A_329 : vector<128x512xf32>
    %select_n3A_344 = arith.select %gt3A_343, %get3A_342, %select_n3A_329 : vector<128x512xi1>, vector<128x512xf32>
    %get3A_345 = arith.constant 0 : index
    %get3A_346 = arith.constant 3 : index
    %get3A_347 = arith.constant 0 : index
    %get3A_348 = arith.constant 0 : index
    %get3A_349 = vector.load %arg2[%get3A_345, %get3A_346, %get3A_347, %get3A_348] : memref<1x19x128x512xf32, #tpu.memory_space<vmem>>, vector<1x1x128x512xf32>
    %get3A_350 = vector.shape_cast %get3A_349 : vector<1x1x128x512xf32> to vector<128x512xf32>
    %select_n3A_351 = arith.select %gt3A_343, %get3A_350, %select_n3A_336 : vector<128x512xi1>, vector<128x512xf32>
    %get3A_352 = arith.constant 0 : index
    %get3A_353 = arith.constant 4 : index
    %get3A_354 = arith.constant 0 : index
    %get3A_355 = arith.constant 0 : index
    %get3A_356 = vector.load %arg3[%get3A_352, %get3A_353, %get3A_354, %get3A_355] : memref<1x19x128x512xf32, #tpu.memory_space<vmem>>, vector<1x1x128x512xf32>
    %get3A_357 = vector.shape_cast %get3A_356 : vector<1x1x128x512xf32> to vector<128x512xf32>
    %gt3A_358 = arith.cmpf ogt, %get3A_357, %select_n3A_344 : vector<128x512xf32>
    %select_n3A_359 = arith.select %gt3A_358, %get3A_357, %select_n3A_344 : vector<128x512xi1>, vector<128x512xf32>
    %get3A_360 = arith.constant 0 : index
    %get3A_361 = arith.constant 4 : index
    %get3A_362 = arith.constant 0 : index
    %get3A_363 = arith.constant 0 : index
    %get3A_364 = vector.load %arg2[%get3A_360, %get3A_361, %get3A_362, %get3A_363] : memref<1x19x128x512xf32, #tpu.memory_space<vmem>>, vector<1x1x128x512xf32>
    %get3A_365 = vector.shape_cast %get3A_364 : vector<1x1x128x512xf32> to vector<128x512xf32>
    %select_n3A_366 = arith.select %gt3A_358, %get3A_365, %select_n3A_351 : vector<128x512xi1>, vector<128x512xf32>
    %get3A_367 = arith.constant 0 : index
    %get3A_368 = arith.constant 5 : index
    %get3A_369 = arith.constant 0 : index
    %get3A_370 = arith.constant 0 : index
    %get3A_371 = vector.load %arg3[%get3A_367, %get3A_368, %get3A_369, %get3A_370] : memref<1x19x128x512xf32, #tpu.memory_space<vmem>>, vector<1x1x128x512xf32>
    %get3A_372 = vector.shape_cast %get3A_371 : vector<1x1x128x512xf32> to vector<128x512xf32>
    %gt3A_373 = arith.cmpf ogt, %get3A_372, %select_n3A_359 : vector<128x512xf32>
    %select_n3A_374 = arith.select %gt3A_373, %get3A_372, %select_n3A_359 : vector<128x512xi1>, vector<128x512xf32>
    %get3A_375 = arith.constant 0 : index
    %get3A_376 = arith.constant 5 : index
    %get3A_377 = arith.constant 0 : index
    %get3A_378 = arith.constant 0 : index
    %get3A_379 = vector.load %arg2[%get3A_375, %get3A_376, %get3A_377, %get3A_378] : memref<1x19x128x512xf32, #tpu.memory_space<vmem>>, vector<1x1x128x512xf32>
    %get3A_380 = vector.shape_cast %get3A_379 : vector<1x1x128x512xf32> to vector<128x512xf32>
    %select_n3A_381 = arith.select %gt3A_373, %get3A_380, %select_n3A_366 : vector<128x512xi1>, vector<128x512xf32>
    %get3A_382 = arith.constant 0 : index
    %get3A_383 = arith.constant 6 : index
    %get3A_384 = arith.constant 0 : index
    %get3A_385 = arith.constant 0 : index
    %get3A_386 = vector.load %arg3[%get3A_382, %get3A_383, %get3A_384, %get3A_385] : memref<1x19x128x512xf32, #tpu.memory_space<vmem>>, vector<1x1x128x512xf32>
    %get3A_387 = vector.shape_cast %get3A_386 : vector<1x1x128x512xf32> to vector<128x512xf32>
    %gt3A_388 = arith.cmpf ogt, %get3A_387, %select_n3A_374 : vector<128x512xf32>
    %select_n3A_389 = arith.select %gt3A_388, %get3A_387, %select_n3A_374 : vector<128x512xi1>, vector<128x512xf32>
    %get3A_390 = arith.constant 0 : index
    %get3A_391 = arith.constant 6 : index
    %get3A_392 = arith.constant 0 : index
    %get3A_393 = arith.constant 0 : index
    %get3A_394 = vector.load %arg2[%get3A_390, %get3A_391, %get3A_392, %get3A_393] : memref<1x19x128x512xf32, #tpu.memory_space<vmem>>, vector<1x1x128x512xf32>
    %get3A_395 = vector.shape_cast %get3A_394 : vector<1x1x128x512xf32> to vector<128x512xf32>
    %select_n3A_396 = arith.select %gt3A_388, %get3A_395, %select_n3A_381 : vector<128x512xi1>, vector<128x512xf32>
    %get3A_397 = arith.constant 0 : index
    %get3A_398 = arith.constant 7 : index
    %get3A_399 = arith.constant 0 : index
    %get3A_400 = arith.constant 0 : index
    %get3A_401 = vector.load %arg3[%get3A_397, %get3A_398, %get3A_399, %get3A_400] : memref<1x19x128x512xf32, #tpu.memory_space<vmem>>, vector<1x1x128x512xf32>
    %get3A_402 = vector.shape_cast %get3A_401 : vector<1x1x128x512xf32> to vector<128x512xf32>
    %gt3A_403 = arith.cmpf ogt, %get3A_402, %select_n3A_389 : vector<128x512xf32>
    %select_n3A_404 = arith.select %gt3A_403, %get3A_402, %select_n3A_389 : vector<128x512xi1>, vector<128x512xf32>
    %get3A_405 = arith.constant 0 : index
    %get3A_406 = arith.constant 7 : index
    %get3A_407 = arith.constant 0 : index
    %get3A_408 = arith.constant 0 : index
    %get3A_409 = vector.load %arg2[%get3A_405, %get3A_406, %get3A_407, %get3A_408] : memref<1x19x128x512xf32, #tpu.memory_space<vmem>>, vector<1x1x128x512xf32>
    %get3A_410 = vector.shape_cast %get3A_409 : vector<1x1x128x512xf32> to vector<128x512xf32>
    %select_n3A_411 = arith.select %gt3A_403, %get3A_410, %select_n3A_396 : vector<128x512xi1>, vector<128x512xf32>
    %get3A_412 = arith.constant 0 : index
    %get3A_413 = arith.constant 8 : index
    %get3A_414 = arith.constant 0 : index
    %get3A_415 = arith.constant 0 : index
    %get3A_416 = vector.load %arg3[%get3A_412, %get3A_413, %get3A_414, %get3A_415] : memref<1x19x128x512xf32, #tpu.memory_space<vmem>>, vector<1x1x128x512xf32>
    %get3A_417 = vector.shape_cast %get3A_416 : vector<1x1x128x512xf32> to vector<128x512xf32>
    %gt3A_418 = arith.cmpf ogt, %get3A_417, %select_n3A_404 : vector<128x512xf32>
    %select_n3A_419 = arith.select %gt3A_418, %get3A_417, %select_n3A_404 : vector<128x512xi1>, vector<128x512xf32>
    %get3A_420 = arith.constant 0 : index
    %get3A_421 = arith.constant 8 : index
    %get3A_422 = arith.constant 0 : index
    %get3A_423 = arith.constant 0 : index
    %get3A_424 = vector.load %arg2[%get3A_420, %get3A_421, %get3A_422, %get3A_423] : memref<1x19x128x512xf32, #tpu.memory_space<vmem>>, vector<1x1x128x512xf32>
    %get3A_425 = vector.shape_cast %get3A_424 : vector<1x1x128x512xf32> to vector<128x512xf32>
    %select_n3A_426 = arith.select %gt3A_418, %get3A_425, %select_n3A_411 : vector<128x512xi1>, vector<128x512xf32>
    %get3A_427 = arith.constant 0 : index
    %get3A_428 = arith.constant 9 : index
    %get3A_429 = arith.constant 0 : index
    %get3A_430 = arith.constant 0 : index
    %get3A_431 = vector.load %arg3[%get3A_427, %get3A_428, %get3A_429, %get3A_430] : memref<1x19x128x512xf32, #tpu.memory_space<vmem>>, vector<1x1x128x512xf32>
    %get3A_432 = vector.shape_cast %get3A_431 : vector<1x1x128x512xf32> to vector<128x512xf32>
    %gt3A_433 = arith.cmpf ogt, %get3A_432, %select_n3A_419 : vector<128x512xf32>
    %select_n3A_434 = arith.select %gt3A_433, %get3A_432, %select_n3A_419 : vector<128x512xi1>, vector<128x512xf32>
    %get3A_435 = arith.constant 0 : index
    %get3A_436 = arith.constant 9 : index
    %get3A_437 = arith.constant 0 : index
    %get3A_438 = arith.constant 0 : index
    %get3A_439 = vector.load %arg2[%get3A_435, %get3A_436, %get3A_437, %get3A_438] : memref<1x19x128x512xf32, #tpu.memory_space<vmem>>, vector<1x1x128x512xf32>
    %get3A_440 = vector.shape_cast %get3A_439 : vector<1x1x128x512xf32> to vector<128x512xf32>
    %select_n3A_441 = arith.select %gt3A_433, %get3A_440, %select_n3A_426 : vector<128x512xi1>, vector<128x512xf32>
    %get3A_442 = arith.constant 0 : index
    %get3A_443 = arith.constant 10 : index
    %get3A_444 = arith.constant 0 : index
    %get3A_445 = arith.constant 0 : index
    %get3A_446 = vector.load %arg3[%get3A_442, %get3A_443, %get3A_444, %get3A_445] : memref<1x19x128x512xf32, #tpu.memory_space<vmem>>, vector<1x1x128x512xf32>
    %get3A_447 = vector.shape_cast %get3A_446 : vector<1x1x128x512xf32> to vector<128x512xf32>
    %gt3A_448 = arith.cmpf ogt, %get3A_447, %select_n3A_434 : vector<128x512xf32>
    %select_n3A_449 = arith.select %gt3A_448, %get3A_447, %select_n3A_434 : vector<128x512xi1>, vector<128x512xf32>
    %get3A_450 = arith.constant 0 : index
    %get3A_451 = arith.constant 10 : index
    %get3A_452 = arith.constant 0 : index
    %get3A_453 = arith.constant 0 : index
    %get3A_454 = vector.load %arg2[%get3A_450, %get3A_451, %get3A_452, %get3A_453] : memref<1x19x128x512xf32, #tpu.memory_space<vmem>>, vector<1x1x128x512xf32>
    %get3A_455 = vector.shape_cast %get3A_454 : vector<1x1x128x512xf32> to vector<128x512xf32>
    %select_n3A_456 = arith.select %gt3A_448, %get3A_455, %select_n3A_441 : vector<128x512xi1>, vector<128x512xf32>
    %get3A_457 = arith.constant 0 : index
    %get3A_458 = arith.constant 11 : index
    %get3A_459 = arith.constant 0 : index
    %get3A_460 = arith.constant 0 : index
    %get3A_461 = vector.load %arg3[%get3A_457, %get3A_458, %get3A_459, %get3A_460] : memref<1x19x128x512xf32, #tpu.memory_space<vmem>>, vector<1x1x128x512xf32>
    %get3A_462 = vector.shape_cast %get3A_461 : vector<1x1x128x512xf32> to vector<128x512xf32>
    %gt3A_463 = arith.cmpf ogt, %get3A_462, %select_n3A_449 : vector<128x512xf32>
    %select_n3A_464 = arith.select %gt3A_463, %get3A_462, %select_n3A_449 : vector<128x512xi1>, vector<128x512xf32>
    %get3A_465 = arith.constant 0 : index
    %get3A_466 = arith.constant 11 : index
    %get3A_467 = arith.constant 0 : index
    %get3A_468 = arith.constant 0 : index
    %get3A_469 = vector.load %arg2[%get3A_465, %get3A_466, %get3A_467, %get3A_468] : memref<1x19x128x512xf32, #tpu.memory_space<vmem>>, vector<1x1x128x512xf32>
    %get3A_470 = vector.shape_cast %get3A_469 : vector<1x1x128x512xf32> to vector<128x512xf32>
    %select_n3A_471 = arith.select %gt3A_463, %get3A_470, %select_n3A_456 : vector<128x512xi1>, vector<128x512xf32>
    %get3A_472 = arith.constant 0 : index
    %get3A_473 = arith.constant 12 : index
    %get3A_474 = arith.constant 0 : index
    %get3A_475 = arith.constant 0 : index
    %get3A_476 = vector.load %arg3[%get3A_472, %get3A_473, %get3A_474, %get3A_475] : memref<1x19x128x512xf32, #tpu.memory_space<vmem>>, vector<1x1x128x512xf32>
    %get3A_477 = vector.shape_cast %get3A_476 : vector<1x1x128x512xf32> to vector<128x512xf32>
    %gt3A_478 = arith.cmpf ogt, %get3A_477, %select_n3A_464 : vector<128x512xf32>
    %select_n3A_479 = arith.select %gt3A_478, %get3A_477, %select_n3A_464 : vector<128x512xi1>, vector<128x512xf32>
    %get3A_480 = arith.constant 0 : index
    %get3A_481 = arith.constant 12 : index
    %get3A_482 = arith.constant 0 : index
    %get3A_483 = arith.constant 0 : index
    %get3A_484 = vector.load %arg2[%get3A_480, %get3A_481, %get3A_482, %get3A_483] : memref<1x19x128x512xf32, #tpu.memory_space<vmem>>, vector<1x1x128x512xf32>
    %get3A_485 = vector.shape_cast %get3A_484 : vector<1x1x128x512xf32> to vector<128x512xf32>
    %select_n3A_486 = arith.select %gt3A_478, %get3A_485, %select_n3A_471 : vector<128x512xi1>, vector<128x512xf32>
    %get3A_487 = arith.constant 0 : index
    %get3A_488 = arith.constant 13 : index
    %get3A_489 = arith.constant 0 : index
    %get3A_490 = arith.constant 0 : index
    %get3A_491 = vector.load %arg3[%get3A_487, %get3A_488, %get3A_489, %get3A_490] : memref<1x19x128x512xf32, #tpu.memory_space<vmem>>, vector<1x1x128x512xf32>
    %get3A_492 = vector.shape_cast %get3A_491 : vector<1x1x128x512xf32> to vector<128x512xf32>
    %gt3A_493 = arith.cmpf ogt, %get3A_492, %select_n3A_479 : vector<128x512xf32>
    %select_n3A_494 = arith.select %gt3A_493, %get3A_492, %select_n3A_479 : vector<128x512xi1>, vector<128x512xf32>
    %get3A_495 = arith.constant 0 : index
    %get3A_496 = arith.constant 13 : index
    %get3A_497 = arith.constant 0 : index
    %get3A_498 = arith.constant 0 : index
    %get3A_499 = vector.load %arg2[%get3A_495, %get3A_496, %get3A_497, %get3A_498] : memref<1x19x128x512xf32, #tpu.memory_space<vmem>>, vector<1x1x128x512xf32>
    %get3A_500 = vector.shape_cast %get3A_499 : vector<1x1x128x512xf32> to vector<128x512xf32>
    %select_n3A_501 = arith.select %gt3A_493, %get3A_500, %select_n3A_486 : vector<128x512xi1>, vector<128x512xf32>
    %get3A_502 = arith.constant 0 : index
    %get3A_503 = arith.constant 14 : index
    %get3A_504 = arith.constant 0 : index
    %get3A_505 = arith.constant 0 : index
    %get3A_506 = vector.load %arg3[%get3A_502, %get3A_503, %get3A_504, %get3A_505] : memref<1x19x128x512xf32, #tpu.memory_space<vmem>>, vector<1x1x128x512xf32>
    %get3A_507 = vector.shape_cast %get3A_506 : vector<1x1x128x512xf32> to vector<128x512xf32>
    %gt3A_508 = arith.cmpf ogt, %get3A_507, %select_n3A_494 : vector<128x512xf32>
    %select_n3A_509 = arith.select %gt3A_508, %get3A_507, %select_n3A_494 : vector<128x512xi1>, vector<128x512xf32>
    %get3A_510 = arith.constant 0 : index
    %get3A_511 = arith.constant 14 : index
    %get3A_512 = arith.constant 0 : index
    %get3A_513 = arith.constant 0 : index
    %get3A_514 = vector.load %arg2[%get3A_510, %get3A_511, %get3A_512, %get3A_513] : memref<1x19x128x512xf32, #tpu.memory_space<vmem>>, vector<1x1x128x512xf32>
    %get3A_515 = vector.shape_cast %get3A_514 : vector<1x1x128x512xf32> to vector<128x512xf32>
    %select_n3A_516 = arith.select %gt3A_508, %get3A_515, %select_n3A_501 : vector<128x512xi1>, vector<128x512xf32>
    %get3A_517 = arith.constant 0 : index
    %get3A_518 = arith.constant 15 : index
    %get3A_519 = arith.constant 0 : index
    %get3A_520 = arith.constant 0 : index
    %get3A_521 = vector.load %arg3[%get3A_517, %get3A_518, %get3A_519, %get3A_520] : memref<1x19x128x512xf32, #tpu.memory_space<vmem>>, vector<1x1x128x512xf32>
    %get3A_522 = vector.shape_cast %get3A_521 : vector<1x1x128x512xf32> to vector<128x512xf32>
    %gt3A_523 = arith.cmpf ogt, %get3A_522, %select_n3A_509 : vector<128x512xf32>
    %select_n3A_524 = arith.select %gt3A_523, %get3A_522, %select_n3A_509 : vector<128x512xi1>, vector<128x512xf32>
    %get3A_525 = arith.constant 0 : index
    %get3A_526 = arith.constant 15 : index
    %get3A_527 = arith.constant 0 : index
    %get3A_528 = arith.constant 0 : index
    %get3A_529 = vector.load %arg2[%get3A_525, %get3A_526, %get3A_527, %get3A_528] : memref<1x19x128x512xf32, #tpu.memory_space<vmem>>, vector<1x1x128x512xf32>
    %get3A_530 = vector.shape_cast %get3A_529 : vector<1x1x128x512xf32> to vector<128x512xf32>
    %select_n3A_531 = arith.select %gt3A_523, %get3A_530, %select_n3A_516 : vector<128x512xi1>, vector<128x512xf32>
    %get3A_532 = arith.constant 0 : index
    %get3A_533 = arith.constant 16 : index
    %get3A_534 = arith.constant 0 : index
    %get3A_535 = arith.constant 0 : index
    %get3A_536 = vector.load %arg3[%get3A_532, %get3A_533, %get3A_534, %get3A_535] : memref<1x19x128x512xf32, #tpu.memory_space<vmem>>, vector<1x1x128x512xf32>
    %get3A_537 = vector.shape_cast %get3A_536 : vector<1x1x128x512xf32> to vector<128x512xf32>
    %gt3A_538 = arith.cmpf ogt, %get3A_537, %select_n3A_524 : vector<128x512xf32>
    %select_n3A_539 = arith.select %gt3A_538, %get3A_537, %select_n3A_524 : vector<128x512xi1>, vector<128x512xf32>
    %get3A_540 = arith.constant 0 : index
    %get3A_541 = arith.constant 16 : index
    %get3A_542 = arith.constant 0 : index
    %get3A_543 = arith.constant 0 : index
    %get3A_544 = vector.load %arg2[%get3A_540, %get3A_541, %get3A_542, %get3A_543] : memref<1x19x128x512xf32, #tpu.memory_space<vmem>>, vector<1x1x128x512xf32>
    %get3A_545 = vector.shape_cast %get3A_544 : vector<1x1x128x512xf32> to vector<128x512xf32>
    %select_n3A_546 = arith.select %gt3A_538, %get3A_545, %select_n3A_531 : vector<128x512xi1>, vector<128x512xf32>
    %get3A_547 = arith.constant 0 : index
    %get3A_548 = arith.constant 17 : index
    %get3A_549 = arith.constant 0 : index
    %get3A_550 = arith.constant 0 : index
    %get3A_551 = vector.load %arg3[%get3A_547, %get3A_548, %get3A_549, %get3A_550] : memref<1x19x128x512xf32, #tpu.memory_space<vmem>>, vector<1x1x128x512xf32>
    %get3A_552 = vector.shape_cast %get3A_551 : vector<1x1x128x512xf32> to vector<128x512xf32>
    %gt3A_553 = arith.cmpf ogt, %get3A_552, %select_n3A_539 : vector<128x512xf32>
    %select_n3A_554 = arith.select %gt3A_553, %get3A_552, %select_n3A_539 : vector<128x512xi1>, vector<128x512xf32>
    %get3A_555 = arith.constant 0 : index
    %get3A_556 = arith.constant 17 : index
    %get3A_557 = arith.constant 0 : index
    %get3A_558 = arith.constant 0 : index
    %get3A_559 = vector.load %arg2[%get3A_555, %get3A_556, %get3A_557, %get3A_558] : memref<1x19x128x512xf32, #tpu.memory_space<vmem>>, vector<1x1x128x512xf32>
    %get3A_560 = vector.shape_cast %get3A_559 : vector<1x1x128x512xf32> to vector<128x512xf32>
    %select_n3A_561 = arith.select %gt3A_553, %get3A_560, %select_n3A_546 : vector<128x512xi1>, vector<128x512xf32>
    %get3A_562 = arith.constant 0 : index
    %get3A_563 = arith.constant 18 : index
    %get3A_564 = arith.constant 0 : index
    %get3A_565 = arith.constant 0 : index
    %get3A_566 = vector.load %arg3[%get3A_562, %get3A_563, %get3A_564, %get3A_565] : memref<1x19x128x512xf32, #tpu.memory_space<vmem>>, vector<1x1x128x512xf32>
    %get3A_567 = vector.shape_cast %get3A_566 : vector<1x1x128x512xf32> to vector<128x512xf32>
    %gt3A_568 = arith.cmpf ogt, %get3A_567, %select_n3A_554 : vector<128x512xf32>
    %get3A_569 = arith.constant 0 : index
    %get3A_570 = arith.constant 18 : index
    %get3A_571 = arith.constant 0 : index
    %get3A_572 = arith.constant 0 : index
    %get3A_573 = vector.load %arg2[%get3A_569, %get3A_570, %get3A_571, %get3A_572] : memref<1x19x128x512xf32, #tpu.memory_space<vmem>>, vector<1x1x128x512xf32>
    %get3A_574 = vector.shape_cast %get3A_573 : vector<1x1x128x512xf32> to vector<128x512xf32>
    %select_n3A_575 = arith.select %gt3A_568, %get3A_574, %select_n3A_561 : vector<128x512xi1>, vector<128x512xf32>
    %log3A = math.log %add3A_296 : vector<128x512xf32>
    %add3A_576 = arith.addf %max3A_129, %log3A : vector<128x512xf32>
    %sub3A_577 = arith.subf %add3A_576, %select_n3A_575 : vector<128x512xf32>
    %max3A_578 = arith.constant 0.000000e+00 : f32
    %max3A_579 = vector.broadcast %max3A_578 : f32 to vector<128x512xf32>
    %max3A_580 = arith.maximumf %sub3A_577, %max3A_579 : vector<128x512xf32>
    %swap3A = arith.constant 0 : index
    %swap3A_581 = arith.constant 0 : index
    %swap3A_582 = vector.load %arg4[%swap3A, %swap3A_581] : memref<128x512xf32, #tpu.memory_space<vmem>>, vector<128x512xf32>
    tpu.vector_store %arg4[%swap3A, %swap3A_581], %max3A_580 {strides = array<i32>} : memref<128x512xf32, #tpu.memory_space<vmem>>, vector<128x512xf32>,
    return
  }
  func.func @transform_0(%arg0: i32, %arg1: i32) -> (i32, i32, i32, i32) {
    %c0_i32 = arith.constant 0 : i32
    %c0_i32_0 = arith.constant 0 : i32
    %c0_i32_1 = arith.constant 0 : i32
    return %arg0, %c0_i32, %arg1, %c0_i32_0 : i32, i32, i32, i32
  }
  func.func @transform_1(%arg0: i32, %arg1: i32) -> (i32, i32, i32, i32) {
    %c0_i32 = arith.constant 0 : i32
    %c0_i32_0 = arith.constant 0 : i32
    %c0_i32_1 = arith.constant 0 : i32
    return %arg0, %c0_i32, %arg1, %c0_i32_0 : i32, i32, i32, i32
  }
  func.func @transform_2(%arg0: i32, %arg1: i32) -> (i32, i32) {
    %mul3A = arith.constant 4 : i32
    %mul3A_0 = arith.muli %arg0, %mul3A : i32
    %add3A = arith.addi %mul3A_0, %arg1 : i32
    %c0_i32 = arith.constant 0 : i32
    %c0_i32_1 = arith.constant 0 : i32
    return %add3A, %c0_i32 : i32, i32
  }
}

</mosaic_0001>

<sc_bundles>
// kernel: branch_0_fun.11.cloned.1.call-start
scs
__scs_entry_jumppad:
0x0: {  	(pc) =	sbr.rel $0x88, $3  }
0x1: {  	(tag) =	ssettag $0x0;
	lr =	simm.s32 $0x1  }
0x2: {  	[smem:$0x3F9F] =	sst lr;
	_ =	strace $0xD0000000  }
0x3: {  	_ = 	snop  }
0x4: {  	_ = 	snop  }
0x5: {  	_ = 	snop  }
0x6: {  	_ = 	snop  }
0x7: {  	_ = 	snop  }
__scs_overlays_trampoline_lowered:
0x8: {  	[smem:$0x3FAE] =	sst s0  }
0x9: {  	[smem:$0x3FAF] =	sst s1  }
0xa: {  	[smem:$0x3FB0] =	sst s2  }
0xb: {  	[smem:$0x3FB1] =	sst s3  }
0xc: {  	[smem:$0x3FB2] =	sst s4  }
0xd: {  	[smem:$0x3FB3] =	sst s5  }
0xe: {  	[smem:$0x3FB4] =	sst s6  }
0xf: {  	[smem:$0x3FB5] =	sst s7  }
0x10: {  	[smem:$0x3FB6] =	sst s8  }
0x11: {  	[smem:$0x3FB7] =	sst s9;
	s0 =	simm.s32 @!p0 $0x0  }
0x12: {  	s1 =	sld [smem:$0x3F9D];
	s0 =	simm.s32 @p0 $0x1  }
0x13: {  	[smem:$0x3FB8] =	sst s0;
	s0 =	simm.s32 @!p1 $0x0  }
0x14: {  	s2 =	sld [smem:$0x3F9C];
	s0 =	simm.s32 @p1 $0x1  }
0x15: {  	[smem:$0x3FB9] =	sst s0;
	s0 =	simm.s32 @!p2 $0x0  }
0x16: {  	s3 =	sld [smem:$0x3FDB];
	s0 =	simm.s32 @p2 $0x1  }
0x17: {  	s4 =	simm.s32 $0x1BF5;
	[smem:$0x3FBB] =	sst s0  }
0x18: {  	s0 =	sld [smem:$0x3F9E];
	_ =	swait.ge [sflag:s4], $0x0  }
0x19: {  	s7 =	sld [smem:$0x3F9F]  }
0x1a: {  	s8 =	sadd.s32 $0xFFFFE003, lr  }
0x1b: {  	s9 =	sadd.s32 $0xFFFFFEF7, lr;
	s5 =	simm.s32 $0xFFFFFFFF;
	p2 =	slt.u32 s8, $0xFFFFF086  }
0x1c: {  	p1 =	slt.u32 s9, $0xF7A;
	s5 =	simm.s32 @!p2 $0x0  }
0x1d: {  	s5 =	simm.s32 @p1 $0x1;
	p0 =	seq.s32 s7, s2  }
0x1e: {  	s7 =	smul.u32 @!p0 $0xF7A, s2;
	p2 =	seq.s32 @!p0 s5, $0x0  }
0x1f: {  	s9 =	smul.u32 $0xF7A, s1;
	s8 =	simm.s32 @!p0 $0x1BF5;
	p2 =	por !p2, p0  }
0x20: {  	[sflag:s8] =	ssyncset.s32 @!p0 $0xFFFFF086;
	s6 =	sadd.s32 @!p0 s3, s7;
	s7 =	simm.s32 @!p0 $0x108  }
0x21: {  	s3 =	sadd.s32 s3, s9;
	s6 =	sadd.s32 @!p0 $0x88, s6;
	s7 =	simm.s32 @p2 $0x1082  }
0x22: {  	[simem:s7], [sflag:s8] =	dma.local @!p0 [hbm:s6], $0xF7A  }
0x23: {  	s9 =	sor.u32 $0xD0000000, s2;
	s6 =	simm.s32 $0x108;
	_ =	swait.ge @!p0 [sflag:s8], $0x0  }
0x24: {  	s3 =	sadd.s32 $0x88, s3;
	s6 =	simm.s32 @!p1 $0x1082;
	[sflag:s4] =	ssyncset.s32 $0xFFFFF086  }
0x25: {  	[simem:s6], [sflag:s4] =	dma.local [hbm:s3], $0xF7A  }
0x26: {  	[smem:$0x3F9F] =	sst s1;
	(tag) =	ssettag s2;
	_ =	strace s9  }
0x27: {  	s1 =	sld [smem:$0x3FAF]  }
0x28: {  	s2 =	sld [smem:$0x3FB0]  }
0x29: {  	s4 =	sld [smem:$0x3FB2]  }
0x2a: {  	p0 =	seq.s32 s5, $0x0;
	s5 =	sld [smem:$0x3FB3]  }
0x2b: {  	s6 =	sld [smem:$0x3FB4]  }
0x2c: {  	s7 =	sld [smem:$0x3FB5]  }
0x2d: {  	s3 =	simm.s32 $0x108;
	s8 =	sld [smem:$0x3FB6]  }
0x2e: {  	s3 =	simm.s32 @!p0 $0x1082;
	s9 =	sld [smem:$0x3FB7]  }
0x2f: {  	lr =	sadd.s32 s0, s3;
	s0 =	sld [smem:$0x3FAE]  }
0x30: {  	s3 =	sld [smem:$0x3FB1]  }
0x31: {  	[smem:$0x3FBA] =	sst s10  }
0x32: {  	s10 =	sld [smem:$0x3FB8];
	_ =	sdelay $0x3  }
0x33: {  	p0 =	seq.s32 s10, $0x1;
	s10 =	sld [smem:$0x3FBA];
	_ =	sdelay $0x3  }
0x34: {  	[smem:$0x3FBA] =	sst s10  }
0x35: {  	s10 =	sld [smem:$0x3FB9];
	_ =	sdelay $0x3  }
0x36: {  	p1 =	seq.s32 s10, $0x1;
	s10 =	sld [smem:$0x3FBA];
	_ =	sdelay $0x3  }
0x37: {  	[smem:$0x3FBA] =	sst s10  }
0x38: {  	s10 =	sld [smem:$0x3FBB]  }
0x39: {  	_ = 	snop;
	(pc) =	sbr.ind lr, $3  }
0x3a: {  	_ = 	snop  }
0x3b: {  	_ = 	snop  }
0x3c: {  	p2 =	seq.s32 s10, $0x1;
	s10 =	sld [smem:$0x3FBA]  }
0x3d: {  	_ =	shalt  }
0x3e: {  	_ =	shalt  }
0x3f: {  	_ =	shalt  }
0x40: {  	_ =	shalt  }
0x41: {  	_ =	shalt  }
0x42: {  	_ =	shalt  }
0x43: {  	_ =	shalt  }
0x44: {  	_ =	shalt  }
0x45: {  	_ =	shalt  }
0x46: {  	_ =	shalt  }
0x47: {  	_ =	shalt  }
0x48: {  	_ =	shalt  }
0x49: {  	_ =	shalt  }
0x4a: {  	_ =	shalt  }
0x4b: {  	_ =	shalt  }
0x4c: {  	_ =	shalt  }
0x4d: {  	_ =	shalt  }
0x4e: {  	_ =	shalt  }
0x4f: {  	_ =	shalt  }
0x50: {  	_ =	shalt  }
0x51: {  	_ =	shalt  }
0x52: {  	_ =	shalt  }
0x53: {  	_ =	shalt  }
0x54: {  	_ =	shalt  }
0x55: {  	_ =	shalt  }
0x56: {  	_ =	shalt  }
0x57: {  	_ =	shalt  }
0x58: {  	_ =	shalt  }
0x59: {  	_ =	shalt  }
0x5a: {  	_ =	shalt  }
0x5b: {  	_ =	shalt  }
0x5c: {  	_ =	shalt  }
0x5d: {  	_ =	shalt  }
0x5e: {  	_ =	shalt  }
0x5f: {  	_ =	shalt  }
0x60: {  	_ =	shalt  }
0x61: {  	_ =	shalt  }
0x62: {  	_ =	shalt  }
0x63: {  	_ =	shalt  }
0x64: {  	_ =	shalt  }
0x65: {  	_ =	shalt  }
0x66: {  	_ =	shalt  }
0x67: {  	_ =	shalt  }
0x68: {  	_ =	shalt  }
0x69: {  	_ =	shalt  }
0x6a: {  	_ =	shalt  }
0x6b: {  	_ =	shalt  }
0x6c: {  	_ =	shalt  }
0x6d: {  	_ =	shalt  }
0x6e: {  	_ =	shalt  }
0x6f: {  	_ =	shalt  }
0x70: {  	_ =	shalt  }
0x71: {  	_ =	shalt  }
0x72: {  	_ =	shalt  }
0x73: {  	_ =	shalt  }
0x74: {  	_ =	shalt  }
0x75: {  	_ =	shalt  }
0x76: {  	_ =	shalt  }
0x77: {  	_ =	shalt  }
0x78: {  	_ =	shalt  }
0x79: {  	_ =	shalt  }
0x7a: {  	_ =	shalt  }
0x7b: {  	_ =	shalt  }
0x7c: {  	_ =	shalt  }
0x7d: {  	_ =	shalt  }
0x7e: {  	_ =	shalt  }
0x7f: {  	_ =	shalt  }
0x80: {  	_ =	shalt  }
0x81: {  	_ =	shalt  }
0x82: {  	_ =	shalt  }
0x83: {  	_ =	shalt  }
0x84: {  	_ =	shalt  }
0x85: {  	_ =	shalt  }
0x86: {  	_ =	shalt  }
0x87: {  	_ =	shalt  }
.Lfunc_end0:
.L_simem_size_0:
called_computation.2_lowered:
.L_overlay_start_0:
0x88: {  	s2 =	sld [smem:$0x3FD9]  }
0x89: {  	s3 =	sld [smem:$0x3FFE];
	_ =	sdelay $0x1  }
0x8a: {  	s1 =	srdreg.scid  }
0x8b: {  	s0 =	sand.u32 $0x1, s1  }
0x8c: {  	s16 =	sshll.u32 s0, $0xA;
	s2 =	sadd.s32 s3, s2  }
0x8d: {  	s2 =	sadd.s32 s2, s16  }
0x8e: {  	[smem:$0x3FC6] =	sst s2  }
0x8f: {  	_ = 	snop  }
0x90: {  	(tm) =	ssettm $0x1  }
0x91: {  	s17 =	sld [smem:$0x3FFB];
	_ =	sdelay $0x3  }
0x92: {  	_ =	strace s17  }
0x93: {  	s2 =	sld [smem:$0x3FFC];
	_ =	sdelay $0x3  }
0x94: {  	_ =	strace s2  }
0x95: {  	s2 =	sld [smem:$0x3FFD];
	_ =	sdelay $0x3  }
0x96: {  	_ =	strace s2  }
0x97: {  	_ =	strace $0x8FFFFFFF  }
0x98: {  	s18 =	sld [smem:$0x3FDB];
	_ =	sdelay $0x1  }
0x99: {  	s19 =	simm.s32 $_scs_section_size  }
0x9a: {  	s4 =	simm.s32 $_size__tile_overlayer_lowered;
	s5 =	simm.s32 $_tile_overlayer_lowered  }
0x9b: {  	s22 =	simm.s32 $0x1BFF;
	s21 =	sshll.u32 s5, $0x1;
	s2 =	sadd.s32 s19, s18  }
0x9c: {  	s6 =	simm.s32 $0x0;
	s20 =	sshll.u32 s4, $0x1;
	s4 =	sadd.s32 s21, s2  }
0x9d: {  	[timem:s6], [sflag:s22] =	dma.local [hbm:s4], s20  }
0x9e: {  	_ =	swait.ge [sflag:s22], s20  }
0x9f: {  	s3 =	ssub.s32 $0x0, s20;
	[sflag:s22] =	ssyncset.done $0x0  }
0xa0: {  	[sflag:s22] =	ssyncadd.s32 s3;
	_ =	sdelay $0x1  }
0xa1: {  	s23 =	simm.s32 $0x1B8B  }
0xa2: {  	_ =	swait.ge [sflag:s23], $0x1  }
0xa3: {  	[sflag:s23] =	ssyncset.done $0x0  }
0xa4: {  	s25 =	simm.s32 $0x1B8E;
	s24 =	sld [smem:$0x3FFE];
	[sflag:s23] =	ssyncadd.s32 $0xFFFFFFFF  }
0xa5: {  	s26 =	simm.s32 $execute0_lowered;
	[smem:$0x3FD2] =	sst s25  }
0xa6: {  	s4 =	sshll.u32 s26, $0x1;
	_ =	strace $0x8000004C;
	[dreg:$0x1] =	wrdreg $0xFFFFFFFF  }
0xa7: {  	s28 =	simm.s32 $_size_execute0_lowered;
	s2 =	sadd.s32 s2, s4;
	[dreg:$0x0] =	wrdreg $0x0  }
0xa8: {  	s4 =	sshll.u32 s28, $0x1;
	[dreg:$0x2] =	wrdreg s2  }
0xa9: {  	[dreg:$0x3] =	wrdreg s4  }
0xaa: {  	[dreg:$0x4] =	wrdreg $0xC0  }
0xab: {  	_ =	task [dreg:s6], $0x5FFFF  }
0xac: {  	[dreg:$0x1] =	wrdreg $0xFFFFFFFF  }
0xad: {  	[dreg:$0x0] =	wrdreg $0x60  }
0xae: {  	[dreg:$0x2] =	wrdreg s24  }
0xaf: {  	[dreg:$0x3] =	wrdreg $0x9  }
0xb0: {  	_ =	task.clear_ibuf [dreg:s6], $0x4FFFF;
	_ =	strace $0x9000004C  }
0xb1: {  	s29 =	simm.s32 $0x9;
	_ =	strace $0x8000004E  }
0xb2: {  	_ =	swait.ge [sflag:s29], $0x1  }
0xb3: {  	[sflag:s29] =	ssyncadd.s32 $0xFFFFFFFF  }
0xb4: {  	_ =	strace $0x9000004E  }
0xb5: {  	_ =	sfence  }
0xb6: {  	s30 =	sld [smem:$0x0];
	_ =	sdelay $0x2  }
0xb7: {  	s31 =	sshll.u32 s1, $0xD;
	s1 =	sshrl.u32 s1, $0x2  }
0xb8: {  	s3 =	sand.u32 $0x4000, s31;
	s1 =	sadd.s32 s1, s30  }
0xb9: {  	s0 =	sor.u32 s3, s0;
	s1 =	sshll.u32 s1, $0x11  }
0xba: {  	s0 =	sor.u32 s1, s0  }
0xbb: {  	s0 =	sadd.s32 $0x8F2B, s0  }
0xbc: {  	[sflag:s0] =	ssyncadd.remote.s32 $0x1  }
0xbd: {  	_ =	sfence.sel $0xFFFF  }
0xbe: {  	[dreg:$0x0] =	wrdreg $0xFFFFFFFF;
	(pc) =	sbr.abs _section_cstart, $3  }
0xbf: {  	[dreg:$0x1] =	wrdreg $0xFFFFFFFF  }
0xc0: {  	_ =	task.clear_ibuf [dreg:s6], $0x2FFFF;
	_ =	strace $0x9FFFFFFF  }
0xc1: {  	(tm) =	ssettm $0x7FFFFFFF  }
tec
execute0_lowered:
.L_overlay_start_1:
0x0: {  	(tag) =	ssettag $0x1  }
0x1: {  	s4 =	rddreg [dreg:$0x0]  }
0x2: {  	s0 =	rddreg [dreg:$0x1];
	s3 =	srdreg.scid  }
0x3: {  	s1 =	stileid.u32;
	s2 =	simm.s32 $0x0;
	s9 =	simm.s32 $0x8000  }
0x4: {  	s10 =	simm.s32 $0x8080;
	s11 =	simm.s32 $0xC080;
	s12 =	simm.s32 $0x80  }
0x5: {  	s13 =	simm.s32 $0x400;
	s5 =	sand.u32 $0x1, s3;
	s30 =	sshll.u32 s1, $0x1  }
0x6: {  	s14 =	simm.s32 $0x10080;
	s15 =	simm.s32 $0x10480;
	s6 =	sor.u32 s5, s30  }
0x7: {  	s16 =	simm.s32 $0x0;
	s7 =	sshll.u32 s1, $0x8;
	s8 =	sshll.u32 s6, $0x4  }
0x8: {  	[smem:$0x7FF] =	sst s2;
	s3 =	sadd.s32 $0x20A00, s4;
	s7 =	sor.u32 s7, s8  }
0x9: {  	_ =	strace $0x8000004D;
	s5 =	ssub.s32 $0x2, s5;
	s7 =	sand.u32 $0xC70, s7  }
0xa: {  	s31 =	sshrl.u32 s5, $0x1;
	s6 =	sshll.u32 s6, $0xC;
	s7 =	sadd.s32 s7, s4  }
0xb: {  	v0 =	vimm.s32 $0x0;
	v2 =	vlaneseq.u32;
	s8 =	ssub.s32 s5, s31;
	s4 =	sadd.s32 s4, s6;
	s5 =	sadd.s32 $0x20C00, s7  }
0xc: {  	v1 =	vimm.f32 $0.0e+00;
	v3 =	vimm.s32 $0x1;
	v2 =	vmul.u32 $0x400, v2;
	s6 =	sadd.s32 $0x24600, s7;
	s7 =	smax.u32 s8, $0x1;
	s8 =	simm.s32 $0x1  }
.LBB2_1:
0xd: {  	[tilespmem:s2], [sflag:$0x1] =	stream.linear.gather [hbm4b:s4+s2], $0x8000, $0x38;
	[tilespmem:$0x10880] =	vst v63  }
0xe: {  	_ =	swait.ge [sflag:s8], $0x8000  }
0xf: {  	[sflag:s8] =	ssyncset.done $0x0  }
0x10: {  	[sflag:s8] =	ssyncadd.s32 $0xFFFF8000  }
0x11: {  	[tilespmem:s9], [sflag:$0x1] =	stream.linear.gather [hbm4b:s3+s2], $0x80, $0x38;
	[tilespmem:$0x10880] =	vst v63  }
0x12: {  	_ =	swait.ge [sflag:s8], $0x80  }
0x13: {  	[sflag:s8] =	ssyncset.done $0x0  }
0x14: {  	s17 =	simm.s32 $0x40;
	s18 =	simm.s32 $0x0;
	[sflag:s8] =	ssyncadd.s32 $0xFFFFFF80  }
.LBB2_2:
0x15: {  	p0 =	sne.s32 s17, $0xFFC0;
	[tilespmem:s18+$0x8080] =	vst v0;
	s19 =	smov.u32 s17;
	s17 =	sadd.s32 $0x40, s17  }
.Ltmp0:
0x16: {  	[tilespmem:s18+$0xC080] =	vst v1;
	(pc) =	sbr.rel @p0 .LBB2_2-.Ltmp0, $2  }
0x17: {  	_ =	sdelay $0x2  }
0x18: {  	s18 =	sshra.s32 s19, $0x2  }
0x19: {  	[tilespmem:s18+$0x8080] =	vst v0  }
0x1a: {  	[tilespmem:s18+$0xC080] =	vst v1  }
0x1b: {  	s17 =	simm.s32 $0x0;
	s18 =	simm.s32 $0x0;
	v4 =	vld [tilespmem:$0x8000]  }
.LBB2_4:
0x1c: {  	s19 =	sshll.u32 s18, $0x9;
	s20 =	sshll.u32 s18, $0x7  }
0x1d: {  	s19 =	sand.u32 $0x7000, s19;
	s20 =	sand.u32 $0x380, s20  }
0x1e: {  	s30 =	sand.u32 $0xC00, s17;
	s19 =	sor.u32 s20, s19  }
0x1f: {  	s21 =	sand.u32 $0x70, s17;
	s20 =	sadd.s32 s30, s19  }
0x20: {  	s20 =	sadd.s32 s21, s20  }
0x21: {  	v5 =	vld [tilespmem:s20+$0x0];
	_ =	sdelay $0x4  }
0x22: {  	v6 =	vand.u32 $0xFFFFFC00, v5  }
0x23: {  	vm0 =	veq.s32 v6, v4;
	v6 =	vand.u32 $0x3FF, v5  }
0x24: {  	v6 =	vor.u32 v2, v6;
	_ =	sdelay $0x2  }
0x25: {  	s20 =	simm.s32 $0x80  }
0x26: {  	s31 =	simm.s32 $0x10;
	s23 =	sand.u32 $0xC00, s20  }
0x27: {  	s22 =	sand.u32 $0x70, s31;
	s21 =	simm.s32 $0x20;
	s23 =	sadd.s32 s23, s19;
	[tilespmem:v6+s10+$0x0] =	vst.idx.add.s32.msk vm0, v3  }
.LBB2_5:
0x28: {  	p0 =	sne.s32 s21, $0x1F0;
	s22 =	sadd.s32 s22, s23;
	[tilespmem:v6+s11+$0x0] =	vst.idx.add.f32.msk vm0, v5  }
0x29: {  	v5 =	vld [tilespmem:s22+$0x0];
	_ =	sdelay $0x4  }
0x2a: {  	v6 =	vand.u32 $0xFFFFFC00, v5  }
0x2b: {  	vm0 =	veq.s32 v6, v4;
	v6 =	vand.u32 $0x3FF, v5  }
0x2c: {  	v6 =	vor.u32 v2, v6  }
.Ltmp1:
0x2d: {  	(pc) =	sbr.rel @p0 .LBB2_5-.Ltmp1, $4  }
0x2e: {  	_ = 	snop  }
0x2f: {  	s20 =	sadd.s32 $0x80, s20  }
0x30: {  	s23 =	sand.u32 $0xC00, s20  }
0x31: {  	s22 =	sand.u32 $0x70, s21;
	s21 =	sadd.s32 $0x10, s21;
	s23 =	sadd.s32 s23, s19;
	[tilespmem:v6+s10+$0x0] =	vst.idx.add.s32.msk vm0, v3  }
0x32: {  	_ =	sdelay $0x4  }
0x33: {  	s19 =	sadd.s32 s22, s23;
	[tilespmem:v6+s11+$0x0] =	vst.idx.add.f32.msk vm0, v5  }
0x34: {  	v5 =	vld [tilespmem:s19+$0x0];
	_ =	sdelay $0x4  }
0x35: {  	v6 =	vand.u32 $0xFFFFFC00, v5  }
0x36: {  	vm15 =	veq.s32 v6, v4;
	v6 =	vand.u32 $0x3FF, v5  }
0x37: {  	s18 =	sadd.s32 $0x1, s18;
	v6 =	vor.u32 v2, v6  }
0x38: {  	p0 =	sne.s32 s18, $0x40  }
.Ltmp2:
0x39: {  	_ = 	snop;
	(pc) =	sbr.rel @p0 .LBB2_4-.Ltmp2, $3  }
0x3a: {  	_ =	sdelay $0x1  }
0x3b: {  	[tilespmem:v6+s10+$0x0] =	vst.idx.add.s32.msk vm15, v3  }
0x3c: {  	[tilespmem:v6+s11+$0x0] =	vst.idx.add.f32.msk vm15, v5  }
0x3d: {  	s17 =	simm.s32 $0x0  }
0x3e: {  	v4 =	vld [tilespmem:s17+$0xC080]  }
0x3f: {  	v5 =	vld [tilespmem:s17+$0x8080]  }
0x40: {  	v6 =	vld [tilespmem:s17+$0xC480]  }
0x41: {  	v7 =	vld [tilespmem:s17+$0x8480]  }
0x42: {  	v8 =	vld [tilespmem:s17+$0xC880]  }
0x43: {  	v9 =	vld [tilespmem:s17+$0x8880];
	v4 =	vadd.f32 $0.0e+00, v4  }
0x44: {  	v10 =	vld [tilespmem:s17+$0xCC80]  }
0x45: {  	v11 =	vld [tilespmem:s17+$0xD080];
	v4 =	vadd.f32 v6, v4  }
0x46: {  	v12 =	vld [tilespmem:s17+$0xD480]  }
0x47: {  	v13 =	vld [tilespmem:s17+$0xD880];
	v4 =	vadd.f32 v8, v4  }
0x48: {  	v14 =	vld [tilespmem:s17+$0xDC80]  }
0x49: {  	v60 =	vld [tilespmem:s17+$0x9C80];
	v4 =	vadd.f32 v10, v4  }
0x4a: {  	v15 =	vld [tilespmem:s17+$0xE080]  }
0x4b: {  	v61 =	vld [tilespmem:s17+$0xA080];
	v4 =	vadd.f32 v11, v4  }
0x4c: {  	v16 =	vld [tilespmem:s17+$0xE480]  }
0x4d: {  	v62 =	vld [tilespmem:s17+$0xA480];
	v4 =	vadd.f32 v12, v4  }
0x4e: {  	v5 =	vadd.s32 v5, v7;
	v7 =	vld [tilespmem:s17+$0xE880]  }
0x4f: {  	v6 =	vld [tilespmem:s17+$0x8C80];
	v4 =	vadd.f32 v13, v4  }
0x50: {  	v8 =	vld [tilespmem:s17+$0x9080]  }
0x51: {  	v10 =	vld [tilespmem:s17+$0x9480];
	v4 =	vadd.f32 v14, v4  }
0x52: {  	v11 =	vld [tilespmem:s17+$0x9880]  }
0x53: {  	v63 =	vld [tilespmem:s17+$0xF480];
	v5 =	vadd.s32 v9, v5;
	v4 =	vadd.f32 v15, v4  }
0x54: {  	v5 =	vadd.s32 v6, v5;
	v6 =	vld [tilespmem:s17+$0xEC80]  }
0x55: {  	v9 =	vld [tilespmem:s17+$0xA880];
	v5 =	vadd.s32 v8, v5;
	v4 =	vadd.f32 v16, v4  }
0x56: {  	v5 =	vadd.s32 v10, v5;
	v10 =	vld [tilespmem:s17+$0xF080]  }
0x57: {  	v8 =	vld [tilespmem:s17+$0xAC80];
	v5 =	vadd.s32 v11, v5;
	v4 =	vadd.f32 v7, v4  }
0x58: {  	v11 =	vld [tilespmem:s17+$0xB080];
	v5 =	vadd.s32 v60, v5  }
0x59: {  	v5 =	vadd.s32 v61, v5;
	v7 =	vadd.f32 v6, v4;
	v4 =	vld [tilespmem:s17+$0xB480]  }
0x5a: {  	v5 =	vadd.s32 v62, v5;
	v6 =	vld [tilespmem:s17+$0xF880]  }
0x5b: {  	v9 =	vadd.s32 v9, v5;
	v5 =	vld [tilespmem:s17+$0xB880];
	v10 =	vadd.f32 v10, v7  }
0x5c: {  	v8 =	vadd.s32 v8, v9;
	v7 =	vld [tilespmem:s17+$0xFC80]  }
0x5d: {  	s19 =	simm.s32 $0x10;
	s18 =	simm.s32 $0x80;
	v9 =	vadd.s32 v11, v8;
	v8 =	vld [tilespmem:s17+$0xBC80];
	v10 =	vadd.f32 v63, v10  }
.LBB2_8:
0x5e: {  	p0 =	sne.s32 s18, $0xFC0;
	v11 =	vld [tilespmem:s19+$0xC080];
	v4 =	vadd.s32 v4, v9  }
0x5f: {  	v9 =	vld [tilespmem:s19+$0x8080];
	v6 =	vadd.f32 v6, v10  }
0x60: {  	v10 =	vld [tilespmem:s19+$0xC480];
	v4 =	vadd.s32 v5, v4  }
0x61: {  	v5 =	vld [tilespmem:s19+$0x8480];
	v6 =	vadd.f32 v7, v6  }
0x62: {  	v7 =	vld [tilespmem:s19+$0xC880];
	v4 =	vadd.s32 v8, v4  }
0x63: {  	v8 =	vadd.f32 $0.0e+00, v11;
	v11 =	vld [tilespmem:s19+$0x8880];
	[tilespmem:s17+$0x10480] =	vst v6  }
0x64: {  	v6 =	vld [tilespmem:s19+$0xCC80];
	[tilespmem:s17+$0x10080] =	vst v4;
	s17 =	smov.u32 s19  }
0x65: {  	v4 =	vadd.f32 v10, v8;
	v8 =	vld [tilespmem:s17+$0x8C80]  }
0x66: {  	v5 =	vadd.s32 v9, v5;
	v9 =	vld [tilespmem:s17+$0xD080]  }
0x67: {  	v4 =	vadd.f32 v7, v4;
	v7 =	vld [tilespmem:s17+$0x9080]  }
0x68: {  	v5 =	vadd.s32 v11, v5;
	v10 =	vld [tilespmem:s17+$0xD480]  }
0x69: {  	v4 =	vadd.f32 v6, v4;
	v6 =	vld [tilespmem:s17+$0x9480]  }
0x6a: {  	v5 =	vadd.s32 v8, v5;
	v8 =	vld [tilespmem:s17+$0xD880]  }
0x6b: {  	v4 =	vadd.f32 v9, v4;
	v9 =	vld [tilespmem:s17+$0x9880]  }
0x6c: {  	v5 =	vadd.s32 v7, v5;
	v7 =	vld [tilespmem:s17+$0xDC80]  }
0x6d: {  	v4 =	vadd.f32 v10, v4;
	v10 =	vld [tilespmem:s17+$0x9C80]  }
0x6e: {  	v5 =	vadd.s32 v6, v5;
	v6 =	vld [tilespmem:s17+$0xE080]  }
0x6f: {  	v4 =	vadd.f32 v8, v4;
	v8 =	vld [tilespmem:s17+$0xA080]  }
0x70: {  	v5 =	vadd.s32 v9, v5;
	v9 =	vld [tilespmem:s17+$0xE480]  }
0x71: {  	v4 =	vadd.f32 v7, v4;
	v7 =	vld [tilespmem:s17+$0xA480]  }
0x72: {  	v5 =	vadd.s32 v10, v5;
	v10 =	vld [tilespmem:s17+$0xE880]  }
0x73: {  	v4 =	vadd.f32 v6, v4;
	v6 =	vld [tilespmem:s17+$0xA880]  }
0x74: {  	v5 =	vadd.s32 v8, v5;
	v8 =	vld [tilespmem:s17+$0xEC80]  }
0x75: {  	v4 =	vadd.f32 v9, v4;
	v9 =	vld [tilespmem:s17+$0xAC80]  }
0x76: {  	v5 =	vadd.s32 v7, v5;
	v7 =	vld [tilespmem:s17+$0xF080]  }
0x77: {  	v4 =	vadd.f32 v10, v4;
	v10 =	vld [tilespmem:s17+$0xB080]  }
0x78: {  	v5 =	vadd.s32 v6, v5;
	v11 =	vld [tilespmem:s17+$0xF480]  }
.Ltmp3:
0x79: {  	v8 =	vadd.f32 v8, v4;
	v4 =	vld [tilespmem:s17+$0xB480];
	(pc) =	sbr.rel @p0 .LBB2_8-.Ltmp3, $4  }
0x7a: {  	v9 =	vadd.s32 v9, v5;
	v6 =	vld [tilespmem:s17+$0xF880]  }
0x7b: {  	v8 =	vadd.f32 v7, v8;
	v5 =	vld [tilespmem:s17+$0xB880]  }
0x7c: {  	v9 =	vadd.s32 v10, v9;
	v7 =	vld [tilespmem:s17+$0xFC80]  }
0x7d: {  	s19 =	sshra.s32 s18, $0x2;
	s18 =	sadd.s32 $0x40, s18;
	v10 =	vadd.f32 v11, v8;
	v8 =	vld [tilespmem:s17+$0xBC80]  }
0x7e: {  	v11 =	vld [tilespmem:s19+$0xC080]  }
0x7f: {  	v12 =	vld [tilespmem:s19+$0x8080];
	v6 =	vadd.f32 v6, v10  }
0x80: {  	v44 =	vld [tilespmem:s19+$0xC480]  }
0x81: {  	v13 =	vld [tilespmem:s19+$0x8480];
	v4 =	vadd.s32 v4, v9;
	v6 =	vadd.f32 v7, v6  }
0x82: {  	v45 =	vld [tilespmem:s19+$0xC880];
	v4 =	vadd.s32 v5, v4  }
0x83: {  	v46 =	vld [tilespmem:s19+$0x8880];
	v4 =	vadd.s32 v8, v4;
	v5 =	vadd.f32 $0.0e+00, v11;
	[tilespmem:s17+$0x10480] =	vst v6  }
0x84: {  	v6 =	vld [tilespmem:s19+$0xCC80];
	[tilespmem:s17+$0x10080] =	vst v4  }
0x85: {  	v4 =	vadd.f32 v44, v5;
	v5 =	vld [tilespmem:s19+$0xD080]  }
0x86: {  	v47 =	vld [tilespmem:s19+$0x8C80]  }
0x87: {  	v48 =	vld [tilespmem:s19+$0xD480]  }
0x88: {  	v49 =	vld [tilespmem:s19+$0x9080];
	v4 =	vadd.f32 v45, v4  }
0x89: {  	v50 =	vld [tilespmem:s19+$0xD880]  }
0x8a: {  	v51 =	vld [tilespmem:s19+$0x9480];
	v4 =	vadd.f32 v6, v4  }
0x8b: {  	v14 =	vld [tilespmem:s19+$0x9880]  }
0x8c: {  	v52 =	vld [tilespmem:s19+$0xE080];
	v4 =	vadd.f32 v5, v4  }
0x8d: {  	v5 =	vld [tilespmem:s19+$0xDC80]  }
0x8e: {  	v15 =	vld [tilespmem:s19+$0x9C80];
	v4 =	vadd.f32 v48, v4  }
0x8f: {  	v53 =	vld [tilespmem:s19+$0xE480]  }
0x90: {  	v16 =	vld [tilespmem:s19+$0xA080];
	v4 =	vadd.f32 v50, v4  }
0x91: {  	v17 =	vld [tilespmem:s19+$0xA480]  }
0x92: {  	v54 =	vld [tilespmem:s19+$0xEC80];
	v4 =	vadd.f32 v5, v4  }
0x93: {  	v5 =	vld [tilespmem:s19+$0xE880]  }
0x94: {  	v12 =	vadd.s32 v12, v13;
	v55 =	vld [tilespmem:s19+$0xA880];
	v4 =	vadd.f32 v52, v4  }
0x95: {  	v9 =	vadd.s32 v46, v12;
	v56 =	vld [tilespmem:s19+$0xF080]  }
0x96: {  	v57 =	vld [tilespmem:s19+$0xF480];
	v8 =	vadd.s32 v47, v9;
	v4 =	vadd.f32 v53, v4  }
0x97: {  	v58 =	vld [tilespmem:s19+$0xB080];
	v8 =	vadd.s32 v49, v8  }
0x98: {  	v59 =	vld [tilespmem:s19+$0xF880];
	v8 =	vadd.s32 v51, v8;
	v4 =	vadd.f32 v5, v4  }
0x99: {  	v8 =	vadd.s32 v14, v8;
	v5 =	vld [tilespmem:s19+$0xAC80]  }
0x9a: {  	v60 =	vld [tilespmem:s19+$0xB480];
	v8 =	vadd.s32 v15, v8;
	v4 =	vadd.f32 v54, v4  }
0x9b: {  	v61 =	vld [tilespmem:s19+$0xFC80];
	v8 =	vadd.s32 v16, v8  }
0x9c: {  	v62 =	vld [tilespmem:s19+$0xB880];
	v8 =	vadd.s32 v17, v8;
	v4 =	vadd.f32 v56, v4  }
0x9d: {  	v63 =	vld [tilespmem:s19+$0xBC80];
	v6 =	vadd.s32 v55, v8  }
0x9e: {  	v5 =	vadd.s32 v5, v6;
	v4 =	vadd.f32 v57, v4  }
0x9f: {  	v5 =	vadd.s32 v58, v5  }
0xa0: {  	v5 =	vadd.s32 v60, v5;
	v4 =	vadd.f32 v59, v4  }
0xa1: {  	v5 =	vadd.s32 v62, v5  }
0xa2: {  	v5 =	vadd.s32 v63, v5;
	v4 =	vadd.f32 v61, v4  }
0xa3: {  	[tilespmem:s19+$0x10080] =	vst v5  }
0xa4: {  	[tilespmem:s19+$0x10480] =	vst v4  }
0xa5: {  	[hbm4b:s5+s12] =	stream.strided.scatter [tilespmem:s14], [sflag:$0x1], $0x400, s13, s12, $0x38;
	[tilespmem:$0x10880] =	vst v63  }
0xa6: {  	s16 =	sadd.s32 $0x1, s16;
	_ =	swait.ge [sflag:s8], $0x400  }
0xa7: {  	p0 =	sne.s32 s16, s7;
	[sflag:s8] =	ssyncset.done $0x0  }
.Ltmp4:
0xa8: {  	[sflag:s8] =	ssyncadd.s32 $0xFFFFFC00;
	(pc) =	sbr.rel @p0 .LBB2_1-.Ltmp4, $4  }
0xa9: {  	[hbm4b:s6+s12] =	stream.strided.scatter [tilespmem:s15], [sflag:$0x1], $0x400, s13, s12, $0x38;
	[tilespmem:$0x10880] =	vst v63  }
0xaa: {  	_ =	swait.ge [sflag:s8], $0x400  }
0xab: {  	[sflag:s8] =	ssyncset.done $0x0  }
0xac: {  	[sflag:s8] =	ssyncadd.s32 $0xFFFFFC00  }
0xad: {  	_ =	sfence.sel $0x180000  }
0xae: {  	[bflag:$0x0] =	sbarrier.arrive $0xFFFF  }
0xaf: {  	p0 =	sne.s32 s1, $0x0;
	_ =	strace $0x9000004D  }
0xb0: {  	s0 =	sadd.s32 @!p0 $0x100000, s0;
	[bflag:$0x2] =	sbarrier.arrive $0xFFFF  }
0xb1: {  	[sflag:s0] =	ssyncadd.tile.s32 @!p0 $0x1;
	_ =	shalt  }
.Lfunc_end2:
_tile_overlayer_lowered:
.L_overlay_start_2:
0xb2: {  	(tag) =	ssettag $0x2  }
0xb3: {  	s0 =	rddreg [dreg:$0x0];
	s2 =	stileid.u32  }
0xb4: {  	s1 =	rddreg [dreg:$0x1];
	p0 =	sne.s32 s2, $0x0  }
0xb5: {  	s3 =	rddreg [dreg:$0x2];
	[bflag:$0x3] =	sbarrier.arrive $0xFFFF;
	s2 =	simm.s32 @!p0 $0x1C01  }
0xb6: {  	[timem:s3], [sflag:s2] =	dma.local @!p0 [hbm:s0], s1  }
0xb7: {  	s0 =	simm.s32 @!p0 $0x1  }
0xb8: {  	_ =	swait.ge @!p0 [sflag:s0], s1  }
0xb9: {  	s1 =	ssub.s32 @!p0 $0x0, s1;
	[sflag:s0] =	ssyncset.done @!p0 $0x0  }
0xba: {  	[sflag:s0] =	ssyncadd.s32 @!p0 s1  }
0xbb: {  	[bflag:$0x3] =	sbarrier.arrive $0xFFFF  }
0xbc: {  	_ =	shalt  }

// kernel: branch_0_fun.5.cloned.1.call-start
scs
__scs_entry_jumppad:
0x0: {  	(pc) =	sbr.rel $0x88, $3  }
0x1: {  	(tag) =	ssettag $0x0;
	lr =	simm.s32 $0x1  }
0x2: {  	[smem:$0x3F9F] =	sst lr;
	_ =	strace $0xD0000000  }
0x3: {  	_ = 	snop  }
0x4: {  	_ = 	snop  }
0x5: {  	_ = 	snop  }
0x6: {  	_ = 	snop  }
0x7: {  	_ = 	snop  }
__scs_overlays_trampoline_lowered:
0x8: {  	[smem:$0x3FAE] =	sst s0  }
0x9: {  	[smem:$0x3FAF] =	sst s1  }
0xa: {  	[smem:$0x3FB0] =	sst s2  }
0xb: {  	[smem:$0x3FB1] =	sst s3  }
0xc: {  	[smem:$0x3FB2] =	sst s4  }
0xd: {  	[smem:$0x3FB3] =	sst s5  }
0xe: {  	[smem:$0x3FB4] =	sst s6  }
0xf: {  	[smem:$0x3FB5] =	sst s7  }
0x10: {  	[smem:$0x3FB6] =	sst s8  }
0x11: {  	[smem:$0x3FB7] =	sst s9;
	s0 =	simm.s32 @!p0 $0x0  }
0x12: {  	s1 =	sld [smem:$0x3F9D];
	s0 =	simm.s32 @p0 $0x1  }
0x13: {  	[smem:$0x3FB8] =	sst s0;
	s0 =	simm.s32 @!p1 $0x0  }
0x14: {  	s2 =	sld [smem:$0x3F9C];
	s0 =	simm.s32 @p1 $0x1  }
0x15: {  	[smem:$0x3FB9] =	sst s0;
	s0 =	simm.s32 @!p2 $0x0  }
0x16: {  	s3 =	sld [smem:$0x3FDB];
	s0 =	simm.s32 @p2 $0x1  }
0x17: {  	s4 =	simm.s32 $0x1BF5;
	[smem:$0x3FBB] =	sst s0  }
0x18: {  	s0 =	sld [smem:$0x3F9E];
	_ =	swait.ge [sflag:s4], $0x0  }
0x19: {  	s7 =	sld [smem:$0x3F9F]  }
0x1a: {  	s8 =	sadd.s32 $0xFFFFE003, lr  }
0x1b: {  	s9 =	sadd.s32 $0xFFFFFEF7, lr;
	s5 =	simm.s32 $0xFFFFFFFF;
	p2 =	slt.u32 s8, $0xFFFFF086  }
0x1c: {  	p1 =	slt.u32 s9, $0xF7A;
	s5 =	simm.s32 @!p2 $0x0  }
0x1d: {  	s5 =	simm.s32 @p1 $0x1;
	p0 =	seq.s32 s7, s2  }
0x1e: {  	s7 =	smul.u32 @!p0 $0xF7A, s2;
	p2 =	seq.s32 @!p0 s5, $0x0  }
0x1f: {  	s9 =	smul.u32 $0xF7A, s1;
	s8 =	simm.s32 @!p0 $0x1BF5;
	p2 =	por !p2, p0  }
0x20: {  	[sflag:s8] =	ssyncset.s32 @!p0 $0xFFFFF086;
	s6 =	sadd.s32 @!p0 s3, s7;
	s7 =	simm.s32 @!p0 $0x108  }
0x21: {  	s3 =	sadd.s32 s3, s9;
	s6 =	sadd.s32 @!p0 $0x88, s6;
	s7 =	simm.s32 @p2 $0x1082  }
0x22: {  	[simem:s7], [sflag:s8] =	dma.local @!p0 [hbm:s6], $0xF7A  }
0x23: {  	s9 =	sor.u32 $0xD0000000, s2;
	s6 =	simm.s32 $0x108;
	_ =	swait.ge @!p0 [sflag:s8], $0x0  }
0x24: {  	s3 =	sadd.s32 $0x88, s3;
	s6 =	simm.s32 @!p1 $0x1082;
	[sflag:s4] =	ssyncset.s32 $0xFFFFF086  }
0x25: {  	[simem:s6], [sflag:s4] =	dma.local [hbm:s3], $0xF7A  }
0x26: {  	[smem:$0x3F9F] =	sst s1;
	(tag) =	ssettag s2;
	_ =	strace s9  }
0x27: {  	s1 =	sld [smem:$0x3FAF]  }
0x28: {  	s2 =	sld [smem:$0x3FB0]  }
0x29: {  	s4 =	sld [smem:$0x3FB2]  }
0x2a: {  	p0 =	seq.s32 s5, $0x0;
	s5 =	sld [smem:$0x3FB3]  }
0x2b: {  	s6 =	sld [smem:$0x3FB4]  }
0x2c: {  	s7 =	sld [smem:$0x3FB5]  }
0x2d: {  	s3 =	simm.s32 $0x108;
	s8 =	sld [smem:$0x3FB6]  }
0x2e: {  	s3 =	simm.s32 @!p0 $0x1082;
	s9 =	sld [smem:$0x3FB7]  }
0x2f: {  	lr =	sadd.s32 s0, s3;
	s0 =	sld [smem:$0x3FAE]  }
0x30: {  	s3 =	sld [smem:$0x3FB1]  }
0x31: {  	[smem:$0x3FBA] =	sst s10  }
0x32: {  	s10 =	sld [smem:$0x3FB8];
	_ =	sdelay $0x3  }
0x33: {  	p0 =	seq.s32 s10, $0x1;
	s10 =	sld [smem:$0x3FBA];
	_ =	sdelay $0x3  }
0x34: {  	[smem:$0x3FBA] =	sst s10  }
0x35: {  	s10 =	sld [smem:$0x3FB9];
	_ =	sdelay $0x3  }
0x36: {  	p1 =	seq.s32 s10, $0x1;
	s10 =	sld [smem:$0x3FBA];
	_ =	sdelay $0x3  }
0x37: {  	[smem:$0x3FBA] =	sst s10  }
0x38: {  	s10 =	sld [smem:$0x3FBB]  }
0x39: {  	_ = 	snop;
	(pc) =	sbr.ind lr, $3  }
0x3a: {  	_ = 	snop  }
0x3b: {  	_ = 	snop  }
0x3c: {  	p2 =	seq.s32 s10, $0x1;
	s10 =	sld [smem:$0x3FBA]  }
0x3d: {  	_ =	shalt  }
0x3e: {  	_ =	shalt  }
0x3f: {  	_ =	shalt  }
0x40: {  	_ =	shalt  }
0x41: {  	_ =	shalt  }
0x42: {  	_ =	shalt  }
0x43: {  	_ =	shalt  }
0x44: {  	_ =	shalt  }
0x45: {  	_ =	shalt  }
0x46: {  	_ =	shalt  }
0x47: {  	_ =	shalt  }
0x48: {  	_ =	shalt  }
0x49: {  	_ =	shalt  }
0x4a: {  	_ =	shalt  }
0x4b: {  	_ =	shalt  }
0x4c: {  	_ =	shalt  }
0x4d: {  	_ =	shalt  }
0x4e: {  	_ =	shalt  }
0x4f: {  	_ =	shalt  }
0x50: {  	_ =	shalt  }
0x51: {  	_ =	shalt  }
0x52: {  	_ =	shalt  }
0x53: {  	_ =	shalt  }
0x54: {  	_ =	shalt  }
0x55: {  	_ =	shalt  }
0x56: {  	_ =	shalt  }
0x57: {  	_ =	shalt  }
0x58: {  	_ =	shalt  }
0x59: {  	_ =	shalt  }
0x5a: {  	_ =	shalt  }
0x5b: {  	_ =	shalt  }
0x5c: {  	_ =	shalt  }
0x5d: {  	_ =	shalt  }
0x5e: {  	_ =	shalt  }
0x5f: {  	_ =	shalt  }
0x60: {  	_ =	shalt  }
0x61: {  	_ =	shalt  }
0x62: {  	_ =	shalt  }
0x63: {  	_ =	shalt  }
0x64: {  	_ =	shalt  }
0x65: {  	_ =	shalt  }
0x66: {  	_ =	shalt  }
0x67: {  	_ =	shalt  }
0x68: {  	_ =	shalt  }
0x69: {  	_ =	shalt  }
0x6a: {  	_ =	shalt  }
0x6b: {  	_ =	shalt  }
0x6c: {  	_ =	shalt  }
0x6d: {  	_ =	shalt  }
0x6e: {  	_ =	shalt  }
0x6f: {  	_ =	shalt  }
0x70: {  	_ =	shalt  }
0x71: {  	_ =	shalt  }
0x72: {  	_ =	shalt  }
0x73: {  	_ =	shalt  }
0x74: {  	_ =	shalt  }
0x75: {  	_ =	shalt  }
0x76: {  	_ =	shalt  }
0x77: {  	_ =	shalt  }
0x78: {  	_ =	shalt  }
0x79: {  	_ =	shalt  }
0x7a: {  	_ =	shalt  }
0x7b: {  	_ =	shalt  }
0x7c: {  	_ =	shalt  }
0x7d: {  	_ =	shalt  }
0x7e: {  	_ =	shalt  }
0x7f: {  	_ =	shalt  }
0x80: {  	_ =	shalt  }
0x81: {  	_ =	shalt  }
0x82: {  	_ =	shalt  }
0x83: {  	_ =	shalt  }
0x84: {  	_ =	shalt  }
0x85: {  	_ =	shalt  }
0x86: {  	_ =	shalt  }
0x87: {  	_ =	shalt  }
.Lfunc_end0:
.L_simem_size_0:
called_computation_lowered:
.L_overlay_start_0:
0x88: {  	s2 =	sld [smem:$0x3FD9]  }
0x89: {  	s3 =	sld [smem:$0x3FFE];
	_ =	sdelay $0x1  }
0x8a: {  	s1 =	srdreg.scid  }
0x8b: {  	s0 =	sand.u32 $0x1, s1  }
0x8c: {  	s17 =	sshll.u32 s0, $0xA;
	s2 =	sadd.s32 s3, s2  }
0x8d: {  	s2 =	sadd.s32 s2, s17  }
0x8e: {  	[smem:$0x3FC6] =	sst s2  }
0x8f: {  	_ = 	snop  }
0x90: {  	s2 =	sld [smem:$0x3FD0];
	(tm) =	ssettm $0x1  }
0x91: {  	s18 =	sld [smem:$0x3FFB];
	_ =	sdelay $0x3  }
0x92: {  	_ =	strace s18  }
0x93: {  	s3 =	sld [smem:$0x3FFC];
	_ =	sdelay $0x3  }
0x94: {  	_ =	strace s3  }
0x95: {  	s3 =	sld [smem:$0x3FFD];
	_ =	sdelay $0x3  }
0x96: {  	_ =	strace s3  }
0x97: {  	_ =	strace $0x8FFFFFFF  }
0x98: {  	s19 =	sld [smem:$0x3FDB];
	_ =	sdelay $0x1  }
0x99: {  	s4 =	simm.s32 $_scs_section_size  }
0x9a: {  	s5 =	simm.s32 $_size__tile_overlayer_lowered;
	s6 =	simm.s32 $_tile_overlayer_lowered  }
0x9b: {  	s22 =	simm.s32 $0x1BFF;
	s21 =	sshll.u32 s6, $0x1;
	s3 =	sadd.s32 s4, s19  }
0x9c: {  	s7 =	simm.s32 $0x0;
	s20 =	sshll.u32 s5, $0x1;
	s5 =	sadd.s32 s21, s3  }
0x9d: {  	[timem:s7], [sflag:s22] =	dma.local [hbm:s5], s20  }
0x9e: {  	_ =	swait.ge [sflag:s22], s20  }
0x9f: {  	s4 =	ssub.s32 $0x0, s20;
	[sflag:s22] =	ssyncset.done $0x0  }
0xa0: {  	[sflag:s22] =	ssyncadd.s32 s4;
	_ =	sdelay $0x1  }
0xa1: {  	s23 =	simm.s32 $0x1B8B  }
0xa2: {  	_ =	swait.ge [sflag:s23], $0x1  }
0xa3: {  	[sflag:s23] =	ssyncset.done $0x0  }
0xa4: {  	s25 =	simm.s32 $0x1B8E;
	s24 =	sld [smem:$0x3FFE];
	[sflag:s23] =	ssyncadd.s32 $0xFFFFFFFF  }
0xa5: {  	s26 =	simm.s32 $execute0_lowered;
	[smem:$0x3FD2] =	sst s25  }
0xa6: {  	s5 =	sshll.u32 s26, $0x1;
	_ =	strace $0x80000046;
	[dreg:$0x1] =	wrdreg $0xFFFFFFFF  }
0xa7: {  	s28 =	simm.s32 $_size_execute0_lowered;
	s3 =	sadd.s32 s3, s5;
	[dreg:$0x0] =	wrdreg $0x0  }
0xa8: {  	s5 =	sshll.u32 s28, $0x1;
	[dreg:$0x2] =	wrdreg s3  }
0xa9: {  	[dreg:$0x3] =	wrdreg s5  }
0xaa: {  	[dreg:$0x4] =	wrdreg $0xC0  }
0xab: {  	_ =	task [dreg:s7], $0x5FFFF  }
0xac: {  	[dreg:$0x1] =	wrdreg $0xFFFFFFFF  }
0xad: {  	[dreg:$0x0] =	wrdreg $0x60  }
0xae: {  	[dreg:$0x2] =	wrdreg s24  }
0xaf: {  	[dreg:$0x3] =	wrdreg s2  }
0xb0: {  	[dreg:$0x4] =	wrdreg $0x9  }
0xb1: {  	_ =	task.clear_ibuf [dreg:s7], $0x5FFFF;
	_ =	strace $0x90000046  }
0xb2: {  	s29 =	simm.s32 $0x9;
	_ =	strace $0x80000048  }
0xb3: {  	_ =	swait.ge [sflag:s29], $0x1  }
0xb4: {  	[sflag:s29] =	ssyncadd.s32 $0xFFFFFFFF  }
0xb5: {  	_ =	strace $0x90000048  }
0xb6: {  	_ =	sfence  }
0xb7: {  	s30 =	sld [smem:$0x0];
	_ =	sdelay $0x2  }
0xb8: {  	s31 =	sshll.u32 s1, $0xD;
	s1 =	sshrl.u32 s1, $0x2  }
0xb9: {  	s3 =	sand.u32 $0x4000, s31;
	s1 =	sadd.s32 s1, s30  }
0xba: {  	s0 =	sor.u32 s3, s0;
	s1 =	sshll.u32 s1, $0x11  }
0xbb: {  	s0 =	sor.u32 s1, s0  }
0xbc: {  	s0 =	sadd.s32 $0x8F2B, s0  }
0xbd: {  	[sflag:s0] =	ssyncadd.remote.s32 $0x1  }
0xbe: {  	_ =	sfence.sel $0xFFFF  }
0xbf: {  	[dreg:$0x0] =	wrdreg $0xFFFFFFFF;
	(pc) =	sbr.abs _section_cstart, $3  }
0xc0: {  	[dreg:$0x1] =	wrdreg $0xFFFFFFFF  }
0xc1: {  	_ =	task.clear_ibuf [dreg:s7], $0x2FFFF;
	_ =	strace $0x9FFFFFFF  }
0xc2: {  	(tm) =	ssettm $0x7FFFFFFF  }
0xc3: {  	_ =	shalt  }
tec
execute0_lowered:
.L_overlay_start_1:
0x0: {  	(tag) =	ssettag $0x1  }
0x1: {  	s4 =	rddreg [dreg:$0x0]  }
0x2: {  	s1 =	srdreg.scid;
	s0 =	stileid.u32  }
0x3: {  	s2 =	rddreg [dreg:$0x1];
	s3 =	simm.s32 $0x0;
	s9 =	simm.s32 $0x8000  }
0x4: {  	s10 =	simm.s32 $0x8080;
	s11 =	simm.s32 $0x10080;
	s12 =	simm.s32 $0x80  }
0x5: {  	s13 =	simm.s32 $0x400;
	s5 =	sand.u32 $0x1, s1;
	s6 =	sshll.u32 s0, $0x1  }
0x6: {  	s14 =	simm.s32 $0x18080;
	s15 =	simm.s32 $0x18880;
	s6 =	sor.u32 s5, s6  }
0x7: {  	s1 =	rddreg [dreg:$0x2];
	s7 =	sshll.u32 s0, $0x9;
	s8 =	sshll.u32 s6, $0x4  }
0x8: {  	s16 =	simm.s32 $0x0;
	[smem:$0x7FF] =	sst s3;
	s7 =	sor.u32 s7, s8  }
0x9: {  	_ =	strace $0x80000047;
	s5 =	ssub.s32 $0x2, s5;
	s7 =	sand.u32 $0x1870, s7  }
0xa: {  	s31 =	sshrl.u32 s5, $0x1;
	s6 =	sshll.u32 s6, $0xC;
	s7 =	sadd.s32 s7, s4  }
0xb: {  	v0 =	vimm.s32 $0x0;
	v2 =	vlaneseq.u32;
	s8 =	ssub.s32 s5, s31;
	s4 =	sadd.s32 s4, s6;
	s5 =	sadd.s32 $0x20600, s7  }
0xc: {  	v1 =	vimm.f32 $0.0e+00;
	v3 =	vimm.s32 $0x1;
	v2 =	vmul.u32 $0x800, v2;
	s6 =	sadd.s32 $0x22600, s7;
	s7 =	smax.u32 s8, $0x1;
	s8 =	simm.s32 $0x1  }
.LBB2_1:
0xd: {  	[tilespmem:s3], [sflag:$0x1] =	stream.linear.gather [hbm4b:s4+s3], $0x8000, $0x38;
	[tilespmem:$0x19080] =	vst v63  }
0xe: {  	_ =	swait.ge [sflag:s8], $0x8000  }
0xf: {  	[sflag:s8] =	ssyncset.done $0x0  }
0x10: {  	[sflag:s8] =	ssyncadd.s32 $0xFFFF8000  }
0x11: {  	[tilespmem:s9], [sflag:$0x1] =	stream.linear.gather [hbm4b:s2+s3], $0x80, $0x38;
	[tilespmem:$0x19080] =	vst v63  }
0x12: {  	_ =	swait.ge [sflag:s8], $0x80  }
0x13: {  	[sflag:s8] =	ssyncset.done $0x0  }
0x14: {  	s17 =	simm.s32 $0x40;
	s18 =	simm.s32 $0x0;
	[sflag:s8] =	ssyncadd.s32 $0xFFFFFF80  }
.LBB2_2:
0x15: {  	p0 =	sne.s32 s17, $0x1FFC0;
	[tilespmem:s18+$0x8080] =	vst v0;
	s19 =	smov.u32 s17;
	s17 =	sadd.s32 $0x40, s17  }
.Ltmp0:
0x16: {  	[tilespmem:s18+$0x10080] =	vst v1;
	(pc) =	sbr.rel @p0 .LBB2_2-.Ltmp0, $2  }
0x17: {  	_ =	sdelay $0x2  }
0x18: {  	s18 =	sshra.s32 s19, $0x2  }
0x19: {  	[tilespmem:s18+$0x8080] =	vst v0  }
0x1a: {  	[tilespmem:s18+$0x10080] =	vst v1  }
0x1b: {  	v4 =	vld [tilespmem:$0x8000];
	_ =	sdelay $0x4  }
0x1c: {  	vm0 =	veq.s32 v4, $0x0;
	_ =	sdelay $0x4  }
0x1d: {  	s17 =	simm.s32 $0x0;
	s18 =	simm.s32 $0x0  }
.LBB2_4:
0x1e: {  	s19 =	sshll.u32 s18, $0x9;
	s20 =	sshll.u32 s18, $0x7  }
0x1f: {  	s19 =	sand.u32 $0x7000, s19;
	s20 =	sand.u32 $0x380, s20  }
0x20: {  	s30 =	sand.u32 $0xC00, s17;
	s19 =	sor.u32 s20, s19  }
0x21: {  	s21 =	sand.u32 $0x70, s17;
	s20 =	sadd.s32 s30, s19  }
0x22: {  	s20 =	sadd.s32 s21, s20  }
0x23: {  	v4 =	vld [tilespmem:s20+$0x0];
	_ =	sdelay $0x4  }
0x24: {  	v5 =	vshrl.u32 v4, $0x15  }
0x25: {  	v6 =	vand.u32 $0x780, v5  }
0x26: {  	v5 =	vand.u32 $0x7F, v5;
	v6 =	vor.u32 v2, v6  }
0x27: {  	v5 =	vor.u32 v5, v6;
	_ =	sdelay $0x2  }
0x28: {  	s20 =	simm.s32 $0x80  }
0x29: {  	s31 =	simm.s32 $0x10;
	s23 =	sand.u32 $0xC00, s20  }
0x2a: {  	s22 =	sand.u32 $0x70, s31;
	s21 =	simm.s32 $0x20;
	s23 =	sadd.s32 s23, s19;
	[tilespmem:v5+s10+$0x0] =	vst.idx.add.s32.msk vm0, v3  }
.LBB2_5:
0x2b: {  	p0 =	sne.s32 s21, $0x1F0;
	s22 =	sadd.s32 s22, s23;
	[tilespmem:v5+s11+$0x0] =	vst.idx.add.f32.msk vm0, v4  }
0x2c: {  	v4 =	vld [tilespmem:s22+$0x0];
	_ =	sdelay $0x4  }
0x2d: {  	v5 =	vshrl.u32 v4, $0x15  }
0x2e: {  	v6 =	vand.u32 $0x780, v5  }
0x2f: {  	v5 =	vand.u32 $0x7F, v5;
	v6 =	vor.u32 v2, v6  }
0x30: {  	v5 =	vor.u32 v5, v6  }
.Ltmp1:
0x31: {  	(pc) =	sbr.rel @p0 .LBB2_5-.Ltmp1, $4  }
0x32: {  	_ = 	snop  }
0x33: {  	s20 =	sadd.s32 $0x80, s20  }
0x34: {  	s23 =	sand.u32 $0xC00, s20  }
0x35: {  	s22 =	sand.u32 $0x70, s21;
	s21 =	sadd.s32 $0x10, s21;
	s23 =	sadd.s32 s23, s19;
	[tilespmem:v5+s10+$0x0] =	vst.idx.add.s32.msk vm0, v3  }
0x36: {  	_ =	sdelay $0x4  }
0x37: {  	s19 =	sadd.s32 s22, s23;
	[tilespmem:v5+s11+$0x0] =	vst.idx.add.f32.msk vm0, v4  }
0x38: {  	v4 =	vld [tilespmem:s19+$0x0];
	_ =	sdelay $0x4  }
0x39: {  	v5 =	vshrl.u32 v4, $0x15  }
0x3a: {  	v6 =	vand.u32 $0x780, v5  }
0x3b: {  	v5 =	vand.u32 $0x7F, v5;
	v6 =	vor.u32 v2, v6  }
0x3c: {  	s18 =	sadd.s32 $0x1, s18;
	v5 =	vor.u32 v5, v6  }
0x3d: {  	p0 =	sne.s32 s18, $0x40  }
.Ltmp2:
0x3e: {  	_ = 	snop;
	(pc) =	sbr.rel @p0 .LBB2_4-.Ltmp2, $3  }
0x3f: {  	_ =	sdelay $0x1  }
0x40: {  	[tilespmem:v5+s10+$0x0] =	vst.idx.add.s32.msk vm0, v3  }
0x41: {  	[tilespmem:v5+s11+$0x0] =	vst.idx.add.f32.msk vm0, v4  }
0x42: {  	s17 =	simm.s32 $0x0  }
0x43: {  	v4 =	vld [tilespmem:s17+$0x10080]  }
0x44: {  	v5 =	vld [tilespmem:s17+$0x8080]  }
0x45: {  	v6 =	vld [tilespmem:s17+$0x10880]  }
0x46: {  	v7 =	vld [tilespmem:s17+$0x8880]  }
0x47: {  	v8 =	vld [tilespmem:s17+$0x11080]  }
0x48: {  	v9 =	vld [tilespmem:s17+$0x9080];
	v4 =	vadd.f32 $0.0e+00, v4  }
0x49: {  	v10 =	vld [tilespmem:s17+$0x11880]  }
0x4a: {  	v11 =	vld [tilespmem:s17+$0x12080];
	v4 =	vadd.f32 v6, v4  }
0x4b: {  	v12 =	vld [tilespmem:s17+$0x12880]  }
0x4c: {  	v13 =	vld [tilespmem:s17+$0x13080];
	v4 =	vadd.f32 v8, v4  }
0x4d: {  	v14 =	vld [tilespmem:s17+$0x13880]  }
0x4e: {  	v60 =	vld [tilespmem:s17+$0xB880];
	v4 =	vadd.f32 v10, v4  }
0x4f: {  	v15 =	vld [tilespmem:s17+$0x14080]  }
0x50: {  	v61 =	vld [tilespmem:s17+$0xC080];
	v4 =	vadd.f32 v11, v4  }
0x51: {  	v16 =	vld [tilespmem:s17+$0x14880]  }
0x52: {  	v62 =	vld [tilespmem:s17+$0xC880];
	v4 =	vadd.f32 v12, v4  }
0x53: {  	v5 =	vadd.s32 v5, v7;
	v7 =	vld [tilespmem:s17+$0x15080]  }
0x54: {  	v6 =	vld [tilespmem:s17+$0x9880];
	v4 =	vadd.f32 v13, v4  }
0x55: {  	v8 =	vld [tilespmem:s17+$0xA080]  }
0x56: {  	v10 =	vld [tilespmem:s17+$0xA880];
	v4 =	vadd.f32 v14, v4  }
0x57: {  	v11 =	vld [tilespmem:s17+$0xB080]  }
0x58: {  	v63 =	vld [tilespmem:s17+$0x16880];
	v5 =	vadd.s32 v9, v5;
	v4 =	vadd.f32 v15, v4  }
0x59: {  	v5 =	vadd.s32 v6, v5;
	v6 =	vld [tilespmem:s17+$0x15880]  }
0x5a: {  	v9 =	vld [tilespmem:s17+$0xD080];
	v5 =	vadd.s32 v8, v5;
	v4 =	vadd.f32 v16, v4  }
0x5b: {  	v5 =	vadd.s32 v10, v5;
	v10 =	vld [tilespmem:s17+$0x16080]  }
0x5c: {  	v8 =	vld [tilespmem:s17+$0xD880];
	v5 =	vadd.s32 v11, v5;
	v4 =	vadd.f32 v7, v4  }
0x5d: {  	v11 =	vld [tilespmem:s17+$0xE080];
	v5 =	vadd.s32 v60, v5  }
0x5e: {  	v5 =	vadd.s32 v61, v5;
	v7 =	vadd.f32 v6, v4;
	v4 =	vld [tilespmem:s17+$0xE880]  }
0x5f: {  	v5 =	vadd.s32 v62, v5;
	v6 =	vld [tilespmem:s17+$0x17080]  }
0x60: {  	v9 =	vadd.s32 v9, v5;
	v5 =	vld [tilespmem:s17+$0xF080];
	v10 =	vadd.f32 v10, v7  }
0x61: {  	v8 =	vadd.s32 v8, v9;
	v7 =	vld [tilespmem:s17+$0x17880]  }
0x62: {  	s19 =	simm.s32 $0x10;
	s18 =	simm.s32 $0x80;
	v9 =	vadd.s32 v11, v8;
	v8 =	vld [tilespmem:s17+$0xF880];
	v10 =	vadd.f32 v63, v10  }
.LBB2_8:
0x63: {  	p0 =	sne.s32 s18, $0x1FC0;
	v11 =	vld [tilespmem:s19+$0x10080];
	v4 =	vadd.s32 v4, v9  }
0x64: {  	v9 =	vld [tilespmem:s19+$0x8080];
	v6 =	vadd.f32 v6, v10  }
0x65: {  	v10 =	vld [tilespmem:s19+$0x10880];
	v4 =	vadd.s32 v5, v4  }
0x66: {  	v5 =	vld [tilespmem:s19+$0x8880];
	v6 =	vadd.f32 v7, v6  }
0x67: {  	v7 =	vld [tilespmem:s19+$0x11080];
	v4 =	vadd.s32 v8, v4  }
0x68: {  	v8 =	vadd.f32 $0.0e+00, v11;
	v11 =	vld [tilespmem:s19+$0x9080];
	[tilespmem:s17+$0x18880] =	vst v6  }
0x69: {  	v6 =	vld [tilespmem:s19+$0x11880];
	[tilespmem:s17+$0x18080] =	vst v4;
	s17 =	smov.u32 s19  }
0x6a: {  	v4 =	vadd.f32 v10, v8;
	v8 =	vld [tilespmem:s17+$0x9880]  }
0x6b: {  	v5 =	vadd.s32 v9, v5;
	v9 =	vld [tilespmem:s17+$0x12080]  }
0x6c: {  	v4 =	vadd.f32 v7, v4;
	v7 =	vld [tilespmem:s17+$0xA080]  }
0x6d: {  	v5 =	vadd.s32 v11, v5;
	v10 =	vld [tilespmem:s17+$0x12880]  }
0x6e: {  	v4 =	vadd.f32 v6, v4;
	v6 =	vld [tilespmem:s17+$0xA880]  }
0x6f: {  	v5 =	vadd.s32 v8, v5;
	v8 =	vld [tilespmem:s17+$0x13080]  }
0x70: {  	v4 =	vadd.f32 v9, v4;
	v9 =	vld [tilespmem:s17+$0xB080]  }
0x71: {  	v5 =	vadd.s32 v7, v5;
	v7 =	vld [tilespmem:s17+$0x13880]  }
0x72: {  	v4 =	vadd.f32 v10, v4;
	v10 =	vld [tilespmem:s17+$0xB880]  }
0x73: {  	v5 =	vadd.s32 v6, v5;
	v6 =	vld [tilespmem:s17+$0x14080]  }
0x74: {  	v4 =	vadd.f32 v8, v4;
	v8 =	vld [tilespmem:s17+$0xC080]  }
0x75: {  	v5 =	vadd.s32 v9, v5;
	v9 =	vld [tilespmem:s17+$0x14880]  }
0x76: {  	v4 =	vadd.f32 v7, v4;
	v7 =	vld [tilespmem:s17+$0xC880]  }
0x77: {  	v5 =	vadd.s32 v10, v5;
	v10 =	vld [tilespmem:s17+$0x15080]  }
0x78: {  	v4 =	vadd.f32 v6, v4;
	v6 =	vld [tilespmem:s17+$0xD080]  }
0x79: {  	v5 =	vadd.s32 v8, v5;
	v8 =	vld [tilespmem:s17+$0x15880]  }
0x7a: {  	v4 =	vadd.f32 v9, v4;
	v9 =	vld [tilespmem:s17+$0xD880]  }
0x7b: {  	v5 =	vadd.s32 v7, v5;
	v7 =	vld [tilespmem:s17+$0x16080]  }
0x7c: {  	v4 =	vadd.f32 v10, v4;
	v10 =	vld [tilespmem:s17+$0xE080]  }
0x7d: {  	v5 =	vadd.s32 v6, v5;
	v11 =	vld [tilespmem:s17+$0x16880]  }
.Ltmp3:
0x7e: {  	v8 =	vadd.f32 v8, v4;
	v4 =	vld [tilespmem:s17+$0xE880];
	(pc) =	sbr.rel @p0 .LBB2_8-.Ltmp3, $4  }
0x7f: {  	v9 =	vadd.s32 v9, v5;
	v6 =	vld [tilespmem:s17+$0x17080]  }
0x80: {  	v8 =	vadd.f32 v7, v8;
	v5 =	vld [tilespmem:s17+$0xF080]  }
0x81: {  	v9 =	vadd.s32 v10, v9;
	v7 =	vld [tilespmem:s17+$0x17880]  }
0x82: {  	s19 =	sshra.s32 s18, $0x2;
	s18 =	sadd.s32 $0x40, s18;
	v10 =	vadd.f32 v11, v8;
	v8 =	vld [tilespmem:s17+$0xF880]  }
0x83: {  	v11 =	vld [tilespmem:s19+$0x10080]  }
0x84: {  	v12 =	vld [tilespmem:s19+$0x8080];
	v6 =	vadd.f32 v6, v10  }
0x85: {  	v44 =	vld [tilespmem:s19+$0x10880]  }
0x86: {  	v13 =	vld [tilespmem:s19+$0x8880];
	v4 =	vadd.s32 v4, v9;
	v6 =	vadd.f32 v7, v6  }
0x87: {  	v45 =	vld [tilespmem:s19+$0x11080];
	v4 =	vadd.s32 v5, v4  }
0x88: {  	v46 =	vld [tilespmem:s19+$0x9080];
	v4 =	vadd.s32 v8, v4;
	v5 =	vadd.f32 $0.0e+00, v11;
	[tilespmem:s17+$0x18880] =	vst v6  }
0x89: {  	v6 =	vld [tilespmem:s19+$0x11880];
	[tilespmem:s17+$0x18080] =	vst v4  }
0x8a: {  	v4 =	vadd.f32 v44, v5;
	v5 =	vld [tilespmem:s19+$0x12080]  }
0x8b: {  	v47 =	vld [tilespmem:s19+$0x9880]  }
0x8c: {  	v48 =	vld [tilespmem:s19+$0x12880]  }
0x8d: {  	v49 =	vld [tilespmem:s19+$0xA080];
	v4 =	vadd.f32 v45, v4  }
0x8e: {  	v50 =	vld [tilespmem:s19+$0x13080]  }
0x8f: {  	v51 =	vld [tilespmem:s19+$0xA880];
	v4 =	vadd.f32 v6, v4  }
0x90: {  	v14 =	vld [tilespmem:s19+$0xB080]  }
0x91: {  	v52 =	vld [tilespmem:s19+$0x14080];
	v4 =	vadd.f32 v5, v4  }
0x92: {  	v5 =	vld [tilespmem:s19+$0x13880]  }
0x93: {  	v15 =	vld [tilespmem:s19+$0xB880];
	v4 =	vadd.f32 v48, v4  }
0x94: {  	v53 =	vld [tilespmem:s19+$0x14880]  }
0x95: {  	v16 =	vld [tilespmem:s19+$0xC080];
	v4 =	vadd.f32 v50, v4  }
0x96: {  	v17 =	vld [tilespmem:s19+$0xC880]  }
0x97: {  	v54 =	vld [tilespmem:s19+$0x15880];
	v4 =	vadd.f32 v5, v4  }
0x98: {  	v5 =	vld [tilespmem:s19+$0x15080]  }
0x99: {  	v12 =	vadd.s32 v12, v13;
	v55 =	vld [tilespmem:s19+$0xD080];
	v4 =	vadd.f32 v52, v4  }
0x9a: {  	v9 =	vadd.s32 v46, v12;
	v56 =	vld [tilespmem:s19+$0x16080]  }
0x9b: {  	v57 =	vld [tilespmem:s19+$0x16880];
	v8 =	vadd.s32 v47, v9;
	v4 =	vadd.f32 v53, v4  }
0x9c: {  	v58 =	vld [tilespmem:s19+$0xE080];
	v8 =	vadd.s32 v49, v8  }
0x9d: {  	v59 =	vld [tilespmem:s19+$0x17080];
	v8 =	vadd.s32 v51, v8;
	v4 =	vadd.f32 v5, v4  }
0x9e: {  	v8 =	vadd.s32 v14, v8;
	v5 =	vld [tilespmem:s19+$0xD880]  }
0x9f: {  	v60 =	vld [tilespmem:s19+$0xE880];
	v8 =	vadd.s32 v15, v8;
	v4 =	vadd.f32 v54, v4  }
0xa0: {  	v61 =	vld [tilespmem:s19+$0x17880];
	v8 =	vadd.s32 v16, v8  }
0xa1: {  	v62 =	vld [tilespmem:s19+$0xF080];
	v8 =	vadd.s32 v17, v8;
	v4 =	vadd.f32 v56, v4  }
0xa2: {  	v63 =	vld [tilespmem:s19+$0xF880];
	v6 =	vadd.s32 v55, v8  }
0xa3: {  	v5 =	vadd.s32 v5, v6;
	v4 =	vadd.f32 v57, v4  }
0xa4: {  	v5 =	vadd.s32 v58, v5  }
0xa5: {  	v5 =	vadd.s32 v60, v5;
	v4 =	vadd.f32 v59, v4  }
0xa6: {  	v5 =	vadd.s32 v62, v5  }
0xa7: {  	v5 =	vadd.s32 v63, v5;
	v4 =	vadd.f32 v61, v4  }
0xa8: {  	[tilespmem:s19+$0x18080] =	vst v5  }
0xa9: {  	[tilespmem:s19+$0x18880] =	vst v4  }
0xaa: {  	[hbm4b:s5+s12] =	stream.strided.scatter [tilespmem:s14], [sflag:$0x1], $0x800, s13, s12, $0x38;
	[tilespmem:$0x19080] =	vst v63  }
0xab: {  	s16 =	sadd.s32 $0x1, s16;
	_ =	swait.ge [sflag:s8], $0x800  }
0xac: {  	p0 =	sne.s32 s16, s7;
	[sflag:s8] =	ssyncset.done $0x0  }
.Ltmp4:
0xad: {  	[sflag:s8] =	ssyncadd.s32 $0xFFFFF800;
	(pc) =	sbr.rel @p0 .LBB2_1-.Ltmp4, $4  }
0xae: {  	[hbm4b:s6+s12] =	stream.strided.scatter [tilespmem:s15], [sflag:$0x1], $0x800, s13, s12, $0x38;
	[tilespmem:$0x19080] =	vst v63  }
0xaf: {  	_ =	swait.ge [sflag:s8], $0x800  }
0xb0: {  	[sflag:s8] =	ssyncset.done $0x0  }
0xb1: {  	[sflag:s8] =	ssyncadd.s32 $0xFFFFF800  }
0xb2: {  	_ =	sfence.sel $0x180000  }
0xb3: {  	[bflag:$0x0] =	sbarrier.arrive $0xFFFF  }
0xb4: {  	p0 =	sne.s32 s0, $0x0;
	_ =	strace $0x90000047  }
0xb5: {  	s0 =	sadd.s32 @!p0 $0x100000, s1;
	[bflag:$0x2] =	sbarrier.arrive $0xFFFF  }
0xb6: {  	[sflag:s0] =	ssyncadd.tile.s32 @!p0 $0x1;
	_ =	shalt  }
.Lfunc_end2:
_tile_overlayer_lowered:
.L_overlay_start_2:
0xb7: {  	(tag) =	ssettag $0x2  }
0xb8: {  	s0 =	rddreg [dreg:$0x0];
	s2 =	stileid.u32  }
0xb9: {  	s1 =	rddreg [dreg:$0x1];
	p0 =	sne.s32 s2, $0x0  }
0xba: {  	s3 =	rddreg [dreg:$0x2];
	[bflag:$0x3] =	sbarrier.arrive $0xFFFF;
	s2 =	simm.s32 @!p0 $0x1C01  }
0xbb: {  	[timem:s3], [sflag:s2] =	dma.local @!p0 [hbm:s0], s1  }
0xbc: {  	s0 =	simm.s32 @!p0 $0x1  }
0xbd: {  	_ =	swait.ge @!p0 [sflag:s0], s1  }
0xbe: {  	s1 =	ssub.s32 @!p0 $0x0, s1;
	[sflag:s0] =	ssyncset.done @!p0 $0x0  }
0xbf: {  	[sflag:s0] =	ssyncadd.s32 @!p0 s1  }
0xc0: {  	[bflag:$0x3] =	sbarrier.arrive $0xFFFF  }
0xc1: {  	_ =	shalt  }

// kernel: branch_0_fun.8.cloned.1.call-start
scs
__scs_entry_jumppad:
0x0: {  	(pc) =	sbr.rel $0x88, $3  }
0x1: {  	(tag) =	ssettag $0x0;
	lr =	simm.s32 $0x1  }
0x2: {  	[smem:$0x3F9F] =	sst lr;
	_ =	strace $0xD0000000  }
0x3: {  	_ = 	snop  }
0x4: {  	_ = 	snop  }
0x5: {  	_ = 	snop  }
0x6: {  	_ = 	snop  }
0x7: {  	_ = 	snop  }
__scs_overlays_trampoline_lowered:
0x8: {  	[smem:$0x3FAE] =	sst s0  }
0x9: {  	[smem:$0x3FAF] =	sst s1  }
0xa: {  	[smem:$0x3FB0] =	sst s2  }
0xb: {  	[smem:$0x3FB1] =	sst s3  }
0xc: {  	[smem:$0x3FB2] =	sst s4  }
0xd: {  	[smem:$0x3FB3] =	sst s5  }
0xe: {  	[smem:$0x3FB4] =	sst s6  }
0xf: {  	[smem:$0x3FB5] =	sst s7  }
0x10: {  	[smem:$0x3FB6] =	sst s8  }
0x11: {  	[smem:$0x3FB7] =	sst s9;
	s0 =	simm.s32 @!p0 $0x0  }
0x12: {  	s1 =	sld [smem:$0x3F9D];
	s0 =	simm.s32 @p0 $0x1  }
0x13: {  	[smem:$0x3FB8] =	sst s0;
	s0 =	simm.s32 @!p1 $0x0  }
0x14: {  	s2 =	sld [smem:$0x3F9C];
	s0 =	simm.s32 @p1 $0x1  }
0x15: {  	[smem:$0x3FB9] =	sst s0;
	s0 =	simm.s32 @!p2 $0x0  }
0x16: {  	s3 =	sld [smem:$0x3FDB];
	s0 =	simm.s32 @p2 $0x1  }
0x17: {  	s4 =	simm.s32 $0x1BF5;
	[smem:$0x3FBB] =	sst s0  }
0x18: {  	s0 =	sld [smem:$0x3F9E];
	_ =	swait.ge [sflag:s4], $0x0  }
0x19: {  	s7 =	sld [smem:$0x3F9F]  }
0x1a: {  	s8 =	sadd.s32 $0xFFFFE003, lr  }
0x1b: {  	s9 =	sadd.s32 $0xFFFFFEF7, lr;
	s5 =	simm.s32 $0xFFFFFFFF;
	p2 =	slt.u32 s8, $0xFFFFF086  }
0x1c: {  	p1 =	slt.u32 s9, $0xF7A;
	s5 =	simm.s32 @!p2 $0x0  }
0x1d: {  	s5 =	simm.s32 @p1 $0x1;
	p0 =	seq.s32 s7, s2  }
0x1e: {  	s7 =	smul.u32 @!p0 $0xF7A, s2;
	p2 =	seq.s32 @!p0 s5, $0x0  }
0x1f: {  	s9 =	smul.u32 $0xF7A, s1;
	s8 =	simm.s32 @!p0 $0x1BF5;
	p2 =	por !p2, p0  }
0x20: {  	[sflag:s8] =	ssyncset.s32 @!p0 $0xFFFFF086;
	s6 =	sadd.s32 @!p0 s3, s7;
	s7 =	simm.s32 @!p0 $0x108  }
0x21: {  	s3 =	sadd.s32 s3, s9;
	s6 =	sadd.s32 @!p0 $0x88, s6;
	s7 =	simm.s32 @p2 $0x1082  }
0x22: {  	[simem:s7], [sflag:s8] =	dma.local @!p0 [hbm:s6], $0xF7A  }
0x23: {  	s9 =	sor.u32 $0xD0000000, s2;
	s6 =	simm.s32 $0x108;
	_ =	swait.ge @!p0 [sflag:s8], $0x0  }
0x24: {  	s3 =	sadd.s32 $0x88, s3;
	s6 =	simm.s32 @!p1 $0x1082;
	[sflag:s4] =	ssyncset.s32 $0xFFFFF086  }
0x25: {  	[simem:s6], [sflag:s4] =	dma.local [hbm:s3], $0xF7A  }
0x26: {  	[smem:$0x3F9F] =	sst s1;
	(tag) =	ssettag s2;
	_ =	strace s9  }
0x27: {  	s1 =	sld [smem:$0x3FAF]  }
0x28: {  	s2 =	sld [smem:$0x3FB0]  }
0x29: {  	s4 =	sld [smem:$0x3FB2]  }
0x2a: {  	p0 =	seq.s32 s5, $0x0;
	s5 =	sld [smem:$0x3FB3]  }
0x2b: {  	s6 =	sld [smem:$0x3FB4]  }
0x2c: {  	s7 =	sld [smem:$0x3FB5]  }
0x2d: {  	s3 =	simm.s32 $0x108;
	s8 =	sld [smem:$0x3FB6]  }
0x2e: {  	s3 =	simm.s32 @!p0 $0x1082;
	s9 =	sld [smem:$0x3FB7]  }
0x2f: {  	lr =	sadd.s32 s0, s3;
	s0 =	sld [smem:$0x3FAE]  }
0x30: {  	s3 =	sld [smem:$0x3FB1]  }
0x31: {  	[smem:$0x3FBA] =	sst s10  }
0x32: {  	s10 =	sld [smem:$0x3FB8];
	_ =	sdelay $0x3  }
0x33: {  	p0 =	seq.s32 s10, $0x1;
	s10 =	sld [smem:$0x3FBA];
	_ =	sdelay $0x3  }
0x34: {  	[smem:$0x3FBA] =	sst s10  }
0x35: {  	s10 =	sld [smem:$0x3FB9];
	_ =	sdelay $0x3  }
0x36: {  	p1 =	seq.s32 s10, $0x1;
	s10 =	sld [smem:$0x3FBA];
	_ =	sdelay $0x3  }
0x37: {  	[smem:$0x3FBA] =	sst s10  }
0x38: {  	s10 =	sld [smem:$0x3FBB]  }
0x39: {  	_ = 	snop;
	(pc) =	sbr.ind lr, $3  }
0x3a: {  	_ = 	snop  }
0x3b: {  	_ = 	snop  }
0x3c: {  	p2 =	seq.s32 s10, $0x1;
	s10 =	sld [smem:$0x3FBA]  }
0x3d: {  	_ =	shalt  }
0x3e: {  	_ =	shalt  }
0x3f: {  	_ =	shalt  }
0x40: {  	_ =	shalt  }
0x41: {  	_ =	shalt  }
0x42: {  	_ =	shalt  }
0x43: {  	_ =	shalt  }
0x44: {  	_ =	shalt  }
0x45: {  	_ =	shalt  }
0x46: {  	_ =	shalt  }
0x47: {  	_ =	shalt  }
0x48: {  	_ =	shalt  }
0x49: {  	_ =	shalt  }
0x4a: {  	_ =	shalt  }
0x4b: {  	_ =	shalt  }
0x4c: {  	_ =	shalt  }
0x4d: {  	_ =	shalt  }
0x4e: {  	_ =	shalt  }
0x4f: {  	_ =	shalt  }
0x50: {  	_ =	shalt  }
0x51: {  	_ =	shalt  }
0x52: {  	_ =	shalt  }
0x53: {  	_ =	shalt  }
0x54: {  	_ =	shalt  }
0x55: {  	_ =	shalt  }
0x56: {  	_ =	shalt  }
0x57: {  	_ =	shalt  }
0x58: {  	_ =	shalt  }
0x59: {  	_ =	shalt  }
0x5a: {  	_ =	shalt  }
0x5b: {  	_ =	shalt  }
0x5c: {  	_ =	shalt  }
0x5d: {  	_ =	shalt  }
0x5e: {  	_ =	shalt  }
0x5f: {  	_ =	shalt  }
0x60: {  	_ =	shalt  }
0x61: {  	_ =	shalt  }
0x62: {  	_ =	shalt  }
0x63: {  	_ =	shalt  }
0x64: {  	_ =	shalt  }
0x65: {  	_ =	shalt  }
0x66: {  	_ =	shalt  }
0x67: {  	_ =	shalt  }
0x68: {  	_ =	shalt  }
0x69: {  	_ =	shalt  }
0x6a: {  	_ =	shalt  }
0x6b: {  	_ =	shalt  }
0x6c: {  	_ =	shalt  }
0x6d: {  	_ =	shalt  }
0x6e: {  	_ =	shalt  }
0x6f: {  	_ =	shalt  }
0x70: {  	_ =	shalt  }
0x71: {  	_ =	shalt  }
0x72: {  	_ =	shalt  }
0x73: {  	_ =	shalt  }
0x74: {  	_ =	shalt  }
0x75: {  	_ =	shalt  }
0x76: {  	_ =	shalt  }
0x77: {  	_ =	shalt  }
0x78: {  	_ =	shalt  }
0x79: {  	_ =	shalt  }
0x7a: {  	_ =	shalt  }
0x7b: {  	_ =	shalt  }
0x7c: {  	_ =	shalt  }
0x7d: {  	_ =	shalt  }
0x7e: {  	_ =	shalt  }
0x7f: {  	_ =	shalt  }
0x80: {  	_ =	shalt  }
0x81: {  	_ =	shalt  }
0x82: {  	_ =	shalt  }
0x83: {  	_ =	shalt  }
0x84: {  	_ =	shalt  }
0x85: {  	_ =	shalt  }
0x86: {  	_ =	shalt  }
0x87: {  	_ =	shalt  }
.Lfunc_end0:
.L_simem_size_0:
called_computation.1_lowered:
.L_overlay_start_0:
0x88: {  	s2 =	sld [smem:$0x3FD9]  }
0x89: {  	s3 =	sld [smem:$0x3FFE];
	_ =	sdelay $0x1  }
0x8a: {  	s1 =	srdreg.scid  }
0x8b: {  	s0 =	sand.u32 $0x1, s1  }
0x8c: {  	s16 =	sshll.u32 s0, $0xA;
	s2 =	sadd.s32 s3, s2  }
0x8d: {  	s2 =	sadd.s32 s2, s16  }
0x8e: {  	[smem:$0x3FC6] =	sst s2  }
0x8f: {  	_ = 	snop  }
0x90: {  	(tm) =	ssettm $0x1  }
0x91: {  	s17 =	sld [smem:$0x3FFB];
	_ =	sdelay $0x3  }
0x92: {  	_ =	strace s17  }
0x93: {  	s2 =	sld [smem:$0x3FFC];
	_ =	sdelay $0x3  }
0x94: {  	_ =	strace s2  }
0x95: {  	s2 =	sld [smem:$0x3FFD];
	_ =	sdelay $0x3  }
0x96: {  	_ =	strace s2  }
0x97: {  	_ =	strace $0x8FFFFFFF  }
0x98: {  	s18 =	sld [smem:$0x3FDB];
	_ =	sdelay $0x1  }
0x99: {  	s19 =	simm.s32 $_scs_section_size  }
0x9a: {  	s4 =	simm.s32 $_size__tile_overlayer_lowered;
	s5 =	simm.s32 $_tile_overlayer_lowered  }
0x9b: {  	s22 =	simm.s32 $0x1BFF;
	s21 =	sshll.u32 s5, $0x1;
	s2 =	sadd.s32 s19, s18  }
0x9c: {  	s6 =	simm.s32 $0x0;
	s20 =	sshll.u32 s4, $0x1;
	s4 =	sadd.s32 s21, s2  }
0x9d: {  	[timem:s6], [sflag:s22] =	dma.local [hbm:s4], s20  }
0x9e: {  	_ =	swait.ge [sflag:s22], s20  }
0x9f: {  	s3 =	ssub.s32 $0x0, s20;
	[sflag:s22] =	ssyncset.done $0x0  }
0xa0: {  	[sflag:s22] =	ssyncadd.s32 s3;
	_ =	sdelay $0x1  }
0xa1: {  	s23 =	simm.s32 $0x1B8B  }
0xa2: {  	_ =	swait.ge [sflag:s23], $0x1  }
0xa3: {  	[sflag:s23] =	ssyncset.done $0x0  }
0xa4: {  	s25 =	simm.s32 $0x1B8E;
	s24 =	sld [smem:$0x3FFE];
	[sflag:s23] =	ssyncadd.s32 $0xFFFFFFFF  }
0xa5: {  	s26 =	simm.s32 $execute0_lowered;
	[smem:$0x3FD2] =	sst s25  }
0xa6: {  	s4 =	sshll.u32 s26, $0x1;
	_ =	strace $0x80000049;
	[dreg:$0x1] =	wrdreg $0xFFFFFFFF  }
0xa7: {  	s28 =	simm.s32 $_size_execute0_lowered;
	s2 =	sadd.s32 s2, s4;
	[dreg:$0x0] =	wrdreg $0x0  }
0xa8: {  	s4 =	sshll.u32 s28, $0x1;
	[dreg:$0x2] =	wrdreg s2  }
0xa9: {  	[dreg:$0x3] =	wrdreg s4  }
0xaa: {  	[dreg:$0x4] =	wrdreg $0xC0  }
0xab: {  	_ =	task [dreg:s6], $0x5FFFF  }
0xac: {  	[dreg:$0x1] =	wrdreg $0xFFFFFFFF  }
0xad: {  	[dreg:$0x0] =	wrdreg $0x60  }
0xae: {  	[dreg:$0x2] =	wrdreg s24  }
0xaf: {  	[dreg:$0x3] =	wrdreg $0x9  }
0xb0: {  	_ =	task.clear_ibuf [dreg:s6], $0x4FFFF;
	_ =	strace $0x90000049  }
0xb1: {  	s29 =	simm.s32 $0x9;
	_ =	strace $0x8000004B  }
0xb2: {  	_ =	swait.ge [sflag:s29], $0x1  }
0xb3: {  	[sflag:s29] =	ssyncadd.s32 $0xFFFFFFFF  }
0xb4: {  	_ =	strace $0x9000004B  }
0xb5: {  	_ =	sfence  }
0xb6: {  	s30 =	sld [smem:$0x0];
	_ =	sdelay $0x2  }
0xb7: {  	s31 =	sshll.u32 s1, $0xD;
	s1 =	sshrl.u32 s1, $0x2  }
0xb8: {  	s3 =	sand.u32 $0x4000, s31;
	s1 =	sadd.s32 s1, s30  }
0xb9: {  	s0 =	sor.u32 s3, s0;
	s1 =	sshll.u32 s1, $0x11  }
0xba: {  	s0 =	sor.u32 s1, s0  }
0xbb: {  	s0 =	sadd.s32 $0x8F2B, s0  }
0xbc: {  	[sflag:s0] =	ssyncadd.remote.s32 $0x1  }
0xbd: {  	_ =	sfence.sel $0xFFFF  }
0xbe: {  	[dreg:$0x0] =	wrdreg $0xFFFFFFFF;
	(pc) =	sbr.abs _section_cstart, $3  }
0xbf: {  	[dreg:$0x1] =	wrdreg $0xFFFFFFFF  }
0xc0: {  	_ =	task.clear_ibuf [dreg:s6], $0x2FFFF;
	_ =	strace $0x9FFFFFFF  }
0xc1: {  	(tm) =	ssettm $0x7FFFFFFF  }
tec
execute0_lowered:
.L_overlay_start_1:
0x0: {  	(tag) =	ssettag $0x1  }
0x1: {  	s4 =	rddreg [dreg:$0x0]  }
0x2: {  	s0 =	rddreg [dreg:$0x1];
	s3 =	srdreg.scid  }
0x3: {  	s1 =	stileid.u32;
	s2 =	simm.s32 $0x0;
	s9 =	simm.s32 $0x8000  }
0x4: {  	s10 =	simm.s32 $0x8080;
	s11 =	simm.s32 $0x10080;
	s12 =	simm.s32 $0x80  }
0x5: {  	s13 =	simm.s32 $0x400;
	s5 =	sand.u32 $0x1, s3;
	s30 =	sshll.u32 s1, $0x1  }
0x6: {  	s14 =	simm.s32 $0x18080;
	s15 =	simm.s32 $0x18880;
	s6 =	sor.u32 s5, s30  }
0x7: {  	s16 =	simm.s32 $0x0;
	s7 =	sshll.u32 s1, $0x9;
	s8 =	sshll.u32 s6, $0x4  }
0x8: {  	[smem:$0x7FF] =	sst s2;
	s3 =	sadd.s32 $0x20600, s4;
	s7 =	sor.u32 s7, s8  }
0x9: {  	_ =	strace $0x8000004A;
	s5 =	ssub.s32 $0x2, s5;
	s7 =	sand.u32 $0x1870, s7  }
0xa: {  	s31 =	sshrl.u32 s5, $0x1;
	s6 =	sshll.u32 s6, $0xC;
	s7 =	sadd.s32 s7, s4  }
0xb: {  	v0 =	vimm.s32 $0x0;
	v2 =	vlaneseq.u32;
	s8 =	ssub.s32 s5, s31;
	s4 =	sadd.s32 s4, s6;
	s5 =	sadd.s32 $0x24600, s7  }
0xc: {  	v1 =	vimm.f32 $0.0e+00;
	v3 =	vimm.s32 $0x1;
	v2 =	vmul.u32 $0x800, v2;
	s6 =	sadd.s32 $0x26600, s7;
	s7 =	smax.u32 s8, $0x1;
	s8 =	simm.s32 $0x1  }
.LBB2_1:
0xd: {  	[tilespmem:s2], [sflag:$0x1] =	stream.linear.gather [hbm4b:s4+s2], $0x8000, $0x38;
	[tilespmem:$0x19080] =	vst v63  }
0xe: {  	_ =	swait.ge [sflag:s8], $0x8000  }
0xf: {  	[sflag:s8] =	ssyncset.done $0x0  }
0x10: {  	[sflag:s8] =	ssyncadd.s32 $0xFFFF8000  }
0x11: {  	[tilespmem:s9], [sflag:$0x1] =	stream.linear.gather [hbm4b:s3+s2], $0x80, $0x38;
	[tilespmem:$0x19080] =	vst v63  }
0x12: {  	_ =	swait.ge [sflag:s8], $0x80  }
0x13: {  	[sflag:s8] =	ssyncset.done $0x0  }
0x14: {  	s17 =	simm.s32 $0x40;
	s18 =	simm.s32 $0x0;
	[sflag:s8] =	ssyncadd.s32 $0xFFFFFF80  }
.LBB2_2:
0x15: {  	p0 =	sne.s32 s17, $0x1FFC0;
	[tilespmem:s18+$0x8080] =	vst v0;
	s19 =	smov.u32 s17;
	s17 =	sadd.s32 $0x40, s17  }
.Ltmp0:
0x16: {  	[tilespmem:s18+$0x10080] =	vst v1;
	(pc) =	sbr.rel @p0 .LBB2_2-.Ltmp0, $2  }
0x17: {  	_ =	sdelay $0x2  }
0x18: {  	s18 =	sshra.s32 s19, $0x2  }
0x19: {  	[tilespmem:s18+$0x8080] =	vst v0  }
0x1a: {  	[tilespmem:s18+$0x10080] =	vst v1  }
0x1b: {  	s17 =	simm.s32 $0x0;
	s18 =	simm.s32 $0x0;
	v4 =	vld [tilespmem:$0x8000]  }
.LBB2_4:
0x1c: {  	s19 =	sshll.u32 s18, $0x9;
	s20 =	sshll.u32 s18, $0x7  }
0x1d: {  	s19 =	sand.u32 $0x7000, s19;
	s20 =	sand.u32 $0x380, s20  }
0x1e: {  	s30 =	sand.u32 $0xC00, s17;
	s19 =	sor.u32 s20, s19  }
0x1f: {  	s21 =	sand.u32 $0x70, s17;
	s20 =	sadd.s32 s30, s19  }
0x20: {  	s20 =	sadd.s32 s21, s20  }
0x21: {  	v5 =	vld [tilespmem:s20+$0x0];
	_ =	sdelay $0x4  }
0x22: {  	v6 =	vand.u32 $0xFFE00000, v5;
	v7 =	vshrl.u32 v5, $0xA  }
0x23: {  	vm0 =	veq.s32 v6, v4;
	v6 =	vand.u32 $0x7FF, v7  }
0x24: {  	v6 =	vor.u32 v2, v6;
	_ =	sdelay $0x2  }
0x25: {  	s20 =	simm.s32 $0x80  }
0x26: {  	s31 =	simm.s32 $0x10;
	s23 =	sand.u32 $0xC00, s20  }
0x27: {  	s22 =	sand.u32 $0x70, s31;
	s21 =	simm.s32 $0x20;
	s23 =	sadd.s32 s23, s19;
	[tilespmem:v6+s10+$0x0] =	vst.idx.add.s32.msk vm0, v3  }
.LBB2_5:
0x28: {  	p0 =	sne.s32 s21, $0x1F0;
	s22 =	sadd.s32 s22, s23;
	[tilespmem:v6+s11+$0x0] =	vst.idx.add.f32.msk vm0, v5  }
0x29: {  	v5 =	vld [tilespmem:s22+$0x0];
	_ =	sdelay $0x4  }
0x2a: {  	v6 =	vand.u32 $0xFFE00000, v5;
	v7 =	vshrl.u32 v5, $0xA  }
0x2b: {  	vm0 =	veq.s32 v6, v4;
	v6 =	vand.u32 $0x7FF, v7  }
0x2c: {  	v6 =	vor.u32 v2, v6  }
.Ltmp1:
0x2d: {  	(pc) =	sbr.rel @p0 .LBB2_5-.Ltmp1, $4  }
0x2e: {  	_ = 	snop  }
0x2f: {  	s20 =	sadd.s32 $0x80, s20  }
0x30: {  	s23 =	sand.u32 $0xC00, s20  }
0x31: {  	s22 =	sand.u32 $0x70, s21;
	s21 =	sadd.s32 $0x10, s21;
	s23 =	sadd.s32 s23, s19;
	[tilespmem:v6+s10+$0x0] =	vst.idx.add.s32.msk vm0, v3  }
0x32: {  	_ =	sdelay $0x4  }
0x33: {  	s19 =	sadd.s32 s22, s23;
	[tilespmem:v6+s11+$0x0] =	vst.idx.add.f32.msk vm0, v5  }
0x34: {  	v5 =	vld [tilespmem:s19+$0x0];
	_ =	sdelay $0x4  }
0x35: {  	v6 =	vand.u32 $0xFFE00000, v5;
	v7 =	vshrl.u32 v5, $0xA  }
0x36: {  	vm15 =	veq.s32 v6, v4;
	v6 =	vand.u32 $0x7FF, v7  }
0x37: {  	s18 =	sadd.s32 $0x1, s18;
	v6 =	vor.u32 v2, v6  }
0x38: {  	p0 =	sne.s32 s18, $0x40  }
.Ltmp2:
0x39: {  	_ = 	snop;
	(pc) =	sbr.rel @p0 .LBB2_4-.Ltmp2, $3  }
0x3a: {  	_ =	sdelay $0x1  }
0x3b: {  	[tilespmem:v6+s10+$0x0] =	vst.idx.add.s32.msk vm15, v3  }
0x3c: {  	[tilespmem:v6+s11+$0x0] =	vst.idx.add.f32.msk vm15, v5  }
0x3d: {  	s17 =	simm.s32 $0x0  }
0x3e: {  	v4 =	vld [tilespmem:s17+$0x10080]  }
0x3f: {  	v5 =	vld [tilespmem:s17+$0x8080]  }
0x40: {  	v6 =	vld [tilespmem:s17+$0x10880]  }
0x41: {  	v7 =	vld [tilespmem:s17+$0x8880]  }
0x42: {  	v8 =	vld [tilespmem:s17+$0x11080]  }
0x43: {  	v9 =	vld [tilespmem:s17+$0x9080];
	v4 =	vadd.f32 $0.0e+00, v4  }
0x44: {  	v10 =	vld [tilespmem:s17+$0x11880]  }
0x45: {  	v11 =	vld [tilespmem:s17+$0x12080];
	v4 =	vadd.f32 v6, v4  }
0x46: {  	v12 =	vld [tilespmem:s17+$0x12880]  }
0x47: {  	v13 =	vld [tilespmem:s17+$0x13080];
	v4 =	vadd.f32 v8, v4  }
0x48: {  	v14 =	vld [tilespmem:s17+$0x13880]  }
0x49: {  	v60 =	vld [tilespmem:s17+$0xB880];
	v4 =	vadd.f32 v10, v4  }
0x4a: {  	v15 =	vld [tilespmem:s17+$0x14080]  }
0x4b: {  	v61 =	vld [tilespmem:s17+$0xC080];
	v4 =	vadd.f32 v11, v4  }
0x4c: {  	v16 =	vld [tilespmem:s17+$0x14880]  }
0x4d: {  	v62 =	vld [tilespmem:s17+$0xC880];
	v4 =	vadd.f32 v12, v4  }
0x4e: {  	v5 =	vadd.s32 v5, v7;
	v7 =	vld [tilespmem:s17+$0x15080]  }
0x4f: {  	v6 =	vld [tilespmem:s17+$0x9880];
	v4 =	vadd.f32 v13, v4  }
0x50: {  	v8 =	vld [tilespmem:s17+$0xA080]  }
0x51: {  	v10 =	vld [tilespmem:s17+$0xA880];
	v4 =	vadd.f32 v14, v4  }
0x52: {  	v11 =	vld [tilespmem:s17+$0xB080]  }
0x53: {  	v63 =	vld [tilespmem:s17+$0x16880];
	v5 =	vadd.s32 v9, v5;
	v4 =	vadd.f32 v15, v4  }
0x54: {  	v5 =	vadd.s32 v6, v5;
	v6 =	vld [tilespmem:s17+$0x15880]  }
0x55: {  	v9 =	vld [tilespmem:s17+$0xD080];
	v5 =	vadd.s32 v8, v5;
	v4 =	vadd.f32 v16, v4  }
0x56: {  	v5 =	vadd.s32 v10, v5;
	v10 =	vld [tilespmem:s17+$0x16080]  }
0x57: {  	v8 =	vld [tilespmem:s17+$0xD880];
	v5 =	vadd.s32 v11, v5;
	v4 =	vadd.f32 v7, v4  }
0x58: {  	v11 =	vld [tilespmem:s17+$0xE080];
	v5 =	vadd.s32 v60, v5  }
0x59: {  	v5 =	vadd.s32 v61, v5;
	v7 =	vadd.f32 v6, v4;
	v4 =	vld [tilespmem:s17+$0xE880]  }
0x5a: {  	v5 =	vadd.s32 v62, v5;
	v6 =	vld [tilespmem:s17+$0x17080]  }
0x5b: {  	v9 =	vadd.s32 v9, v5;
	v5 =	vld [tilespmem:s17+$0xF080];
	v10 =	vadd.f32 v10, v7  }
0x5c: {  	v8 =	vadd.s32 v8, v9;
	v7 =	vld [tilespmem:s17+$0x17880]  }
0x5d: {  	s19 =	simm.s32 $0x10;
	s18 =	simm.s32 $0x80;
	v9 =	vadd.s32 v11, v8;
	v8 =	vld [tilespmem:s17+$0xF880];
	v10 =	vadd.f32 v63, v10  }
.LBB2_8:
0x5e: {  	p0 =	sne.s32 s18, $0x1FC0;
	v11 =	vld [tilespmem:s19+$0x10080];
	v4 =	vadd.s32 v4, v9  }
0x5f: {  	v9 =	vld [tilespmem:s19+$0x8080];
	v6 =	vadd.f32 v6, v10  }
0x60: {  	v10 =	vld [tilespmem:s19+$0x10880];
	v4 =	vadd.s32 v5, v4  }
0x61: {  	v5 =	vld [tilespmem:s19+$0x8880];
	v6 =	vadd.f32 v7, v6  }
0x62: {  	v7 =	vld [tilespmem:s19+$0x11080];
	v4 =	vadd.s32 v8, v4  }
0x63: {  	v8 =	vadd.f32 $0.0e+00, v11;
	v11 =	vld [tilespmem:s19+$0x9080];
	[tilespmem:s17+$0x18880] =	vst v6  }
0x64: {  	v6 =	vld [tilespmem:s19+$0x11880];
	[tilespmem:s17+$0x18080] =	vst v4;
	s17 =	smov.u32 s19  }
0x65: {  	v4 =	vadd.f32 v10, v8;
	v8 =	vld [tilespmem:s17+$0x9880]  }
0x66: {  	v5 =	vadd.s32 v9, v5;
	v9 =	vld [tilespmem:s17+$0x12080]  }
0x67: {  	v4 =	vadd.f32 v7, v4;
	v7 =	vld [tilespmem:s17+$0xA080]  }
0x68: {  	v5 =	vadd.s32 v11, v5;
	v10 =	vld [tilespmem:s17+$0x12880]  }
0x69: {  	v4 =	vadd.f32 v6, v4;
	v6 =	vld [tilespmem:s17+$0xA880]  }
0x6a: {  	v5 =	vadd.s32 v8, v5;
	v8 =	vld [tilespmem:s17+$0x13080]  }
0x6b: {  	v4 =	vadd.f32 v9, v4;
	v9 =	vld [tilespmem:s17+$0xB080]  }
0x6c: {  	v5 =	vadd.s32 v7, v5;
	v7 =	vld [tilespmem:s17+$0x13880]  }
0x6d: {  	v4 =	vadd.f32 v10, v4;
	v10 =	vld [tilespmem:s17+$0xB880]  }
0x6e: {  	v5 =	vadd.s32 v6, v5;
	v6 =	vld [tilespmem:s17+$0x14080]  }
0x6f: {  	v4 =	vadd.f32 v8, v4;
	v8 =	vld [tilespmem:s17+$0xC080]  }
0x70: {  	v5 =	vadd.s32 v9, v5;
	v9 =	vld [tilespmem:s17+$0x14880]  }
0x71: {  	v4 =	vadd.f32 v7, v4;
	v7 =	vld [tilespmem:s17+$0xC880]  }
0x72: {  	v5 =	vadd.s32 v10, v5;
	v10 =	vld [tilespmem:s17+$0x15080]  }
0x73: {  	v4 =	vadd.f32 v6, v4;
	v6 =	vld [tilespmem:s17+$0xD080]  }
0x74: {  	v5 =	vadd.s32 v8, v5;
	v8 =	vld [tilespmem:s17+$0x15880]  }
0x75: {  	v4 =	vadd.f32 v9, v4;
	v9 =	vld [tilespmem:s17+$0xD880]  }
0x76: {  	v5 =	vadd.s32 v7, v5;
	v7 =	vld [tilespmem:s17+$0x16080]  }
0x77: {  	v4 =	vadd.f32 v10, v4;
	v10 =	vld [tilespmem:s17+$0xE080]  }
0x78: {  	v5 =	vadd.s32 v6, v5;
	v11 =	vld [tilespmem:s17+$0x16880]  }
.Ltmp3:
0x79: {  	v8 =	vadd.f32 v8, v4;
	v4 =	vld [tilespmem:s17+$0xE880];
	(pc) =	sbr.rel @p0 .LBB2_8-.Ltmp3, $4  }
0x7a: {  	v9 =	vadd.s32 v9, v5;
	v6 =	vld [tilespmem:s17+$0x17080]  }
0x7b: {  	v8 =	vadd.f32 v7, v8;
	v5 =	vld [tilespmem:s17+$0xF080]  }
0x7c: {  	v9 =	vadd.s32 v10, v9;
	v7 =	vld [tilespmem:s17+$0x17880]  }
0x7d: {  	s19 =	sshra.s32 s18, $0x2;
	s18 =	sadd.s32 $0x40, s18;
	v10 =	vadd.f32 v11, v8;
	v8 =	vld [tilespmem:s17+$0xF880]  }
0x7e: {  	v11 =	vld [tilespmem:s19+$0x10080]  }
0x7f: {  	v12 =	vld [tilespmem:s19+$0x8080];
	v6 =	vadd.f32 v6, v10  }
0x80: {  	v44 =	vld [tilespmem:s19+$0x10880]  }
0x81: {  	v13 =	vld [tilespmem:s19+$0x8880];
	v4 =	vadd.s32 v4, v9;
	v6 =	vadd.f32 v7, v6  }
0x82: {  	v45 =	vld [tilespmem:s19+$0x11080];
	v4 =	vadd.s32 v5, v4  }
0x83: {  	v46 =	vld [tilespmem:s19+$0x9080];
	v4 =	vadd.s32 v8, v4;
	v5 =	vadd.f32 $0.0e+00, v11;
	[tilespmem:s17+$0x18880] =	vst v6  }
0x84: {  	v6 =	vld [tilespmem:s19+$0x11880];
	[tilespmem:s17+$0x18080] =	vst v4  }
0x85: {  	v4 =	vadd.f32 v44, v5;
	v5 =	vld [tilespmem:s19+$0x12080]  }
0x86: {  	v47 =	vld [tilespmem:s19+$0x9880]  }
0x87: {  	v48 =	vld [tilespmem:s19+$0x12880]  }
0x88: {  	v49 =	vld [tilespmem:s19+$0xA080];
	v4 =	vadd.f32 v45, v4  }
0x89: {  	v50 =	vld [tilespmem:s19+$0x13080]  }
0x8a: {  	v51 =	vld [tilespmem:s19+$0xA880];
	v4 =	vadd.f32 v6, v4  }
0x8b: {  	v14 =	vld [tilespmem:s19+$0xB080]  }
0x8c: {  	v52 =	vld [tilespmem:s19+$0x14080];
	v4 =	vadd.f32 v5, v4  }
0x8d: {  	v5 =	vld [tilespmem:s19+$0x13880]  }
0x8e: {  	v15 =	vld [tilespmem:s19+$0xB880];
	v4 =	vadd.f32 v48, v4  }
0x8f: {  	v53 =	vld [tilespmem:s19+$0x14880]  }
0x90: {  	v16 =	vld [tilespmem:s19+$0xC080];
	v4 =	vadd.f32 v50, v4  }
0x91: {  	v17 =	vld [tilespmem:s19+$0xC880]  }
0x92: {  	v54 =	vld [tilespmem:s19+$0x15880];
	v4 =	vadd.f32 v5, v4  }
0x93: {  	v5 =	vld [tilespmem:s19+$0x15080]  }
0x94: {  	v12 =	vadd.s32 v12, v13;
	v55 =	vld [tilespmem:s19+$0xD080];
	v4 =	vadd.f32 v52, v4  }
0x95: {  	v9 =	vadd.s32 v46, v12;
	v56 =	vld [tilespmem:s19+$0x16080]  }
0x96: {  	v57 =	vld [tilespmem:s19+$0x16880];
	v8 =	vadd.s32 v47, v9;
	v4 =	vadd.f32 v53, v4  }
0x97: {  	v58 =	vld [tilespmem:s19+$0xE080];
	v8 =	vadd.s32 v49, v8  }
0x98: {  	v59 =	vld [tilespmem:s19+$0x17080];
	v8 =	vadd.s32 v51, v8;
	v4 =	vadd.f32 v5, v4  }
0x99: {  	v8 =	vadd.s32 v14, v8;
	v5 =	vld [tilespmem:s19+$0xD880]  }
0x9a: {  	v60 =	vld [tilespmem:s19+$0xE880];
	v8 =	vadd.s32 v15, v8;
	v4 =	vadd.f32 v54, v4  }
0x9b: {  	v61 =	vld [tilespmem:s19+$0x17880];
	v8 =	vadd.s32 v16, v8  }
0x9c: {  	v62 =	vld [tilespmem:s19+$0xF080];
	v8 =	vadd.s32 v17, v8;
	v4 =	vadd.f32 v56, v4  }
0x9d: {  	v63 =	vld [tilespmem:s19+$0xF880];
	v6 =	vadd.s32 v55, v8  }
0x9e: {  	v5 =	vadd.s32 v5, v6;
	v4 =	vadd.f32 v57, v4  }
0x9f: {  	v5 =	vadd.s32 v58, v5  }
0xa0: {  	v5 =	vadd.s32 v60, v5;
	v4 =	vadd.f32 v59, v4  }
0xa1: {  	v5 =	vadd.s32 v62, v5  }
0xa2: {  	v5 =	vadd.s32 v63, v5;
	v4 =	vadd.f32 v61, v4  }
0xa3: {  	[tilespmem:s19+$0x18080] =	vst v5  }
0xa4: {  	[tilespmem:s19+$0x18880] =	vst v4  }
0xa5: {  	[hbm4b:s5+s12] =	stream.strided.scatter [tilespmem:s14], [sflag:$0x1], $0x800, s13, s12, $0x38;
	[tilespmem:$0x19080] =	vst v63  }
0xa6: {  	s16 =	sadd.s32 $0x1, s16;
	_ =	swait.ge [sflag:s8], $0x800  }
0xa7: {  	p0 =	sne.s32 s16, s7;
	[sflag:s8] =	ssyncset.done $0x0  }
.Ltmp4:
0xa8: {  	[sflag:s8] =	ssyncadd.s32 $0xFFFFF800;
	(pc) =	sbr.rel @p0 .LBB2_1-.Ltmp4, $4  }
0xa9: {  	[hbm4b:s6+s12] =	stream.strided.scatter [tilespmem:s15], [sflag:$0x1], $0x800, s13, s12, $0x38;
	[tilespmem:$0x19080] =	vst v63  }
0xaa: {  	_ =	swait.ge [sflag:s8], $0x800  }
0xab: {  	[sflag:s8] =	ssyncset.done $0x0  }
0xac: {  	[sflag:s8] =	ssyncadd.s32 $0xFFFFF800  }
0xad: {  	_ =	sfence.sel $0x180000  }
0xae: {  	[bflag:$0x0] =	sbarrier.arrive $0xFFFF  }
0xaf: {  	p0 =	sne.s32 s1, $0x0;
	_ =	strace $0x9000004A  }
0xb0: {  	s0 =	sadd.s32 @!p0 $0x100000, s0;
	[bflag:$0x2] =	sbarrier.arrive $0xFFFF  }
0xb1: {  	[sflag:s0] =	ssyncadd.tile.s32 @!p0 $0x1;
	_ =	shalt  }
.Lfunc_end2:
_tile_overlayer_lowered:
.L_overlay_start_2:
0xb2: {  	(tag) =	ssettag $0x2  }
0xb3: {  	s0 =	rddreg [dreg:$0x0];
	s2 =	stileid.u32  }
0xb4: {  	s1 =	rddreg [dreg:$0x1];
	p0 =	sne.s32 s2, $0x0  }
0xb5: {  	s3 =	rddreg [dreg:$0x2];
	[bflag:$0x3] =	sbarrier.arrive $0xFFFF;
	s2 =	simm.s32 @!p0 $0x1C01  }
0xb6: {  	[timem:s3], [sflag:s2] =	dma.local @!p0 [hbm:s0], s1  }
0xb7: {  	s0 =	simm.s32 @!p0 $0x1  }
0xb8: {  	_ =	swait.ge @!p0 [sflag:s0], s1  }
0xb9: {  	s1 =	ssub.s32 @!p0 $0x0, s1;
	[sflag:s0] =	ssyncset.done @!p0 $0x0  }
0xba: {  	[sflag:s0] =	ssyncadd.s32 @!p0 s1  }
0xbb: {  	[bflag:$0x3] =	sbarrier.arrive $0xFFFF  }
0xbc: {  	_ =	shalt  }

// kernel: kernel.4.cloned.1.call-start
scs
__scs_entry_jumppad:
0x0: {  	(pc) =	sbr.rel $0x88, $3  }
0x1: {  	(tag) =	ssettag $0x0;
	lr =	simm.s32 $0x1  }
0x2: {  	[smem:$0x3F9F] =	sst lr;
	_ =	strace $0xD0000000  }
0x3: {  	_ = 	snop  }
0x4: {  	_ = 	snop  }
0x5: {  	_ = 	snop  }
0x6: {  	_ = 	snop  }
0x7: {  	_ = 	snop  }
__scs_overlays_trampoline_lowered:
0x8: {  	[smem:$0x3FAE] =	sst s0  }
0x9: {  	[smem:$0x3FAF] =	sst s1  }
0xa: {  	[smem:$0x3FB0] =	sst s2  }
0xb: {  	[smem:$0x3FB1] =	sst s3  }
0xc: {  	[smem:$0x3FB2] =	sst s4  }
0xd: {  	[smem:$0x3FB3] =	sst s5  }
0xe: {  	[smem:$0x3FB4] =	sst s6  }
0xf: {  	[smem:$0x3FB5] =	sst s7  }
0x10: {  	[smem:$0x3FB6] =	sst s8  }
0x11: {  	[smem:$0x3FB7] =	sst s9;
	s0 =	simm.s32 @!p0 $0x0  }
0x12: {  	s1 =	sld [smem:$0x3F9D];
	s0 =	simm.s32 @p0 $0x1  }
0x13: {  	[smem:$0x3FB8] =	sst s0;
	s0 =	simm.s32 @!p1 $0x0  }
0x14: {  	s2 =	sld [smem:$0x3F9C];
	s0 =	simm.s32 @p1 $0x1  }
0x15: {  	[smem:$0x3FB9] =	sst s0;
	s0 =	simm.s32 @!p2 $0x0  }
0x16: {  	s3 =	sld [smem:$0x3FDB];
	s0 =	simm.s32 @p2 $0x1  }
0x17: {  	s4 =	simm.s32 $0x1BF5;
	[smem:$0x3FBB] =	sst s0  }
0x18: {  	s0 =	sld [smem:$0x3F9E];
	_ =	swait.ge [sflag:s4], $0x0  }
0x19: {  	s7 =	sld [smem:$0x3F9F]  }
0x1a: {  	s8 =	sadd.s32 $0xFFFFE003, lr  }
0x1b: {  	s9 =	sadd.s32 $0xFFFFFEF7, lr;
	s5 =	simm.s32 $0xFFFFFFFF;
	p2 =	slt.u32 s8, $0xFFFFF086  }
0x1c: {  	p1 =	slt.u32 s9, $0xF7A;
	s5 =	simm.s32 @!p2 $0x0  }
0x1d: {  	s5 =	simm.s32 @p1 $0x1;
	p0 =	seq.s32 s7, s2  }
0x1e: {  	s7 =	smul.u32 @!p0 $0xF7A, s2;
	p2 =	seq.s32 @!p0 s5, $0x0  }
0x1f: {  	s9 =	smul.u32 $0xF7A, s1;
	s8 =	simm.s32 @!p0 $0x1BF5;
	p2 =	por !p2, p0  }
0x20: {  	[sflag:s8] =	ssyncset.s32 @!p0 $0xFFFFF086;
	s6 =	sadd.s32 @!p0 s3, s7;
	s7 =	simm.s32 @!p0 $0x108  }
0x21: {  	s3 =	sadd.s32 s3, s9;
	s6 =	sadd.s32 @!p0 $0x88, s6;
	s7 =	simm.s32 @p2 $0x1082  }
0x22: {  	[simem:s7], [sflag:s8] =	dma.local @!p0 [hbm:s6], $0xF7A  }
0x23: {  	s9 =	sor.u32 $0xD0000000, s2;
	s6 =	simm.s32 $0x108;
	_ =	swait.ge @!p0 [sflag:s8], $0x0  }
0x24: {  	s3 =	sadd.s32 $0x88, s3;
	s6 =	simm.s32 @!p1 $0x1082;
	[sflag:s4] =	ssyncset.s32 $0xFFFFF086  }
0x25: {  	[simem:s6], [sflag:s4] =	dma.local [hbm:s3], $0xF7A  }
0x26: {  	[smem:$0x3F9F] =	sst s1;
	(tag) =	ssettag s2;
	_ =	strace s9  }
0x27: {  	s1 =	sld [smem:$0x3FAF]  }
0x28: {  	s2 =	sld [smem:$0x3FB0]  }
0x29: {  	s4 =	sld [smem:$0x3FB2]  }
0x2a: {  	p0 =	seq.s32 s5, $0x0;
	s5 =	sld [smem:$0x3FB3]  }
0x2b: {  	s6 =	sld [smem:$0x3FB4]  }
0x2c: {  	s7 =	sld [smem:$0x3FB5]  }
0x2d: {  	s3 =	simm.s32 $0x108;
	s8 =	sld [smem:$0x3FB6]  }
0x2e: {  	s3 =	simm.s32 @!p0 $0x1082;
	s9 =	sld [smem:$0x3FB7]  }
0x2f: {  	lr =	sadd.s32 s0, s3;
	s0 =	sld [smem:$0x3FAE]  }
0x30: {  	s3 =	sld [smem:$0x3FB1]  }
0x31: {  	[smem:$0x3FBA] =	sst s10  }
0x32: {  	s10 =	sld [smem:$0x3FB8];
	_ =	sdelay $0x3  }
0x33: {  	p0 =	seq.s32 s10, $0x1;
	s10 =	sld [smem:$0x3FBA];
	_ =	sdelay $0x3  }
0x34: {  	[smem:$0x3FBA] =	sst s10  }
0x35: {  	s10 =	sld [smem:$0x3FB9];
	_ =	sdelay $0x3  }
0x36: {  	p1 =	seq.s32 s10, $0x1;
	s10 =	sld [smem:$0x3FBA];
	_ =	sdelay $0x3  }
0x37: {  	[smem:$0x3FBA] =	sst s10  }
0x38: {  	s10 =	sld [smem:$0x3FBB]  }
0x39: {  	_ = 	snop;
	(pc) =	sbr.ind lr, $3  }
0x3a: {  	_ = 	snop  }
0x3b: {  	_ = 	snop  }
0x3c: {  	p2 =	seq.s32 s10, $0x1;
	s10 =	sld [smem:$0x3FBA]  }
0x3d: {  	_ =	shalt  }
0x3e: {  	_ =	shalt  }
0x3f: {  	_ =	shalt  }
0x40: {  	_ =	shalt  }
0x41: {  	_ =	shalt  }
0x42: {  	_ =	shalt  }
0x43: {  	_ =	shalt  }
0x44: {  	_ =	shalt  }
0x45: {  	_ =	shalt  }
0x46: {  	_ =	shalt  }
0x47: {  	_ =	shalt  }
0x48: {  	_ =	shalt  }
0x49: {  	_ =	shalt  }
0x4a: {  	_ =	shalt  }
0x4b: {  	_ =	shalt  }
0x4c: {  	_ =	shalt  }
0x4d: {  	_ =	shalt  }
0x4e: {  	_ =	shalt  }
0x4f: {  	_ =	shalt  }
0x50: {  	_ =	shalt  }
0x51: {  	_ =	shalt  }
0x52: {  	_ =	shalt  }
0x53: {  	_ =	shalt  }
0x54: {  	_ =	shalt  }
0x55: {  	_ =	shalt  }
0x56: {  	_ =	shalt  }
0x57: {  	_ =	shalt  }
0x58: {  	_ =	shalt  }
0x59: {  	_ =	shalt  }
0x5a: {  	_ =	shalt  }
0x5b: {  	_ =	shalt  }
0x5c: {  	_ =	shalt  }
0x5d: {  	_ =	shalt  }
0x5e: {  	_ =	shalt  }
0x5f: {  	_ =	shalt  }
0x60: {  	_ =	shalt  }
0x61: {  	_ =	shalt  }
0x62: {  	_ =	shalt  }
0x63: {  	_ =	shalt  }
0x64: {  	_ =	shalt  }
0x65: {  	_ =	shalt  }
0x66: {  	_ =	shalt  }
0x67: {  	_ =	shalt  }
0x68: {  	_ =	shalt  }
0x69: {  	_ =	shalt  }
0x6a: {  	_ =	shalt  }
0x6b: {  	_ =	shalt  }
0x6c: {  	_ =	shalt  }
0x6d: {  	_ =	shalt  }
0x6e: {  	_ =	shalt  }
0x6f: {  	_ =	shalt  }
0x70: {  	_ =	shalt  }
0x71: {  	_ =	shalt  }
0x72: {  	_ =	shalt  }
0x73: {  	_ =	shalt  }
0x74: {  	_ =	shalt  }
0x75: {  	_ =	shalt  }
0x76: {  	_ =	shalt  }
0x77: {  	_ =	shalt  }
0x78: {  	_ =	shalt  }
0x79: {  	_ =	shalt  }
0x7a: {  	_ =	shalt  }
0x7b: {  	_ =	shalt  }
0x7c: {  	_ =	shalt  }
0x7d: {  	_ =	shalt  }
0x7e: {  	_ =	shalt  }
0x7f: {  	_ =	shalt  }
0x80: {  	_ =	shalt  }
0x81: {  	_ =	shalt  }
0x82: {  	_ =	shalt  }
0x83: {  	_ =	shalt  }
0x84: {  	_ =	shalt  }
0x85: {  	_ =	shalt  }
0x86: {  	_ =	shalt  }
0x87: {  	_ =	shalt  }
.Lfunc_end0:
.L_simem_size_0:
called_computation.3_lowered:
.L_overlay_start_0:
0x88: {  	s2 =	sld [smem:$0x3FD9]  }
0x89: {  	s3 =	sld [smem:$0x3FFE];
	_ =	sdelay $0x1  }
0x8a: {  	s1 =	srdreg.scid  }
0x8b: {  	s0 =	sand.u32 $0x1, s1  }
0x8c: {  	s16 =	sshll.u32 s0, $0xA;
	s2 =	sadd.s32 s3, s2  }
0x8d: {  	s2 =	sadd.s32 s2, s16  }
0x8e: {  	[smem:$0x3FC6] =	sst s2  }
0x8f: {  	_ = 	snop  }
0x90: {  	(tm) =	ssettm $0x1  }
0x91: {  	s17 =	sld [smem:$0x3FFB];
	_ =	sdelay $0x3  }
0x92: {  	_ =	strace s17  }
0x93: {  	s2 =	sld [smem:$0x3FFC];
	_ =	sdelay $0x3  }
0x94: {  	_ =	strace s2  }
0x95: {  	s2 =	sld [smem:$0x3FFD];
	_ =	sdelay $0x3  }
0x96: {  	_ =	strace s2  }
0x97: {  	_ =	strace $0x8FFFFFFF  }
0x98: {  	s18 =	sld [smem:$0x3FDB];
	_ =	sdelay $0x1  }
0x99: {  	s19 =	simm.s32 $_scs_section_size  }
0x9a: {  	s4 =	simm.s32 $_size__tile_overlayer_lowered;
	s5 =	simm.s32 $_tile_overlayer_lowered  }
0x9b: {  	s22 =	simm.s32 $0x1BFF;
	s21 =	sshll.u32 s5, $0x1;
	s2 =	sadd.s32 s19, s18  }
0x9c: {  	s6 =	simm.s32 $0x0;
	s20 =	sshll.u32 s4, $0x1;
	s4 =	sadd.s32 s21, s2  }
0x9d: {  	[timem:s6], [sflag:s22] =	dma.local [hbm:s4], s20  }
0x9e: {  	_ =	swait.ge [sflag:s22], s20  }
0x9f: {  	s3 =	ssub.s32 $0x0, s20;
	[sflag:s22] =	ssyncset.done $0x0  }
0xa0: {  	[sflag:s22] =	ssyncadd.s32 s3;
	_ =	sdelay $0x1  }
0xa1: {  	s23 =	simm.s32 $0x1B8B  }
0xa2: {  	_ =	swait.ge [sflag:s23], $0x1  }
0xa3: {  	[sflag:s23] =	ssyncset.done $0x0  }
0xa4: {  	s25 =	simm.s32 $0x1B8E;
	s24 =	sld [smem:$0x3FFE];
	[sflag:s23] =	ssyncadd.s32 $0xFFFFFFFF  }
0xa5: {  	s26 =	simm.s32 $execute0_lowered;
	[smem:$0x3FD2] =	sst s25  }
0xa6: {  	s4 =	sshll.u32 s26, $0x1;
	_ =	strace $0x8000004F;
	[dreg:$0x1] =	wrdreg $0xFFFFFFFF  }
0xa7: {  	s28 =	simm.s32 $_size_execute0_lowered;
	s2 =	sadd.s32 s2, s4;
	[dreg:$0x0] =	wrdreg $0x0  }
0xa8: {  	s4 =	sshll.u32 s28, $0x1;
	[dreg:$0x2] =	wrdreg s2  }
0xa9: {  	[dreg:$0x3] =	wrdreg s4  }
0xaa: {  	[dreg:$0x4] =	wrdreg $0xC0  }
0xab: {  	_ =	task [dreg:s6], $0x5FFFF  }
0xac: {  	[dreg:$0x1] =	wrdreg $0xFFFFFFFF  }
0xad: {  	[dreg:$0x0] =	wrdreg $0x60  }
0xae: {  	[dreg:$0x2] =	wrdreg s24  }
0xaf: {  	[dreg:$0x3] =	wrdreg $0x9  }
0xb0: {  	_ =	task.clear_ibuf [dreg:s6], $0x4FFFF;
	_ =	strace $0x9000004F  }
0xb1: {  	s29 =	simm.s32 $0x9;
	_ =	strace $0x80000051  }
0xb2: {  	_ =	swait.ge [sflag:s29], $0x1  }
0xb3: {  	[sflag:s29] =	ssyncadd.s32 $0xFFFFFFFF  }
0xb4: {  	_ =	strace $0x90000051  }
0xb5: {  	_ =	sfence  }
0xb6: {  	s30 =	sld [smem:$0x0];
	_ =	sdelay $0x2  }
0xb7: {  	s31 =	sshll.u32 s1, $0xD;
	s1 =	sshrl.u32 s1, $0x2  }
0xb8: {  	s3 =	sand.u32 $0x4000, s31;
	s1 =	sadd.s32 s1, s30  }
0xb9: {  	s0 =	sor.u32 s3, s0;
	s1 =	sshll.u32 s1, $0x11  }
0xba: {  	s0 =	sor.u32 s1, s0  }
0xbb: {  	s0 =	sadd.s32 $0x8F2B, s0  }
0xbc: {  	[sflag:s0] =	ssyncadd.remote.s32 $0x1  }
0xbd: {  	_ =	sfence.sel $0xFFFF  }
0xbe: {  	[dreg:$0x0] =	wrdreg $0xFFFFFFFF;
	(pc) =	sbr.abs _section_cstart, $3  }
0xbf: {  	[dreg:$0x1] =	wrdreg $0xFFFFFFFF  }
0xc0: {  	_ =	task.clear_ibuf [dreg:s6], $0x2FFFF;
	_ =	strace $0x9FFFFFFF  }
0xc1: {  	(tm) =	ssettm $0x7FFFFFFF  }
tec
execute0_lowered:
.L_overlay_start_1:
0x0: {  	(tag) =	ssettag $0x1  }
0x1: {  	s3 =	rddreg [dreg:$0x0]  }
0x2: {  	s0 =	rddreg [dreg:$0x1];
	s2 =	simm.s32 $0x0;
	s4 =	srdreg.scid  }
0x3: {  	s1 =	stileid.u32;
	s10 =	simm.s32 $0x2000;
	s11 =	simm.s32 $0x4000  }
0x4: {  	s12 =	simm.s32 $0x6000;
	s13 =	simm.s32 $0x1;
	s14 =	simm.s32 $0x2  }
0x5: {  	s15 =	simm.s32 $0x3;
	s16 =	simm.s32 $0x4;
	s17 =	simm.s32 $0x8000  }
0x6: {  	s18 =	simm.s32 $0x5;
	s19 =	simm.s32 $0x8080;
	s20 =	simm.s32 $0x0  }
0x7: {  	[smem:$0x7FF] =	sst s2;
	s4 =	sand.u32 $0x1, s4;
	s5 =	sshll.u32 s1, $0x1  }
0x8: {  	_ =	strace $0x80000050;
	s5 =	sor.u32 s4, s5;
	s4 =	ssub.s32 $0x2, s4  }
0x9: {  	s6 =	sshll.u32 s5, $0x4;
	s5 =	sshll.u32 s5, $0xC;
	s31 =	sshrl.u32 s4, $0x1  }
0xa: {  	s8 =	sadd.s32 s6, s3;
	s3 =	sadd.s32 s3, s5;
	s9 =	ssub.s32 s4, s31  }
0xb: {  	s4 =	sadd.s32 $0x400, s3;
	s5 =	sadd.s32 $0x800, s3;
	s6 =	sadd.s32 $0xC00, s3  }
0xc: {  	v0 =	vimm.f32 $0.0e+00;
	s7 =	sadd.s32 $0x20200, s8;
	s8 =	sadd.s32 $0x20000, s8;
	s9 =	smax.u32 s9, $0x1  }
.LBB2_1:
0xd: {  	[tilespmem:s2], [sflag:$0x1] =	stream.linear.gather [hbm4b:s3+s2], $0x2000, $0x38;
	[tilespmem:$0x8100] =	vst v63  }
0xe: {  	_ = 	snop  }
0xf: {  	[tilespmem:s10], [sflag:$0x2] =	stream.linear.gather [hbm4b:s4+s2], $0x2000, $0x38;
	[tilespmem:$0x8100] =	vst v63  }
0x10: {  	_ = 	snop  }
0x11: {  	[tilespmem:s11], [sflag:$0x3] =	stream.linear.gather [hbm4b:s5+s2], $0x2000, $0x38;
	[tilespmem:$0x8100] =	vst v63  }
0x12: {  	_ = 	snop  }
0x13: {  	[tilespmem:s12], [sflag:$0x4] =	stream.linear.gather [hbm4b:s6+s2], $0x2000, $0x38;
	[tilespmem:$0x8100] =	vst v63  }
0x14: {  	_ =	swait.ge [sflag:s13], $0x2000  }
0x15: {  	s21 =	sand.u32 $0x1000, s2;
	s22 =	sand.u32 $0x380, s2;
	[sflag:s13] =	ssyncset.done $0x0  }
0x16: {  	s23 =	sor.u32 s22, s21;
	[sflag:s13] =	ssyncadd.s32 $0xFFFFE000  }
0x17: {  	v1 =	vld [tilespmem:s23+$0x0];
	_ =	sdelay $0x1  }
0x18: {  	v2 =	vld [tilespmem:s23+$0x10];
	_ =	sdelay $0x1  }
0x19: {  	v3 =	vld [tilespmem:s23+$0x20]  }
0x1a: {  	vm0 =	vgt.f32 v1, $3.566749390e-01  }
0x1b: {  	v4 =	vld [tilespmem:s23+$0x30];
	v1 =	vnsel vm0, $0x0, v1  }
0x1c: {  	vm12 =	vgt.f32 v2, $3.566749390e-01;
	v5 =	vsel vm0, $0x3F800000, v0;
	v1 =	vadd.f32 v1, v0  }
0x1d: {  	v6 =	vld [tilespmem:s23+$0x40];
	v2 =	vnsel vm12, $0x0, v2;
	v5 =	vadd.f32 v5, v0  }
0x1e: {  	vm13 =	vgt.f32 v3, $3.566749390e-01;
	v7 =	vsel vm12, $0x3F800000, v0;
	v1 =	vadd.f32 v2, v1  }
0x1f: {  	v3 =	vnsel vm13, $0x0, v3;
	v2 =	vadd.f32 v7, v5;
	v5 =	vld [tilespmem:s23+$0x50]  }
0x20: {  	vm14 =	vgt.f32 v4, $3.566749390e-01;
	v7 =	vsel vm13, $0x3F800000, v0;
	v1 =	vadd.f32 v3, v1  }
0x21: {  	v2 =	vadd.f32 v7, v2;
	v3 =	vnsel vm14, $0x0, v4;
	v4 =	vld [tilespmem:s23+$0x60]  }
0x22: {  	vm15 =	vgt.f32 v6, $3.566749390e-01;
	v7 =	vsel vm14, $0x3F800000, v0;
	v1 =	vadd.f32 v3, v1  }
0x23: {  	v2 =	vadd.f32 v7, v2;
	v3 =	vnsel vm15, $0x0, v6;
	v6 =	vld [tilespmem:s23+$0x70]  }
0x24: {  	v7 =	vsel vm15, $0x3F800000, v0;
	vm4 =	vgt.f32 v5, $3.566749390e-01;
	v1 =	vadd.f32 v3, v1  }
0x25: {  	v2 =	vadd.f32 v7, v2;
	v3 =	vnsel vm4, $0x0, v5;
	v5 =	vld [tilespmem:s23+$0x400]  }
0x26: {  	v7 =	vsel vm4, $0x3F800000, v0;
	vm5 =	vgt.f32 v4, $3.566749390e-01;
	v1 =	vadd.f32 v3, v1  }
0x27: {  	v2 =	vadd.f32 v7, v2;
	v3 =	vnsel vm5, $0x0, v4;
	v4 =	vld [tilespmem:s23+$0x410]  }
0x28: {  	v7 =	vsel vm5, $0x3F800000, v0;
	vm6 =	vgt.f32 v6, $3.566749390e-01;
	v1 =	vadd.f32 v3, v1  }
0x29: {  	v2 =	vadd.f32 v7, v2;
	v3 =	vnsel vm6, $0x0, v6;
	v6 =	vld [tilespmem:s23+$0x420]  }
0x2a: {  	v7 =	vsel vm6, $0x3F800000, v0;
	vm7 =	vgt.f32 v5, $3.566749390e-01;
	v1 =	vadd.f32 v3, v1  }
0x2b: {  	v2 =	vadd.f32 v7, v2;
	v3 =	vnsel vm7, $0x0, v5;
	v5 =	vld [tilespmem:s23+$0x430]  }
0x2c: {  	v7 =	vsel vm7, $0x3F800000, v0;
	vm8 =	vgt.f32 v4, $3.566749390e-01;
	v1 =	vadd.f32 v3, v1  }
0x2d: {  	v2 =	vadd.f32 v7, v2;
	v3 =	vnsel vm8, $0x0, v4;
	v4 =	vld [tilespmem:s23+$0x440]  }
0x2e: {  	v7 =	vsel vm8, $0x3F800000, v0;
	vm9 =	vgt.f32 v6, $3.566749390e-01;
	v1 =	vadd.f32 v3, v1  }
0x2f: {  	v2 =	vadd.f32 v7, v2;
	v3 =	vnsel vm9, $0x0, v6;
	v6 =	vld [tilespmem:s23+$0x450]  }
0x30: {  	v7 =	vsel vm9, $0x3F800000, v0;
	vm10 =	vgt.f32 v5, $3.566749390e-01;
	v1 =	vadd.f32 v3, v1  }
0x31: {  	v2 =	vadd.f32 v7, v2;
	v3 =	vnsel vm10, $0x0, v5;
	v5 =	vld [tilespmem:s23+$0x460]  }
0x32: {  	v7 =	vsel vm10, $0x3F800000, v0;
	vm11 =	vgt.f32 v4, $3.566749390e-01;
	v1 =	vadd.f32 v3, v1  }
0x33: {  	v2 =	vadd.f32 v7, v2;
	v3 =	vnsel vm11, $0x0, v4;
	v4 =	vld [tilespmem:s23+$0x470]  }
0x34: {  	v7 =	vsel vm11, $0x3F800000, v0;
	vm12 =	vgt.f32 v6, $3.566749390e-01;
	v1 =	vadd.f32 v3, v1  }
0x35: {  	v2 =	vadd.f32 v7, v2;
	v3 =	vnsel vm12, $0x0, v6;
	v6 =	vld [tilespmem:s23+$0x800]  }
0x36: {  	v7 =	vsel vm12, $0x3F800000, v0;
	vm13 =	vgt.f32 v5, $3.566749390e-01;
	v1 =	vadd.f32 v3, v1  }
0x37: {  	v2 =	vadd.f32 v7, v2;
	v3 =	vnsel vm13, $0x0, v5;
	v5 =	vld [tilespmem:s23+$0x810]  }
0x38: {  	v7 =	vsel vm13, $0x3F800000, v0;
	vm14 =	vgt.f32 v4, $3.566749390e-01;
	v1 =	vadd.f32 v3, v1  }
0x39: {  	v2 =	vadd.f32 v7, v2;
	v3 =	vnsel vm14, $0x0, v4;
	v4 =	vld [tilespmem:s23+$0x820]  }
0x3a: {  	v7 =	vsel vm14, $0x3F800000, v0;
	vm15 =	vgt.f32 v6, $3.566749390e-01;
	v1 =	vadd.f32 v3, v1  }
0x3b: {  	v2 =	vadd.f32 v7, v2;
	v3 =	vnsel vm15, $0x0, v6;
	v6 =	vld [tilespmem:s23+$0x830]  }
0x3c: {  	v7 =	vsel vm15, $0x3F800000, v0;
	vm4 =	vgt.f32 v5, $3.566749390e-01;
	v1 =	vadd.f32 v3, v1  }
0x3d: {  	v2 =	vadd.f32 v7, v2;
	v3 =	vnsel vm4, $0x0, v5;
	v5 =	vld [tilespmem:s23+$0x840]  }
0x3e: {  	v7 =	vsel vm4, $0x3F800000, v0;
	vm5 =	vgt.f32 v4, $3.566749390e-01;
	v1 =	vadd.f32 v3, v1  }
0x3f: {  	v2 =	vadd.f32 v7, v2;
	v3 =	vnsel vm5, $0x0, v4;
	v4 =	vld [tilespmem:s23+$0x850]  }
0x40: {  	v7 =	vsel vm5, $0x3F800000, v0;
	vm6 =	vgt.f32 v6, $3.566749390e-01;
	v1 =	vadd.f32 v3, v1  }
0x41: {  	v2 =	vadd.f32 v7, v2;
	v3 =	vnsel vm6, $0x0, v6;
	v6 =	vld [tilespmem:s23+$0x860]  }
0x42: {  	v7 =	vsel vm6, $0x3F800000, v0;
	vm7 =	vgt.f32 v5, $3.566749390e-01;
	v1 =	vadd.f32 v3, v1  }
0x43: {  	v2 =	vadd.f32 v7, v2;
	v3 =	vnsel vm7, $0x0, v5;
	v5 =	vld [tilespmem:s23+$0x870]  }
0x44: {  	v7 =	vsel vm7, $0x3F800000, v0;
	vm8 =	vgt.f32 v4, $3.566749390e-01;
	v1 =	vadd.f32 v3, v1  }
0x45: {  	v2 =	vadd.f32 v7, v2;
	v3 =	vnsel vm8, $0x0, v4;
	v4 =	vld [tilespmem:s23+$0xC00]  }
0x46: {  	v7 =	vsel vm8, $0x3F800000, v0;
	vm9 =	vgt.f32 v6, $3.566749390e-01;
	v1 =	vadd.f32 v3, v1  }
0x47: {  	v2 =	vadd.f32 v7, v2;
	v3 =	vnsel vm9, $0x0, v6;
	v6 =	vld [tilespmem:s23+$0xC10]  }
0x48: {  	v7 =	vsel vm9, $0x3F800000, v0;
	vm10 =	vgt.f32 v5, $3.566749390e-01;
	v1 =	vadd.f32 v3, v1  }
0x49: {  	v2 =	vadd.f32 v7, v2;
	v3 =	vnsel vm10, $0x0, v5;
	v5 =	vld [tilespmem:s23+$0xC20]  }
0x4a: {  	v7 =	vsel vm10, $0x3F800000, v0;
	vm11 =	vgt.f32 v4, $3.566749390e-01;
	v1 =	vadd.f32 v3, v1  }
0x4b: {  	v2 =	vadd.f32 v7, v2;
	v3 =	vnsel vm11, $0x0, v4  }
0x4c: {  	v4 =	vld [tilespmem:s23+$0xC30];
	v7 =	vsel vm11, $0x3F800000, v0;
	vm12 =	vgt.f32 v6, $3.566749390e-01;
	v1 =	vadd.f32 v3, v1  }
0x4d: {  	v2 =	vadd.f32 v7, v2;
	v3 =	vnsel vm12, $0x0, v6  }
0x4e: {  	v6 =	vld [tilespmem:s23+$0xC40];
	v7 =	vsel vm12, $0x3F800000, v0;
	vm13 =	vgt.f32 v5, $3.566749390e-01;
	v1 =	vadd.f32 v3, v1  }
0x4f: {  	v3 =	vadd.f32 v7, v2;
	v2 =	vnsel vm13, $0x0, v5  }
0x50: {  	v5 =	vsel vm13, $0x3F800000, v0;
	v7 =	vadd.f32 v2, v1;
	v2 =	vld [tilespmem:s23+$0xC50]  }
0x51: {  	vm14 =	vgt.f32 v4, $3.566749390e-01;
	v3 =	vadd.f32 v5, v3  }
0x52: {  	v4 =	vnsel vm14, $0x0, v4;
	v5 =	vsel vm14, $0x3F800000, v0;
	v1 =	vld [tilespmem:s23+$0xC60]  }
0x53: {  	s31 =	simm.s32 $0x200;
	s21 =	simm.s32 $0x80;
	vm15 =	vgt.f32 v6, $3.566749390e-01;
	v4 =	vadd.f32 v4, v7;
	v5 =	vadd.f32 v5, v3  }
0x54: {  	s24 =	sand.u32 $0x1000, s31;
	s22 =	simm.s32 $0x400;
	s25 =	sand.u32 $0x380, s21;
	v7 =	vnsel vm15, $0x0, v6;
	v6 =	vsel vm15, $0x3F800000, v0;
	v3 =	vld [tilespmem:s23+$0xC70]  }
.LBB2_2:
0x55: {  	p0 =	sne.s32 s22, $0x1E00;
	s23 =	sor.u32 s25, s24;
	v4 =	vadd.f32 v7, v4;
	v5 =	vadd.f32 v6, v5;
	vm0 =	vgt.f32 v2, $3.566749390e-01  }
0x56: {  	v6 =	vld [tilespmem:s23+$0x0];
	v2 =	vnsel vm0, $0x0, v2;
	v7 =	vsel vm0, $0x3F800000, v0  }
0x57: {  	v2 =	vadd.f32 v2, v4;
	v4 =	vadd.f32 v7, v5;
	vm0 =	vgt.f32 v1, $3.566749390e-01  }
0x58: {  	v5 =	vld [tilespmem:s23+$0x10];
	v1 =	vnsel vm0, $0x0, v1;
	v7 =	vsel vm0, $0x3F800000, v0  }
0x59: {  	v1 =	vadd.f32 v1, v2;
	v2 =	vadd.f32 v7, v4;
	vm0 =	vgt.f32 v3, $3.566749390e-01  }
0x5a: {  	v4 =	vld [tilespmem:s23+$0x20];
	v3 =	vnsel vm0, $0x0, v3;
	v7 =	vsel vm0, $0x3F800000, v0  }
0x5b: {  	vm0 =	vgt.f32 v6, $3.566749390e-01;
	v1 =	vadd.f32 v3, v1;
	v2 =	vadd.f32 v7, v2  }
0x5c: {  	v3 =	vnsel vm0, $0x0, v6;
	v6 =	vsel vm0, $0x3F800000, v0;
	v7 =	vld [tilespmem:s23+$0x30]  }
0x5d: {  	v1 =	vadd.f32 v3, v1;
	v2 =	vadd.f32 v6, v2;
	vm0 =	vgt.f32 v5, $3.566749390e-01  }
0x5e: {  	v3 =	vnsel vm0, $0x0, v5;
	v5 =	vsel vm0, $0x3F800000, v0;
	v6 =	vld [tilespmem:s23+$0x40]  }
0x5f: {  	v1 =	vadd.f32 v3, v1;
	v2 =	vadd.f32 v5, v2;
	vm0 =	vgt.f32 v4, $3.566749390e-01  }
0x60: {  	v3 =	vnsel vm0, $0x0, v4;
	v4 =	vsel vm0, $0x3F800000, v0;
	v5 =	vld [tilespmem:s23+$0x50]  }
0x61: {  	v1 =	vadd.f32 v3, v1;
	v2 =	vadd.f32 v4, v2;
	vm0 =	vgt.f32 v7, $3.566749390e-01  }
0x62: {  	v3 =	vnsel vm0, $0x0, v7;
	v4 =	vsel vm0, $0x3F800000, v0;
	v7 =	vld [tilespmem:s23+$0x60]  }
0x63: {  	v1 =	vadd.f32 v3, v1;
	v2 =	vadd.f32 v4, v2;
	vm0 =	vgt.f32 v6, $3.566749390e-01  }
0x64: {  	v3 =	vnsel vm0, $0x0, v6;
	v4 =	vsel vm0, $0x3F800000, v0;
	v6 =	vld [tilespmem:s23+$0x70]  }
0x65: {  	v1 =	vadd.f32 v3, v1;
	v2 =	vadd.f32 v4, v2;
	vm0 =	vgt.f32 v5, $3.566749390e-01  }
0x66: {  	v3 =	vnsel vm0, $0x0, v5;
	v4 =	vsel vm0, $0x3F800000, v0;
	v5 =	vld [tilespmem:s23+$0x400]  }
0x67: {  	v1 =	vadd.f32 v3, v1;
	v2 =	vadd.f32 v4, v2;
	vm0 =	vgt.f32 v7, $3.566749390e-01  }
0x68: {  	v3 =	vnsel vm0, $0x0, v7;
	v4 =	vsel vm0, $0x3F800000, v0;
	v7 =	vld [tilespmem:s23+$0x410]  }
0x69: {  	v1 =	vadd.f32 v3, v1;
	v2 =	vadd.f32 v4, v2;
	vm0 =	vgt.f32 v6, $3.566749390e-01  }
0x6a: {  	v3 =	vnsel vm0, $0x0, v6;
	v4 =	vsel vm0, $0x3F800000, v0;
	v6 =	vld [tilespmem:s23+$0x420]  }
0x6b: {  	v1 =	vadd.f32 v3, v1;
	v2 =	vadd.f32 v4, v2;
	vm0 =	vgt.f32 v5, $3.566749390e-01  }
0x6c: {  	v3 =	vnsel vm0, $0x0, v5;
	v4 =	vsel vm0, $0x3F800000, v0;
	v5 =	vld [tilespmem:s23+$0x430]  }
0x6d: {  	v1 =	vadd.f32 v3, v1;
	v2 =	vadd.f32 v4, v2;
	vm0 =	vgt.f32 v7, $3.566749390e-01  }
0x6e: {  	v3 =	vnsel vm0, $0x0, v7;
	v4 =	vsel vm0, $0x3F800000, v0;
	v7 =	vld [tilespmem:s23+$0x440]  }
0x6f: {  	v1 =	vadd.f32 v3, v1;
	v2 =	vadd.f32 v4, v2;
	vm0 =	vgt.f32 v6, $3.566749390e-01  }
0x70: {  	v3 =	vnsel vm0, $0x0, v6;
	v4 =	vsel vm0, $0x3F800000, v0;
	v6 =	vld [tilespmem:s23+$0x450]  }
0x71: {  	v1 =	vadd.f32 v3, v1;
	v2 =	vadd.f32 v4, v2;
	vm0 =	vgt.f32 v5, $3.566749390e-01  }
0x72: {  	v3 =	vnsel vm0, $0x0, v5;
	v4 =	vsel vm0, $0x3F800000, v0;
	v5 =	vld [tilespmem:s23+$0x460]  }
0x73: {  	v1 =	vadd.f32 v3, v1;
	v2 =	vadd.f32 v4, v2;
	vm0 =	vgt.f32 v7, $3.566749390e-01  }
0x74: {  	v3 =	vnsel vm0, $0x0, v7;
	v4 =	vsel vm0, $0x3F800000, v0;
	v7 =	vld [tilespmem:s23+$0x470]  }
0x75: {  	v1 =	vadd.f32 v3, v1;
	v2 =	vadd.f32 v4, v2;
	vm0 =	vgt.f32 v6, $3.566749390e-01  }
0x76: {  	v3 =	vnsel vm0, $0x0, v6;
	v4 =	vsel vm0, $0x3F800000, v0;
	v6 =	vld [tilespmem:s23+$0x800]  }
0x77: {  	v1 =	vadd.f32 v3, v1;
	v2 =	vadd.f32 v4, v2;
	vm0 =	vgt.f32 v5, $3.566749390e-01  }
0x78: {  	v3 =	vnsel vm0, $0x0, v5;
	v4 =	vsel vm0, $0x3F800000, v0;
	v5 =	vld [tilespmem:s23+$0x810]  }
0x79: {  	v1 =	vadd.f32 v3, v1;
	v2 =	vadd.f32 v4, v2;
	vm0 =	vgt.f32 v7, $3.566749390e-01  }
0x7a: {  	v3 =	vnsel vm0, $0x0, v7;
	v4 =	vsel vm0, $0x3F800000, v0;
	v7 =	vld [tilespmem:s23+$0x820]  }
0x7b: {  	v1 =	vadd.f32 v3, v1;
	v2 =	vadd.f32 v4, v2;
	vm0 =	vgt.f32 v6, $3.566749390e-01  }
0x7c: {  	v3 =	vnsel vm0, $0x0, v6;
	v4 =	vsel vm0, $0x3F800000, v0;
	v6 =	vld [tilespmem:s23+$0x830]  }
0x7d: {  	v1 =	vadd.f32 v3, v1;
	v2 =	vadd.f32 v4, v2;
	vm0 =	vgt.f32 v5, $3.566749390e-01  }
0x7e: {  	v3 =	vnsel vm0, $0x0, v5;
	v4 =	vsel vm0, $0x3F800000, v0;
	v5 =	vld [tilespmem:s23+$0x840]  }
0x7f: {  	v1 =	vadd.f32 v3, v1;
	v2 =	vadd.f32 v4, v2;
	vm0 =	vgt.f32 v7, $3.566749390e-01  }
0x80: {  	v3 =	vnsel vm0, $0x0, v7;
	v4 =	vsel vm0, $0x3F800000, v0;
	v7 =	vld [tilespmem:s23+$0x850]  }
0x81: {  	v1 =	vadd.f32 v3, v1;
	v2 =	vadd.f32 v4, v2;
	vm0 =	vgt.f32 v6, $3.566749390e-01  }
0x82: {  	v3 =	vnsel vm0, $0x0, v6;
	v4 =	vsel vm0, $0x3F800000, v0;
	v6 =	vld [tilespmem:s23+$0x860]  }
0x83: {  	v1 =	vadd.f32 v3, v1;
	v2 =	vadd.f32 v4, v2;
	vm0 =	vgt.f32 v5, $3.566749390e-01  }
0x84: {  	v3 =	vnsel vm0, $0x0, v5;
	v4 =	vsel vm0, $0x3F800000, v0;
	v5 =	vld [tilespmem:s23+$0x870]  }
0x85: {  	v1 =	vadd.f32 v3, v1;
	v2 =	vadd.f32 v4, v2;
	vm0 =	vgt.f32 v7, $3.566749390e-01  }
0x86: {  	v3 =	vnsel vm0, $0x0, v7;
	v4 =	vsel vm0, $0x3F800000, v0;
	v7 =	vld [tilespmem:s23+$0xC00]  }
0x87: {  	v1 =	vadd.f32 v3, v1;
	v2 =	vadd.f32 v4, v2;
	vm0 =	vgt.f32 v6, $3.566749390e-01  }
0x88: {  	v3 =	vnsel vm0, $0x0, v6;
	v4 =	vsel vm0, $0x3F800000, v0;
	v6 =	vld [tilespmem:s23+$0xC10]  }
0x89: {  	v1 =	vadd.f32 v3, v1;
	v2 =	vadd.f32 v4, v2;
	vm0 =	vgt.f32 v5, $3.566749390e-01  }
0x8a: {  	v3 =	vnsel vm0, $0x0, v5;
	v4 =	vsel vm0, $0x3F800000, v0;
	v5 =	vld [tilespmem:s23+$0xC20]  }
0x8b: {  	v1 =	vadd.f32 v3, v1;
	v2 =	vadd.f32 v4, v2;
	vm0 =	vgt.f32 v7, $3.566749390e-01  }
0x8c: {  	v3 =	vnsel vm0, $0x0, v7;
	v4 =	vsel vm0, $0x3F800000, v0;
	v7 =	vld [tilespmem:s23+$0xC30]  }
0x8d: {  	v1 =	vadd.f32 v3, v1;
	v2 =	vadd.f32 v4, v2;
	vm0 =	vgt.f32 v6, $3.566749390e-01  }
0x8e: {  	v3 =	vnsel vm0, $0x0, v6;
	v4 =	vsel vm0, $0x3F800000, v0;
	v6 =	vld [tilespmem:s23+$0xC40]  }
0x8f: {  	v1 =	vadd.f32 v3, v1;
	v3 =	vadd.f32 v4, v2;
	vm0 =	vgt.f32 v5, $3.566749390e-01  }
.Ltmp0:
0x90: {  	v4 =	vnsel vm0, $0x0, v5;
	v5 =	vsel vm0, $0x3F800000, v0;
	v2 =	vld [tilespmem:s23+$0xC50];
	(pc) =	sbr.rel @p0 .LBB2_2-.Ltmp0, $4  }
0x91: {  	v4 =	vadd.f32 v4, v1;
	v3 =	vadd.f32 v5, v3;
	vm0 =	vgt.f32 v7, $3.566749390e-01  }
0x92: {  	v5 =	vnsel vm0, $0x0, v7;
	v7 =	vsel vm0, $0x3F800000, v0;
	v1 =	vld [tilespmem:s23+$0xC60]  }
0x93: {  	s21 =	sadd.s32 $0x80, s21;
	v4 =	vadd.f32 v5, v4;
	v5 =	vadd.f32 v7, v3;
	vm0 =	vgt.f32 v6, $3.566749390e-01  }
0x94: {  	s24 =	sand.u32 $0x1000, s22;
	s22 =	sadd.s32 $0x200, s22;
	s25 =	sand.u32 $0x380, s21;
	v7 =	vnsel vm0, $0x0, v6;
	v6 =	vsel vm0, $0x3F800000, v0;
	v3 =	vld [tilespmem:s23+$0xC70]  }
0x95: {  	s21 =	sor.u32 s25, s24;
	v4 =	vadd.f32 v7, v4;
	vm0 =	vgt.f32 v2, $3.566749390e-01  }
0x96: {  	v5 =	vadd.f32 v6, v5;
	v6 =	vld [tilespmem:s21+$0x0];
	v2 =	vnsel vm0, $0x0, v2  }
0x97: {  	v7 =	vsel vm0, $0x3F800000, v0;
	v2 =	vadd.f32 v2, v4;
	vm13 =	vgt.f32 v1, $3.566749390e-01  }
0x98: {  	v4 =	vadd.f32 v7, v5;
	v5 =	vld [tilespmem:s21+$0x10];
	v1 =	vnsel vm13, $0x0, v1  }
0x99: {  	v7 =	vsel vm13, $0x3F800000, v0;
	v1 =	vadd.f32 v1, v2;
	vm14 =	vgt.f32 v3, $3.566749390e-01  }
0x9a: {  	v2 =	vadd.f32 v7, v4;
	v4 =	vld [tilespmem:s21+$0x20];
	v3 =	vnsel vm14, $0x0, v3  }
0x9b: {  	v7 =	vsel vm14, $0x3F800000, v0;
	vm15 =	vgt.f32 v6, $3.566749390e-01;
	v1 =	vadd.f32 v3, v1  }
0x9c: {  	v2 =	vadd.f32 v7, v2;
	v3 =	vnsel vm15, $0x0, v6;
	v6 =	vld [tilespmem:s21+$0x30]  }
0x9d: {  	v7 =	vsel vm15, $0x3F800000, v0;
	vm4 =	vgt.f32 v5, $3.566749390e-01;
	v1 =	vadd.f32 v3, v1  }
0x9e: {  	v2 =	vadd.f32 v7, v2;
	v3 =	vnsel vm4, $0x0, v5;
	v5 =	vld [tilespmem:s21+$0x40]  }
0x9f: {  	v7 =	vsel vm4, $0x3F800000, v0;
	vm5 =	vgt.f32 v4, $3.566749390e-01;
	v1 =	vadd.f32 v3, v1  }
0xa0: {  	v2 =	vadd.f32 v7, v2;
	v3 =	vnsel vm5, $0x0, v4;
	v4 =	vld [tilespmem:s21+$0x50]  }
0xa1: {  	v7 =	vsel vm5, $0x3F800000, v0;
	v1 =	vadd.f32 v3, v1;
	vm6 =	vgt.f32 v6, $3.566749390e-01  }
0xa2: {  	v2 =	vadd.f32 v7, v2;
	v3 =	vnsel vm6, $0x0, v6;
	v6 =	vld [tilespmem:s21+$0x60]  }
0xa3: {  	v7 =	vsel vm6, $0x3F800000, v0;
	vm7 =	vgt.f32 v5, $3.566749390e-01;
	v1 =	vadd.f32 v3, v1  }
0xa4: {  	v2 =	vadd.f32 v7, v2;
	v3 =	vnsel vm7, $0x0, v5;
	v5 =	vld [tilespmem:s21+$0x70]  }
0xa5: {  	v7 =	vsel vm7, $0x3F800000, v0;
	vm8 =	vgt.f32 v4, $3.566749390e-01;
	v1 =	vadd.f32 v3, v1  }
0xa6: {  	v2 =	vadd.f32 v7, v2;
	v3 =	vnsel vm8, $0x0, v4;
	v4 =	vld [tilespmem:s21+$0x400]  }
0xa7: {  	v7 =	vsel vm8, $0x3F800000, v0;
	v1 =	vadd.f32 v3, v1;
	vm9 =	vgt.f32 v6, $3.566749390e-01  }
0xa8: {  	v2 =	vadd.f32 v7, v2;
	v3 =	vnsel vm9, $0x0, v6;
	v6 =	vld [tilespmem:s21+$0x410]  }
0xa9: {  	v7 =	vsel vm9, $0x3F800000, v0;
	vm10 =	vgt.f32 v5, $3.566749390e-01;
	v1 =	vadd.f32 v3, v1  }
0xaa: {  	v2 =	vadd.f32 v7, v2;
	v3 =	vnsel vm10, $0x0, v5;
	v5 =	vld [tilespmem:s21+$0x420]  }
0xab: {  	v7 =	vsel vm10, $0x3F800000, v0;
	vm11 =	vgt.f32 v4, $3.566749390e-01;
	v1 =	vadd.f32 v3, v1  }
0xac: {  	v2 =	vadd.f32 v7, v2;
	v3 =	vnsel vm11, $0x0, v4;
	v4 =	vld [tilespmem:s21+$0x430]  }
0xad: {  	v7 =	vsel vm11, $0x3F800000, v0;
	v1 =	vadd.f32 v3, v1;
	vm12 =	vgt.f32 v6, $3.566749390e-01  }
0xae: {  	v2 =	vadd.f32 v7, v2;
	v3 =	vnsel vm12, $0x0, v6;
	v6 =	vld [tilespmem:s21+$0x440]  }
0xaf: {  	v7 =	vsel vm12, $0x3F800000, v0;
	vm13 =	vgt.f32 v5, $3.566749390e-01;
	v1 =	vadd.f32 v3, v1  }
0xb0: {  	v2 =	vadd.f32 v7, v2;
	v3 =	vnsel vm13, $0x0, v5;
	v5 =	vld [tilespmem:s21+$0x450]  }
0xb1: {  	v7 =	vsel vm13, $0x3F800000, v0;
	vm14 =	vgt.f32 v4, $3.566749390e-01;
	v1 =	vadd.f32 v3, v1  }
0xb2: {  	v2 =	vadd.f32 v7, v2;
	v3 =	vnsel vm14, $0x0, v4;
	v4 =	vld [tilespmem:s21+$0x460]  }
0xb3: {  	v7 =	vsel vm14, $0x3F800000, v0;
	v1 =	vadd.f32 v3, v1;
	vm15 =	vgt.f32 v6, $3.566749390e-01  }
0xb4: {  	v2 =	vadd.f32 v7, v2;
	v3 =	vnsel vm15, $0x0, v6;
	v6 =	vld [tilespmem:s21+$0x470]  }
0xb5: {  	v7 =	vsel vm15, $0x3F800000, v0;
	vm4 =	vgt.f32 v5, $3.566749390e-01;
	v1 =	vadd.f32 v3, v1  }
0xb6: {  	v2 =	vadd.f32 v7, v2;
	v3 =	vnsel vm4, $0x0, v5;
	v5 =	vld [tilespmem:s21+$0x800]  }
0xb7: {  	v7 =	vsel vm4, $0x3F800000, v0;
	vm5 =	vgt.f32 v4, $3.566749390e-01;
	v1 =	vadd.f32 v3, v1  }
0xb8: {  	v2 =	vadd.f32 v7, v2;
	v3 =	vnsel vm5, $0x0, v4;
	v4 =	vld [tilespmem:s21+$0x810]  }
0xb9: {  	v7 =	vsel vm5, $0x3F800000, v0;
	v1 =	vadd.f32 v3, v1;
	vm6 =	vgt.f32 v6, $3.566749390e-01  }
0xba: {  	v2 =	vadd.f32 v7, v2;
	v3 =	vnsel vm6, $0x0, v6;
	v6 =	vld [tilespmem:s21+$0x820]  }
0xbb: {  	v7 =	vsel vm6, $0x3F800000, v0;
	vm7 =	vgt.f32 v5, $3.566749390e-01;
	v1 =	vadd.f32 v3, v1  }
0xbc: {  	v2 =	vadd.f32 v7, v2;
	v3 =	vnsel vm7, $0x0, v5;
	v5 =	vld [tilespmem:s21+$0x830]  }
0xbd: {  	v7 =	vsel vm7, $0x3F800000, v0;
	vm8 =	vgt.f32 v4, $3.566749390e-01;
	v1 =	vadd.f32 v3, v1  }
0xbe: {  	v2 =	vadd.f32 v7, v2;
	v3 =	vnsel vm8, $0x0, v4;
	v4 =	vld [tilespmem:s21+$0x840]  }
0xbf: {  	v7 =	vsel vm8, $0x3F800000, v0;
	v1 =	vadd.f32 v3, v1;
	vm9 =	vgt.f32 v6, $3.566749390e-01  }
0xc0: {  	v2 =	vadd.f32 v7, v2;
	v3 =	vnsel vm9, $0x0, v6;
	v6 =	vld [tilespmem:s21+$0x850]  }
0xc1: {  	v7 =	vsel vm9, $0x3F800000, v0;
	vm10 =	vgt.f32 v5, $3.566749390e-01;
	v1 =	vadd.f32 v3, v1  }
0xc2: {  	v2 =	vadd.f32 v7, v2;
	v3 =	vnsel vm10, $0x0, v5;
	v5 =	vld [tilespmem:s21+$0x860]  }
0xc3: {  	v7 =	vsel vm10, $0x3F800000, v0;
	vm11 =	vgt.f32 v4, $3.566749390e-01;
	v1 =	vadd.f32 v3, v1  }
0xc4: {  	v2 =	vadd.f32 v7, v2;
	v3 =	vnsel vm11, $0x0, v4;
	v4 =	vld [tilespmem:s21+$0x870]  }
0xc5: {  	v7 =	vsel vm11, $0x3F800000, v0;
	v1 =	vadd.f32 v3, v1;
	vm12 =	vgt.f32 v6, $3.566749390e-01  }
0xc6: {  	v2 =	vadd.f32 v7, v2;
	v3 =	vnsel vm12, $0x0, v6;
	v6 =	vld [tilespmem:s21+$0xC00]  }
0xc7: {  	v7 =	vsel vm12, $0x3F800000, v0;
	vm13 =	vgt.f32 v5, $3.566749390e-01;
	v1 =	vadd.f32 v3, v1  }
0xc8: {  	v2 =	vadd.f32 v7, v2;
	v3 =	vnsel vm13, $0x0, v5;
	v5 =	vld [tilespmem:s21+$0xC10]  }
0xc9: {  	v7 =	vsel vm13, $0x3F800000, v0;
	vm14 =	vgt.f32 v4, $3.566749390e-01;
	v1 =	vadd.f32 v3, v1  }
0xca: {  	v2 =	vadd.f32 v7, v2;
	v3 =	vnsel vm14, $0x0, v4;
	v4 =	vld [tilespmem:s21+$0xC20]  }
0xcb: {  	v7 =	vsel vm14, $0x3F800000, v0;
	v1 =	vadd.f32 v3, v1;
	vm15 =	vgt.f32 v6, $3.566749390e-01  }
0xcc: {  	v2 =	vadd.f32 v7, v2;
	v3 =	vnsel vm15, $0x0, v6;
	v6 =	vld [tilespmem:s21+$0xC30]  }
0xcd: {  	v7 =	vsel vm15, $0x3F800000, v0;
	vm4 =	vgt.f32 v5, $3.566749390e-01;
	v1 =	vadd.f32 v3, v1  }
0xce: {  	v2 =	vadd.f32 v7, v2;
	v3 =	vnsel vm4, $0x0, v5;
	v5 =	vld [tilespmem:s21+$0xC40]  }
0xcf: {  	v7 =	vsel vm4, $0x3F800000, v0;
	vm5 =	vgt.f32 v4, $3.566749390e-01;
	v1 =	vadd.f32 v3, v1  }
0xd0: {  	v2 =	vadd.f32 v7, v2;
	v3 =	vnsel vm5, $0x0, v4;
	v4 =	vld [tilespmem:s21+$0xC50]  }
0xd1: {  	v7 =	vsel vm5, $0x3F800000, v0;
	v1 =	vadd.f32 v3, v1;
	vm6 =	vgt.f32 v6, $3.566749390e-01  }
0xd2: {  	v3 =	vld [tilespmem:s21+$0xC60];
	v2 =	vadd.f32 v7, v2;
	v6 =	vnsel vm6, $0x0, v6  }
0xd3: {  	s22 =	simm.s32 $0x0;
	v7 =	vld [tilespmem:s21+$0xC70];
	_ =	swait.ge [sflag:s14], $0x2000;
	vm7 =	vgt.f32 v5, $3.566749390e-01;
	v1 =	vadd.f32 v6, v1;
	v6 =	vsel vm6, $0x3F800000, v0  }
0xd4: {  	s29 =	sand.u32 $0x1000, s22;
	s23 =	sand.u32 $0x380, s22;
	[sflag:s14] =	ssyncset.done $0x0;
	v5 =	vnsel vm7, $0x0, v5;
	v2 =	vadd.f32 v6, v2  }
0xd5: {  	s21 =	sor.u32 s23, s29;
	[sflag:s14] =	ssyncadd.s32 $0xFFFFE000;
	v6 =	vsel vm7, $0x3F800000, v0;
	vm8 =	vgt.f32 v4, $3.566749390e-01;
	v1 =	vadd.f32 v5, v1  }
0xd6: {  	v4 =	vnsel vm8, $0x0, v4;
	v5 =	vld [tilespmem:s21+$0x2000];
	v2 =	vadd.f32 v6, v2  }
0xd7: {  	v6 =	vsel vm8, $0x3F800000, v0;
	vm9 =	vgt.f32 v3, $3.566749390e-01;
	v1 =	vadd.f32 v4, v1  }
0xd8: {  	v3 =	vnsel vm9, $0x0, v3;
	v4 =	vld [tilespmem:s21+$0x2010];
	v2 =	vadd.f32 v6, v2  }
0xd9: {  	vm10 =	vgt.f32 v7, $3.566749390e-01;
	v6 =	vsel vm9, $0x3F800000, v0;
	v1 =	vadd.f32 v3, v1  }
0xda: {  	v3 =	vnsel vm10, $0x0, v7;
	v2 =	vadd.f32 v6, v2;
	v6 =	vld [tilespmem:s21+$0x2020]  }
0xdb: {  	v7 =	vsel vm10, $0x3F800000, v0;
	vm11 =	vgt.f32 v5, $3.566749390e-01;
	v1 =	vadd.f32 v3, v1  }
0xdc: {  	v3 =	vnsel vm11, $0x0, v5;
	v5 =	vld [tilespmem:s21+$0x2030];
	v2 =	vadd.f32 v7, v2  }
0xdd: {  	v7 =	vsel vm11, $0x3F800000, v0;
	vm12 =	vgt.f32 v4, $3.566749390e-01;
	v1 =	vadd.f32 v3, v1  }
0xde: {  	v3 =	vnsel vm12, $0x0, v4;
	v4 =	vld [tilespmem:s21+$0x2040];
	v2 =	vadd.f32 v7, v2  }
0xdf: {  	v7 =	vsel vm12, $0x3F800000, v0;
	v1 =	vadd.f32 v3, v1;
	vm13 =	vgt.f32 v6, $3.566749390e-01  }
0xe0: {  	v2 =	vadd.f32 v7, v2;
	v3 =	vnsel vm13, $0x0, v6;
	v6 =	vld [tilespmem:s21+$0x2050]  }
0xe1: {  	v7 =	vsel vm13, $0x3F800000, v0;
	vm14 =	vgt.f32 v5, $3.566749390e-01;
	v1 =	vadd.f32 v3, v1  }
0xe2: {  	v3 =	vnsel vm14, $0x0, v5;
	v5 =	vld [tilespmem:s21+$0x2060];
	v2 =	vadd.f32 v7, v2  }
0xe3: {  	s22 =	sand.u32 $0xFFFFF000, s22;
	v7 =	vsel vm14, $0x3F800000, v0;
	vm15 =	vgt.f32 v4, $3.566749390e-01;
	v1 =	vadd.f32 v3, v1  }
0xe4: {  	s22 =	sadd.s32 $0x0, s22;
	v3 =	vnsel vm15, $0x0, v4;
	v4 =	vld [tilespmem:s21+$0x2070];
	v2 =	vadd.f32 v7, v2  }
0xe5: {  	s30 =	sor.u32 $0x2400, s22;
	v7 =	vsel vm15, $0x3F800000, v0;
	v1 =	vadd.f32 v3, v1;
	vm4 =	vgt.f32 v6, $3.566749390e-01  }
0xe6: {  	v2 =	vadd.f32 v7, v2;
	v3 =	vnsel vm4, $0x0, v6;
	v6 =	vld [tilespmem:s30+$0x0]  }
0xe7: {  	v7 =	vsel vm4, $0x3F800000, v0;
	vm5 =	vgt.f32 v5, $3.566749390e-01;
	v1 =	vadd.f32 v3, v1  }
0xe8: {  	v3 =	vnsel vm5, $0x0, v5;
	v5 =	vld [tilespmem:s30+$0x10];
	v2 =	vadd.f32 v7, v2  }
0xe9: {  	v7 =	vsel vm5, $0x3F800000, v0;
	vm6 =	vgt.f32 v4, $3.566749390e-01;
	v1 =	vadd.f32 v3, v1  }
0xea: {  	v3 =	vnsel vm6, $0x0, v4;
	v4 =	vld [tilespmem:s30+$0x20];
	v2 =	vadd.f32 v7, v2  }
0xeb: {  	v7 =	vsel vm6, $0x3F800000, v0;
	v1 =	vadd.f32 v3, v1;
	vm7 =	vgt.f32 v6, $3.566749390e-01  }
0xec: {  	v2 =	vadd.f32 v7, v2;
	v3 =	vnsel vm7, $0x0, v6;
	v6 =	vld [tilespmem:s30+$0x30]  }
0xed: {  	v7 =	vsel vm7, $0x3F800000, v0;
	vm8 =	vgt.f32 v5, $3.566749390e-01;
	v1 =	vadd.f32 v3, v1  }
0xee: {  	v3 =	vnsel vm8, $0x0, v5;
	v5 =	vld [tilespmem:s30+$0x40];
	v2 =	vadd.f32 v7, v2  }
0xef: {  	v7 =	vsel vm8, $0x3F800000, v0;
	vm9 =	vgt.f32 v4, $3.566749390e-01;
	v1 =	vadd.f32 v3, v1  }
0xf0: {  	v3 =	vnsel vm9, $0x0, v4;
	v4 =	vld [tilespmem:s30+$0x50];
	v2 =	vadd.f32 v7, v2  }
0xf1: {  	v7 =	vsel vm9, $0x3F800000, v0;
	v1 =	vadd.f32 v3, v1;
	vm10 =	vgt.f32 v6, $3.566749390e-01  }
0xf2: {  	v2 =	vadd.f32 v7, v2;
	v3 =	vnsel vm10, $0x0, v6;
	v6 =	vld [tilespmem:s30+$0x60]  }
0xf3: {  	v7 =	vsel vm10, $0x3F800000, v0;
	vm11 =	vgt.f32 v5, $3.566749390e-01;
	v1 =	vadd.f32 v3, v1  }
0xf4: {  	v3 =	vnsel vm11, $0x0, v5;
	v5 =	vld [tilespmem:s30+$0x70];
	v2 =	vadd.f32 v7, v2  }
0xf5: {  	v7 =	vsel vm11, $0x3F800000, v0;
	vm12 =	vgt.f32 v4, $3.566749390e-01;
	v1 =	vadd.f32 v3, v1  }
0xf6: {  	v3 =	vnsel vm12, $0x0, v4;
	v4 =	vld [tilespmem:s21+$0x2800];
	v2 =	vadd.f32 v7, v2  }
0xf7: {  	v7 =	vsel vm12, $0x3F800000, v0;
	v1 =	vadd.f32 v3, v1;
	vm13 =	vgt.f32 v6, $3.566749390e-01  }
0xf8: {  	v2 =	vadd.f32 v7, v2;
	v3 =	vnsel vm13, $0x0, v6;
	v6 =	vld [tilespmem:s21+$0x2810]  }
0xf9: {  	v7 =	vsel vm13, $0x3F800000, v0;
	vm14 =	vgt.f32 v5, $3.566749390e-01;
	v1 =	vadd.f32 v3, v1  }
0xfa: {  	v3 =	vnsel vm14, $0x0, v5;
	v5 =	vld [tilespmem:s21+$0x2820];
	v2 =	vadd.f32 v7, v2  }
0xfb: {  	v7 =	vsel vm14, $0x3F800000, v0;
	vm15 =	vgt.f32 v4, $3.566749390e-01;
	v1 =	vadd.f32 v3, v1  }
0xfc: {  	v3 =	vnsel vm15, $0x0, v4;
	v4 =	vld [tilespmem:s21+$0x2830];
	v2 =	vadd.f32 v7, v2  }
0xfd: {  	v7 =	vsel vm15, $0x3F800000, v0;
	v1 =	vadd.f32 v3, v1;
	vm4 =	vgt.f32 v6, $3.566749390e-01  }
0xfe: {  	v2 =	vadd.f32 v7, v2;
	v3 =	vnsel vm4, $0x0, v6;
	v6 =	vld [tilespmem:s21+$0x2840]  }
0xff: {  	v7 =	vsel vm4, $0x3F800000, v0;
	vm5 =	vgt.f32 v5, $3.566749390e-01;
	v1 =	vadd.f32 v3, v1  }
0x100: {  	v3 =	vnsel vm5, $0x0, v5;
	v5 =	vld [tilespmem:s21+$0x2850];
	v2 =	vadd.f32 v7, v2  }
0x101: {  	v7 =	vsel vm5, $0x3F800000, v0;
	vm6 =	vgt.f32 v4, $3.566749390e-01;
	v1 =	vadd.f32 v3, v1  }
0x102: {  	v3 =	vnsel vm6, $0x0, v4;
	v4 =	vld [tilespmem:s21+$0x2860];
	v2 =	vadd.f32 v7, v2  }
0x103: {  	v7 =	vsel vm6, $0x3F800000, v0;
	v1 =	vadd.f32 v3, v1;
	vm7 =	vgt.f32 v6, $3.566749390e-01  }
0x104: {  	v2 =	vadd.f32 v7, v2;
	v3 =	vnsel vm7, $0x0, v6;
	v6 =	vld [tilespmem:s21+$0x2870]  }
0x105: {  	s31 =	sor.u32 $0x2C00, s22;
	v7 =	vsel vm7, $0x3F800000, v0;
	vm8 =	vgt.f32 v5, $3.566749390e-01;
	v1 =	vadd.f32 v3, v1  }
0x106: {  	v3 =	vnsel vm8, $0x0, v5;
	v5 =	vld [tilespmem:s31+$0x0];
	v2 =	vadd.f32 v7, v2  }
0x107: {  	v7 =	vsel vm8, $0x3F800000, v0;
	vm9 =	vgt.f32 v4, $3.566749390e-01;
	v1 =	vadd.f32 v3, v1  }
0x108: {  	v3 =	vnsel vm9, $0x0, v4;
	v4 =	vld [tilespmem:s31+$0x10];
	v2 =	vadd.f32 v7, v2  }
0x109: {  	v7 =	vsel vm9, $0x3F800000, v0;
	v1 =	vadd.f32 v3, v1;
	vm10 =	vgt.f32 v6, $3.566749390e-01  }
0x10a: {  	v2 =	vadd.f32 v7, v2;
	v3 =	vnsel vm10, $0x0, v6;
	v6 =	vld [tilespmem:s31+$0x20]  }
0x10b: {  	v7 =	vsel vm10, $0x3F800000, v0;
	vm11 =	vgt.f32 v5, $3.566749390e-01;
	v1 =	vadd.f32 v3, v1  }
0x10c: {  	v3 =	vnsel vm11, $0x0, v5;
	v2 =	vadd.f32 v7, v2  }
0x10d: {  	v5 =	vld [tilespmem:s31+$0x30];
	v7 =	vsel vm11, $0x3F800000, v0;
	vm12 =	vgt.f32 v4, $3.566749390e-01;
	v1 =	vadd.f32 v3, v1  }
0x10e: {  	v3 =	vnsel vm12, $0x0, v4;
	v2 =	vadd.f32 v7, v2  }
0x10f: {  	v4 =	vsel vm12, $0x3F800000, v0;
	v7 =	vld [tilespmem:s31+$0x40];
	v1 =	vadd.f32 v3, v1;
	vm13 =	vgt.f32 v6, $3.566749390e-01  }
0x110: {  	v3 =	vadd.f32 v4, v2;
	v2 =	vnsel vm13, $0x0, v6  }
0x111: {  	v4 =	vsel vm13, $0x3F800000, v0;
	v6 =	vadd.f32 v2, v1;
	v2 =	vld [tilespmem:s31+$0x50]  }
0x112: {  	vm14 =	vgt.f32 v5, $3.566749390e-01;
	v3 =	vadd.f32 v4, v3  }
0x113: {  	v1 =	vld [tilespmem:s31+$0x60];
	v4 =	vnsel vm14, $0x0, v5;
	v5 =	vsel vm14, $0x3F800000, v0  }
0x114: {  	s22 =	simm.s32 $0x200;
	s21 =	simm.s32 $0x80;
	v4 =	vadd.f32 v4, v6;
	vm15 =	vgt.f32 v7, $3.566749390e-01;
	v5 =	vadd.f32 v5, v3  }
0x115: {  	s25 =	sand.u32 $0x1000, s22;
	s23 =	simm.s32 $0x400;
	s26 =	sand.u32 $0x380, s21;
	v7 =	vnsel vm15, $0x0, v7;
	v6 =	vsel vm15, $0x3F800000, v0;
	v3 =	vld [tilespmem:s31+$0x70]  }
.LBB2_4:
0x116: {  	p0 =	sne.s32 s23, $0x1E00;
	s24 =	sor.u32 s26, s25;
	v4 =	vadd.f32 v7, v4;
	v5 =	vadd.f32 v6, v5;
	vm0 =	vgt.f32 v2, $3.566749390e-01  }
0x117: {  	v6 =	vld [tilespmem:s24+$0x2000];
	v2 =	vnsel vm0, $0x0, v2;
	v7 =	vsel vm0, $0x3F800000, v0  }
0x118: {  	v2 =	vadd.f32 v2, v4;
	v4 =	vadd.f32 v7, v5;
	vm0 =	vgt.f32 v1, $3.566749390e-01  }
0x119: {  	v5 =	vld [tilespmem:s24+$0x2010];
	v1 =	vnsel vm0, $0x0, v1;
	v7 =	vsel vm0, $0x3F800000, v0  }
0x11a: {  	v1 =	vadd.f32 v1, v2;
	v2 =	vadd.f32 v7, v4;
	vm0 =	vgt.f32 v3, $3.566749390e-01  }
0x11b: {  	v4 =	vld [tilespmem:s24+$0x2020];
	v3 =	vnsel vm0, $0x0, v3;
	v7 =	vsel vm0, $0x3F800000, v0  }
0x11c: {  	vm0 =	vgt.f32 v6, $3.566749390e-01;
	v1 =	vadd.f32 v3, v1;
	v2 =	vadd.f32 v7, v2  }
0x11d: {  	v3 =	vnsel vm0, $0x0, v6;
	v6 =	vsel vm0, $0x3F800000, v0;
	v7 =	vld [tilespmem:s24+$0x2030]  }
0x11e: {  	v1 =	vadd.f32 v3, v1;
	v2 =	vadd.f32 v6, v2;
	vm0 =	vgt.f32 v5, $3.566749390e-01  }
0x11f: {  	v3 =	vnsel vm0, $0x0, v5;
	v5 =	vsel vm0, $0x3F800000, v0;
	v6 =	vld [tilespmem:s24+$0x2040]  }
0x120: {  	v1 =	vadd.f32 v3, v1;
	v2 =	vadd.f32 v5, v2;
	vm0 =	vgt.f32 v4, $3.566749390e-01  }
0x121: {  	v3 =	vnsel vm0, $0x0, v4;
	v4 =	vsel vm0, $0x3F800000, v0;
	v5 =	vld [tilespmem:s24+$0x2050]  }
0x122: {  	v1 =	vadd.f32 v3, v1;
	v2 =	vadd.f32 v4, v2;
	vm0 =	vgt.f32 v7, $3.566749390e-01  }
0x123: {  	v3 =	vnsel vm0, $0x0, v7;
	v4 =	vsel vm0, $0x3F800000, v0;
	v7 =	vld [tilespmem:s24+$0x2060]  }
0x124: {  	s25 =	sand.u32 $0xFFFFF000, s22;
	s22 =	smov.u32 s23;
	v1 =	vadd.f32 v3, v1;
	v2 =	vadd.f32 v4, v2;
	vm0 =	vgt.f32 v6, $3.566749390e-01  }
0x125: {  	s25 =	sadd.s32 s25, s21;
	v3 =	vnsel vm0, $0x0, v6;
	v4 =	vsel vm0, $0x3F800000, v0;
	v6 =	vld [tilespmem:s24+$0x2070]  }
0x126: {  	s26 =	sor.u32 $0x2400, s25;
	v1 =	vadd.f32 v3, v1;
	v2 =	vadd.f32 v4, v2;
	vm0 =	vgt.f32 v5, $3.566749390e-01  }
0x127: {  	v3 =	vnsel vm0, $0x0, v5;
	v4 =	vsel vm0, $0x3F800000, v0;
	v5 =	vld [tilespmem:s26+$0x0]  }
0x128: {  	v1 =	vadd.f32 v3, v1;
	v2 =	vadd.f32 v4, v2;
	vm0 =	vgt.f32 v7, $3.566749390e-01  }
0x129: {  	v3 =	vnsel vm0, $0x0, v7;
	v4 =	vsel vm0, $0x3F800000, v0;
	v7 =	vld [tilespmem:s26+$0x10]  }
0x12a: {  	v1 =	vadd.f32 v3, v1;
	v2 =	vadd.f32 v4, v2;
	vm0 =	vgt.f32 v6, $3.566749390e-01  }
0x12b: {  	v3 =	vnsel vm0, $0x0, v6;
	v4 =	vsel vm0, $0x3F800000, v0;
	v6 =	vld [tilespmem:s26+$0x20]  }
0x12c: {  	v1 =	vadd.f32 v3, v1;
	v2 =	vadd.f32 v4, v2;
	vm0 =	vgt.f32 v5, $3.566749390e-01  }
0x12d: {  	v3 =	vnsel vm0, $0x0, v5;
	v4 =	vsel vm0, $0x3F800000, v0;
	v5 =	vld [tilespmem:s26+$0x30]  }
0x12e: {  	v1 =	vadd.f32 v3, v1;
	v2 =	vadd.f32 v4, v2;
	vm0 =	vgt.f32 v7, $3.566749390e-01  }
0x12f: {  	v3 =	vnsel vm0, $0x0, v7;
	v4 =	vsel vm0, $0x3F800000, v0;
	v7 =	vld [tilespmem:s26+$0x40]  }
0x130: {  	v1 =	vadd.f32 v3, v1;
	v2 =	vadd.f32 v4, v2;
	vm0 =	vgt.f32 v6, $3.566749390e-01  }
0x131: {  	v3 =	vnsel vm0, $0x0, v6;
	v4 =	vsel vm0, $0x3F800000, v0;
	v6 =	vld [tilespmem:s26+$0x50]  }
0x132: {  	v1 =	vadd.f32 v3, v1;
	v2 =	vadd.f32 v4, v2;
	vm0 =	vgt.f32 v5, $3.566749390e-01  }
0x133: {  	v3 =	vnsel vm0, $0x0, v5;
	v4 =	vsel vm0, $0x3F800000, v0;
	v5 =	vld [tilespmem:s26+$0x60]  }
0x134: {  	v1 =	vadd.f32 v3, v1;
	v2 =	vadd.f32 v4, v2;
	vm0 =	vgt.f32 v7, $3.566749390e-01  }
0x135: {  	v3 =	vnsel vm0, $0x0, v7;
	v4 =	vsel vm0, $0x3F800000, v0;
	v7 =	vld [tilespmem:s26+$0x70]  }
0x136: {  	v1 =	vadd.f32 v3, v1;
	v2 =	vadd.f32 v4, v2;
	vm0 =	vgt.f32 v6, $3.566749390e-01  }
0x137: {  	v3 =	vnsel vm0, $0x0, v6;
	v4 =	vsel vm0, $0x3F800000, v0;
	v6 =	vld [tilespmem:s24+$0x2800]  }
0x138: {  	v1 =	vadd.f32 v3, v1;
	v2 =	vadd.f32 v4, v2;
	vm0 =	vgt.f32 v5, $3.566749390e-01  }
0x139: {  	v3 =	vnsel vm0, $0x0, v5;
	v4 =	vsel vm0, $0x3F800000, v0;
	v5 =	vld [tilespmem:s24+$0x2810]  }
0x13a: {  	v1 =	vadd.f32 v3, v1;
	v2 =	vadd.f32 v4, v2;
	vm0 =	vgt.f32 v7, $3.566749390e-01  }
0x13b: {  	v3 =	vnsel vm0, $0x0, v7;
	v4 =	vsel vm0, $0x3F800000, v0;
	v7 =	vld [tilespmem:s24+$0x2820]  }
0x13c: {  	v1 =	vadd.f32 v3, v1;
	v2 =	vadd.f32 v4, v2;
	vm0 =	vgt.f32 v6, $3.566749390e-01  }
0x13d: {  	v3 =	vnsel vm0, $0x0, v6;
	v4 =	vsel vm0, $0x3F800000, v0;
	v6 =	vld [tilespmem:s24+$0x2830]  }
0x13e: {  	v1 =	vadd.f32 v3, v1;
	v2 =	vadd.f32 v4, v2;
	vm0 =	vgt.f32 v5, $3.566749390e-01  }
0x13f: {  	v3 =	vnsel vm0, $0x0, v5;
	v4 =	vsel vm0, $0x3F800000, v0;
	v5 =	vld [tilespmem:s24+$0x2840]  }
0x140: {  	v1 =	vadd.f32 v3, v1;
	v2 =	vadd.f32 v4, v2;
	vm0 =	vgt.f32 v7, $3.566749390e-01  }
0x141: {  	v3 =	vnsel vm0, $0x0, v7;
	v4 =	vsel vm0, $0x3F800000, v0;
	v7 =	vld [tilespmem:s24+$0x2850]  }
0x142: {  	v1 =	vadd.f32 v3, v1;
	v2 =	vadd.f32 v4, v2;
	vm0 =	vgt.f32 v6, $3.566749390e-01  }
0x143: {  	v3 =	vnsel vm0, $0x0, v6;
	v4 =	vsel vm0, $0x3F800000, v0;
	v6 =	vld [tilespmem:s24+$0x2860]  }
0x144: {  	v1 =	vadd.f32 v3, v1;
	v2 =	vadd.f32 v4, v2;
	vm0 =	vgt.f32 v5, $3.566749390e-01  }
0x145: {  	v3 =	vnsel vm0, $0x0, v5;
	v4 =	vsel vm0, $0x3F800000, v0;
	v5 =	vld [tilespmem:s24+$0x2870]  }
0x146: {  	s24 =	sor.u32 $0x2C00, s25;
	v1 =	vadd.f32 v3, v1;
	v2 =	vadd.f32 v4, v2;
	vm0 =	vgt.f32 v7, $3.566749390e-01  }
0x147: {  	v3 =	vnsel vm0, $0x0, v7;
	v4 =	vsel vm0, $0x3F800000, v0;
	v7 =	vld [tilespmem:s24+$0x0]  }
0x148: {  	v1 =	vadd.f32 v3, v1;
	v2 =	vadd.f32 v4, v2;
	vm0 =	vgt.f32 v6, $3.566749390e-01  }
0x149: {  	v3 =	vnsel vm0, $0x0, v6;
	v4 =	vsel vm0, $0x3F800000, v0;
	v6 =	vld [tilespmem:s24+$0x10]  }
0x14a: {  	v1 =	vadd.f32 v3, v1;
	v2 =	vadd.f32 v4, v2;
	vm0 =	vgt.f32 v5, $3.566749390e-01  }
0x14b: {  	v3 =	vnsel vm0, $0x0, v5;
	v4 =	vsel vm0, $0x3F800000, v0;
	v5 =	vld [tilespmem:s24+$0x20]  }
0x14c: {  	v1 =	vadd.f32 v3, v1;
	v2 =	vadd.f32 v4, v2;
	vm0 =	vgt.f32 v7, $3.566749390e-01  }
0x14d: {  	v3 =	vnsel vm0, $0x0, v7;
	v4 =	vsel vm0, $0x3F800000, v0;
	v7 =	vld [tilespmem:s24+$0x30]  }
0x14e: {  	v1 =	vadd.f32 v3, v1;
	v2 =	vadd.f32 v4, v2;
	vm0 =	vgt.f32 v6, $3.566749390e-01  }
0x14f: {  	v3 =	vnsel vm0, $0x0, v6;
	v4 =	vsel vm0, $0x3F800000, v0;
	v6 =	vld [tilespmem:s24+$0x40]  }
0x150: {  	v1 =	vadd.f32 v3, v1;
	v3 =	vadd.f32 v4, v2;
	vm0 =	vgt.f32 v5, $3.566749390e-01  }
.Ltmp1:
0x151: {  	v4 =	vnsel vm0, $0x0, v5;
	v5 =	vsel vm0, $0x3F800000, v0;
	v2 =	vld [tilespmem:s24+$0x50];
	(pc) =	sbr.rel @p0 .LBB2_4-.Ltmp1, $4  }
0x152: {  	v4 =	vadd.f32 v4, v1;
	v3 =	vadd.f32 v5, v3;
	vm0 =	vgt.f32 v7, $3.566749390e-01  }
0x153: {  	v5 =	vnsel vm0, $0x0, v7;
	v7 =	vsel vm0, $0x3F800000, v0;
	v1 =	vld [tilespmem:s24+$0x60]  }
0x154: {  	s21 =	sadd.s32 $0x80, s21;
	v4 =	vadd.f32 v5, v4;
	v5 =	vadd.f32 v7, v3;
	vm0 =	vgt.f32 v6, $3.566749390e-01  }
0x155: {  	s23 =	sadd.s32 $0x200, s23;
	s26 =	sand.u32 $0x380, s21;
	s25 =	sand.u32 $0x1000, s22;
	v7 =	vnsel vm0, $0x0, v6;
	v6 =	vsel vm0, $0x3F800000, v0;
	v3 =	vld [tilespmem:s24+$0x70]  }
0x156: {  	s23 =	sor.u32 s26, s25;
	v4 =	vadd.f32 v7, v4;
	vm0 =	vgt.f32 v2, $3.566749390e-01  }
0x157: {  	v5 =	vadd.f32 v6, v5;
	v6 =	vld [tilespmem:s23+$0x2000];
	v2 =	vnsel vm0, $0x0, v2  }
0x158: {  	v7 =	vsel vm0, $0x3F800000, v0;
	v2 =	vadd.f32 v2, v4;
	vm13 =	vgt.f32 v1, $3.566749390e-01  }
0x159: {  	v4 =	vadd.f32 v7, v5;
	v5 =	vld [tilespmem:s23+$0x2010];
	v1 =	vnsel vm13, $0x0, v1  }
0x15a: {  	v7 =	vsel vm13, $0x3F800000, v0;
	v1 =	vadd.f32 v1, v2;
	vm14 =	vgt.f32 v3, $3.566749390e-01  }
0x15b: {  	v2 =	vadd.f32 v7, v4;
	v4 =	vld [tilespmem:s23+$0x2020];
	v3 =	vnsel vm14, $0x0, v3  }
0x15c: {  	v7 =	vsel vm14, $0x3F800000, v0;
	vm15 =	vgt.f32 v6, $3.566749390e-01;
	v1 =	vadd.f32 v3, v1  }
0x15d: {  	v2 =	vadd.f32 v7, v2;
	v3 =	vnsel vm15, $0x0, v6;
	v6 =	vld [tilespmem:s23+$0x2030]  }
0x15e: {  	v7 =	vsel vm15, $0x3F800000, v0;
	vm4 =	vgt.f32 v5, $3.566749390e-01;
	v1 =	vadd.f32 v3, v1  }
0x15f: {  	v2 =	vadd.f32 v7, v2;
	v3 =	vnsel vm4, $0x0, v5;
	v5 =	vld [tilespmem:s23+$0x2040]  }
0x160: {  	v7 =	vsel vm4, $0x3F800000, v0;
	vm5 =	vgt.f32 v4, $3.566749390e-01;
	v1 =	vadd.f32 v3, v1  }
0x161: {  	v2 =	vadd.f32 v7, v2;
	v3 =	vnsel vm5, $0x0, v4;
	v4 =	vld [tilespmem:s23+$0x2050]  }
0x162: {  	v7 =	vsel vm5, $0x3F800000, v0;
	v1 =	vadd.f32 v3, v1;
	vm6 =	vgt.f32 v6, $3.566749390e-01  }
0x163: {  	v2 =	vadd.f32 v7, v2;
	v3 =	vnsel vm6, $0x0, v6;
	v6 =	vld [tilespmem:s23+$0x2060]  }
0x164: {  	s22 =	sand.u32 $0xFFFFF000, s22;
	v7 =	vsel vm6, $0x3F800000, v0;
	vm7 =	vgt.f32 v5, $3.566749390e-01;
	v1 =	vadd.f32 v3, v1  }
0x165: {  	s21 =	sadd.s32 s22, s21;
	v2 =	vadd.f32 v7, v2;
	v3 =	vnsel vm7, $0x0, v5;
	v5 =	vld [tilespmem:s23+$0x2070]  }
0x166: {  	s22 =	sor.u32 $0x2400, s21;
	v7 =	vsel vm7, $0x3F800000, v0;
	vm8 =	vgt.f32 v4, $3.566749390e-01;
	v1 =	vadd.f32 v3, v1  }
0x167: {  	v2 =	vadd.f32 v7, v2;
	v3 =	vnsel vm8, $0x0, v4;
	v4 =	vld [tilespmem:s22+$0x0]  }
0x168: {  	v7 =	vsel vm8, $0x3F800000, v0;
	v1 =	vadd.f32 v3, v1;
	vm9 =	vgt.f32 v6, $3.566749390e-01  }
0x169: {  	v2 =	vadd.f32 v7, v2;
	v3 =	vnsel vm9, $0x0, v6;
	v6 =	vld [tilespmem:s22+$0x10]  }
0x16a: {  	v7 =	vsel vm9, $0x3F800000, v0;
	vm10 =	vgt.f32 v5, $3.566749390e-01;
	v1 =	vadd.f32 v3, v1  }
0x16b: {  	v2 =	vadd.f32 v7, v2;
	v3 =	vnsel vm10, $0x0, v5;
	v5 =	vld [tilespmem:s22+$0x20]  }
0x16c: {  	v7 =	vsel vm10, $0x3F800000, v0;
	vm11 =	vgt.f32 v4, $3.566749390e-01;
	v1 =	vadd.f32 v3, v1  }
0x16d: {  	v2 =	vadd.f32 v7, v2;
	v3 =	vnsel vm11, $0x0, v4;
	v4 =	vld [tilespmem:s22+$0x30]  }
0x16e: {  	v7 =	vsel vm11, $0x3F800000, v0;
	v1 =	vadd.f32 v3, v1;
	vm12 =	vgt.f32 v6, $3.566749390e-01  }
0x16f: {  	v2 =	vadd.f32 v7, v2;
	v3 =	vnsel vm12, $0x0, v6;
	v6 =	vld [tilespmem:s22+$0x40]  }
0x170: {  	v7 =	vsel vm12, $0x3F800000, v0;
	vm13 =	vgt.f32 v5, $3.566749390e-01;
	v1 =	vadd.f32 v3, v1  }
0x171: {  	v2 =	vadd.f32 v7, v2;
	v3 =	vnsel vm13, $0x0, v5;
	v5 =	vld [tilespmem:s22+$0x50]  }
0x172: {  	v7 =	vsel vm13, $0x3F800000, v0;
	vm14 =	vgt.f32 v4, $3.566749390e-01;
	v1 =	vadd.f32 v3, v1  }
0x173: {  	v2 =	vadd.f32 v7, v2;
	v3 =	vnsel vm14, $0x0, v4;
	v4 =	vld [tilespmem:s22+$0x60]  }
0x174: {  	v7 =	vsel vm14, $0x3F800000, v0;
	v1 =	vadd.f32 v3, v1;
	vm15 =	vgt.f32 v6, $3.566749390e-01  }
0x175: {  	v2 =	vadd.f32 v7, v2;
	v3 =	vnsel vm15, $0x0, v6;
	v6 =	vld [tilespmem:s22+$0x70]  }
0x176: {  	v7 =	vsel vm15, $0x3F800000, v0;
	vm4 =	vgt.f32 v5, $3.566749390e-01;
	v1 =	vadd.f32 v3, v1  }
0x177: {  	v2 =	vadd.f32 v7, v2;
	v3 =	vnsel vm4, $0x0, v5;
	v5 =	vld [tilespmem:s23+$0x2800]  }
0x178: {  	v7 =	vsel vm4, $0x3F800000, v0;
	vm5 =	vgt.f32 v4, $3.566749390e-01;
	v1 =	vadd.f32 v3, v1  }
0x179: {  	v2 =	vadd.f32 v7, v2;
	v3 =	vnsel vm5, $0x0, v4;
	v4 =	vld [tilespmem:s23+$0x2810]  }
0x17a: {  	v7 =	vsel vm5, $0x3F800000, v0;
	v1 =	vadd.f32 v3, v1;
	vm6 =	vgt.f32 v6, $3.566749390e-01  }
0x17b: {  	v2 =	vadd.f32 v7, v2;
	v3 =	vnsel vm6, $0x0, v6;
	v6 =	vld [tilespmem:s23+$0x2820]  }
0x17c: {  	v7 =	vsel vm6, $0x3F800000, v0;
	vm7 =	vgt.f32 v5, $3.566749390e-01;
	v1 =	vadd.f32 v3, v1  }
0x17d: {  	v2 =	vadd.f32 v7, v2;
	v3 =	vnsel vm7, $0x0, v5;
	v5 =	vld [tilespmem:s23+$0x2830]  }
0x17e: {  	v7 =	vsel vm7, $0x3F800000, v0;
	vm8 =	vgt.f32 v4, $3.566749390e-01;
	v1 =	vadd.f32 v3, v1  }
0x17f: {  	v2 =	vadd.f32 v7, v2;
	v3 =	vnsel vm8, $0x0, v4;
	v4 =	vld [tilespmem:s23+$0x2840]  }
0x180: {  	v7 =	vsel vm8, $0x3F800000, v0;
	v1 =	vadd.f32 v3, v1;
	vm9 =	vgt.f32 v6, $3.566749390e-01  }
0x181: {  	v2 =	vadd.f32 v7, v2;
	v3 =	vnsel vm9, $0x0, v6;
	v6 =	vld [tilespmem:s23+$0x2850]  }
0x182: {  	v7 =	vsel vm9, $0x3F800000, v0;
	vm10 =	vgt.f32 v5, $3.566749390e-01;
	v1 =	vadd.f32 v3, v1  }
0x183: {  	v2 =	vadd.f32 v7, v2;
	v3 =	vnsel vm10, $0x0, v5;
	v5 =	vld [tilespmem:s23+$0x2860]  }
0x184: {  	v7 =	vsel vm10, $0x3F800000, v0;
	vm11 =	vgt.f32 v4, $3.566749390e-01;
	v1 =	vadd.f32 v3, v1  }
0x185: {  	v2 =	vadd.f32 v7, v2;
	v3 =	vnsel vm11, $0x0, v4;
	v4 =	vld [tilespmem:s23+$0x2870]  }
0x186: {  	s21 =	sor.u32 $0x2C00, s21;
	v7 =	vsel vm11, $0x3F800000, v0;
	v1 =	vadd.f32 v3, v1;
	vm12 =	vgt.f32 v6, $3.566749390e-01  }
0x187: {  	v2 =	vadd.f32 v7, v2;
	v3 =	vnsel vm12, $0x0, v6;
	v6 =	vld [tilespmem:s21+$0x0]  }
0x188: {  	v7 =	vsel vm12, $0x3F800000, v0;
	vm13 =	vgt.f32 v5, $3.566749390e-01;
	v1 =	vadd.f32 v3, v1  }
0x189: {  	v2 =	vadd.f32 v7, v2;
	v3 =	vnsel vm13, $0x0, v5;
	v5 =	vld [tilespmem:s21+$0x10]  }
0x18a: {  	v7 =	vsel vm13, $0x3F800000, v0;
	vm14 =	vgt.f32 v4, $3.566749390e-01;
	v1 =	vadd.f32 v3, v1  }
0x18b: {  	v2 =	vadd.f32 v7, v2;
	v3 =	vnsel vm14, $0x0, v4;
	v4 =	vld [tilespmem:s21+$0x20]  }
0x18c: {  	v7 =	vsel vm14, $0x3F800000, v0;
	v1 =	vadd.f32 v3, v1;
	vm15 =	vgt.f32 v6, $3.566749390e-01  }
0x18d: {  	v2 =	vadd.f32 v7, v2;
	v3 =	vnsel vm15, $0x0, v6;
	v6 =	vld [tilespmem:s21+$0x30]  }
0x18e: {  	v7 =	vsel vm15, $0x3F800000, v0;
	vm4 =	vgt.f32 v5, $3.566749390e-01;
	v1 =	vadd.f32 v3, v1  }
0x18f: {  	v2 =	vadd.f32 v7, v2;
	v3 =	vnsel vm4, $0x0, v5;
	v5 =	vld [tilespmem:s21+$0x40]  }
0x190: {  	v7 =	vsel vm4, $0x3F800000, v0;
	vm5 =	vgt.f32 v4, $3.566749390e-01;
	v1 =	vadd.f32 v3, v1  }
0x191: {  	v2 =	vadd.f32 v7, v2;
	v3 =	vnsel vm5, $0x0, v4;
	v4 =	vld [tilespmem:s21+$0x50]  }
0x192: {  	v7 =	vsel vm5, $0x3F800000, v0;
	v1 =	vadd.f32 v3, v1;
	vm6 =	vgt.f32 v6, $3.566749390e-01  }
0x193: {  	v3 =	vld [tilespmem:s21+$0x60];
	v2 =	vadd.f32 v7, v2;
	v6 =	vnsel vm6, $0x0, v6  }
0x194: {  	s28 =	simm.s32 $0x0;
	v7 =	vld [tilespmem:s21+$0x70];
	_ =	swait.ge [sflag:s15], $0x2000;
	vm7 =	vgt.f32 v5, $3.566749390e-01;
	v1 =	vadd.f32 v6, v1;
	v6 =	vsel vm6, $0x3F800000, v0  }
0x195: {  	s29 =	sand.u32 $0x1000, s28;
	s30 =	sand.u32 $0x380, s28;
	[sflag:s15] =	ssyncset.done $0x0;
	v5 =	vnsel vm7, $0x0, v5;
	v2 =	vadd.f32 v6, v2  }
0x196: {  	s21 =	sor.u32 s30, s29;
	[sflag:s15] =	ssyncadd.s32 $0xFFFFE000;
	v6 =	vsel vm7, $0x3F800000, v0;
	vm8 =	vgt.f32 v4, $3.566749390e-01;
	v1 =	vadd.f32 v5, v1  }
0x197: {  	v4 =	vnsel vm8, $0x0, v4;
	v5 =	vld [tilespmem:s21+$0x4000];
	v2 =	vadd.f32 v6, v2  }
0x198: {  	v6 =	vsel vm8, $0x3F800000, v0;
	vm9 =	vgt.f32 v3, $3.566749390e-01;
	v1 =	vadd.f32 v4, v1  }
0x199: {  	v3 =	vnsel vm9, $0x0, v3;
	v4 =	vld [tilespmem:s21+$0x4010];
	v2 =	vadd.f32 v6, v2  }
0x19a: {  	vm10 =	vgt.f32 v7, $3.566749390e-01;
	v6 =	vsel vm9, $0x3F800000, v0;
	v1 =	vadd.f32 v3, v1  }
0x19b: {  	v3 =	vnsel vm10, $0x0, v7;
	v2 =	vadd.f32 v6, v2;
	v6 =	vld [tilespmem:s21+$0x4020]  }
0x19c: {  	v7 =	vsel vm10, $0x3F800000, v0;
	vm11 =	vgt.f32 v5, $3.566749390e-01;
	v1 =	vadd.f32 v3, v1  }
0x19d: {  	v3 =	vnsel vm11, $0x0, v5;
	v5 =	vld [tilespmem:s21+$0x4030];
	v2 =	vadd.f32 v7, v2  }
0x19e: {  	v7 =	vsel vm11, $0x3F800000, v0;
	vm12 =	vgt.f32 v4, $3.566749390e-01;
	v1 =	vadd.f32 v3, v1  }
0x19f: {  	v3 =	vnsel vm12, $0x0, v4;
	v4 =	vld [tilespmem:s21+$0x4040];
	v2 =	vadd.f32 v7, v2  }
0x1a0: {  	v7 =	vsel vm12, $0x3F800000, v0;
	v1 =	vadd.f32 v3, v1;
	vm13 =	vgt.f32 v6, $3.566749390e-01  }
0x1a1: {  	v2 =	vadd.f32 v7, v2;
	v3 =	vnsel vm13, $0x0, v6;
	v6 =	vld [tilespmem:s21+$0x4050]  }
0x1a2: {  	v7 =	vsel vm13, $0x3F800000, v0;
	vm14 =	vgt.f32 v5, $3.566749390e-01;
	v1 =	vadd.f32 v3, v1  }
0x1a3: {  	v3 =	vnsel vm14, $0x0, v5;
	v5 =	vld [tilespmem:s21+$0x4060];
	v2 =	vadd.f32 v7, v2  }
0x1a4: {  	s22 =	sand.u32 $0xFFFFF000, s28;
	v7 =	vsel vm14, $0x3F800000, v0;
	vm15 =	vgt.f32 v4, $3.566749390e-01;
	v1 =	vadd.f32 v3, v1  }
0x1a5: {  	s22 =	sadd.s32 $0x0, s22;
	v3 =	vnsel vm15, $0x0, v4;
	v4 =	vld [tilespmem:s21+$0x4070];
	v2 =	vadd.f32 v7, v2  }
0x1a6: {  	s31 =	sor.u32 $0x4400, s22;
	v7 =	vsel vm15, $0x3F800000, v0;
	v1 =	vadd.f32 v3, v1;
	vm4 =	vgt.f32 v6, $3.566749390e-01  }
0x1a7: {  	v2 =	vadd.f32 v7, v2;
	v3 =	vnsel vm4, $0x0, v6;
	v6 =	vld [tilespmem:s31+$0x0]  }
0x1a8: {  	v7 =	vsel vm4, $0x3F800000, v0;
	vm5 =	vgt.f32 v5, $3.566749390e-01;
	v1 =	vadd.f32 v3, v1  }
0x1a9: {  	v3 =	vnsel vm5, $0x0, v5;
	v5 =	vld [tilespmem:s31+$0x10];
	v2 =	vadd.f32 v7, v2  }
0x1aa: {  	v7 =	vsel vm5, $0x3F800000, v0;
	vm6 =	vgt.f32 v4, $3.566749390e-01;
	v1 =	vadd.f32 v3, v1  }
0x1ab: {  	v3 =	vnsel vm6, $0x0, v4;
	v4 =	vld [tilespmem:s31+$0x20];
	v2 =	vadd.f32 v7, v2  }
0x1ac: {  	v7 =	vsel vm6, $0x3F800000, v0;
	v1 =	vadd.f32 v3, v1;
	vm7 =	vgt.f32 v6, $3.566749390e-01  }
0x1ad: {  	v2 =	vadd.f32 v7, v2;
	v3 =	vnsel vm7, $0x0, v6;
	v6 =	vld [tilespmem:s31+$0x30]  }
0x1ae: {  	v7 =	vsel vm7, $0x3F800000, v0;
	vm8 =	vgt.f32 v5, $3.566749390e-01;
	v1 =	vadd.f32 v3, v1  }
0x1af: {  	v3 =	vnsel vm8, $0x0, v5;
	v5 =	vld [tilespmem:s31+$0x40];
	v2 =	vadd.f32 v7, v2  }
0x1b0: {  	v7 =	vsel vm8, $0x3F800000, v0;
	vm9 =	vgt.f32 v4, $3.566749390e-01;
	v1 =	vadd.f32 v3, v1  }
0x1b1: {  	v3 =	vnsel vm9, $0x0, v4;
	v4 =	vld [tilespmem:s31+$0x50];
	v2 =	vadd.f32 v7, v2  }
0x1b2: {  	v7 =	vsel vm9, $0x3F800000, v0;
	v1 =	vadd.f32 v3, v1;
	vm10 =	vgt.f32 v6, $3.566749390e-01  }
0x1b3: {  	v2 =	vadd.f32 v7, v2;
	v3 =	vnsel vm10, $0x0, v6;
	v6 =	vld [tilespmem:s31+$0x60]  }
0x1b4: {  	v7 =	vsel vm10, $0x3F800000, v0;
	vm11 =	vgt.f32 v5, $3.566749390e-01;
	v1 =	vadd.f32 v3, v1  }
0x1b5: {  	v3 =	vnsel vm11, $0x0, v5;
	v5 =	vld [tilespmem:s31+$0x70];
	v2 =	vadd.f32 v7, v2  }
0x1b6: {  	v7 =	vsel vm11, $0x3F800000, v0;
	vm12 =	vgt.f32 v4, $3.566749390e-01;
	v1 =	vadd.f32 v3, v1  }
0x1b7: {  	v3 =	vnsel vm12, $0x0, v4;
	v4 =	vld [tilespmem:s21+$0x4800];
	v2 =	vadd.f32 v7, v2  }
0x1b8: {  	v7 =	vsel vm12, $0x3F800000, v0;
	v1 =	vadd.f32 v3, v1;
	vm13 =	vgt.f32 v6, $3.566749390e-01  }
0x1b9: {  	v2 =	vadd.f32 v7, v2;
	v3 =	vnsel vm13, $0x0, v6;
	v6 =	vld [tilespmem:s21+$0x4810]  }
0x1ba: {  	v7 =	vsel vm13, $0x3F800000, v0;
	vm14 =	vgt.f32 v5, $3.566749390e-01;
	v1 =	vadd.f32 v3, v1  }
0x1bb: {  	v3 =	vnsel vm14, $0x0, v5;
	v5 =	vld [tilespmem:s21+$0x4820];
	v2 =	vadd.f32 v7, v2  }
0x1bc: {  	v7 =	vsel vm14, $0x3F800000, v0;
	vm15 =	vgt.f32 v4, $3.566749390e-01;
	v1 =	vadd.f32 v3, v1  }
0x1bd: {  	v3 =	vnsel vm15, $0x0, v4;
	v4 =	vld [tilespmem:s21+$0x4830];
	v2 =	vadd.f32 v7, v2  }
0x1be: {  	v7 =	vsel vm15, $0x3F800000, v0;
	v1 =	vadd.f32 v3, v1;
	vm4 =	vgt.f32 v6, $3.566749390e-01  }
0x1bf: {  	v2 =	vadd.f32 v7, v2;
	v3 =	vnsel vm4, $0x0, v6;
	v6 =	vld [tilespmem:s21+$0x4840]  }
0x1c0: {  	v7 =	vsel vm4, $0x3F800000, v0;
	vm5 =	vgt.f32 v5, $3.566749390e-01;
	v1 =	vadd.f32 v3, v1  }
0x1c1: {  	v3 =	vnsel vm5, $0x0, v5;
	v5 =	vld [tilespmem:s21+$0x4850];
	v2 =	vadd.f32 v7, v2  }
0x1c2: {  	v7 =	vsel vm5, $0x3F800000, v0;
	vm6 =	vgt.f32 v4, $3.566749390e-01;
	v1 =	vadd.f32 v3, v1  }
0x1c3: {  	v3 =	vnsel vm6, $0x0, v4;
	v4 =	vld [tilespmem:s21+$0x4860];
	v2 =	vadd.f32 v7, v2  }
0x1c4: {  	v7 =	vsel vm6, $0x3F800000, v0;
	v1 =	vadd.f32 v3, v1;
	vm7 =	vgt.f32 v6, $3.566749390e-01  }
0x1c5: {  	v2 =	vadd.f32 v7, v2;
	v3 =	vnsel vm7, $0x0, v6;
	v6 =	vld [tilespmem:s21+$0x4870]  }
0x1c6: {  	s24 =	sor.u32 $0x4C00, s22;
	v7 =	vsel vm7, $0x3F800000, v0;
	vm8 =	vgt.f32 v5, $3.566749390e-01;
	v1 =	vadd.f32 v3, v1  }
0x1c7: {  	v3 =	vnsel vm8, $0x0, v5;
	v5 =	vld [tilespmem:s24+$0x0];
	v2 =	vadd.f32 v7, v2  }
0x1c8: {  	v7 =	vsel vm8, $0x3F800000, v0;
	vm9 =	vgt.f32 v4, $3.566749390e-01;
	v1 =	vadd.f32 v3, v1  }
0x1c9: {  	v3 =	vnsel vm9, $0x0, v4;
	v4 =	vld [tilespmem:s24+$0x10];
	v2 =	vadd.f32 v7, v2  }
0x1ca: {  	v7 =	vsel vm9, $0x3F800000, v0;
	v1 =	vadd.f32 v3, v1;
	vm10 =	vgt.f32 v6, $3.566749390e-01  }
0x1cb: {  	v2 =	vadd.f32 v7, v2;
	v3 =	vnsel vm10, $0x0, v6;
	v6 =	vld [tilespmem:s24+$0x20]  }
0x1cc: {  	v7 =	vsel vm10, $0x3F800000, v0;
	vm11 =	vgt.f32 v5, $3.566749390e-01;
	v1 =	vadd.f32 v3, v1  }
0x1cd: {  	v3 =	vnsel vm11, $0x0, v5;
	v2 =	vadd.f32 v7, v2  }
0x1ce: {  	v5 =	vld [tilespmem:s24+$0x30];
	v7 =	vsel vm11, $0x3F800000, v0;
	vm12 =	vgt.f32 v4, $3.566749390e-01;
	v1 =	vadd.f32 v3, v1  }
0x1cf: {  	v3 =	vnsel vm12, $0x0, v4;
	v2 =	vadd.f32 v7, v2  }
0x1d0: {  	v4 =	vsel vm12, $0x3F800000, v0;
	v7 =	vld [tilespmem:s24+$0x40];
	v1 =	vadd.f32 v3, v1;
	vm13 =	vgt.f32 v6, $3.566749390e-01  }
0x1d1: {  	v3 =	vadd.f32 v4, v2;
	v2 =	vnsel vm13, $0x0, v6  }
0x1d2: {  	v4 =	vsel vm13, $0x3F800000, v0;
	v6 =	vadd.f32 v2, v1;
	v2 =	vld [tilespmem:s24+$0x50]  }
0x1d3: {  	vm14 =	vgt.f32 v5, $3.566749390e-01;
	v3 =	vadd.f32 v4, v3  }
0x1d4: {  	v1 =	vld [tilespmem:s24+$0x60];
	v4 =	vnsel vm14, $0x0, v5;
	v5 =	vsel vm14, $0x3F800000, v0  }
0x1d5: {  	s22 =	simm.s32 $0x200;
	s21 =	simm.s32 $0x80;
	v4 =	vadd.f32 v4, v6;
	vm15 =	vgt.f32 v7, $3.566749390e-01;
	v5 =	vadd.f32 v5, v3  }
0x1d6: {  	s25 =	sand.u32 $0x1000, s22;
	s23 =	simm.s32 $0x400;
	s26 =	sand.u32 $0x380, s21;
	v7 =	vnsel vm15, $0x0, v7;
	v6 =	vsel vm15, $0x3F800000, v0;
	v3 =	vld [tilespmem:s24+$0x70]  }
.LBB2_6:
0x1d7: {  	p0 =	sne.s32 s23, $0x1E00;
	s24 =	sor.u32 s26, s25;
	v4 =	vadd.f32 v7, v4;
	v5 =	vadd.f32 v6, v5;
	vm0 =	vgt.f32 v2, $3.566749390e-01  }
0x1d8: {  	v6 =	vld [tilespmem:s24+$0x4000];
	v2 =	vnsel vm0, $0x0, v2;
	v7 =	vsel vm0, $0x3F800000, v0  }
0x1d9: {  	v2 =	vadd.f32 v2, v4;
	v4 =	vadd.f32 v7, v5;
	vm0 =	vgt.f32 v1, $3.566749390e-01  }
0x1da: {  	v5 =	vld [tilespmem:s24+$0x4010];
	v1 =	vnsel vm0, $0x0, v1;
	v7 =	vsel vm0, $0x3F800000, v0  }
0x1db: {  	v1 =	vadd.f32 v1, v2;
	v2 =	vadd.f32 v7, v4;
	vm0 =	vgt.f32 v3, $3.566749390e-01  }
0x1dc: {  	v4 =	vld [tilespmem:s24+$0x4020];
	v3 =	vnsel vm0, $0x0, v3;
	v7 =	vsel vm0, $0x3F800000, v0  }
0x1dd: {  	vm0 =	vgt.f32 v6, $3.566749390e-01;
	v1 =	vadd.f32 v3, v1;
	v2 =	vadd.f32 v7, v2  }
0x1de: {  	v3 =	vnsel vm0, $0x0, v6;
	v6 =	vsel vm0, $0x3F800000, v0;
	v7 =	vld [tilespmem:s24+$0x4030]  }
0x1df: {  	v1 =	vadd.f32 v3, v1;
	v2 =	vadd.f32 v6, v2;
	vm0 =	vgt.f32 v5, $3.566749390e-01  }
0x1e0: {  	v3 =	vnsel vm0, $0x0, v5;
	v5 =	vsel vm0, $0x3F800000, v0;
	v6 =	vld [tilespmem:s24+$0x4040]  }
0x1e1: {  	v1 =	vadd.f32 v3, v1;
	v2 =	vadd.f32 v5, v2;
	vm0 =	vgt.f32 v4, $3.566749390e-01  }
0x1e2: {  	v3 =	vnsel vm0, $0x0, v4;
	v4 =	vsel vm0, $0x3F800000, v0;
	v5 =	vld [tilespmem:s24+$0x4050]  }
0x1e3: {  	v1 =	vadd.f32 v3, v1;
	v2 =	vadd.f32 v4, v2;
	vm0 =	vgt.f32 v7, $3.566749390e-01  }
0x1e4: {  	v3 =	vnsel vm0, $0x0, v7;
	v4 =	vsel vm0, $0x3F800000, v0;
	v7 =	vld [tilespmem:s24+$0x4060]  }
0x1e5: {  	s25 =	sand.u32 $0xFFFFF000, s22;
	s22 =	smov.u32 s23;
	v1 =	vadd.f32 v3, v1;
	v2 =	vadd.f32 v4, v2;
	vm0 =	vgt.f32 v6, $3.566749390e-01  }
0x1e6: {  	s25 =	sadd.s32 s25, s21;
	v3 =	vnsel vm0, $0x0, v6;
	v4 =	vsel vm0, $0x3F800000, v0;
	v6 =	vld [tilespmem:s24+$0x4070]  }
0x1e7: {  	s26 =	sor.u32 $0x4400, s25;
	v1 =	vadd.f32 v3, v1;
	v2 =	vadd.f32 v4, v2;
	vm0 =	vgt.f32 v5, $3.566749390e-01  }
0x1e8: {  	v3 =	vnsel vm0, $0x0, v5;
	v4 =	vsel vm0, $0x3F800000, v0;
	v5 =	vld [tilespmem:s26+$0x0]  }
0x1e9: {  	v1 =	vadd.f32 v3, v1;
	v2 =	vadd.f32 v4, v2;
	vm0 =	vgt.f32 v7, $3.566749390e-01  }
0x1ea: {  	v3 =	vnsel vm0, $0x0, v7;
	v4 =	vsel vm0, $0x3F800000, v0;
	v7 =	vld [tilespmem:s26+$0x10]  }
0x1eb: {  	v1 =	vadd.f32 v3, v1;
	v2 =	vadd.f32 v4, v2;
	vm0 =	vgt.f32 v6, $3.566749390e-01  }
0x1ec: {  	v3 =	vnsel vm0, $0x0, v6;
	v4 =	vsel vm0, $0x3F800000, v0;
	v6 =	vld [tilespmem:s26+$0x20]  }
0x1ed: {  	v1 =	vadd.f32 v3, v1;
	v2 =	vadd.f32 v4, v2;
	vm0 =	vgt.f32 v5, $3.566749390e-01  }
0x1ee: {  	v3 =	vnsel vm0, $0x0, v5;
	v4 =	vsel vm0, $0x3F800000, v0;
	v5 =	vld [tilespmem:s26+$0x30]  }
0x1ef: {  	v1 =	vadd.f32 v3, v1;
	v2 =	vadd.f32 v4, v2;
	vm0 =	vgt.f32 v7, $3.566749390e-01  }
0x1f0: {  	v3 =	vnsel vm0, $0x0, v7;
	v4 =	vsel vm0, $0x3F800000, v0;
	v7 =	vld [tilespmem:s26+$0x40]  }
0x1f1: {  	v1 =	vadd.f32 v3, v1;
	v2 =	vadd.f32 v4, v2;
	vm0 =	vgt.f32 v6, $3.566749390e-01  }
0x1f2: {  	v3 =	vnsel vm0, $0x0, v6;
	v4 =	vsel vm0, $0x3F800000, v0;
	v6 =	vld [tilespmem:s26+$0x50]  }
0x1f3: {  	v1 =	vadd.f32 v3, v1;
	v2 =	vadd.f32 v4, v2;
	vm0 =	vgt.f32 v5, $3.566749390e-01  }
0x1f4: {  	v3 =	vnsel vm0, $0x0, v5;
	v4 =	vsel vm0, $0x3F800000, v0;
	v5 =	vld [tilespmem:s26+$0x60]  }
0x1f5: {  	v1 =	vadd.f32 v3, v1;
	v2 =	vadd.f32 v4, v2;
	vm0 =	vgt.f32 v7, $3.566749390e-01  }
0x1f6: {  	v3 =	vnsel vm0, $0x0, v7;
	v4 =	vsel vm0, $0x3F800000, v0;
	v7 =	vld [tilespmem:s26+$0x70]  }
0x1f7: {  	v1 =	vadd.f32 v3, v1;
	v2 =	vadd.f32 v4, v2;
	vm0 =	vgt.f32 v6, $3.566749390e-01  }
0x1f8: {  	v3 =	vnsel vm0, $0x0, v6;
	v4 =	vsel vm0, $0x3F800000, v0;
	v6 =	vld [tilespmem:s24+$0x4800]  }
0x1f9: {  	v1 =	vadd.f32 v3, v1;
	v2 =	vadd.f32 v4, v2;
	vm0 =	vgt.f32 v5, $3.566749390e-01  }
0x1fa: {  	v3 =	vnsel vm0, $0x0, v5;
	v4 =	vsel vm0, $0x3F800000, v0;
	v5 =	vld [tilespmem:s24+$0x4810]  }
0x1fb: {  	v1 =	vadd.f32 v3, v1;
	v2 =	vadd.f32 v4, v2;
	vm0 =	vgt.f32 v7, $3.566749390e-01  }
0x1fc: {  	v3 =	vnsel vm0, $0x0, v7;
	v4 =	vsel vm0, $0x3F800000, v0;
	v7 =	vld [tilespmem:s24+$0x4820]  }
0x1fd: {  	v1 =	vadd.f32 v3, v1;
	v2 =	vadd.f32 v4, v2;
	vm0 =	vgt.f32 v6, $3.566749390e-01  }
0x1fe: {  	v3 =	vnsel vm0, $0x0, v6;
	v4 =	vsel vm0, $0x3F800000, v0;
	v6 =	vld [tilespmem:s24+$0x4830]  }
0x1ff: {  	v1 =	vadd.f32 v3, v1;
	v2 =	vadd.f32 v4, v2;
	vm0 =	vgt.f32 v5, $3.566749390e-01  }
0x200: {  	v3 =	vnsel vm0, $0x0, v5;
	v4 =	vsel vm0, $0x3F800000, v0;
	v5 =	vld [tilespmem:s24+$0x4840]  }
0x201: {  	v1 =	vadd.f32 v3, v1;
	v2 =	vadd.f32 v4, v2;
	vm0 =	vgt.f32 v7, $3.566749390e-01  }
0x202: {  	v3 =	vnsel vm0, $0x0, v7;
	v4 =	vsel vm0, $0x3F800000, v0;
	v7 =	vld [tilespmem:s24+$0x4850]  }
0x203: {  	v1 =	vadd.f32 v3, v1;
	v2 =	vadd.f32 v4, v2;
	vm0 =	vgt.f32 v6, $3.566749390e-01  }
0x204: {  	v3 =	vnsel vm0, $0x0, v6;
	v4 =	vsel vm0, $0x3F800000, v0;
	v6 =	vld [tilespmem:s24+$0x4860]  }
0x205: {  	v1 =	vadd.f32 v3, v1;
	v2 =	vadd.f32 v4, v2;
	vm0 =	vgt.f32 v5, $3.566749390e-01  }
0x206: {  	v3 =	vnsel vm0, $0x0, v5;
	v4 =	vsel vm0, $0x3F800000, v0;
	v5 =	vld [tilespmem:s24+$0x4870]  }
0x207: {  	s24 =	sor.u32 $0x4C00, s25;
	v1 =	vadd.f32 v3, v1;
	v2 =	vadd.f32 v4, v2;
	vm0 =	vgt.f32 v7, $3.566749390e-01  }
0x208: {  	v3 =	vnsel vm0, $0x0, v7;
	v4 =	vsel vm0, $0x3F800000, v0;
	v7 =	vld [tilespmem:s24+$0x0]  }
0x209: {  	v1 =	vadd.f32 v3, v1;
	v2 =	vadd.f32 v4, v2;
	vm0 =	vgt.f32 v6, $3.566749390e-01  }
0x20a: {  	v3 =	vnsel vm0, $0x0, v6;
	v4 =	vsel vm0, $0x3F800000, v0;
	v6 =	vld [tilespmem:s24+$0x10]  }
0x20b: {  	v1 =	vadd.f32 v3, v1;
	v2 =	vadd.f32 v4, v2;
	vm0 =	vgt.f32 v5, $3.566749390e-01  }
0x20c: {  	v3 =	vnsel vm0, $0x0, v5;
	v4 =	vsel vm0, $0x3F800000, v0;
	v5 =	vld [tilespmem:s24+$0x20]  }
0x20d: {  	v1 =	vadd.f32 v3, v1;
	v2 =	vadd.f32 v4, v2;
	vm0 =	vgt.f32 v7, $3.566749390e-01  }
0x20e: {  	v3 =	vnsel vm0, $0x0, v7;
	v4 =	vsel vm0, $0x3F800000, v0;
	v7 =	vld [tilespmem:s24+$0x30]  }
0x20f: {  	v1 =	vadd.f32 v3, v1;
	v2 =	vadd.f32 v4, v2;
	vm0 =	vgt.f32 v6, $3.566749390e-01  }
0x210: {  	v3 =	vnsel vm0, $0x0, v6;
	v4 =	vsel vm0, $0x3F800000, v0;
	v6 =	vld [tilespmem:s24+$0x40]  }
0x211: {  	v1 =	vadd.f32 v3, v1;
	v3 =	vadd.f32 v4, v2;
	vm0 =	vgt.f32 v5, $3.566749390e-01  }
.Ltmp2:
0x212: {  	v4 =	vnsel vm0, $0x0, v5;
	v5 =	vsel vm0, $0x3F800000, v0;
	v2 =	vld [tilespmem:s24+$0x50];
	(pc) =	sbr.rel @p0 .LBB2_6-.Ltmp2, $4  }
0x213: {  	v4 =	vadd.f32 v4, v1;
	v3 =	vadd.f32 v5, v3;
	vm0 =	vgt.f32 v7, $3.566749390e-01  }
0x214: {  	v5 =	vnsel vm0, $0x0, v7;
	v7 =	vsel vm0, $0x3F800000, v0;
	v1 =	vld [tilespmem:s24+$0x60]  }
0x215: {  	s21 =	sadd.s32 $0x80, s21;
	v4 =	vadd.f32 v5, v4;
	v5 =	vadd.f32 v7, v3;
	vm0 =	vgt.f32 v6, $3.566749390e-01  }
0x216: {  	s23 =	sadd.s32 $0x200, s23;
	s26 =	sand.u32 $0x380, s21;
	s25 =	sand.u32 $0x1000, s22;
	v7 =	vnsel vm0, $0x0, v6;
	v6 =	vsel vm0, $0x3F800000, v0;
	v3 =	vld [tilespmem:s24+$0x70]  }
0x217: {  	s23 =	sor.u32 s26, s25;
	v4 =	vadd.f32 v7, v4;
	vm0 =	vgt.f32 v2, $3.566749390e-01  }
0x218: {  	v5 =	vadd.f32 v6, v5;
	v6 =	vld [tilespmem:s23+$0x4000];
	v2 =	vnsel vm0, $0x0, v2  }
0x219: {  	v7 =	vsel vm0, $0x3F800000, v0;
	v2 =	vadd.f32 v2, v4;
	vm13 =	vgt.f32 v1, $3.566749390e-01  }
0x21a: {  	v4 =	vadd.f32 v7, v5;
	v5 =	vld [tilespmem:s23+$0x4010];
	v1 =	vnsel vm13, $0x0, v1  }
0x21b: {  	v7 =	vsel vm13, $0x3F800000, v0;
	v1 =	vadd.f32 v1, v2;
	vm14 =	vgt.f32 v3, $3.566749390e-01  }
0x21c: {  	v2 =	vadd.f32 v7, v4;
	v4 =	vld [tilespmem:s23+$0x4020];
	v3 =	vnsel vm14, $0x0, v3  }
0x21d: {  	v7 =	vsel vm14, $0x3F800000, v0;
	vm15 =	vgt.f32 v6, $3.566749390e-01;
	v1 =	vadd.f32 v3, v1  }
0x21e: {  	v2 =	vadd.f32 v7, v2;
	v3 =	vnsel vm15, $0x0, v6;
	v6 =	vld [tilespmem:s23+$0x4030]  }
0x21f: {  	v7 =	vsel vm15, $0x3F800000, v0;
	vm4 =	vgt.f32 v5, $3.566749390e-01;
	v1 =	vadd.f32 v3, v1  }
0x220: {  	v2 =	vadd.f32 v7, v2;
	v3 =	vnsel vm4, $0x0, v5;
	v5 =	vld [tilespmem:s23+$0x4040]  }
0x221: {  	v7 =	vsel vm4, $0x3F800000, v0;
	vm5 =	vgt.f32 v4, $3.566749390e-01;
	v1 =	vadd.f32 v3, v1  }
0x222: {  	v2 =	vadd.f32 v7, v2;
	v3 =	vnsel vm5, $0x0, v4;
	v4 =	vld [tilespmem:s23+$0x4050]  }
0x223: {  	v7 =	vsel vm5, $0x3F800000, v0;
	v1 =	vadd.f32 v3, v1;
	vm6 =	vgt.f32 v6, $3.566749390e-01  }
0x224: {  	v2 =	vadd.f32 v7, v2;
	v3 =	vnsel vm6, $0x0, v6;
	v6 =	vld [tilespmem:s23+$0x4060]  }
0x225: {  	s22 =	sand.u32 $0xFFFFF000, s22;
	v7 =	vsel vm6, $0x3F800000, v0;
	vm7 =	vgt.f32 v5, $3.566749390e-01;
	v1 =	vadd.f32 v3, v1  }
0x226: {  	s21 =	sadd.s32 s22, s21;
	v2 =	vadd.f32 v7, v2;
	v3 =	vnsel vm7, $0x0, v5;
	v5 =	vld [tilespmem:s23+$0x4070]  }
0x227: {  	s22 =	sor.u32 $0x4400, s21;
	v7 =	vsel vm7, $0x3F800000, v0;
	vm8 =	vgt.f32 v4, $3.566749390e-01;
	v1 =	vadd.f32 v3, v1  }
0x228: {  	v2 =	vadd.f32 v7, v2;
	v3 =	vnsel vm8, $0x0, v4;
	v4 =	vld [tilespmem:s22+$0x0]  }
0x229: {  	v7 =	vsel vm8, $0x3F800000, v0;
	v1 =	vadd.f32 v3, v1;
	vm9 =	vgt.f32 v6, $3.566749390e-01  }
0x22a: {  	v2 =	vadd.f32 v7, v2;
	v3 =	vnsel vm9, $0x0, v6;
	v6 =	vld [tilespmem:s22+$0x10]  }
0x22b: {  	v7 =	vsel vm9, $0x3F800000, v0;
	vm10 =	vgt.f32 v5, $3.566749390e-01;
	v1 =	vadd.f32 v3, v1  }
0x22c: {  	v2 =	vadd.f32 v7, v2;
	v3 =	vnsel vm10, $0x0, v5;
	v5 =	vld [tilespmem:s22+$0x20]  }
0x22d: {  	v7 =	vsel vm10, $0x3F800000, v0;
	vm11 =	vgt.f32 v4, $3.566749390e-01;
	v1 =	vadd.f32 v3, v1  }
0x22e: {  	v2 =	vadd.f32 v7, v2;
	v3 =	vnsel vm11, $0x0, v4;
	v4 =	vld [tilespmem:s22+$0x30]  }
0x22f: {  	v7 =	vsel vm11, $0x3F800000, v0;
	v1 =	vadd.f32 v3, v1;
	vm12 =	vgt.f32 v6, $3.566749390e-01  }
0x230: {  	v2 =	vadd.f32 v7, v2;
	v3 =	vnsel vm12, $0x0, v6;
	v6 =	vld [tilespmem:s22+$0x40]  }
0x231: {  	v7 =	vsel vm12, $0x3F800000, v0;
	vm13 =	vgt.f32 v5, $3.566749390e-01;
	v1 =	vadd.f32 v3, v1  }
0x232: {  	v2 =	vadd.f32 v7, v2;
	v3 =	vnsel vm13, $0x0, v5;
	v5 =	vld [tilespmem:s22+$0x50]  }
0x233: {  	v7 =	vsel vm13, $0x3F800000, v0;
	vm14 =	vgt.f32 v4, $3.566749390e-01;
	v1 =	vadd.f32 v3, v1  }
0x234: {  	v2 =	vadd.f32 v7, v2;
	v3 =	vnsel vm14, $0x0, v4;
	v4 =	vld [tilespmem:s22+$0x60]  }
0x235: {  	v7 =	vsel vm14, $0x3F800000, v0;
	v1 =	vadd.f32 v3, v1;
	vm15 =	vgt.f32 v6, $3.566749390e-01  }
0x236: {  	v2 =	vadd.f32 v7, v2;
	v3 =	vnsel vm15, $0x0, v6;
	v6 =	vld [tilespmem:s22+$0x70]  }
0x237: {  	v7 =	vsel vm15, $0x3F800000, v0;
	vm4 =	vgt.f32 v5, $3.566749390e-01;
	v1 =	vadd.f32 v3, v1  }
0x238: {  	v2 =	vadd.f32 v7, v2;
	v3 =	vnsel vm4, $0x0, v5;
	v5 =	vld [tilespmem:s23+$0x4800]  }
0x239: {  	v7 =	vsel vm4, $0x3F800000, v0;
	vm5 =	vgt.f32 v4, $3.566749390e-01;
	v1 =	vadd.f32 v3, v1  }
0x23a: {  	v2 =	vadd.f32 v7, v2;
	v3 =	vnsel vm5, $0x0, v4;
	v4 =	vld [tilespmem:s23+$0x4810]  }
0x23b: {  	v7 =	vsel vm5, $0x3F800000, v0;
	v1 =	vadd.f32 v3, v1;
	vm6 =	vgt.f32 v6, $3.566749390e-01  }
0x23c: {  	v2 =	vadd.f32 v7, v2;
	v3 =	vnsel vm6, $0x0, v6;
	v6 =	vld [tilespmem:s23+$0x4820]  }
0x23d: {  	v7 =	vsel vm6, $0x3F800000, v0;
	vm7 =	vgt.f32 v5, $3.566749390e-01;
	v1 =	vadd.f32 v3, v1  }
0x23e: {  	v2 =	vadd.f32 v7, v2;
	v3 =	vnsel vm7, $0x0, v5;
	v5 =	vld [tilespmem:s23+$0x4830]  }
0x23f: {  	v7 =	vsel vm7, $0x3F800000, v0;
	vm8 =	vgt.f32 v4, $3.566749390e-01;
	v1 =	vadd.f32 v3, v1  }
0x240: {  	v2 =	vadd.f32 v7, v2;
	v3 =	vnsel vm8, $0x0, v4;
	v4 =	vld [tilespmem:s23+$0x4840]  }
0x241: {  	v7 =	vsel vm8, $0x3F800000, v0;
	v1 =	vadd.f32 v3, v1;
	vm9 =	vgt.f32 v6, $3.566749390e-01  }
0x242: {  	v2 =	vadd.f32 v7, v2;
	v3 =	vnsel vm9, $0x0, v6;
	v6 =	vld [tilespmem:s23+$0x4850]  }
0x243: {  	v7 =	vsel vm9, $0x3F800000, v0;
	vm10 =	vgt.f32 v5, $3.566749390e-01;
	v1 =	vadd.f32 v3, v1  }
0x244: {  	v2 =	vadd.f32 v7, v2;
	v3 =	vnsel vm10, $0x0, v5;
	v5 =	vld [tilespmem:s23+$0x4860]  }
0x245: {  	v7 =	vsel vm10, $0x3F800000, v0;
	vm11 =	vgt.f32 v4, $3.566749390e-01;
	v1 =	vadd.f32 v3, v1  }
0x246: {  	v2 =	vadd.f32 v7, v2;
	v3 =	vnsel vm11, $0x0, v4;
	v4 =	vld [tilespmem:s23+$0x4870]  }
0x247: {  	s21 =	sor.u32 $0x4C00, s21;
	v7 =	vsel vm11, $0x3F800000, v0;
	v1 =	vadd.f32 v3, v1;
	vm12 =	vgt.f32 v6, $3.566749390e-01  }
0x248: {  	v2 =	vadd.f32 v7, v2;
	v3 =	vnsel vm12, $0x0, v6;
	v6 =	vld [tilespmem:s21+$0x0]  }
0x249: {  	v7 =	vsel vm12, $0x3F800000, v0;
	vm13 =	vgt.f32 v5, $3.566749390e-01;
	v1 =	vadd.f32 v3, v1  }
0x24a: {  	v2 =	vadd.f32 v7, v2;
	v3 =	vnsel vm13, $0x0, v5;
	v5 =	vld [tilespmem:s21+$0x10]  }
0x24b: {  	v7 =	vsel vm13, $0x3F800000, v0;
	vm14 =	vgt.f32 v4, $3.566749390e-01;
	v1 =	vadd.f32 v3, v1  }
0x24c: {  	v2 =	vadd.f32 v7, v2;
	v3 =	vnsel vm14, $0x0, v4;
	v4 =	vld [tilespmem:s21+$0x20]  }
0x24d: {  	v7 =	vsel vm14, $0x3F800000, v0;
	v1 =	vadd.f32 v3, v1;
	vm15 =	vgt.f32 v6, $3.566749390e-01  }
0x24e: {  	v2 =	vadd.f32 v7, v2;
	v3 =	vnsel vm15, $0x0, v6;
	v6 =	vld [tilespmem:s21+$0x30]  }
0x24f: {  	v7 =	vsel vm15, $0x3F800000, v0;
	vm4 =	vgt.f32 v5, $3.566749390e-01;
	v1 =	vadd.f32 v3, v1  }
0x250: {  	v2 =	vadd.f32 v7, v2;
	v3 =	vnsel vm4, $0x0, v5;
	v5 =	vld [tilespmem:s21+$0x40]  }
0x251: {  	v7 =	vsel vm4, $0x3F800000, v0;
	vm5 =	vgt.f32 v4, $3.566749390e-01;
	v1 =	vadd.f32 v3, v1  }
0x252: {  	v2 =	vadd.f32 v7, v2;
	v3 =	vnsel vm5, $0x0, v4;
	v4 =	vld [tilespmem:s21+$0x50]  }
0x253: {  	v7 =	vsel vm5, $0x3F800000, v0;
	v1 =	vadd.f32 v3, v1;
	vm6 =	vgt.f32 v6, $3.566749390e-01  }
0x254: {  	v3 =	vld [tilespmem:s21+$0x60];
	v2 =	vadd.f32 v7, v2;
	v6 =	vnsel vm6, $0x0, v6  }
0x255: {  	s28 =	simm.s32 $0x0;
	v7 =	vld [tilespmem:s21+$0x70];
	_ =	swait.ge [sflag:s16], $0x2000;
	vm7 =	vgt.f32 v5, $3.566749390e-01;
	v1 =	vadd.f32 v6, v1;
	v6 =	vsel vm6, $0x3F800000, v0  }
0x256: {  	s29 =	sand.u32 $0x1000, s28;
	s30 =	sand.u32 $0x380, s28;
	[sflag:s16] =	ssyncset.done $0x0;
	v5 =	vnsel vm7, $0x0, v5;
	v2 =	vadd.f32 v6, v2  }
0x257: {  	s21 =	sor.u32 s30, s29;
	[sflag:s16] =	ssyncadd.s32 $0xFFFFE000;
	v6 =	vsel vm7, $0x3F800000, v0;
	vm8 =	vgt.f32 v4, $3.566749390e-01;
	v1 =	vadd.f32 v5, v1  }
0x258: {  	v4 =	vnsel vm8, $0x0, v4;
	v5 =	vld [tilespmem:s21+$0x6000];
	v2 =	vadd.f32 v6, v2  }
0x259: {  	v6 =	vsel vm8, $0x3F800000, v0;
	vm9 =	vgt.f32 v3, $3.566749390e-01;
	v1 =	vadd.f32 v4, v1  }
0x25a: {  	v3 =	vnsel vm9, $0x0, v3;
	v4 =	vld [tilespmem:s21+$0x6010];
	v2 =	vadd.f32 v6, v2  }
0x25b: {  	vm10 =	vgt.f32 v7, $3.566749390e-01;
	v6 =	vsel vm9, $0x3F800000, v0;
	v1 =	vadd.f32 v3, v1  }
0x25c: {  	v3 =	vnsel vm10, $0x0, v7;
	v2 =	vadd.f32 v6, v2;
	v6 =	vld [tilespmem:s21+$0x6020]  }
0x25d: {  	v7 =	vsel vm10, $0x3F800000, v0;
	vm11 =	vgt.f32 v5, $3.566749390e-01;
	v1 =	vadd.f32 v3, v1  }
0x25e: {  	v3 =	vnsel vm11, $0x0, v5;
	v5 =	vld [tilespmem:s21+$0x6030];
	v2 =	vadd.f32 v7, v2  }
0x25f: {  	v7 =	vsel vm11, $0x3F800000, v0;
	vm12 =	vgt.f32 v4, $3.566749390e-01;
	v1 =	vadd.f32 v3, v1  }
0x260: {  	v3 =	vnsel vm12, $0x0, v4;
	v4 =	vld [tilespmem:s21+$0x6040];
	v2 =	vadd.f32 v7, v2  }
0x261: {  	v7 =	vsel vm12, $0x3F800000, v0;
	v1 =	vadd.f32 v3, v1;
	vm13 =	vgt.f32 v6, $3.566749390e-01  }
0x262: {  	v2 =	vadd.f32 v7, v2;
	v3 =	vnsel vm13, $0x0, v6;
	v6 =	vld [tilespmem:s21+$0x6050]  }
0x263: {  	v7 =	vsel vm13, $0x3F800000, v0;
	vm14 =	vgt.f32 v5, $3.566749390e-01;
	v1 =	vadd.f32 v3, v1  }
0x264: {  	v3 =	vnsel vm14, $0x0, v5;
	v5 =	vld [tilespmem:s21+$0x6060];
	v2 =	vadd.f32 v7, v2  }
0x265: {  	s22 =	sand.u32 $0xFFFFF000, s28;
	v7 =	vsel vm14, $0x3F800000, v0;
	vm15 =	vgt.f32 v4, $3.566749390e-01;
	v1 =	vadd.f32 v3, v1  }
0x266: {  	s22 =	sadd.s32 $0x0, s22;
	v3 =	vnsel vm15, $0x0, v4;
	v4 =	vld [tilespmem:s21+$0x6070];
	v2 =	vadd.f32 v7, v2  }
0x267: {  	s31 =	sor.u32 $0x6400, s22;
	v7 =	vsel vm15, $0x3F800000, v0;
	v1 =	vadd.f32 v3, v1;
	vm4 =	vgt.f32 v6, $3.566749390e-01  }
0x268: {  	v2 =	vadd.f32 v7, v2;
	v3 =	vnsel vm4, $0x0, v6;
	v6 =	vld [tilespmem:s31+$0x0]  }
0x269: {  	v7 =	vsel vm4, $0x3F800000, v0;
	vm5 =	vgt.f32 v5, $3.566749390e-01;
	v1 =	vadd.f32 v3, v1  }
0x26a: {  	v3 =	vnsel vm5, $0x0, v5;
	v5 =	vld [tilespmem:s31+$0x10];
	v2 =	vadd.f32 v7, v2  }
0x26b: {  	v7 =	vsel vm5, $0x3F800000, v0;
	vm6 =	vgt.f32 v4, $3.566749390e-01;
	v1 =	vadd.f32 v3, v1  }
0x26c: {  	v3 =	vnsel vm6, $0x0, v4;
	v4 =	vld [tilespmem:s31+$0x20];
	v2 =	vadd.f32 v7, v2  }
0x26d: {  	v7 =	vsel vm6, $0x3F800000, v0;
	v1 =	vadd.f32 v3, v1;
	vm7 =	vgt.f32 v6, $3.566749390e-01  }
0x26e: {  	v2 =	vadd.f32 v7, v2;
	v3 =	vnsel vm7, $0x0, v6;
	v6 =	vld [tilespmem:s31+$0x30]  }
0x26f: {  	v7 =	vsel vm7, $0x3F800000, v0;
	vm8 =	vgt.f32 v5, $3.566749390e-01;
	v1 =	vadd.f32 v3, v1  }
0x270: {  	v3 =	vnsel vm8, $0x0, v5;
	v5 =	vld [tilespmem:s31+$0x40];
	v2 =	vadd.f32 v7, v2  }
0x271: {  	v7 =	vsel vm8, $0x3F800000, v0;
	vm9 =	vgt.f32 v4, $3.566749390e-01;
	v1 =	vadd.f32 v3, v1  }
0x272: {  	v3 =	vnsel vm9, $0x0, v4;
	v4 =	vld [tilespmem:s31+$0x50];
	v2 =	vadd.f32 v7, v2  }
0x273: {  	v7 =	vsel vm9, $0x3F800000, v0;
	v1 =	vadd.f32 v3, v1;
	vm10 =	vgt.f32 v6, $3.566749390e-01  }
0x274: {  	v2 =	vadd.f32 v7, v2;
	v3 =	vnsel vm10, $0x0, v6;
	v6 =	vld [tilespmem:s31+$0x60]  }
0x275: {  	v7 =	vsel vm10, $0x3F800000, v0;
	vm11 =	vgt.f32 v5, $3.566749390e-01;
	v1 =	vadd.f32 v3, v1  }
0x276: {  	v3 =	vnsel vm11, $0x0, v5;
	v5 =	vld [tilespmem:s31+$0x70];
	v2 =	vadd.f32 v7, v2  }
0x277: {  	v7 =	vsel vm11, $0x3F800000, v0;
	vm12 =	vgt.f32 v4, $3.566749390e-01;
	v1 =	vadd.f32 v3, v1  }
0x278: {  	v3 =	vnsel vm12, $0x0, v4;
	v4 =	vld [tilespmem:s21+$0x6800];
	v2 =	vadd.f32 v7, v2  }
0x279: {  	v7 =	vsel vm12, $0x3F800000, v0;
	v1 =	vadd.f32 v3, v1;
	vm13 =	vgt.f32 v6, $3.566749390e-01  }
0x27a: {  	v2 =	vadd.f32 v7, v2;
	v3 =	vnsel vm13, $0x0, v6;
	v6 =	vld [tilespmem:s21+$0x6810]  }
0x27b: {  	v7 =	vsel vm13, $0x3F800000, v0;
	vm14 =	vgt.f32 v5, $3.566749390e-01;
	v1 =	vadd.f32 v3, v1  }
0x27c: {  	v3 =	vnsel vm14, $0x0, v5;
	v5 =	vld [tilespmem:s21+$0x6820];
	v2 =	vadd.f32 v7, v2  }
0x27d: {  	v7 =	vsel vm14, $0x3F800000, v0;
	vm15 =	vgt.f32 v4, $3.566749390e-01;
	v1 =	vadd.f32 v3, v1  }
0x27e: {  	v3 =	vnsel vm15, $0x0, v4;
	v4 =	vld [tilespmem:s21+$0x6830];
	v2 =	vadd.f32 v7, v2  }
0x27f: {  	v7 =	vsel vm15, $0x3F800000, v0;
	v1 =	vadd.f32 v3, v1;
	vm4 =	vgt.f32 v6, $3.566749390e-01  }
0x280: {  	v2 =	vadd.f32 v7, v2;
	v3 =	vnsel vm4, $0x0, v6;
	v6 =	vld [tilespmem:s21+$0x6840]  }
0x281: {  	v7 =	vsel vm4, $0x3F800000, v0;
	vm5 =	vgt.f32 v5, $3.566749390e-01;
	v1 =	vadd.f32 v3, v1  }
0x282: {  	v3 =	vnsel vm5, $0x0, v5;
	v5 =	vld [tilespmem:s21+$0x6850];
	v2 =	vadd.f32 v7, v2  }
0x283: {  	v7 =	vsel vm5, $0x3F800000, v0;
	vm6 =	vgt.f32 v4, $3.566749390e-01;
	v1 =	vadd.f32 v3, v1  }
0x284: {  	v3 =	vnsel vm6, $0x0, v4;
	v4 =	vld [tilespmem:s21+$0x6860];
	v2 =	vadd.f32 v7, v2  }
0x285: {  	v7 =	vsel vm6, $0x3F800000, v0;
	v1 =	vadd.f32 v3, v1;
	vm7 =	vgt.f32 v6, $3.566749390e-01  }
0x286: {  	v2 =	vadd.f32 v7, v2;
	v3 =	vnsel vm7, $0x0, v6;
	v6 =	vld [tilespmem:s21+$0x6870]  }
0x287: {  	s24 =	sor.u32 $0x6C00, s22;
	v7 =	vsel vm7, $0x3F800000, v0;
	vm8 =	vgt.f32 v5, $3.566749390e-01;
	v1 =	vadd.f32 v3, v1  }
0x288: {  	v3 =	vnsel vm8, $0x0, v5;
	v5 =	vld [tilespmem:s24+$0x0];
	v2 =	vadd.f32 v7, v2  }
0x289: {  	v7 =	vsel vm8, $0x3F800000, v0;
	vm9 =	vgt.f32 v4, $3.566749390e-01;
	v1 =	vadd.f32 v3, v1  }
0x28a: {  	v3 =	vnsel vm9, $0x0, v4;
	v4 =	vld [tilespmem:s24+$0x10];
	v2 =	vadd.f32 v7, v2  }
0x28b: {  	v7 =	vsel vm9, $0x3F800000, v0;
	v1 =	vadd.f32 v3, v1;
	vm10 =	vgt.f32 v6, $3.566749390e-01  }
0x28c: {  	v2 =	vadd.f32 v7, v2;
	v3 =	vnsel vm10, $0x0, v6;
	v6 =	vld [tilespmem:s24+$0x20]  }
0x28d: {  	v7 =	vsel vm10, $0x3F800000, v0;
	vm11 =	vgt.f32 v5, $3.566749390e-01;
	v1 =	vadd.f32 v3, v1  }
0x28e: {  	v3 =	vnsel vm11, $0x0, v5;
	v2 =	vadd.f32 v7, v2  }
0x28f: {  	v5 =	vld [tilespmem:s24+$0x30];
	v7 =	vsel vm11, $0x3F800000, v0;
	vm12 =	vgt.f32 v4, $3.566749390e-01;
	v1 =	vadd.f32 v3, v1  }
0x290: {  	v3 =	vnsel vm12, $0x0, v4;
	v2 =	vadd.f32 v7, v2  }
0x291: {  	v4 =	vsel vm12, $0x3F800000, v0;
	v7 =	vld [tilespmem:s24+$0x40];
	v1 =	vadd.f32 v3, v1;
	vm13 =	vgt.f32 v6, $3.566749390e-01  }
0x292: {  	v3 =	vadd.f32 v4, v2;
	v2 =	vnsel vm13, $0x0, v6  }
0x293: {  	v4 =	vsel vm13, $0x3F800000, v0;
	v6 =	vadd.f32 v2, v1;
	v2 =	vld [tilespmem:s24+$0x50]  }
0x294: {  	vm14 =	vgt.f32 v5, $3.566749390e-01;
	v3 =	vadd.f32 v4, v3  }
0x295: {  	v1 =	vld [tilespmem:s24+$0x60];
	v4 =	vnsel vm14, $0x0, v5;
	v5 =	vsel vm14, $0x3F800000, v0  }
0x296: {  	s22 =	simm.s32 $0x200;
	s21 =	simm.s32 $0x80;
	v4 =	vadd.f32 v4, v6;
	vm15 =	vgt.f32 v7, $3.566749390e-01;
	v5 =	vadd.f32 v5, v3  }
0x297: {  	s25 =	sand.u32 $0x1000, s22;
	s23 =	simm.s32 $0x400;
	s26 =	sand.u32 $0x380, s21;
	v7 =	vnsel vm15, $0x0, v7;
	v6 =	vsel vm15, $0x3F800000, v0;
	v3 =	vld [tilespmem:s24+$0x70]  }
.LBB2_8:
0x298: {  	p0 =	sne.s32 s23, $0x1E00;
	s24 =	sor.u32 s26, s25;
	v4 =	vadd.f32 v7, v4;
	v5 =	vadd.f32 v6, v5;
	vm0 =	vgt.f32 v2, $3.566749390e-01  }
0x299: {  	v6 =	vld [tilespmem:s24+$0x6000];
	v2 =	vnsel vm0, $0x0, v2;
	v7 =	vsel vm0, $0x3F800000, v0  }
0x29a: {  	v2 =	vadd.f32 v2, v4;
	v4 =	vadd.f32 v7, v5;
	vm0 =	vgt.f32 v1, $3.566749390e-01  }
0x29b: {  	v5 =	vld [tilespmem:s24+$0x6010];
	v1 =	vnsel vm0, $0x0, v1;
	v7 =	vsel vm0, $0x3F800000, v0  }
0x29c: {  	v1 =	vadd.f32 v1, v2;
	v2 =	vadd.f32 v7, v4;
	vm0 =	vgt.f32 v3, $3.566749390e-01  }
0x29d: {  	v4 =	vld [tilespmem:s24+$0x6020];
	v3 =	vnsel vm0, $0x0, v3;
	v7 =	vsel vm0, $0x3F800000, v0  }
0x29e: {  	vm0 =	vgt.f32 v6, $3.566749390e-01;
	v1 =	vadd.f32 v3, v1;
	v2 =	vadd.f32 v7, v2  }
0x29f: {  	v3 =	vnsel vm0, $0x0, v6;
	v6 =	vsel vm0, $0x3F800000, v0;
	v7 =	vld [tilespmem:s24+$0x6030]  }
0x2a0: {  	v1 =	vadd.f32 v3, v1;
	v2 =	vadd.f32 v6, v2;
	vm0 =	vgt.f32 v5, $3.566749390e-01  }
0x2a1: {  	v3 =	vnsel vm0, $0x0, v5;
	v5 =	vsel vm0, $0x3F800000, v0;
	v6 =	vld [tilespmem:s24+$0x6040]  }
0x2a2: {  	v1 =	vadd.f32 v3, v1;
	v2 =	vadd.f32 v5, v2;
	vm0 =	vgt.f32 v4, $3.566749390e-01  }
0x2a3: {  	v3 =	vnsel vm0, $0x0, v4;
	v4 =	vsel vm0, $0x3F800000, v0;
	v5 =	vld [tilespmem:s24+$0x6050]  }
0x2a4: {  	v1 =	vadd.f32 v3, v1;
	v2 =	vadd.f32 v4, v2;
	vm0 =	vgt.f32 v7, $3.566749390e-01  }
0x2a5: {  	v3 =	vnsel vm0, $0x0, v7;
	v4 =	vsel vm0, $0x3F800000, v0;
	v7 =	vld [tilespmem:s24+$0x6060]  }
0x2a6: {  	s25 =	sand.u32 $0xFFFFF000, s22;
	s22 =	smov.u32 s23;
	v1 =	vadd.f32 v3, v1;
	v2 =	vadd.f32 v4, v2;
	vm0 =	vgt.f32 v6, $3.566749390e-01  }
0x2a7: {  	s25 =	sadd.s32 s25, s21;
	v3 =	vnsel vm0, $0x0, v6;
	v4 =	vsel vm0, $0x3F800000, v0;
	v6 =	vld [tilespmem:s24+$0x6070]  }
0x2a8: {  	s26 =	sor.u32 $0x6400, s25;
	v1 =	vadd.f32 v3, v1;
	v2 =	vadd.f32 v4, v2;
	vm0 =	vgt.f32 v5, $3.566749390e-01  }
0x2a9: {  	v3 =	vnsel vm0, $0x0, v5;
	v4 =	vsel vm0, $0x3F800000, v0;
	v5 =	vld [tilespmem:s26+$0x0]  }
0x2aa: {  	v1 =	vadd.f32 v3, v1;
	v2 =	vadd.f32 v4, v2;
	vm0 =	vgt.f32 v7, $3.566749390e-01  }
0x2ab: {  	v3 =	vnsel vm0, $0x0, v7;
	v4 =	vsel vm0, $0x3F800000, v0;
	v7 =	vld [tilespmem:s26+$0x10]  }
0x2ac: {  	v1 =	vadd.f32 v3, v1;
	v2 =	vadd.f32 v4, v2;
	vm0 =	vgt.f32 v6, $3.566749390e-01  }
0x2ad: {  	v3 =	vnsel vm0, $0x0, v6;
	v4 =	vsel vm0, $0x3F800000, v0;
	v6 =	vld [tilespmem:s26+$0x20]  }
0x2ae: {  	v1 =	vadd.f32 v3, v1;
	v2 =	vadd.f32 v4, v2;
	vm0 =	vgt.f32 v5, $3.566749390e-01  }
0x2af: {  	v3 =	vnsel vm0, $0x0, v5;
	v4 =	vsel vm0, $0x3F800000, v0;
	v5 =	vld [tilespmem:s26+$0x30]  }
0x2b0: {  	v1 =	vadd.f32 v3, v1;
	v2 =	vadd.f32 v4, v2;
	vm0 =	vgt.f32 v7, $3.566749390e-01  }
0x2b1: {  	v3 =	vnsel vm0, $0x0, v7;
	v4 =	vsel vm0, $0x3F800000, v0;
	v7 =	vld [tilespmem:s26+$0x40]  }
0x2b2: {  	v1 =	vadd.f32 v3, v1;
	v2 =	vadd.f32 v4, v2;
	vm0 =	vgt.f32 v6, $3.566749390e-01  }
0x2b3: {  	v3 =	vnsel vm0, $0x0, v6;
	v4 =	vsel vm0, $0x3F800000, v0;
	v6 =	vld [tilespmem:s26+$0x50]  }
0x2b4: {  	v1 =	vadd.f32 v3, v1;
	v2 =	vadd.f32 v4, v2;
	vm0 =	vgt.f32 v5, $3.566749390e-01  }
0x2b5: {  	v3 =	vnsel vm0, $0x0, v5;
	v4 =	vsel vm0, $0x3F800000, v0;
	v5 =	vld [tilespmem:s26+$0x60]  }
0x2b6: {  	v1 =	vadd.f32 v3, v1;
	v2 =	vadd.f32 v4, v2;
	vm0 =	vgt.f32 v7, $3.566749390e-01  }
0x2b7: {  	v3 =	vnsel vm0, $0x0, v7;
	v4 =	vsel vm0, $0x3F800000, v0;
	v7 =	vld [tilespmem:s26+$0x70]  }
0x2b8: {  	v1 =	vadd.f32 v3, v1;
	v2 =	vadd.f32 v4, v2;
	vm0 =	vgt.f32 v6, $3.566749390e-01  }
0x2b9: {  	v3 =	vnsel vm0, $0x0, v6;
	v4 =	vsel vm0, $0x3F800000, v0;
	v6 =	vld [tilespmem:s24+$0x6800]  }
0x2ba: {  	v1 =	vadd.f32 v3, v1;
	v2 =	vadd.f32 v4, v2;
	vm0 =	vgt.f32 v5, $3.566749390e-01  }
0x2bb: {  	v3 =	vnsel vm0, $0x0, v5;
	v4 =	vsel vm0, $0x3F800000, v0;
	v5 =	vld [tilespmem:s24+$0x6810]  }
0x2bc: {  	v1 =	vadd.f32 v3, v1;
	v2 =	vadd.f32 v4, v2;
	vm0 =	vgt.f32 v7, $3.566749390e-01  }
0x2bd: {  	v3 =	vnsel vm0, $0x0, v7;
	v4 =	vsel vm0, $0x3F800000, v0;
	v7 =	vld [tilespmem:s24+$0x6820]  }
0x2be: {  	v1 =	vadd.f32 v3, v1;
	v2 =	vadd.f32 v4, v2;
	vm0 =	vgt.f32 v6, $3.566749390e-01  }
0x2bf: {  	v3 =	vnsel vm0, $0x0, v6;
	v4 =	vsel vm0, $0x3F800000, v0;
	v6 =	vld [tilespmem:s24+$0x6830]  }
0x2c0: {  	v1 =	vadd.f32 v3, v1;
	v2 =	vadd.f32 v4, v2;
	vm0 =	vgt.f32 v5, $3.566749390e-01  }
0x2c1: {  	v3 =	vnsel vm0, $0x0, v5;
	v4 =	vsel vm0, $0x3F800000, v0;
	v5 =	vld [tilespmem:s24+$0x6840]  }
0x2c2: {  	v1 =	vadd.f32 v3, v1;
	v2 =	vadd.f32 v4, v2;
	vm0 =	vgt.f32 v7, $3.566749390e-01  }
0x2c3: {  	v3 =	vnsel vm0, $0x0, v7;
	v4 =	vsel vm0, $0x3F800000, v0;
	v7 =	vld [tilespmem:s24+$0x6850]  }
0x2c4: {  	v1 =	vadd.f32 v3, v1;
	v2 =	vadd.f32 v4, v2;
	vm0 =	vgt.f32 v6, $3.566749390e-01  }
0x2c5: {  	v3 =	vnsel vm0, $0x0, v6;
	v4 =	vsel vm0, $0x3F800000, v0;
	v6 =	vld [tilespmem:s24+$0x6860]  }
0x2c6: {  	v1 =	vadd.f32 v3, v1;
	v2 =	vadd.f32 v4, v2;
	vm0 =	vgt.f32 v5, $3.566749390e-01  }
0x2c7: {  	v3 =	vnsel vm0, $0x0, v5;
	v4 =	vsel vm0, $0x3F800000, v0;
	v5 =	vld [tilespmem:s24+$0x6870]  }
0x2c8: {  	s24 =	sor.u32 $0x6C00, s25;
	v1 =	vadd.f32 v3, v1;
	v2 =	vadd.f32 v4, v2;
	vm0 =	vgt.f32 v7, $3.566749390e-01  }
0x2c9: {  	v3 =	vnsel vm0, $0x0, v7;
	v4 =	vsel vm0, $0x3F800000, v0;
	v7 =	vld [tilespmem:s24+$0x0]  }
0x2ca: {  	v1 =	vadd.f32 v3, v1;
	v2 =	vadd.f32 v4, v2;
	vm0 =	vgt.f32 v6, $3.566749390e-01  }
0x2cb: {  	v3 =	vnsel vm0, $0x0, v6;
	v4 =	vsel vm0, $0x3F800000, v0;
	v6 =	vld [tilespmem:s24+$0x10]  }
0x2cc: {  	v1 =	vadd.f32 v3, v1;
	v2 =	vadd.f32 v4, v2;
	vm0 =	vgt.f32 v5, $3.566749390e-01  }
0x2cd: {  	v3 =	vnsel vm0, $0x0, v5;
	v4 =	vsel vm0, $0x3F800000, v0;
	v5 =	vld [tilespmem:s24+$0x20]  }
0x2ce: {  	v1 =	vadd.f32 v3, v1;
	v2 =	vadd.f32 v4, v2;
	vm0 =	vgt.f32 v7, $3.566749390e-01  }
0x2cf: {  	v3 =	vnsel vm0, $0x0, v7;
	v4 =	vsel vm0, $0x3F800000, v0;
	v7 =	vld [tilespmem:s24+$0x30]  }
0x2d0: {  	v1 =	vadd.f32 v3, v1;
	v2 =	vadd.f32 v4, v2;
	vm0 =	vgt.f32 v6, $3.566749390e-01  }
0x2d1: {  	v3 =	vnsel vm0, $0x0, v6;
	v4 =	vsel vm0, $0x3F800000, v0;
	v6 =	vld [tilespmem:s24+$0x40]  }
0x2d2: {  	v1 =	vadd.f32 v3, v1;
	v3 =	vadd.f32 v4, v2;
	vm0 =	vgt.f32 v5, $3.566749390e-01  }
.Ltmp3:
0x2d3: {  	v4 =	vnsel vm0, $0x0, v5;
	v5 =	vsel vm0, $0x3F800000, v0;
	v2 =	vld [tilespmem:s24+$0x50];
	(pc) =	sbr.rel @p0 .LBB2_8-.Ltmp3, $4  }
0x2d4: {  	v4 =	vadd.f32 v4, v1;
	v3 =	vadd.f32 v5, v3;
	vm0 =	vgt.f32 v7, $3.566749390e-01  }
0x2d5: {  	v5 =	vnsel vm0, $0x0, v7;
	v7 =	vsel vm0, $0x3F800000, v0;
	v1 =	vld [tilespmem:s24+$0x60]  }
0x2d6: {  	s21 =	sadd.s32 $0x80, s21;
	v4 =	vadd.f32 v5, v4;
	v5 =	vadd.f32 v7, v3;
	vm0 =	vgt.f32 v6, $3.566749390e-01  }
0x2d7: {  	s23 =	sadd.s32 $0x200, s23;
	s26 =	sand.u32 $0x380, s21;
	s25 =	sand.u32 $0x1000, s22;
	v7 =	vnsel vm0, $0x0, v6;
	v6 =	vsel vm0, $0x3F800000, v0;
	v3 =	vld [tilespmem:s24+$0x70]  }
0x2d8: {  	s23 =	sor.u32 s26, s25;
	v4 =	vadd.f32 v7, v4;
	vm0 =	vgt.f32 v2, $3.566749390e-01  }
0x2d9: {  	v5 =	vadd.f32 v6, v5;
	v51 =	vld [tilespmem:s23+$0x6000];
	v2 =	vnsel vm0, $0x0, v2  }
0x2da: {  	v52 =	vsel vm0, $0x3F800000, v0;
	v2 =	vadd.f32 v2, v4;
	vm6 =	vgt.f32 v1, $3.566749390e-01  }
0x2db: {  	v54 =	vld [tilespmem:s23+$0x6010];
	v53 =	vadd.f32 v52, v5;
	v1 =	vnsel vm6, $0x0, v1  }
0x2dc: {  	v55 =	vsel vm6, $0x3F800000, v0;
	v1 =	vadd.f32 v1, v2;
	vm7 =	vgt.f32 v3, $3.566749390e-01  }
0x2dd: {  	v56 =	vld [tilespmem:s23+$0x6020];
	v2 =	vadd.f32 v55, v53;
	v3 =	vnsel vm7, $0x0, v3  }
0x2de: {  	v57 =	vsel vm7, $0x3F800000, v0;
	vm8 =	vgt.f32 v51, $3.566749390e-01;
	v1 =	vadd.f32 v3, v1  }
0x2df: {  	v58 =	vld [tilespmem:s23+$0x6030];
	v2 =	vadd.f32 v57, v2;
	v3 =	vnsel vm8, $0x0, v51  }
0x2e0: {  	vm9 =	vgt.f32 v54, $3.566749390e-01;
	v59 =	vsel vm8, $0x3F800000, v0;
	v1 =	vadd.f32 v3, v1  }
0x2e1: {  	v60 =	vld [tilespmem:s23+$0x6040];
	v2 =	vadd.f32 v59, v2;
	v3 =	vnsel vm9, $0x0, v54  }
0x2e2: {  	vm10 =	vgt.f32 v56, $3.566749390e-01;
	v61 =	vsel vm9, $0x3F800000, v0;
	v1 =	vadd.f32 v3, v1  }
0x2e3: {  	v62 =	vld [tilespmem:s23+$0x6050];
	v2 =	vadd.f32 v61, v2;
	v3 =	vnsel vm10, $0x0, v56  }
0x2e4: {  	vm11 =	vgt.f32 v58, $3.566749390e-01;
	v63 =	vsel vm10, $0x3F800000, v0;
	v1 =	vadd.f32 v3, v1  }
0x2e5: {  	v9 =	vld [tilespmem:s23+$0x6060];
	v2 =	vadd.f32 v63, v2;
	v3 =	vnsel vm11, $0x0, v58  }
0x2e6: {  	s22 =	sand.u32 $0xFFFFF000, s22;
	vm12 =	vgt.f32 v60, $3.566749390e-01;
	v10 =	vsel vm11, $0x3F800000, v0;
	v1 =	vadd.f32 v3, v1  }
0x2e7: {  	s21 =	sadd.s32 s22, s21;
	v11 =	vld [tilespmem:s23+$0x6070];
	v2 =	vadd.f32 v10, v2;
	v3 =	vnsel vm12, $0x0, v60  }
0x2e8: {  	s22 =	sor.u32 $0x6400, s21;
	vm13 =	vgt.f32 v62, $3.566749390e-01;
	v12 =	vsel vm12, $0x3F800000, v0;
	v1 =	vadd.f32 v3, v1  }
0x2e9: {  	v13 =	vld [tilespmem:s22+$0x0];
	v2 =	vadd.f32 v12, v2;
	v3 =	vnsel vm13, $0x0, v62  }
0x2ea: {  	vm14 =	vgt.f32 v9, $3.566749390e-01;
	v14 =	vsel vm13, $0x3F800000, v0;
	v1 =	vadd.f32 v3, v1  }
0x2eb: {  	v15 =	vld [tilespmem:s22+$0x10];
	v2 =	vadd.f32 v14, v2;
	v3 =	vnsel vm14, $0x0, v9  }
0x2ec: {  	vm15 =	vgt.f32 v11, $3.566749390e-01;
	v16 =	vsel vm14, $0x3F800000, v0;
	v1 =	vadd.f32 v3, v1  }
0x2ed: {  	v17 =	vld [tilespmem:s22+$0x20];
	v2 =	vadd.f32 v16, v2;
	v3 =	vnsel vm15, $0x0, v11  }
0x2ee: {  	v18 =	vsel vm15, $0x3F800000, v0;
	vm4 =	vgt.f32 v13, $3.566749390e-01;
	v1 =	vadd.f32 v3, v1  }
0x2ef: {  	v19 =	vld [tilespmem:s22+$0x30];
	v2 =	vadd.f32 v18, v2;
	v3 =	vnsel vm4, $0x0, v13  }
0x2f0: {  	vm5 =	vgt.f32 v15, $3.566749390e-01;
	v20 =	vsel vm4, $0x3F800000, v0;
	v1 =	vadd.f32 v3, v1  }
0x2f1: {  	v21 =	vld [tilespmem:s22+$0x40];
	v2 =	vadd.f32 v20, v2;
	v3 =	vnsel vm5, $0x0, v15  }
0x2f2: {  	vm6 =	vgt.f32 v17, $3.566749390e-01;
	v22 =	vsel vm5, $0x3F800000, v0;
	v1 =	vadd.f32 v3, v1  }
0x2f3: {  	v23 =	vld [tilespmem:s22+$0x50];
	v2 =	vadd.f32 v22, v2;
	v3 =	vnsel vm6, $0x0, v17  }
0x2f4: {  	vm7 =	vgt.f32 v19, $3.566749390e-01;
	v24 =	vsel vm6, $0x3F800000, v0;
	v1 =	vadd.f32 v3, v1  }
0x2f5: {  	v25 =	vld [tilespmem:s22+$0x60];
	v2 =	vadd.f32 v24, v2;
	v3 =	vnsel vm7, $0x0, v19  }
0x2f6: {  	vm8 =	vgt.f32 v21, $3.566749390e-01;
	v26 =	vsel vm7, $0x3F800000, v0;
	v1 =	vadd.f32 v3, v1  }
0x2f7: {  	v27 =	vld [tilespmem:s22+$0x70];
	v2 =	vadd.f32 v26, v2;
	v3 =	vnsel vm8, $0x0, v21  }
0x2f8: {  	vm9 =	vgt.f32 v23, $3.566749390e-01;
	v28 =	vsel vm8, $0x3F800000, v0;
	v1 =	vadd.f32 v3, v1  }
0x2f9: {  	v29 =	vld [tilespmem:s23+$0x6800];
	v2 =	vadd.f32 v28, v2;
	v3 =	vnsel vm9, $0x0, v23  }
0x2fa: {  	v30 =	vsel vm9, $0x3F800000, v0;
	vm10 =	vgt.f32 v25, $3.566749390e-01;
	v1 =	vadd.f32 v3, v1  }
0x2fb: {  	v31 =	vld [tilespmem:s23+$0x6810];
	v2 =	vadd.f32 v30, v2;
	v3 =	vnsel vm10, $0x0, v25  }
0x2fc: {  	v32 =	vsel vm10, $0x3F800000, v0;
	vm11 =	vgt.f32 v27, $3.566749390e-01;
	v1 =	vadd.f32 v3, v1  }
0x2fd: {  	v33 =	vld [tilespmem:s23+$0x6820];
	v2 =	vadd.f32 v32, v2;
	v3 =	vnsel vm11, $0x0, v27  }
0x2fe: {  	v34 =	vsel vm11, $0x3F800000, v0;
	vm12 =	vgt.f32 v29, $3.566749390e-01;
	v1 =	vadd.f32 v3, v1  }
0x2ff: {  	v35 =	vld [tilespmem:s23+$0x6830];
	v2 =	vadd.f32 v34, v2;
	v3 =	vnsel vm12, $0x0, v29  }
0x300: {  	v36 =	vsel vm12, $0x3F800000, v0;
	vm13 =	vgt.f32 v31, $3.566749390e-01;
	v1 =	vadd.f32 v3, v1  }
0x301: {  	v37 =	vld [tilespmem:s23+$0x6840];
	v2 =	vadd.f32 v36, v2;
	v3 =	vnsel vm13, $0x0, v31  }
0x302: {  	v38 =	vsel vm13, $0x3F800000, v0;
	vm14 =	vgt.f32 v33, $3.566749390e-01;
	v1 =	vadd.f32 v3, v1  }
0x303: {  	v39 =	vld [tilespmem:s23+$0x6850];
	v2 =	vadd.f32 v38, v2;
	v3 =	vnsel vm14, $0x0, v33  }
0x304: {  	v40 =	vsel vm14, $0x3F800000, v0;
	vm15 =	vgt.f32 v35, $3.566749390e-01;
	v1 =	vadd.f32 v3, v1  }
0x305: {  	v41 =	vld [tilespmem:s23+$0x6860];
	v2 =	vadd.f32 v40, v2;
	v3 =	vnsel vm15, $0x0, v35  }
0x306: {  	v42 =	vsel vm15, $0x3F800000, v0;
	vm4 =	vgt.f32 v37, $3.566749390e-01;
	v1 =	vadd.f32 v3, v1  }
0x307: {  	v43 =	vld [tilespmem:s23+$0x6870];
	v2 =	vadd.f32 v42, v2;
	v3 =	vnsel vm4, $0x0, v37  }
0x308: {  	s21 =	sor.u32 $0x6C00, s21;
	v44 =	vsel vm4, $0x3F800000, v0;
	vm5 =	vgt.f32 v39, $3.566749390e-01;
	v1 =	vadd.f32 v3, v1  }
0x309: {  	v45 =	vld [tilespmem:s21+$0x0];
	v2 =	vadd.f32 v44, v2;
	v3 =	vnsel vm5, $0x0, v39  }
0x30a: {  	v46 =	vsel vm5, $0x3F800000, v0;
	vm6 =	vgt.f32 v41, $3.566749390e-01;
	v1 =	vadd.f32 v3, v1  }
0x30b: {  	v47 =	vld [tilespmem:s21+$0x10];
	v2 =	vadd.f32 v46, v2;
	v3 =	vnsel vm6, $0x0, v41  }
0x30c: {  	v48 =	vsel vm6, $0x3F800000, v0;
	vm7 =	vgt.f32 v43, $3.566749390e-01;
	v1 =	vadd.f32 v3, v1  }
0x30d: {  	v49 =	vld [tilespmem:s21+$0x20];
	v2 =	vadd.f32 v48, v2;
	v3 =	vnsel vm7, $0x0, v43  }
0x30e: {  	v50 =	vsel vm7, $0x3F800000, v0;
	vm8 =	vgt.f32 v45, $3.566749390e-01;
	v1 =	vadd.f32 v3, v1  }
0x30f: {  	v51 =	vld [tilespmem:s21+$0x30];
	v2 =	vadd.f32 v50, v2;
	v3 =	vnsel vm8, $0x0, v45  }
0x310: {  	v52 =	vsel vm8, $0x3F800000, v0;
	vm9 =	vgt.f32 v47, $3.566749390e-01;
	v1 =	vadd.f32 v3, v1  }
0x311: {  	v53 =	vld [tilespmem:s21+$0x40];
	v2 =	vadd.f32 v52, v2;
	v3 =	vnsel vm9, $0x0, v47  }
0x312: {  	v54 =	vsel vm9, $0x3F800000, v0;
	vm10 =	vgt.f32 v49, $3.566749390e-01;
	v1 =	vadd.f32 v3, v1  }
0x313: {  	v55 =	vld [tilespmem:s21+$0x50];
	v2 =	vadd.f32 v54, v2;
	v3 =	vnsel vm10, $0x0, v49  }
0x314: {  	v56 =	vsel vm10, $0x3F800000, v0;
	vm11 =	vgt.f32 v51, $3.566749390e-01;
	v1 =	vadd.f32 v3, v1  }
0x315: {  	v57 =	vld [tilespmem:s21+$0x60];
	v2 =	vadd.f32 v56, v2;
	v3 =	vnsel vm11, $0x0, v51  }
0x316: {  	v58 =	vsel vm11, $0x3F800000, v0;
	vm12 =	vgt.f32 v53, $3.566749390e-01;
	v1 =	vadd.f32 v3, v1  }
0x317: {  	v59 =	vld [tilespmem:s21+$0x70];
	v2 =	vadd.f32 v58, v2;
	v3 =	vnsel vm12, $0x0, v53  }
0x318: {  	v60 =	vsel vm12, $0x3F800000, v0;
	vm13 =	vgt.f32 v55, $3.566749390e-01;
	v1 =	vadd.f32 v3, v1  }
0x319: {  	v2 =	vadd.f32 v60, v2;
	v3 =	vnsel vm13, $0x0, v55  }
0x31a: {  	v61 =	vsel vm13, $0x3F800000, v0;
	vm14 =	vgt.f32 v57, $3.566749390e-01;
	v1 =	vadd.f32 v3, v1  }
0x31b: {  	v2 =	vadd.f32 v61, v2;
	v3 =	vnsel vm14, $0x0, v57  }
0x31c: {  	v62 =	vsel vm14, $0x3F800000, v0;
	vm15 =	vgt.f32 v59, $3.566749390e-01;
	v1 =	vadd.f32 v3, v1  }
0x31d: {  	v2 =	vadd.f32 v62, v2;
	v3 =	vnsel vm15, $0x0, v59  }
0x31e: {  	v63 =	vsel vm15, $0x3F800000, v0;
	v1 =	vadd.f32 v3, v1  }
0x31f: {  	v2 =	vadd.f32 v63, v2  }
0x320: {  	[tilespmem:$0x8000] =	vst v1  }
0x321: {  	[tilespmem:$0x8080] =	vst v2  }
0x322: {  	[hbm4b:s7+s2] =	stream.linear.scatter [tilespmem:s17], [sflag:$0x5], $0x80, $0x38;
	[tilespmem:$0x8100] =	vst v63  }
0x323: {  	s20 =	sadd.s32 $0x1, s20;
	_ =	swait.ge [sflag:s18], $0x80  }
0x324: {  	p0 =	sne.s32 s20, s9;
	[sflag:s18] =	ssyncset.done $0x0  }
.Ltmp4:
0x325: {  	[sflag:s18] =	ssyncadd.s32 $0xFFFFFF80;
	(pc) =	sbr.rel @p0 .LBB2_1-.Ltmp4, $4  }
0x326: {  	[hbm4b:s8+s2] =	stream.linear.scatter [tilespmem:s19], [sflag:$0x5], $0x80, $0x38;
	[tilespmem:$0x8100] =	vst v63  }
0x327: {  	_ =	swait.ge [sflag:s18], $0x80  }
0x328: {  	[sflag:s18] =	ssyncset.done $0x0  }
0x329: {  	[sflag:s18] =	ssyncadd.s32 $0xFFFFFF80  }
0x32a: {  	_ =	sfence.sel $0x180000  }
0x32b: {  	[bflag:$0x0] =	sbarrier.arrive $0xFFFF  }
0x32c: {  	p0 =	sne.s32 s1, $0x0;
	_ =	strace $0x90000050  }
0x32d: {  	s0 =	sadd.s32 @!p0 $0x100000, s0;
	[bflag:$0x2] =	sbarrier.arrive $0xFFFF  }
0x32e: {  	[sflag:s0] =	ssyncadd.tile.s32 @!p0 $0x1;
	_ =	shalt  }
.Lfunc_end2:
_tile_overlayer_lowered:
.L_overlay_start_2:
0x32f: {  	(tag) =	ssettag $0x2  }
0x330: {  	s0 =	rddreg [dreg:$0x0];
	s2 =	stileid.u32  }
0x331: {  	s1 =	rddreg [dreg:$0x1];
	p0 =	sne.s32 s2, $0x0  }
0x332: {  	s3 =	rddreg [dreg:$0x2];
	[bflag:$0x3] =	sbarrier.arrive $0xFFFF;
	s2 =	simm.s32 @!p0 $0x1C05  }
0x333: {  	[timem:s3], [sflag:s2] =	dma.local @!p0 [hbm:s0], s1  }
0x334: {  	s0 =	simm.s32 @!p0 $0x5  }
0x335: {  	_ =	swait.ge @!p0 [sflag:s0], s1  }
0x336: {  	s1 =	ssub.s32 @!p0 $0x0, s1;
	[sflag:s0] =	ssyncset.done @!p0 $0x0  }
0x337: {  	[sflag:s0] =	ssyncadd.s32 @!p0 s1  }
0x338: {  	[bflag:$0x3] =	sbarrier.arrive $0xFFFF  }
0x339: {  	_ =	shalt  }

</sc_bundles>
